<compile_context>
chip_gen: v7x
topology: tpu7x:2x2x1
jax: 0.10.2.dev20260603
libtpu: 0.0.44.dev20260713+nightly
codegen_flags: <defaults>
</compile_context>

<pallas_src>
import functools

import jax
import jax.numpy as jnp
from jax import lax
from jax.experimental import pallas as pl
from jax.experimental.pallas import tpu as pltpu
from jax.experimental.pallas import tpu_sc as plsc

IN_DIM = 768
HIDDEN_DIM = 16
NUM_EXP = 64
TOPK = 8
EPS = 1e-12
NEG = -3.4e38

BM = 4096
SPLIT = 8192

NC = 2
NS = 16
NW = NC * NS
PAD = NUM_EXP + 1


def _mlp(x_ref, w1_ref, b1_ref, w2_ref, b2_ref):
    h = jnp.maximum(
        jnp.dot(x_ref[...], w1_ref[...], preferred_element_type=jnp.float32)
        + b1_ref[...],
        0.0,
    )
    return (
        jnp.dot(h, w2_ref[...], preferred_element_type=jnp.float32) + b2_ref[...]
    )


def _logits_block(x_ref, w1_ref, b1_ref, w2_ref, b2_ref, o_ref):
    o_ref[:, :NUM_EXP] = _mlp(x_ref, w1_ref, b1_ref, w2_ref, b2_ref)
    o_ref[:, NUM_EXP:] = jnp.full((o_ref.shape[0], 1), NEG, jnp.float32)


def _gate_block(x_ref, w1_ref, b1_ref, w2_ref, b2_ref, o_ref):
    logits = _mlp(x_ref, w1_ref, b1_ref, w2_ref, b2_ref)
    neg = jnp.float32(NEG)
    row_max = jnp.max(logits, axis=-1, keepdims=True)
    m = row_max
    for _ in range(TOPK - 1):
        cur = jnp.where(logits >= m, neg, logits)
        m = jnp.max(cur, axis=-1, keepdims=True)
    ek = jnp.where(logits >= m, jnp.exp(logits - row_max), 0.0)
    s = jnp.sum(ek, axis=-1, keepdims=True)
    o_ref[...] = ek / s


def _tc_call(body, out_cols, x, W1, b1, W2, b2):
    b = x.shape[0]
    return pl.pallas_call(
        body,
        grid=(b // BM,),
        in_specs=[
            pl.BlockSpec((BM, IN_DIM), lambda i: (i, 0)),
            pl.BlockSpec((IN_DIM, HIDDEN_DIM), lambda i: (0, 0)),
            pl.BlockSpec((1, HIDDEN_DIM), lambda i: (0, 0)),
            pl.BlockSpec((HIDDEN_DIM, NUM_EXP), lambda i: (0, 0)),
            pl.BlockSpec((1, NUM_EXP), lambda i: (0, 0)),
        ],
        out_specs=pl.BlockSpec((BM, out_cols), lambda i: (i, 0)),
        out_shape=jax.ShapeDtypeStruct((b, out_cols), jnp.float32),
        compiler_params=pltpu.CompilerParams(
            dimension_semantics=("arbitrary",),
        ),
    )(x, W1, b1.reshape(1, HIDDEN_DIM), W2, b2.reshape(1, NUM_EXP))


def _lane_bcast(vec, r):
    return lax.gather(
        vec,
        jnp.full((16, 1), r, jnp.int32),
        lax.GatherDimensionNumbers(
            offset_dims=(), collapsed_slice_dims=(0,), start_index_map=(0,)
        ),
        (1,),
        mode=lax.GatherScatterMode.PROMISE_IN_BOUNDS,
    )


def _route_body(lg_hbm, out_hbm, inbuf, outbuf):
    wid = lax.axis_index("s") * NC + lax.axis_index("c")
    rows_per_worker = out_hbm.shape[0] // (NUM_EXP * NW)
    base = wid * rows_per_worker
    lanes = lax.iota(jnp.int32, 16)
    neg = jnp.float32(NEG)

    pltpu.sync_copy(lg_hbm.at[pl.ds(base * PAD, rows_per_worker * PAD)], inbuf)

    def group_body(g):
        fbase = (lanes + g * 16) * PAD
        tops = [jnp.full((16,), neg, jnp.float32) for _ in range(TOPK)]
        for e in range(NUM_EXP):
            v = plsc.load_gather(inbuf, [fbase + e])
            for j in range(TOPK):
                t = jnp.maximum(tops[j], v)
                v = jnp.minimum(tops[j], v)
                tops[j] = t
        rmax = tops[0]
        s = jnp.full((16,), 1.0, jnp.float32)
        for j in range(1, TOPK):
            s = s + jnp.exp(tops[j] - rmax)
        inv = 1.0 / s
        t8 = tops[TOPK - 1]
        for r in range(16):
            t8b = _lane_bcast(t8, r)
            rmb = _lane_bcast(rmax, r)
            invb = _lane_bcast(inv, r)
            rin = (g * 16 + r) * PAD
            rout = (g * 16 + r) * NUM_EXP
            for k in range(NUM_EXP // 16):
                idx = jnp.full((16,), rin + k * 16, jnp.int32) + lanes
                v = plsc.load_gather(inbuf, [idx])
                ek = jnp.where(v >= t8b, jnp.exp(v - rmb) * invb, 0.0)
                outbuf[pl.ds(rout + k * 16, 16)] = ek

    lax.fori_loop(0, rows_per_worker // 16, lambda g, c: (group_body(g), c)[1], 0)
    pltpu.sync_copy(
        outbuf, out_hbm.at[pl.ds(base * NUM_EXP, rows_per_worker * NUM_EXP)]
    )


def _sc_route(logits_pad):
    b = logits_pad.shape[0]
    rows_per_worker = b // NW
    mesh = plsc.VectorSubcoreMesh(
        core_axis_name="c", subcore_axis_name="s", num_cores=NC, num_subcores=NS
    )
    out_flat = pl.kernel(
        _route_body,
        out_type=jax.ShapeDtypeStruct((b * NUM_EXP,), jnp.float32),
        mesh=mesh,
        scratch_types=[
            pltpu.VMEM((rows_per_worker * PAD,), jnp.float32),
            pltpu.VMEM((rows_per_worker * NUM_EXP,), jnp.float32),
        ],
        compiler_params=pltpu.CompilerParams(needs_layout_passes=False),
    )(logits_pad.reshape(b * PAD))
    return out_flat.reshape(b, NUM_EXP)


@jax.jit
def kernel(x, W1, b1, W2, b2):
    xa, xb = x[:SPLIT], x[SPLIT:]
    za = _sc_route(_tc_call(_logits_block, PAD, xa, W1, b1, W2, b2))
    zb = _tc_call(_gate_block, NUM_EXP, xb, W1, b1, W2, b2)
    return jnp.concatenate([za, zb], axis=0)

# --- scband reference (transcript-rebuilt; emitter-appended) ---
"""Pipeline reference for scband-gate-21577915695170 (READ-ONLY COPY).

The authoritative reference and input builder live on the scoring server;
editing this copy changes nothing except your own understanding.
"""

import jax, jax.numpy as jnp
import numpy as np

IN_DIM = 768
HIDDEN_DIM = 16
NUM_EXP = 64
TOPK = 8
EPS = 1e-12
B = 32768


def setup_inputs(seed: int = 0) -> dict:
    key = jax.random.key(seed)
    ks = jax.random.split(key, 5)
    x = jax.random.normal(ks[0], (B, IN_DIM), dtype=jnp.float32)
    # Learned parameters (PyTorch nn.Linear layout: y = x @ W.T + b; here stored transposed)
    lim1 = 1.0 / np.sqrt(IN_DIM)
    W1 = jax.random.uniform(ks[1], (IN_DIM, HIDDEN_DIM), dtype=jnp.float32, minval=-lim1, maxval=lim1)
    b1 = jax.random.uniform(ks[2], (HIDDEN_DIM,), dtype=jnp.float32, minval=-lim1, maxval=lim1)
    lim2 = 1.0 / np.sqrt(HIDDEN_DIM)
    W2 = jax.random.uniform(ks[3], (HIDDEN_DIM, NUM_EXP), dtype=jnp.float32, minval=-lim2, maxval=lim2)
    b2 = jax.random.uniform(ks[4], (NUM_EXP,), dtype=jnp.float32, minval=-lim2, maxval=lim2)
    return {"x": x, "W1": W1, "b1": b1, "W2": W2, "b2": b2}


def reference(x, W1, b1, W2, b2):
    # fc1 -> relu -> fc2
    h = jax.nn.relu(x @ W1 + b1)
    logits = h @ W2 + b2
    # softmax over experts
    p = jax.nn.softmax(logits, axis=-1)
    # top-k selection
    vals, idxs = jax.lax.top_k(p, TOPK)
    # scatter top-k probs into zeros (torch.zeros_like(x).scatter_)
    rows = jnp.arange(p.shape[0])[:, None]
    z = jnp.zeros_like(p).at[rows, idxs].set(vals)
    # renormalize
    z = z / (jnp.sum(z, axis=-1, keepdims=True) + EPS)
    return z

if __name__ == "__main__":
    import jax
    _d = setup_inputs()
    print(jax.jit(kernel)(*tuple(_d.values())))

</pallas_src>

<mosaic_0001>
#map = affine_map<(d0, d1) -> (0)>
module attributes {stable_mosaic.version = 14 : i64} {
  func.func @_route_body(%arg0: i32, %arg1: i32, %arg2: memref<532480xf32, #tpu.memory_space<hbm>>, %arg3: memref<524288xf32, #tpu.memory_space<hbm>>, %arg4: memref<16640xf32, #tpu.memory_space<vmem>>, %arg5: memref<16384xf32, #tpu.memory_space<vmem>>) attributes {dimension_semantics = [#tpu.dimension_semantics<core_parallel>, #tpu.dimension_semantics<subcore_parallel>], iteration_bounds = array<i64: 2, 16>, scalar_prefetch = 0 : i64, scratch_operands = 2 : i64, tpu.core_type = #tpu.core_type<sc_vector_subcore>, window_params = [{transform_indices = #map}, {transform_indices = #map}]} {
    %mul3A = arith.constant 2 : i32
    %mul3A_0 = arith.muli %arg1, %mul3A : i32
    %add3A = arith.addi %mul3A_0, %arg0 : i32
    %mul3A_1 = arith.constant 256 : i32
    %mul3A_2 = arith.muli %add3A, %mul3A_1 : i32
    %iota3A = tpu.iota {dimensions = array<i32: 0>} : vector<16xi32>
    %mul3A_3 = arith.constant 65 : i32
    %mul3A_4 = arith.muli %mul3A_2, %mul3A_3 : i32
    "tpu.region"() ({
      %run_scoped3A = tpu.sem_alloc : memref<!tpu.dma_semaphore, #tpu.memory_space<semaphore_mem>>
      %dma_start3A = tpu.memref_slice %arg2[%mul3A_4] : memref<532480xf32, #tpu.memory_space<hbm>> -> memref<16640xf32, #tpu.memory_space<hbm>>
      %dma_start3A_13 = tpu.memref_slice %arg2[%mul3A_4] : memref<532480xf32, #tpu.memory_space<hbm>> -> memref<16640xf32, #tpu.memory_space<hbm>>
      tpu.enqueue_dma source(%dma_start3A_13 : memref<16640xf32, #tpu.memory_space<hbm>>) target(%arg4 : memref<16640xf32, #tpu.memory_space<vmem>>) target_semaphore(%run_scoped3A : memref<!tpu.dma_semaphore, #tpu.memory_space<semaphore_mem>>)
      %dma_wait3A = tpu.memref_slice %arg2[%mul3A_4] : memref<532480xf32, #tpu.memory_space<hbm>> -> memref<16640xf32, #tpu.memory_space<hbm>>
      %dma_wait3A_14 = tpu.memref_slice %arg2[%mul3A_4] : memref<532480xf32, #tpu.memory_space<hbm>> -> memref<16640xf32, #tpu.memory_space<hbm>>
      tpu.wait_dma2 semaphore(%run_scoped3A : memref<!tpu.dma_semaphore, #tpu.memory_space<semaphore_mem>>) src(%dma_wait3A_14 : memref<16640xf32, #tpu.memory_space<hbm>>) dst(%arg4 : memref<16640xf32, #tpu.memory_space<vmem>>)
      tpu.yield
    }) : () -> ()
    %scan3A = arith.constant 0 : i32
    %scan3A_5 = arith.constant -3.400000e+38 : f32
    %scan3A_6 = arith.constant 0 : i32
    %scan3A_7 = arith.constant 16 : i32
    %scan3A_8 = arith.addi %scan3A_6, %scan3A_7 : i32
    %scan3A_9 = arith.constant 1 : i32
    scf.for %scan3A_13 = %scan3A_6 to %scan3A_8 step %scan3A_9  : i32 {
      %mul3A_14 = arith.constant 16 : i32
      %mul3A_15 = arith.muli %scan3A_13, %mul3A_14 : i32
      %add3A_16 = vector.broadcast %mul3A_15 : i32 to vector<16xi32>
      %add3A_17 = arith.addi %iota3A, %add3A_16 : vector<16xi32>
      %mul3A_18 = arith.constant 65 : i32
      %mul3A_19 = vector.broadcast %mul3A_18 : i32 to vector<16xi32>
      %mul3A_20 = arith.muli %add3A_17, %mul3A_19 : vector<16xi32>
      %broadcast_in_dim3A = vector.broadcast %scan3A_5 : f32 to vector<16xf32>
      %broadcast_in_dim3A_21 = vector.broadcast %scan3A_5 : f32 to vector<16xf32>
      %broadcast_in_dim3A_22 = vector.broadcast %scan3A_5 : f32 to vector<16xf32>
      %broadcast_in_dim3A_23 = vector.broadcast %scan3A_5 : f32 to vector<16xf32>
      %broadcast_in_dim3A_24 = vector.broadcast %scan3A_5 : f32 to vector<16xf32>
      %broadcast_in_dim3A_25 = vector.broadcast %scan3A_5 : f32 to vector<16xf32>
      %broadcast_in_dim3A_26 = vector.broadcast %scan3A_5 : f32 to vector<16xf32>
      %broadcast_in_dim3A_27 = vector.broadcast %scan3A_5 : f32 to vector<16xf32>
      %add3A_28 = arith.constant 0 : i32
      %add3A_29 = vector.broadcast %add3A_28 : i32 to vector<16xi32>
      %add3A_30 = arith.addi %mul3A_20, %add3A_29 : vector<16xi32>
      %gather3A = tpu.vector_load_idx %arg4[%add3A_30] : memref<16640xf32, #tpu.memory_space<vmem>>[vector<16xi32>], vector<16xf32>,
      %max3A = arith.maximumf %broadcast_in_dim3A, %gather3A : vector<16xf32>
      %min3A = arith.minimumf %broadcast_in_dim3A, %gather3A : vector<16xf32>
      %max3A_31 = arith.maximumf %broadcast_in_dim3A_21, %min3A : vector<16xf32>
      %min3A_32 = arith.minimumf %broadcast_in_dim3A_21, %min3A : vector<16xf32>
      %max3A_33 = arith.maximumf %broadcast_in_dim3A_22, %min3A_32 : vector<16xf32>
      %min3A_34 = arith.minimumf %broadcast_in_dim3A_22, %min3A_32 : vector<16xf32>
      %max3A_35 = arith.maximumf %broadcast_in_dim3A_23, %min3A_34 : vector<16xf32>
      %min3A_36 = arith.minimumf %broadcast_in_dim3A_23, %min3A_34 : vector<16xf32>
      %max3A_37 = arith.maximumf %broadcast_in_dim3A_24, %min3A_36 : vector<16xf32>
      %min3A_38 = arith.minimumf %broadcast_in_dim3A_24, %min3A_36 : vector<16xf32>
      %max3A_39 = arith.maximumf %broadcast_in_dim3A_25, %min3A_38 : vector<16xf32>
      %min3A_40 = arith.minimumf %broadcast_in_dim3A_25, %min3A_38 : vector<16xf32>
      %max3A_41 = arith.maximumf %broadcast_in_dim3A_26, %min3A_40 : vector<16xf32>
      %min3A_42 = arith.minimumf %broadcast_in_dim3A_26, %min3A_40 : vector<16xf32>
      %max3A_43 = arith.maximumf %broadcast_in_dim3A_27, %min3A_42 : vector<16xf32>
      %min3A_44 = arith.minimumf %broadcast_in_dim3A_27, %min3A_42 : vector<16xf32>
      %add3A_45 = arith.constant 1 : i32
      %add3A_46 = vector.broadcast %add3A_45 : i32 to vector<16xi32>
      %add3A_47 = arith.addi %mul3A_20, %add3A_46 : vector<16xi32>
      %gather3A_48 = tpu.vector_load_idx %arg4[%add3A_47] : memref<16640xf32, #tpu.memory_space<vmem>>[vector<16xi32>], vector<16xf32>,
      %max3A_49 = arith.maximumf %max3A, %gather3A_48 : vector<16xf32>
      %min3A_50 = arith.minimumf %max3A, %gather3A_48 : vector<16xf32>
      %max3A_51 = arith.maximumf %max3A_31, %min3A_50 : vector<16xf32>
      %min3A_52 = arith.minimumf %max3A_31, %min3A_50 : vector<16xf32>
      %max3A_53 = arith.maximumf %max3A_33, %min3A_52 : vector<16xf32>
      %min3A_54 = arith.minimumf %max3A_33, %min3A_52 : vector<16xf32>
      %max3A_55 = arith.maximumf %max3A_35, %min3A_54 : vector<16xf32>
      %min3A_56 = arith.minimumf %max3A_35, %min3A_54 : vector<16xf32>
      %max3A_57 = arith.maximumf %max3A_37, %min3A_56 : vector<16xf32>
      %min3A_58 = arith.minimumf %max3A_37, %min3A_56 : vector<16xf32>
      %max3A_59 = arith.maximumf %max3A_39, %min3A_58 : vector<16xf32>
      %min3A_60 = arith.minimumf %max3A_39, %min3A_58 : vector<16xf32>
      %max3A_61 = arith.maximumf %max3A_41, %min3A_60 : vector<16xf32>
      %min3A_62 = arith.minimumf %max3A_41, %min3A_60 : vector<16xf32>
      %max3A_63 = arith.maximumf %max3A_43, %min3A_62 : vector<16xf32>
      %min3A_64 = arith.minimumf %max3A_43, %min3A_62 : vector<16xf32>
      %add3A_65 = arith.constant 2 : i32
      %add3A_66 = vector.broadcast %add3A_65 : i32 to vector<16xi32>
      %add3A_67 = arith.addi %mul3A_20, %add3A_66 : vector<16xi32>
      %gather3A_68 = tpu.vector_load_idx %arg4[%add3A_67] : memref<16640xf32, #tpu.memory_space<vmem>>[vector<16xi32>], vector<16xf32>,
      %max3A_69 = arith.maximumf %max3A_49, %gather3A_68 : vector<16xf32>
      %min3A_70 = arith.minimumf %max3A_49, %gather3A_68 : vector<16xf32>
      %max3A_71 = arith.maximumf %max3A_51, %min3A_70 : vector<16xf32>
      %min3A_72 = arith.minimumf %max3A_51, %min3A_70 : vector<16xf32>
      %max3A_73 = arith.maximumf %max3A_53, %min3A_72 : vector<16xf32>
      %min3A_74 = arith.minimumf %max3A_53, %min3A_72 : vector<16xf32>
      %max3A_75 = arith.maximumf %max3A_55, %min3A_74 : vector<16xf32>
      %min3A_76 = arith.minimumf %max3A_55, %min3A_74 : vector<16xf32>
      %max3A_77 = arith.maximumf %max3A_57, %min3A_76 : vector<16xf32>
      %min3A_78 = arith.minimumf %max3A_57, %min3A_76 : vector<16xf32>
      %max3A_79 = arith.maximumf %max3A_59, %min3A_78 : vector<16xf32>
      %min3A_80 = arith.minimumf %max3A_59, %min3A_78 : vector<16xf32>
      %max3A_81 = arith.maximumf %max3A_61, %min3A_80 : vector<16xf32>
      %min3A_82 = arith.minimumf %max3A_61, %min3A_80 : vector<16xf32>
      %max3A_83 = arith.maximumf %max3A_63, %min3A_82 : vector<16xf32>
      %min3A_84 = arith.minimumf %max3A_63, %min3A_82 : vector<16xf32>
      %add3A_85 = arith.constant 3 : i32
      %add3A_86 = vector.broadcast %add3A_85 : i32 to vector<16xi32>
      %add3A_87 = arith.addi %mul3A_20, %add3A_86 : vector<16xi32>
      %gather3A_88 = tpu.vector_load_idx %arg4[%add3A_87] : memref<16640xf32, #tpu.memory_space<vmem>>[vector<16xi32>], vector<16xf32>,
      %max3A_89 = arith.maximumf %max3A_69, %gather3A_88 : vector<16xf32>
      %min3A_90 = arith.minimumf %max3A_69, %gather3A_88 : vector<16xf32>
      %max3A_91 = arith.maximumf %max3A_71, %min3A_90 : vector<16xf32>
      %min3A_92 = arith.minimumf %max3A_71, %min3A_90 : vector<16xf32>
      %max3A_93 = arith.maximumf %max3A_73, %min3A_92 : vector<16xf32>
      %min3A_94 = arith.minimumf %max3A_73, %min3A_92 : vector<16xf32>
      %max3A_95 = arith.maximumf %max3A_75, %min3A_94 : vector<16xf32>
      %min3A_96 = arith.minimumf %max3A_75, %min3A_94 : vector<16xf32>
      %max3A_97 = arith.maximumf %max3A_77, %min3A_96 : vector<16xf32>
      %min3A_98 = arith.minimumf %max3A_77, %min3A_96 : vector<16xf32>
      %max3A_99 = arith.maximumf %max3A_79, %min3A_98 : vector<16xf32>
      %min3A_100 = arith.minimumf %max3A_79, %min3A_98 : vector<16xf32>
      %max3A_101 = arith.maximumf %max3A_81, %min3A_100 : vector<16xf32>
      %min3A_102 = arith.minimumf %max3A_81, %min3A_100 : vector<16xf32>
      %max3A_103 = arith.maximumf %max3A_83, %min3A_102 : vector<16xf32>
      %min3A_104 = arith.minimumf %max3A_83, %min3A_102 : vector<16xf32>
      %add3A_105 = arith.constant 4 : i32
      %add3A_106 = vector.broadcast %add3A_105 : i32 to vector<16xi32>
      %add3A_107 = arith.addi %mul3A_20, %add3A_106 : vector<16xi32>
      %gather3A_108 = tpu.vector_load_idx %arg4[%add3A_107] : memref<16640xf32, #tpu.memory_space<vmem>>[vector<16xi32>], vector<16xf32>,
      %max3A_109 = arith.maximumf %max3A_89, %gather3A_108 : vector<16xf32>
      %min3A_110 = arith.minimumf %max3A_89, %gather3A_108 : vector<16xf32>
      %max3A_111 = arith.maximumf %max3A_91, %min3A_110 : vector<16xf32>
      %min3A_112 = arith.minimumf %max3A_91, %min3A_110 : vector<16xf32>
      %max3A_113 = arith.maximumf %max3A_93, %min3A_112 : vector<16xf32>
      %min3A_114 = arith.minimumf %max3A_93, %min3A_112 : vector<16xf32>
      %max3A_115 = arith.maximumf %max3A_95, %min3A_114 : vector<16xf32>
      %min3A_116 = arith.minimumf %max3A_95, %min3A_114 : vector<16xf32>
      %max3A_117 = arith.maximumf %max3A_97, %min3A_116 : vector<16xf32>
      %min3A_118 = arith.minimumf %max3A_97, %min3A_116 : vector<16xf32>
      %max3A_119 = arith.maximumf %max3A_99, %min3A_118 : vector<16xf32>
      %min3A_120 = arith.minimumf %max3A_99, %min3A_118 : vector<16xf32>
      %max3A_121 = arith.maximumf %max3A_101, %min3A_120 : vector<16xf32>
      %min3A_122 = arith.minimumf %max3A_101, %min3A_120 : vector<16xf32>
      %max3A_123 = arith.maximumf %max3A_103, %min3A_122 : vector<16xf32>
      %min3A_124 = arith.minimumf %max3A_103, %min3A_122 : vector<16xf32>
      %add3A_125 = arith.constant 5 : i32
      %add3A_126 = vector.broadcast %add3A_125 : i32 to vector<16xi32>
      %add3A_127 = arith.addi %mul3A_20, %add3A_126 : vector<16xi32>
      %gather3A_128 = tpu.vector_load_idx %arg4[%add3A_127] : memref<16640xf32, #tpu.memory_space<vmem>>[vector<16xi32>], vector<16xf32>,
      %max3A_129 = arith.maximumf %max3A_109, %gather3A_128 : vector<16xf32>
      %min3A_130 = arith.minimumf %max3A_109, %gather3A_128 : vector<16xf32>
      %max3A_131 = arith.maximumf %max3A_111, %min3A_130 : vector<16xf32>
      %min3A_132 = arith.minimumf %max3A_111, %min3A_130 : vector<16xf32>
      %max3A_133 = arith.maximumf %max3A_113, %min3A_132 : vector<16xf32>
      %min3A_134 = arith.minimumf %max3A_113, %min3A_132 : vector<16xf32>
      %max3A_135 = arith.maximumf %max3A_115, %min3A_134 : vector<16xf32>
      %min3A_136 = arith.minimumf %max3A_115, %min3A_134 : vector<16xf32>
      %max3A_137 = arith.maximumf %max3A_117, %min3A_136 : vector<16xf32>
      %min3A_138 = arith.minimumf %max3A_117, %min3A_136 : vector<16xf32>
      %max3A_139 = arith.maximumf %max3A_119, %min3A_138 : vector<16xf32>
      %min3A_140 = arith.minimumf %max3A_119, %min3A_138 : vector<16xf32>
      %max3A_141 = arith.maximumf %max3A_121, %min3A_140 : vector<16xf32>
      %min3A_142 = arith.minimumf %max3A_121, %min3A_140 : vector<16xf32>
      %max3A_143 = arith.maximumf %max3A_123, %min3A_142 : vector<16xf32>
      %min3A_144 = arith.minimumf %max3A_123, %min3A_142 : vector<16xf32>
      %add3A_145 = arith.constant 6 : i32
      %add3A_146 = vector.broadcast %add3A_145 : i32 to vector<16xi32>
      %add3A_147 = arith.addi %mul3A_20, %add3A_146 : vector<16xi32>
      %gather3A_148 = tpu.vector_load_idx %arg4[%add3A_147] : memref<16640xf32, #tpu.memory_space<vmem>>[vector<16xi32>], vector<16xf32>,
      %max3A_149 = arith.maximumf %max3A_129, %gather3A_148 : vector<16xf32>
      %min3A_150 = arith.minimumf %max3A_129, %gather3A_148 : vector<16xf32>
      %max3A_151 = arith.maximumf %max3A_131, %min3A_150 : vector<16xf32>
      %min3A_152 = arith.minimumf %max3A_131, %min3A_150 : vector<16xf32>
      %max3A_153 = arith.maximumf %max3A_133, %min3A_152 : vector<16xf32>
      %min3A_154 = arith.minimumf %max3A_133, %min3A_152 : vector<16xf32>
      %max3A_155 = arith.maximumf %max3A_135, %min3A_154 : vector<16xf32>
      %min3A_156 = arith.minimumf %max3A_135, %min3A_154 : vector<16xf32>
      %max3A_157 = arith.maximumf %max3A_137, %min3A_156 : vector<16xf32>
      %min3A_158 = arith.minimumf %max3A_137, %min3A_156 : vector<16xf32>
      %max3A_159 = arith.maximumf %max3A_139, %min3A_158 : vector<16xf32>
      %min3A_160 = arith.minimumf %max3A_139, %min3A_158 : vector<16xf32>
      %max3A_161 = arith.maximumf %max3A_141, %min3A_160 : vector<16xf32>
      %min3A_162 = arith.minimumf %max3A_141, %min3A_160 : vector<16xf32>
      %max3A_163 = arith.maximumf %max3A_143, %min3A_162 : vector<16xf32>
      %min3A_164 = arith.minimumf %max3A_143, %min3A_162 : vector<16xf32>
      %add3A_165 = arith.constant 7 : i32
      %add3A_166 = vector.broadcast %add3A_165 : i32 to vector<16xi32>
      %add3A_167 = arith.addi %mul3A_20, %add3A_166 : vector<16xi32>
      %gather3A_168 = tpu.vector_load_idx %arg4[%add3A_167] : memref<16640xf32, #tpu.memory_space<vmem>>[vector<16xi32>], vector<16xf32>,
      %max3A_169 = arith.maximumf %max3A_149, %gather3A_168 : vector<16xf32>
      %min3A_170 = arith.minimumf %max3A_149, %gather3A_168 : vector<16xf32>
      %max3A_171 = arith.maximumf %max3A_151, %min3A_170 : vector<16xf32>
      %min3A_172 = arith.minimumf %max3A_151, %min3A_170 : vector<16xf32>
      %max3A_173 = arith.maximumf %max3A_153, %min3A_172 : vector<16xf32>
      %min3A_174 = arith.minimumf %max3A_153, %min3A_172 : vector<16xf32>
      %max3A_175 = arith.maximumf %max3A_155, %min3A_174 : vector<16xf32>
      %min3A_176 = arith.minimumf %max3A_155, %min3A_174 : vector<16xf32>
      %max3A_177 = arith.maximumf %max3A_157, %min3A_176 : vector<16xf32>
      %min3A_178 = arith.minimumf %max3A_157, %min3A_176 : vector<16xf32>
      %max3A_179 = arith.maximumf %max3A_159, %min3A_178 : vector<16xf32>
      %min3A_180 = arith.minimumf %max3A_159, %min3A_178 : vector<16xf32>
      %max3A_181 = arith.maximumf %max3A_161, %min3A_180 : vector<16xf32>
      %min3A_182 = arith.minimumf %max3A_161, %min3A_180 : vector<16xf32>
      %max3A_183 = arith.maximumf %max3A_163, %min3A_182 : vector<16xf32>
      %min3A_184 = arith.minimumf %max3A_163, %min3A_182 : vector<16xf32>
      %add3A_185 = arith.constant 8 : i32
      %add3A_186 = vector.broadcast %add3A_185 : i32 to vector<16xi32>
      %add3A_187 = arith.addi %mul3A_20, %add3A_186 : vector<16xi32>
      %gather3A_188 = tpu.vector_load_idx %arg4[%add3A_187] : memref<16640xf32, #tpu.memory_space<vmem>>[vector<16xi32>], vector<16xf32>,
      %max3A_189 = arith.maximumf %max3A_169, %gather3A_188 : vector<16xf32>
      %min3A_190 = arith.minimumf %max3A_169, %gather3A_188 : vector<16xf32>
      %max3A_191 = arith.maximumf %max3A_171, %min3A_190 : vector<16xf32>
      %min3A_192 = arith.minimumf %max3A_171, %min3A_190 : vector<16xf32>
      %max3A_193 = arith.maximumf %max3A_173, %min3A_192 : vector<16xf32>
      %min3A_194 = arith.minimumf %max3A_173, %min3A_192 : vector<16xf32>
      %max3A_195 = arith.maximumf %max3A_175, %min3A_194 : vector<16xf32>
      %min3A_196 = arith.minimumf %max3A_175, %min3A_194 : vector<16xf32>
      %max3A_197 = arith.maximumf %max3A_177, %min3A_196 : vector<16xf32>
      %min3A_198 = arith.minimumf %max3A_177, %min3A_196 : vector<16xf32>
      %max3A_199 = arith.maximumf %max3A_179, %min3A_198 : vector<16xf32>
      %min3A_200 = arith.minimumf %max3A_179, %min3A_198 : vector<16xf32>
      %max3A_201 = arith.maximumf %max3A_181, %min3A_200 : vector<16xf32>
      %min3A_202 = arith.minimumf %max3A_181, %min3A_200 : vector<16xf32>
      %max3A_203 = arith.maximumf %max3A_183, %min3A_202 : vector<16xf32>
      %min3A_204 = arith.minimumf %max3A_183, %min3A_202 : vector<16xf32>
      %add3A_205 = arith.constant 9 : i32
      %add3A_206 = vector.broadcast %add3A_205 : i32 to vector<16xi32>
      %add3A_207 = arith.addi %mul3A_20, %add3A_206 : vector<16xi32>
      %gather3A_208 = tpu.vector_load_idx %arg4[%add3A_207] : memref<16640xf32, #tpu.memory_space<vmem>>[vector<16xi32>], vector<16xf32>,
      %max3A_209 = arith.maximumf %max3A_189, %gather3A_208 : vector<16xf32>
      %min3A_210 = arith.minimumf %max3A_189, %gather3A_208 : vector<16xf32>
      %max3A_211 = arith.maximumf %max3A_191, %min3A_210 : vector<16xf32>
      %min3A_212 = arith.minimumf %max3A_191, %min3A_210 : vector<16xf32>
      %max3A_213 = arith.maximumf %max3A_193, %min3A_212 : vector<16xf32>
      %min3A_214 = arith.minimumf %max3A_193, %min3A_212 : vector<16xf32>
      %max3A_215 = arith.maximumf %max3A_195, %min3A_214 : vector<16xf32>
      %min3A_216 = arith.minimumf %max3A_195, %min3A_214 : vector<16xf32>
      %max3A_217 = arith.maximumf %max3A_197, %min3A_216 : vector<16xf32>
      %min3A_218 = arith.minimumf %max3A_197, %min3A_216 : vector<16xf32>
      %max3A_219 = arith.maximumf %max3A_199, %min3A_218 : vector<16xf32>
      %min3A_220 = arith.minimumf %max3A_199, %min3A_218 : vector<16xf32>
      %max3A_221 = arith.maximumf %max3A_201, %min3A_220 : vector<16xf32>
      %min3A_222 = arith.minimumf %max3A_201, %min3A_220 : vector<16xf32>
      %max3A_223 = arith.maximumf %max3A_203, %min3A_222 : vector<16xf32>
      %min3A_224 = arith.minimumf %max3A_203, %min3A_222 : vector<16xf32>
      %add3A_225 = arith.constant 10 : i32
      %add3A_226 = vector.broadcast %add3A_225 : i32 to vector<16xi32>
      %add3A_227 = arith.addi %mul3A_20, %add3A_226 : vector<16xi32>
      %gather3A_228 = tpu.vector_load_idx %arg4[%add3A_227] : memref<16640xf32, #tpu.memory_space<vmem>>[vector<16xi32>], vector<16xf32>,
      %max3A_229 = arith.maximumf %max3A_209, %gather3A_228 : vector<16xf32>
      %min3A_230 = arith.minimumf %max3A_209, %gather3A_228 : vector<16xf32>
      %max3A_231 = arith.maximumf %max3A_211, %min3A_230 : vector<16xf32>
      %min3A_232 = arith.minimumf %max3A_211, %min3A_230 : vector<16xf32>
      %max3A_233 = arith.maximumf %max3A_213, %min3A_232 : vector<16xf32>
      %min3A_234 = arith.minimumf %max3A_213, %min3A_232 : vector<16xf32>
      %max3A_235 = arith.maximumf %max3A_215, %min3A_234 : vector<16xf32>
      %min3A_236 = arith.minimumf %max3A_215, %min3A_234 : vector<16xf32>
      %max3A_237 = arith.maximumf %max3A_217, %min3A_236 : vector<16xf32>
      %min3A_238 = arith.minimumf %max3A_217, %min3A_236 : vector<16xf32>
      %max3A_239 = arith.maximumf %max3A_219, %min3A_238 : vector<16xf32>
      %min3A_240 = arith.minimumf %max3A_219, %min3A_238 : vector<16xf32>
      %max3A_241 = arith.maximumf %max3A_221, %min3A_240 : vector<16xf32>
      %min3A_242 = arith.minimumf %max3A_221, %min3A_240 : vector<16xf32>
      %max3A_243 = arith.maximumf %max3A_223, %min3A_242 : vector<16xf32>
      %min3A_244 = arith.minimumf %max3A_223, %min3A_242 : vector<16xf32>
      %add3A_245 = arith.constant 11 : i32
      %add3A_246 = vector.broadcast %add3A_245 : i32 to vector<16xi32>
      %add3A_247 = arith.addi %mul3A_20, %add3A_246 : vector<16xi32>
      %gather3A_248 = tpu.vector_load_idx %arg4[%add3A_247] : memref<16640xf32, #tpu.memory_space<vmem>>[vector<16xi32>], vector<16xf32>,
      %max3A_249 = arith.maximumf %max3A_229, %gather3A_248 : vector<16xf32>
      %min3A_250 = arith.minimumf %max3A_229, %gather3A_248 : vector<16xf32>
      %max3A_251 = arith.maximumf %max3A_231, %min3A_250 : vector<16xf32>
      %min3A_252 = arith.minimumf %max3A_231, %min3A_250 : vector<16xf32>
      %max3A_253 = arith.maximumf %max3A_233, %min3A_252 : vector<16xf32>
      %min3A_254 = arith.minimumf %max3A_233, %min3A_252 : vector<16xf32>
      %max3A_255 = arith.maximumf %max3A_235, %min3A_254 : vector<16xf32>
      %min3A_256 = arith.minimumf %max3A_235, %min3A_254 : vector<16xf32>
      %max3A_257 = arith.maximumf %max3A_237, %min3A_256 : vector<16xf32>
      %min3A_258 = arith.minimumf %max3A_237, %min3A_256 : vector<16xf32>
      %max3A_259 = arith.maximumf %max3A_239, %min3A_258 : vector<16xf32>
      %min3A_260 = arith.minimumf %max3A_239, %min3A_258 : vector<16xf32>
      %max3A_261 = arith.maximumf %max3A_241, %min3A_260 : vector<16xf32>
      %min3A_262 = arith.minimumf %max3A_241, %min3A_260 : vector<16xf32>
      %max3A_263 = arith.maximumf %max3A_243, %min3A_262 : vector<16xf32>
      %min3A_264 = arith.minimumf %max3A_243, %min3A_262 : vector<16xf32>
      %add3A_265 = arith.constant 12 : i32
      %add3A_266 = vector.broadcast %add3A_265 : i32 to vector<16xi32>
      %add3A_267 = arith.addi %mul3A_20, %add3A_266 : vector<16xi32>
      %gather3A_268 = tpu.vector_load_idx %arg4[%add3A_267] : memref<16640xf32, #tpu.memory_space<vmem>>[vector<16xi32>], vector<16xf32>,
      %max3A_269 = arith.maximumf %max3A_249, %gather3A_268 : vector<16xf32>
      %min3A_270 = arith.minimumf %max3A_249, %gather3A_268 : vector<16xf32>
      %max3A_271 = arith.maximumf %max3A_251, %min3A_270 : vector<16xf32>
      %min3A_272 = arith.minimumf %max3A_251, %min3A_270 : vector<16xf32>
      %max3A_273 = arith.maximumf %max3A_253, %min3A_272 : vector<16xf32>
      %min3A_274 = arith.minimumf %max3A_253, %min3A_272 : vector<16xf32>
      %max3A_275 = arith.maximumf %max3A_255, %min3A_274 : vector<16xf32>
      %min3A_276 = arith.minimumf %max3A_255, %min3A_274 : vector<16xf32>
      %max3A_277 = arith.maximumf %max3A_257, %min3A_276 : vector<16xf32>
      %min3A_278 = arith.minimumf %max3A_257, %min3A_276 : vector<16xf32>
      %max3A_279 = arith.maximumf %max3A_259, %min3A_278 : vector<16xf32>
      %min3A_280 = arith.minimumf %max3A_259, %min3A_278 : vector<16xf32>
      %max3A_281 = arith.maximumf %max3A_261, %min3A_280 : vector<16xf32>
      %min3A_282 = arith.minimumf %max3A_261, %min3A_280 : vector<16xf32>
      %max3A_283 = arith.maximumf %max3A_263, %min3A_282 : vector<16xf32>
      %min3A_284 = arith.minimumf %max3A_263, %min3A_282 : vector<16xf32>
      %add3A_285 = arith.constant 13 : i32
      %add3A_286 = vector.broadcast %add3A_285 : i32 to vector<16xi32>
      %add3A_287 = arith.addi %mul3A_20, %add3A_286 : vector<16xi32>
      %gather3A_288 = tpu.vector_load_idx %arg4[%add3A_287] : memref<16640xf32, #tpu.memory_space<vmem>>[vector<16xi32>], vector<16xf32>,
      %max3A_289 = arith.maximumf %max3A_269, %gather3A_288 : vector<16xf32>
      %min3A_290 = arith.minimumf %max3A_269, %gather3A_288 : vector<16xf32>
      %max3A_291 = arith.maximumf %max3A_271, %min3A_290 : vector<16xf32>
      %min3A_292 = arith.minimumf %max3A_271, %min3A_290 : vector<16xf32>
      %max3A_293 = arith.maximumf %max3A_273, %min3A_292 : vector<16xf32>
      %min3A_294 = arith.minimumf %max3A_273, %min3A_292 : vector<16xf32>
      %max3A_295 = arith.maximumf %max3A_275, %min3A_294 : vector<16xf32>
      %min3A_296 = arith.minimumf %max3A_275, %min3A_294 : vector<16xf32>
      %max3A_297 = arith.maximumf %max3A_277, %min3A_296 : vector<16xf32>
      %min3A_298 = arith.minimumf %max3A_277, %min3A_296 : vector<16xf32>
      %max3A_299 = arith.maximumf %max3A_279, %min3A_298 : vector<16xf32>
      %min3A_300 = arith.minimumf %max3A_279, %min3A_298 : vector<16xf32>
      %max3A_301 = arith.maximumf %max3A_281, %min3A_300 : vector<16xf32>
      %min3A_302 = arith.minimumf %max3A_281, %min3A_300 : vector<16xf32>
      %max3A_303 = arith.maximumf %max3A_283, %min3A_302 : vector<16xf32>
      %min3A_304 = arith.minimumf %max3A_283, %min3A_302 : vector<16xf32>
      %add3A_305 = arith.constant 14 : i32
      %add3A_306 = vector.broadcast %add3A_305 : i32 to vector<16xi32>
      %add3A_307 = arith.addi %mul3A_20, %add3A_306 : vector<16xi32>
      %gather3A_308 = tpu.vector_load_idx %arg4[%add3A_307] : memref<16640xf32, #tpu.memory_space<vmem>>[vector<16xi32>], vector<16xf32>,
      %max3A_309 = arith.maximumf %max3A_289, %gather3A_308 : vector<16xf32>
      %min3A_310 = arith.minimumf %max3A_289, %gather3A_308 : vector<16xf32>
      %max3A_311 = arith.maximumf %max3A_291, %min3A_310 : vector<16xf32>
      %min3A_312 = arith.minimumf %max3A_291, %min3A_310 : vector<16xf32>
      %max3A_313 = arith.maximumf %max3A_293, %min3A_312 : vector<16xf32>
      %min3A_314 = arith.minimumf %max3A_293, %min3A_312 : vector<16xf32>
      %max3A_315 = arith.maximumf %max3A_295, %min3A_314 : vector<16xf32>
      %min3A_316 = arith.minimumf %max3A_295, %min3A_314 : vector<16xf32>
      %max3A_317 = arith.maximumf %max3A_297, %min3A_316 : vector<16xf32>
      %min3A_318 = arith.minimumf %max3A_297, %min3A_316 : vector<16xf32>
      %max3A_319 = arith.maximumf %max3A_299, %min3A_318 : vector<16xf32>
      %min3A_320 = arith.minimumf %max3A_299, %min3A_318 : vector<16xf32>
      %max3A_321 = arith.maximumf %max3A_301, %min3A_320 : vector<16xf32>
      %min3A_322 = arith.minimumf %max3A_301, %min3A_320 : vector<16xf32>
      %max3A_323 = arith.maximumf %max3A_303, %min3A_322 : vector<16xf32>
      %min3A_324 = arith.minimumf %max3A_303, %min3A_322 : vector<16xf32>
      %add3A_325 = arith.constant 15 : i32
      %add3A_326 = vector.broadcast %add3A_325 : i32 to vector<16xi32>
      %add3A_327 = arith.addi %mul3A_20, %add3A_326 : vector<16xi32>
      %gather3A_328 = tpu.vector_load_idx %arg4[%add3A_327] : memref<16640xf32, #tpu.memory_space<vmem>>[vector<16xi32>], vector<16xf32>,
      %max3A_329 = arith.maximumf %max3A_309, %gather3A_328 : vector<16xf32>
      %min3A_330 = arith.minimumf %max3A_309, %gather3A_328 : vector<16xf32>
      %max3A_331 = arith.maximumf %max3A_311, %min3A_330 : vector<16xf32>
      %min3A_332 = arith.minimumf %max3A_311, %min3A_330 : vector<16xf32>
      %max3A_333 = arith.maximumf %max3A_313, %min3A_332 : vector<16xf32>
      %min3A_334 = arith.minimumf %max3A_313, %min3A_332 : vector<16xf32>
      %max3A_335 = arith.maximumf %max3A_315, %min3A_334 : vector<16xf32>
      %min3A_336 = arith.minimumf %max3A_315, %min3A_334 : vector<16xf32>
      %max3A_337 = arith.maximumf %max3A_317, %min3A_336 : vector<16xf32>
      %min3A_338 = arith.minimumf %max3A_317, %min3A_336 : vector<16xf32>
      %max3A_339 = arith.maximumf %max3A_319, %min3A_338 : vector<16xf32>
      %min3A_340 = arith.minimumf %max3A_319, %min3A_338 : vector<16xf32>
      %max3A_341 = arith.maximumf %max3A_321, %min3A_340 : vector<16xf32>
      %min3A_342 = arith.minimumf %max3A_321, %min3A_340 : vector<16xf32>
      %max3A_343 = arith.maximumf %max3A_323, %min3A_342 : vector<16xf32>
      %min3A_344 = arith.minimumf %max3A_323, %min3A_342 : vector<16xf32>
      %add3A_345 = arith.constant 16 : i32
      %add3A_346 = vector.broadcast %add3A_345 : i32 to vector<16xi32>
      %add3A_347 = arith.addi %mul3A_20, %add3A_346 : vector<16xi32>
      %gather3A_348 = tpu.vector_load_idx %arg4[%add3A_347] : memref<16640xf32, #tpu.memory_space<vmem>>[vector<16xi32>], vector<16xf32>,
      %max3A_349 = arith.maximumf %max3A_329, %gather3A_348 : vector<16xf32>
      %min3A_350 = arith.minimumf %max3A_329, %gather3A_348 : vector<16xf32>
      %max3A_351 = arith.maximumf %max3A_331, %min3A_350 : vector<16xf32>
      %min3A_352 = arith.minimumf %max3A_331, %min3A_350 : vector<16xf32>
      %max3A_353 = arith.maximumf %max3A_333, %min3A_352 : vector<16xf32>
      %min3A_354 = arith.minimumf %max3A_333, %min3A_352 : vector<16xf32>
      %max3A_355 = arith.maximumf %max3A_335, %min3A_354 : vector<16xf32>
      %min3A_356 = arith.minimumf %max3A_335, %min3A_354 : vector<16xf32>
      %max3A_357 = arith.maximumf %max3A_337, %min3A_356 : vector<16xf32>
      %min3A_358 = arith.minimumf %max3A_337, %min3A_356 : vector<16xf32>
      %max3A_359 = arith.maximumf %max3A_339, %min3A_358 : vector<16xf32>
      %min3A_360 = arith.minimumf %max3A_339, %min3A_358 : vector<16xf32>
      %max3A_361 = arith.maximumf %max3A_341, %min3A_360 : vector<16xf32>
      %min3A_362 = arith.minimumf %max3A_341, %min3A_360 : vector<16xf32>
      %max3A_363 = arith.maximumf %max3A_343, %min3A_362 : vector<16xf32>
      %min3A_364 = arith.minimumf %max3A_343, %min3A_362 : vector<16xf32>
      %add3A_365 = arith.constant 17 : i32
      %add3A_366 = vector.broadcast %add3A_365 : i32 to vector<16xi32>
      %add3A_367 = arith.addi %mul3A_20, %add3A_366 : vector<16xi32>
      %gather3A_368 = tpu.vector_load_idx %arg4[%add3A_367] : memref<16640xf32, #tpu.memory_space<vmem>>[vector<16xi32>], vector<16xf32>,
      %max3A_369 = arith.maximumf %max3A_349, %gather3A_368 : vector<16xf32>
      %min3A_370 = arith.minimumf %max3A_349, %gather3A_368 : vector<16xf32>
      %max3A_371 = arith.maximumf %max3A_351, %min3A_370 : vector<16xf32>
      %min3A_372 = arith.minimumf %max3A_351, %min3A_370 : vector<16xf32>
      %max3A_373 = arith.maximumf %max3A_353, %min3A_372 : vector<16xf32>
      %min3A_374 = arith.minimumf %max3A_353, %min3A_372 : vector<16xf32>
      %max3A_375 = arith.maximumf %max3A_355, %min3A_374 : vector<16xf32>
      %min3A_376 = arith.minimumf %max3A_355, %min3A_374 : vector<16xf32>
      %max3A_377 = arith.maximumf %max3A_357, %min3A_376 : vector<16xf32>
      %min3A_378 = arith.minimumf %max3A_357, %min3A_376 : vector<16xf32>
      %max3A_379 = arith.maximumf %max3A_359, %min3A_378 : vector<16xf32>
      %min3A_380 = arith.minimumf %max3A_359, %min3A_378 : vector<16xf32>
      %max3A_381 = arith.maximumf %max3A_361, %min3A_380 : vector<16xf32>
      %min3A_382 = arith.minimumf %max3A_361, %min3A_380 : vector<16xf32>
      %max3A_383 = arith.maximumf %max3A_363, %min3A_382 : vector<16xf32>
      %min3A_384 = arith.minimumf %max3A_363, %min3A_382 : vector<16xf32>
      %add3A_385 = arith.constant 18 : i32
      %add3A_386 = vector.broadcast %add3A_385 : i32 to vector<16xi32>
      %add3A_387 = arith.addi %mul3A_20, %add3A_386 : vector<16xi32>
      %gather3A_388 = tpu.vector_load_idx %arg4[%add3A_387] : memref<16640xf32, #tpu.memory_space<vmem>>[vector<16xi32>], vector<16xf32>,
      %max3A_389 = arith.maximumf %max3A_369, %gather3A_388 : vector<16xf32>
      %min3A_390 = arith.minimumf %max3A_369, %gather3A_388 : vector<16xf32>
      %max3A_391 = arith.maximumf %max3A_371, %min3A_390 : vector<16xf32>
      %min3A_392 = arith.minimumf %max3A_371, %min3A_390 : vector<16xf32>
      %max3A_393 = arith.maximumf %max3A_373, %min3A_392 : vector<16xf32>
      %min3A_394 = arith.minimumf %max3A_373, %min3A_392 : vector<16xf32>
      %max3A_395 = arith.maximumf %max3A_375, %min3A_394 : vector<16xf32>
      %min3A_396 = arith.minimumf %max3A_375, %min3A_394 : vector<16xf32>
      %max3A_397 = arith.maximumf %max3A_377, %min3A_396 : vector<16xf32>
      %min3A_398 = arith.minimumf %max3A_377, %min3A_396 : vector<16xf32>
      %max3A_399 = arith.maximumf %max3A_379, %min3A_398 : vector<16xf32>
      %min3A_400 = arith.minimumf %max3A_379, %min3A_398 : vector<16xf32>
      %max3A_401 = arith.maximumf %max3A_381, %min3A_400 : vector<16xf32>
      %min3A_402 = arith.minimumf %max3A_381, %min3A_400 : vector<16xf32>
      %max3A_403 = arith.maximumf %max3A_383, %min3A_402 : vector<16xf32>
      %min3A_404 = arith.minimumf %max3A_383, %min3A_402 : vector<16xf32>
      %add3A_405 = arith.constant 19 : i32
      %add3A_406 = vector.broadcast %add3A_405 : i32 to vector<16xi32>
      %add3A_407 = arith.addi %mul3A_20, %add3A_406 : vector<16xi32>
      %gather3A_408 = tpu.vector_load_idx %arg4[%add3A_407] : memref<16640xf32, #tpu.memory_space<vmem>>[vector<16xi32>], vector<16xf32>,
      %max3A_409 = arith.maximumf %max3A_389, %gather3A_408 : vector<16xf32>
      %min3A_410 = arith.minimumf %max3A_389, %gather3A_408 : vector<16xf32>
      %max3A_411 = arith.maximumf %max3A_391, %min3A_410 : vector<16xf32>
      %min3A_412 = arith.minimumf %max3A_391, %min3A_410 : vector<16xf32>
      %max3A_413 = arith.maximumf %max3A_393, %min3A_412 : vector<16xf32>
      %min3A_414 = arith.minimumf %max3A_393, %min3A_412 : vector<16xf32>
      %max3A_415 = arith.maximumf %max3A_395, %min3A_414 : vector<16xf32>
      %min3A_416 = arith.minimumf %max3A_395, %min3A_414 : vector<16xf32>
      %max3A_417 = arith.maximumf %max3A_397, %min3A_416 : vector<16xf32>
      %min3A_418 = arith.minimumf %max3A_397, %min3A_416 : vector<16xf32>
      %max3A_419 = arith.maximumf %max3A_399, %min3A_418 : vector<16xf32>
      %min3A_420 = arith.minimumf %max3A_399, %min3A_418 : vector<16xf32>
      %max3A_421 = arith.maximumf %max3A_401, %min3A_420 : vector<16xf32>
      %min3A_422 = arith.minimumf %max3A_401, %min3A_420 : vector<16xf32>
      %max3A_423 = arith.maximumf %max3A_403, %min3A_422 : vector<16xf32>
      %min3A_424 = arith.minimumf %max3A_403, %min3A_422 : vector<16xf32>
      %add3A_425 = arith.constant 20 : i32
      %add3A_426 = vector.broadcast %add3A_425 : i32 to vector<16xi32>
      %add3A_427 = arith.addi %mul3A_20, %add3A_426 : vector<16xi32>
      %gather3A_428 = tpu.vector_load_idx %arg4[%add3A_427] : memref<16640xf32, #tpu.memory_space<vmem>>[vector<16xi32>], vector<16xf32>,
      %max3A_429 = arith.maximumf %max3A_409, %gather3A_428 : vector<16xf32>
      %min3A_430 = arith.minimumf %max3A_409, %gather3A_428 : vector<16xf32>
      %max3A_431 = arith.maximumf %max3A_411, %min3A_430 : vector<16xf32>
      %min3A_432 = arith.minimumf %max3A_411, %min3A_430 : vector<16xf32>
      %max3A_433 = arith.maximumf %max3A_413, %min3A_432 : vector<16xf32>
      %min3A_434 = arith.minimumf %max3A_413, %min3A_432 : vector<16xf32>
      %max3A_435 = arith.maximumf %max3A_415, %min3A_434 : vector<16xf32>
      %min3A_436 = arith.minimumf %max3A_415, %min3A_434 : vector<16xf32>
      %max3A_437 = arith.maximumf %max3A_417, %min3A_436 : vector<16xf32>
      %min3A_438 = arith.minimumf %max3A_417, %min3A_436 : vector<16xf32>
      %max3A_439 = arith.maximumf %max3A_419, %min3A_438 : vector<16xf32>
      %min3A_440 = arith.minimumf %max3A_419, %min3A_438 : vector<16xf32>
      %max3A_441 = arith.maximumf %max3A_421, %min3A_440 : vector<16xf32>
      %min3A_442 = arith.minimumf %max3A_421, %min3A_440 : vector<16xf32>
      %max3A_443 = arith.maximumf %max3A_423, %min3A_442 : vector<16xf32>
      %min3A_444 = arith.minimumf %max3A_423, %min3A_442 : vector<16xf32>
      %add3A_445 = arith.constant 21 : i32
      %add3A_446 = vector.broadcast %add3A_445 : i32 to vector<16xi32>
      %add3A_447 = arith.addi %mul3A_20, %add3A_446 : vector<16xi32>
      %gather3A_448 = tpu.vector_load_idx %arg4[%add3A_447] : memref<16640xf32, #tpu.memory_space<vmem>>[vector<16xi32>], vector<16xf32>,
      %max3A_449 = arith.maximumf %max3A_429, %gather3A_448 : vector<16xf32>
      %min3A_450 = arith.minimumf %max3A_429, %gather3A_448 : vector<16xf32>
      %max3A_451 = arith.maximumf %max3A_431, %min3A_450 : vector<16xf32>
      %min3A_452 = arith.minimumf %max3A_431, %min3A_450 : vector<16xf32>
      %max3A_453 = arith.maximumf %max3A_433, %min3A_452 : vector<16xf32>
      %min3A_454 = arith.minimumf %max3A_433, %min3A_452 : vector<16xf32>
      %max3A_455 = arith.maximumf %max3A_435, %min3A_454 : vector<16xf32>
      %min3A_456 = arith.minimumf %max3A_435, %min3A_454 : vector<16xf32>
      %max3A_457 = arith.maximumf %max3A_437, %min3A_456 : vector<16xf32>
      %min3A_458 = arith.minimumf %max3A_437, %min3A_456 : vector<16xf32>
      %max3A_459 = arith.maximumf %max3A_439, %min3A_458 : vector<16xf32>
      %min3A_460 = arith.minimumf %max3A_439, %min3A_458 : vector<16xf32>
      %max3A_461 = arith.maximumf %max3A_441, %min3A_460 : vector<16xf32>
      %min3A_462 = arith.minimumf %max3A_441, %min3A_460 : vector<16xf32>
      %max3A_463 = arith.maximumf %max3A_443, %min3A_462 : vector<16xf32>
      %min3A_464 = arith.minimumf %max3A_443, %min3A_462 : vector<16xf32>
      %add3A_465 = arith.constant 22 : i32
      %add3A_466 = vector.broadcast %add3A_465 : i32 to vector<16xi32>
      %add3A_467 = arith.addi %mul3A_20, %add3A_466 : vector<16xi32>
      %gather3A_468 = tpu.vector_load_idx %arg4[%add3A_467] : memref<16640xf32, #tpu.memory_space<vmem>>[vector<16xi32>], vector<16xf32>,
      %max3A_469 = arith.maximumf %max3A_449, %gather3A_468 : vector<16xf32>
      %min3A_470 = arith.minimumf %max3A_449, %gather3A_468 : vector<16xf32>
      %max3A_471 = arith.maximumf %max3A_451, %min3A_470 : vector<16xf32>
      %min3A_472 = arith.minimumf %max3A_451, %min3A_470 : vector<16xf32>
      %max3A_473 = arith.maximumf %max3A_453, %min3A_472 : vector<16xf32>
      %min3A_474 = arith.minimumf %max3A_453, %min3A_472 : vector<16xf32>
      %max3A_475 = arith.maximumf %max3A_455, %min3A_474 : vector<16xf32>
      %min3A_476 = arith.minimumf %max3A_455, %min3A_474 : vector<16xf32>
      %max3A_477 = arith.maximumf %max3A_457, %min3A_476 : vector<16xf32>
      %min3A_478 = arith.minimumf %max3A_457, %min3A_476 : vector<16xf32>
      %max3A_479 = arith.maximumf %max3A_459, %min3A_478 : vector<16xf32>
      %min3A_480 = arith.minimumf %max3A_459, %min3A_478 : vector<16xf32>
      %max3A_481 = arith.maximumf %max3A_461, %min3A_480 : vector<16xf32>
      %min3A_482 = arith.minimumf %max3A_461, %min3A_480 : vector<16xf32>
      %max3A_483 = arith.maximumf %max3A_463, %min3A_482 : vector<16xf32>
      %min3A_484 = arith.minimumf %max3A_463, %min3A_482 : vector<16xf32>
      %add3A_485 = arith.constant 23 : i32
      %add3A_486 = vector.broadcast %add3A_485 : i32 to vector<16xi32>
      %add3A_487 = arith.addi %mul3A_20, %add3A_486 : vector<16xi32>
      %gather3A_488 = tpu.vector_load_idx %arg4[%add3A_487] : memref<16640xf32, #tpu.memory_space<vmem>>[vector<16xi32>], vector<16xf32>,
      %max3A_489 = arith.maximumf %max3A_469, %gather3A_488 : vector<16xf32>
      %min3A_490 = arith.minimumf %max3A_469, %gather3A_488 : vector<16xf32>
      %max3A_491 = arith.maximumf %max3A_471, %min3A_490 : vector<16xf32>
      %min3A_492 = arith.minimumf %max3A_471, %min3A_490 : vector<16xf32>
      %max3A_493 = arith.maximumf %max3A_473, %min3A_492 : vector<16xf32>
      %min3A_494 = arith.minimumf %max3A_473, %min3A_492 : vector<16xf32>
      %max3A_495 = arith.maximumf %max3A_475, %min3A_494 : vector<16xf32>
      %min3A_496 = arith.minimumf %max3A_475, %min3A_494 : vector<16xf32>
      %max3A_497 = arith.maximumf %max3A_477, %min3A_496 : vector<16xf32>
      %min3A_498 = arith.minimumf %max3A_477, %min3A_496 : vector<16xf32>
      %max3A_499 = arith.maximumf %max3A_479, %min3A_498 : vector<16xf32>
      %min3A_500 = arith.minimumf %max3A_479, %min3A_498 : vector<16xf32>
      %max3A_501 = arith.maximumf %max3A_481, %min3A_500 : vector<16xf32>
      %min3A_502 = arith.minimumf %max3A_481, %min3A_500 : vector<16xf32>
      %max3A_503 = arith.maximumf %max3A_483, %min3A_502 : vector<16xf32>
      %min3A_504 = arith.minimumf %max3A_483, %min3A_502 : vector<16xf32>
      %add3A_505 = arith.constant 24 : i32
      %add3A_506 = vector.broadcast %add3A_505 : i32 to vector<16xi32>
      %add3A_507 = arith.addi %mul3A_20, %add3A_506 : vector<16xi32>
      %gather3A_508 = tpu.vector_load_idx %arg4[%add3A_507] : memref<16640xf32, #tpu.memory_space<vmem>>[vector<16xi32>], vector<16xf32>,
      %max3A_509 = arith.maximumf %max3A_489, %gather3A_508 : vector<16xf32>
      %min3A_510 = arith.minimumf %max3A_489, %gather3A_508 : vector<16xf32>
      %max3A_511 = arith.maximumf %max3A_491, %min3A_510 : vector<16xf32>
      %min3A_512 = arith.minimumf %max3A_491, %min3A_510 : vector<16xf32>
      %max3A_513 = arith.maximumf %max3A_493, %min3A_512 : vector<16xf32>
      %min3A_514 = arith.minimumf %max3A_493, %min3A_512 : vector<16xf32>
      %max3A_515 = arith.maximumf %max3A_495, %min3A_514 : vector<16xf32>
      %min3A_516 = arith.minimumf %max3A_495, %min3A_514 : vector<16xf32>
      %max3A_517 = arith.maximumf %max3A_497, %min3A_516 : vector<16xf32>
      %min3A_518 = arith.minimumf %max3A_497, %min3A_516 : vector<16xf32>
      %max3A_519 = arith.maximumf %max3A_499, %min3A_518 : vector<16xf32>
      %min3A_520 = arith.minimumf %max3A_499, %min3A_518 : vector<16xf32>
      %max3A_521 = arith.maximumf %max3A_501, %min3A_520 : vector<16xf32>
      %min3A_522 = arith.minimumf %max3A_501, %min3A_520 : vector<16xf32>
      %max3A_523 = arith.maximumf %max3A_503, %min3A_522 : vector<16xf32>
      %min3A_524 = arith.minimumf %max3A_503, %min3A_522 : vector<16xf32>
      %add3A_525 = arith.constant 25 : i32
      %add3A_526 = vector.broadcast %add3A_525 : i32 to vector<16xi32>
      %add3A_527 = arith.addi %mul3A_20, %add3A_526 : vector<16xi32>
      %gather3A_528 = tpu.vector_load_idx %arg4[%add3A_527] : memref<16640xf32, #tpu.memory_space<vmem>>[vector<16xi32>], vector<16xf32>,
      %max3A_529 = arith.maximumf %max3A_509, %gather3A_528 : vector<16xf32>
      %min3A_530 = arith.minimumf %max3A_509, %gather3A_528 : vector<16xf32>
      %max3A_531 = arith.maximumf %max3A_511, %min3A_530 : vector<16xf32>
      %min3A_532 = arith.minimumf %max3A_511, %min3A_530 : vector<16xf32>
      %max3A_533 = arith.maximumf %max3A_513, %min3A_532 : vector<16xf32>
      %min3A_534 = arith.minimumf %max3A_513, %min3A_532 : vector<16xf32>
      %max3A_535 = arith.maximumf %max3A_515, %min3A_534 : vector<16xf32>
      %min3A_536 = arith.minimumf %max3A_515, %min3A_534 : vector<16xf32>
      %max3A_537 = arith.maximumf %max3A_517, %min3A_536 : vector<16xf32>
      %min3A_538 = arith.minimumf %max3A_517, %min3A_536 : vector<16xf32>
      %max3A_539 = arith.maximumf %max3A_519, %min3A_538 : vector<16xf32>
      %min3A_540 = arith.minimumf %max3A_519, %min3A_538 : vector<16xf32>
      %max3A_541 = arith.maximumf %max3A_521, %min3A_540 : vector<16xf32>
      %min3A_542 = arith.minimumf %max3A_521, %min3A_540 : vector<16xf32>
      %max3A_543 = arith.maximumf %max3A_523, %min3A_542 : vector<16xf32>
      %min3A_544 = arith.minimumf %max3A_523, %min3A_542 : vector<16xf32>
      %add3A_545 = arith.constant 26 : i32
      %add3A_546 = vector.broadcast %add3A_545 : i32 to vector<16xi32>
      %add3A_547 = arith.addi %mul3A_20, %add3A_546 : vector<16xi32>
      %gather3A_548 = tpu.vector_load_idx %arg4[%add3A_547] : memref<16640xf32, #tpu.memory_space<vmem>>[vector<16xi32>], vector<16xf32>,
      %max3A_549 = arith.maximumf %max3A_529, %gather3A_548 : vector<16xf32>
      %min3A_550 = arith.minimumf %max3A_529, %gather3A_548 : vector<16xf32>
      %max3A_551 = arith.maximumf %max3A_531, %min3A_550 : vector<16xf32>
      %min3A_552 = arith.minimumf %max3A_531, %min3A_550 : vector<16xf32>
      %max3A_553 = arith.maximumf %max3A_533, %min3A_552 : vector<16xf32>
      %min3A_554 = arith.minimumf %max3A_533, %min3A_552 : vector<16xf32>
      %max3A_555 = arith.maximumf %max3A_535, %min3A_554 : vector<16xf32>
      %min3A_556 = arith.minimumf %max3A_535, %min3A_554 : vector<16xf32>
      %max3A_557 = arith.maximumf %max3A_537, %min3A_556 : vector<16xf32>
      %min3A_558 = arith.minimumf %max3A_537, %min3A_556 : vector<16xf32>
      %max3A_559 = arith.maximumf %max3A_539, %min3A_558 : vector<16xf32>
      %min3A_560 = arith.minimumf %max3A_539, %min3A_558 : vector<16xf32>
      %max3A_561 = arith.maximumf %max3A_541, %min3A_560 : vector<16xf32>
      %min3A_562 = arith.minimumf %max3A_541, %min3A_560 : vector<16xf32>
      %max3A_563 = arith.maximumf %max3A_543, %min3A_562 : vector<16xf32>
      %min3A_564 = arith.minimumf %max3A_543, %min3A_562 : vector<16xf32>
      %add3A_565 = arith.constant 27 : i32
      %add3A_566 = vector.broadcast %add3A_565 : i32 to vector<16xi32>
      %add3A_567 = arith.addi %mul3A_20, %add3A_566 : vector<16xi32>
      %gather3A_568 = tpu.vector_load_idx %arg4[%add3A_567] : memref<16640xf32, #tpu.memory_space<vmem>>[vector<16xi32>], vector<16xf32>,
      %max3A_569 = arith.maximumf %max3A_549, %gather3A_568 : vector<16xf32>
      %min3A_570 = arith.minimumf %max3A_549, %gather3A_568 : vector<16xf32>
      %max3A_571 = arith.maximumf %max3A_551, %min3A_570 : vector<16xf32>
      %min3A_572 = arith.minimumf %max3A_551, %min3A_570 : vector<16xf32>
      %max3A_573 = arith.maximumf %max3A_553, %min3A_572 : vector<16xf32>
      %min3A_574 = arith.minimumf %max3A_553, %min3A_572 : vector<16xf32>
      %max3A_575 = arith.maximumf %max3A_555, %min3A_574 : vector<16xf32>
      %min3A_576 = arith.minimumf %max3A_555, %min3A_574 : vector<16xf32>
      %max3A_577 = arith.maximumf %max3A_557, %min3A_576 : vector<16xf32>
      %min3A_578 = arith.minimumf %max3A_557, %min3A_576 : vector<16xf32>
      %max3A_579 = arith.maximumf %max3A_559, %min3A_578 : vector<16xf32>
      %min3A_580 = arith.minimumf %max3A_559, %min3A_578 : vector<16xf32>
      %max3A_581 = arith.maximumf %max3A_561, %min3A_580 : vector<16xf32>
      %min3A_582 = arith.minimumf %max3A_561, %min3A_580 : vector<16xf32>
      %max3A_583 = arith.maximumf %max3A_563, %min3A_582 : vector<16xf32>
      %min3A_584 = arith.minimumf %max3A_563, %min3A_582 : vector<16xf32>
      %add3A_585 = arith.constant 28 : i32
      %add3A_586 = vector.broadcast %add3A_585 : i32 to vector<16xi32>
      %add3A_587 = arith.addi %mul3A_20, %add3A_586 : vector<16xi32>
      %gather3A_588 = tpu.vector_load_idx %arg4[%add3A_587] : memref<16640xf32, #tpu.memory_space<vmem>>[vector<16xi32>], vector<16xf32>,
      %max3A_589 = arith.maximumf %max3A_569, %gather3A_588 : vector<16xf32>
      %min3A_590 = arith.minimumf %max3A_569, %gather3A_588 : vector<16xf32>
      %max3A_591 = arith.maximumf %max3A_571, %min3A_590 : vector<16xf32>
      %min3A_592 = arith.minimumf %max3A_571, %min3A_590 : vector<16xf32>
      %max3A_593 = arith.maximumf %max3A_573, %min3A_592 : vector<16xf32>
      %min3A_594 = arith.minimumf %max3A_573, %min3A_592 : vector<16xf32>
      %max3A_595 = arith.maximumf %max3A_575, %min3A_594 : vector<16xf32>
      %min3A_596 = arith.minimumf %max3A_575, %min3A_594 : vector<16xf32>
      %max3A_597 = arith.maximumf %max3A_577, %min3A_596 : vector<16xf32>
      %min3A_598 = arith.minimumf %max3A_577, %min3A_596 : vector<16xf32>
      %max3A_599 = arith.maximumf %max3A_579, %min3A_598 : vector<16xf32>
      %min3A_600 = arith.minimumf %max3A_579, %min3A_598 : vector<16xf32>
      %max3A_601 = arith.maximumf %max3A_581, %min3A_600 : vector<16xf32>
      %min3A_602 = arith.minimumf %max3A_581, %min3A_600 : vector<16xf32>
      %max3A_603 = arith.maximumf %max3A_583, %min3A_602 : vector<16xf32>
      %min3A_604 = arith.minimumf %max3A_583, %min3A_602 : vector<16xf32>
      %add3A_605 = arith.constant 29 : i32
      %add3A_606 = vector.broadcast %add3A_605 : i32 to vector<16xi32>
      %add3A_607 = arith.addi %mul3A_20, %add3A_606 : vector<16xi32>
      %gather3A_608 = tpu.vector_load_idx %arg4[%add3A_607] : memref<16640xf32, #tpu.memory_space<vmem>>[vector<16xi32>], vector<16xf32>,
      %max3A_609 = arith.maximumf %max3A_589, %gather3A_608 : vector<16xf32>
      %min3A_610 = arith.minimumf %max3A_589, %gather3A_608 : vector<16xf32>
      %max3A_611 = arith.maximumf %max3A_591, %min3A_610 : vector<16xf32>
      %min3A_612 = arith.minimumf %max3A_591, %min3A_610 : vector<16xf32>
      %max3A_613 = arith.maximumf %max3A_593, %min3A_612 : vector<16xf32>
      %min3A_614 = arith.minimumf %max3A_593, %min3A_612 : vector<16xf32>
      %max3A_615 = arith.maximumf %max3A_595, %min3A_614 : vector<16xf32>
      %min3A_616 = arith.minimumf %max3A_595, %min3A_614 : vector<16xf32>
      %max3A_617 = arith.maximumf %max3A_597, %min3A_616 : vector<16xf32>
      %min3A_618 = arith.minimumf %max3A_597, %min3A_616 : vector<16xf32>
      %max3A_619 = arith.maximumf %max3A_599, %min3A_618 : vector<16xf32>
      %min3A_620 = arith.minimumf %max3A_599, %min3A_618 : vector<16xf32>
      %max3A_621 = arith.maximumf %max3A_601, %min3A_620 : vector<16xf32>
      %min3A_622 = arith.minimumf %max3A_601, %min3A_620 : vector<16xf32>
      %max3A_623 = arith.maximumf %max3A_603, %min3A_622 : vector<16xf32>
      %min3A_624 = arith.minimumf %max3A_603, %min3A_622 : vector<16xf32>
      %add3A_625 = arith.constant 30 : i32
      %add3A_626 = vector.broadcast %add3A_625 : i32 to vector<16xi32>
      %add3A_627 = arith.addi %mul3A_20, %add3A_626 : vector<16xi32>
      %gather3A_628 = tpu.vector_load_idx %arg4[%add3A_627] : memref<16640xf32, #tpu.memory_space<vmem>>[vector<16xi32>], vector<16xf32>,
      %max3A_629 = arith.maximumf %max3A_609, %gather3A_628 : vector<16xf32>
      %min3A_630 = arith.minimumf %max3A_609, %gather3A_628 : vector<16xf32>
      %max3A_631 = arith.maximumf %max3A_611, %min3A_630 : vector<16xf32>
      %min3A_632 = arith.minimumf %max3A_611, %min3A_630 : vector<16xf32>
      %max3A_633 = arith.maximumf %max3A_613, %min3A_632 : vector<16xf32>
      %min3A_634 = arith.minimumf %max3A_613, %min3A_632 : vector<16xf32>
      %max3A_635 = arith.maximumf %max3A_615, %min3A_634 : vector<16xf32>
      %min3A_636 = arith.minimumf %max3A_615, %min3A_634 : vector<16xf32>
      %max3A_637 = arith.maximumf %max3A_617, %min3A_636 : vector<16xf32>
      %min3A_638 = arith.minimumf %max3A_617, %min3A_636 : vector<16xf32>
      %max3A_639 = arith.maximumf %max3A_619, %min3A_638 : vector<16xf32>
      %min3A_640 = arith.minimumf %max3A_619, %min3A_638 : vector<16xf32>
      %max3A_641 = arith.maximumf %max3A_621, %min3A_640 : vector<16xf32>
      %min3A_642 = arith.minimumf %max3A_621, %min3A_640 : vector<16xf32>
      %max3A_643 = arith.maximumf %max3A_623, %min3A_642 : vector<16xf32>
      %min3A_644 = arith.minimumf %max3A_623, %min3A_642 : vector<16xf32>
      %add3A_645 = arith.constant 31 : i32
      %add3A_646 = vector.broadcast %add3A_645 : i32 to vector<16xi32>
      %add3A_647 = arith.addi %mul3A_20, %add3A_646 : vector<16xi32>
      %gather3A_648 = tpu.vector_load_idx %arg4[%add3A_647] : memref<16640xf32, #tpu.memory_space<vmem>>[vector<16xi32>], vector<16xf32>,
      %max3A_649 = arith.maximumf %max3A_629, %gather3A_648 : vector<16xf32>
      %min3A_650 = arith.minimumf %max3A_629, %gather3A_648 : vector<16xf32>
      %max3A_651 = arith.maximumf %max3A_631, %min3A_650 : vector<16xf32>
      %min3A_652 = arith.minimumf %max3A_631, %min3A_650 : vector<16xf32>
      %max3A_653 = arith.maximumf %max3A_633, %min3A_652 : vector<16xf32>
      %min3A_654 = arith.minimumf %max3A_633, %min3A_652 : vector<16xf32>
      %max3A_655 = arith.maximumf %max3A_635, %min3A_654 : vector<16xf32>
      %min3A_656 = arith.minimumf %max3A_635, %min3A_654 : vector<16xf32>
      %max3A_657 = arith.maximumf %max3A_637, %min3A_656 : vector<16xf32>
      %min3A_658 = arith.minimumf %max3A_637, %min3A_656 : vector<16xf32>
      %max3A_659 = arith.maximumf %max3A_639, %min3A_658 : vector<16xf32>
      %min3A_660 = arith.minimumf %max3A_639, %min3A_658 : vector<16xf32>
      %max3A_661 = arith.maximumf %max3A_641, %min3A_660 : vector<16xf32>
      %min3A_662 = arith.minimumf %max3A_641, %min3A_660 : vector<16xf32>
      %max3A_663 = arith.maximumf %max3A_643, %min3A_662 : vector<16xf32>
      %min3A_664 = arith.minimumf %max3A_643, %min3A_662 : vector<16xf32>
      %add3A_665 = arith.constant 32 : i32
      %add3A_666 = vector.broadcast %add3A_665 : i32 to vector<16xi32>
      %add3A_667 = arith.addi %mul3A_20, %add3A_666 : vector<16xi32>
      %gather3A_668 = tpu.vector_load_idx %arg4[%add3A_667] : memref<16640xf32, #tpu.memory_space<vmem>>[vector<16xi32>], vector<16xf32>,
      %max3A_669 = arith.maximumf %max3A_649, %gather3A_668 : vector<16xf32>
      %min3A_670 = arith.minimumf %max3A_649, %gather3A_668 : vector<16xf32>
      %max3A_671 = arith.maximumf %max3A_651, %min3A_670 : vector<16xf32>
      %min3A_672 = arith.minimumf %max3A_651, %min3A_670 : vector<16xf32>
      %max3A_673 = arith.maximumf %max3A_653, %min3A_672 : vector<16xf32>
      %min3A_674 = arith.minimumf %max3A_653, %min3A_672 : vector<16xf32>
      %max3A_675 = arith.maximumf %max3A_655, %min3A_674 : vector<16xf32>
      %min3A_676 = arith.minimumf %max3A_655, %min3A_674 : vector<16xf32>
      %max3A_677 = arith.maximumf %max3A_657, %min3A_676 : vector<16xf32>
      %min3A_678 = arith.minimumf %max3A_657, %min3A_676 : vector<16xf32>
      %max3A_679 = arith.maximumf %max3A_659, %min3A_678 : vector<16xf32>
      %min3A_680 = arith.minimumf %max3A_659, %min3A_678 : vector<16xf32>
      %max3A_681 = arith.maximumf %max3A_661, %min3A_680 : vector<16xf32>
      %min3A_682 = arith.minimumf %max3A_661, %min3A_680 : vector<16xf32>
      %max3A_683 = arith.maximumf %max3A_663, %min3A_682 : vector<16xf32>
      %min3A_684 = arith.minimumf %max3A_663, %min3A_682 : vector<16xf32>
      %add3A_685 = arith.constant 33 : i32
      %add3A_686 = vector.broadcast %add3A_685 : i32 to vector<16xi32>
      %add3A_687 = arith.addi %mul3A_20, %add3A_686 : vector<16xi32>
      %gather3A_688 = tpu.vector_load_idx %arg4[%add3A_687] : memref<16640xf32, #tpu.memory_space<vmem>>[vector<16xi32>], vector<16xf32>,
      %max3A_689 = arith.maximumf %max3A_669, %gather3A_688 : vector<16xf32>
      %min3A_690 = arith.minimumf %max3A_669, %gather3A_688 : vector<16xf32>
      %max3A_691 = arith.maximumf %max3A_671, %min3A_690 : vector<16xf32>
      %min3A_692 = arith.minimumf %max3A_671, %min3A_690 : vector<16xf32>
      %max3A_693 = arith.maximumf %max3A_673, %min3A_692 : vector<16xf32>
      %min3A_694 = arith.minimumf %max3A_673, %min3A_692 : vector<16xf32>
      %max3A_695 = arith.maximumf %max3A_675, %min3A_694 : vector<16xf32>
      %min3A_696 = arith.minimumf %max3A_675, %min3A_694 : vector<16xf32>
      %max3A_697 = arith.maximumf %max3A_677, %min3A_696 : vector<16xf32>
      %min3A_698 = arith.minimumf %max3A_677, %min3A_696 : vector<16xf32>
      %max3A_699 = arith.maximumf %max3A_679, %min3A_698 : vector<16xf32>
      %min3A_700 = arith.minimumf %max3A_679, %min3A_698 : vector<16xf32>
      %max3A_701 = arith.maximumf %max3A_681, %min3A_700 : vector<16xf32>
      %min3A_702 = arith.minimumf %max3A_681, %min3A_700 : vector<16xf32>
      %max3A_703 = arith.maximumf %max3A_683, %min3A_702 : vector<16xf32>
      %min3A_704 = arith.minimumf %max3A_683, %min3A_702 : vector<16xf32>
      %add3A_705 = arith.constant 34 : i32
      %add3A_706 = vector.broadcast %add3A_705 : i32 to vector<16xi32>
      %add3A_707 = arith.addi %mul3A_20, %add3A_706 : vector<16xi32>
      %gather3A_708 = tpu.vector_load_idx %arg4[%add3A_707] : memref<16640xf32, #tpu.memory_space<vmem>>[vector<16xi32>], vector<16xf32>,
      %max3A_709 = arith.maximumf %max3A_689, %gather3A_708 : vector<16xf32>
      %min3A_710 = arith.minimumf %max3A_689, %gather3A_708 : vector<16xf32>
      %max3A_711 = arith.maximumf %max3A_691, %min3A_710 : vector<16xf32>
      %min3A_712 = arith.minimumf %max3A_691, %min3A_710 : vector<16xf32>
      %max3A_713 = arith.maximumf %max3A_693, %min3A_712 : vector<16xf32>
      %min3A_714 = arith.minimumf %max3A_693, %min3A_712 : vector<16xf32>
      %max3A_715 = arith.maximumf %max3A_695, %min3A_714 : vector<16xf32>
      %min3A_716 = arith.minimumf %max3A_695, %min3A_714 : vector<16xf32>
      %max3A_717 = arith.maximumf %max3A_697, %min3A_716 : vector<16xf32>
      %min3A_718 = arith.minimumf %max3A_697, %min3A_716 : vector<16xf32>
      %max3A_719 = arith.maximumf %max3A_699, %min3A_718 : vector<16xf32>
      %min3A_720 = arith.minimumf %max3A_699, %min3A_718 : vector<16xf32>
      %max3A_721 = arith.maximumf %max3A_701, %min3A_720 : vector<16xf32>
      %min3A_722 = arith.minimumf %max3A_701, %min3A_720 : vector<16xf32>
      %max3A_723 = arith.maximumf %max3A_703, %min3A_722 : vector<16xf32>
      %min3A_724 = arith.minimumf %max3A_703, %min3A_722 : vector<16xf32>
      %add3A_725 = arith.constant 35 : i32
      %add3A_726 = vector.broadcast %add3A_725 : i32 to vector<16xi32>
      %add3A_727 = arith.addi %mul3A_20, %add3A_726 : vector<16xi32>
      %gather3A_728 = tpu.vector_load_idx %arg4[%add3A_727] : memref<16640xf32, #tpu.memory_space<vmem>>[vector<16xi32>], vector<16xf32>,
      %max3A_729 = arith.maximumf %max3A_709, %gather3A_728 : vector<16xf32>
      %min3A_730 = arith.minimumf %max3A_709, %gather3A_728 : vector<16xf32>
      %max3A_731 = arith.maximumf %max3A_711, %min3A_730 : vector<16xf32>
      %min3A_732 = arith.minimumf %max3A_711, %min3A_730 : vector<16xf32>
      %max3A_733 = arith.maximumf %max3A_713, %min3A_732 : vector<16xf32>
      %min3A_734 = arith.minimumf %max3A_713, %min3A_732 : vector<16xf32>
      %max3A_735 = arith.maximumf %max3A_715, %min3A_734 : vector<16xf32>
      %min3A_736 = arith.minimumf %max3A_715, %min3A_734 : vector<16xf32>
      %max3A_737 = arith.maximumf %max3A_717, %min3A_736 : vector<16xf32>
      %min3A_738 = arith.minimumf %max3A_717, %min3A_736 : vector<16xf32>
      %max3A_739 = arith.maximumf %max3A_719, %min3A_738 : vector<16xf32>
      %min3A_740 = arith.minimumf %max3A_719, %min3A_738 : vector<16xf32>
      %max3A_741 = arith.maximumf %max3A_721, %min3A_740 : vector<16xf32>
      %min3A_742 = arith.minimumf %max3A_721, %min3A_740 : vector<16xf32>
      %max3A_743 = arith.maximumf %max3A_723, %min3A_742 : vector<16xf32>
      %min3A_744 = arith.minimumf %max3A_723, %min3A_742 : vector<16xf32>
      %add3A_745 = arith.constant 36 : i32
      %add3A_746 = vector.broadcast %add3A_745 : i32 to vector<16xi32>
      %add3A_747 = arith.addi %mul3A_20, %add3A_746 : vector<16xi32>
      %gather3A_748 = tpu.vector_load_idx %arg4[%add3A_747] : memref<16640xf32, #tpu.memory_space<vmem>>[vector<16xi32>], vector<16xf32>,
      %max3A_749 = arith.maximumf %max3A_729, %gather3A_748 : vector<16xf32>
      %min3A_750 = arith.minimumf %max3A_729, %gather3A_748 : vector<16xf32>
      %max3A_751 = arith.maximumf %max3A_731, %min3A_750 : vector<16xf32>
      %min3A_752 = arith.minimumf %max3A_731, %min3A_750 : vector<16xf32>
      %max3A_753 = arith.maximumf %max3A_733, %min3A_752 : vector<16xf32>
      %min3A_754 = arith.minimumf %max3A_733, %min3A_752 : vector<16xf32>
      %max3A_755 = arith.maximumf %max3A_735, %min3A_754 : vector<16xf32>
      %min3A_756 = arith.minimumf %max3A_735, %min3A_754 : vector<16xf32>
      %max3A_757 = arith.maximumf %max3A_737, %min3A_756 : vector<16xf32>
      %min3A_758 = arith.minimumf %max3A_737, %min3A_756 : vector<16xf32>
      %max3A_759 = arith.maximumf %max3A_739, %min3A_758 : vector<16xf32>
      %min3A_760 = arith.minimumf %max3A_739, %min3A_758 : vector<16xf32>
      %max3A_761 = arith.maximumf %max3A_741, %min3A_760 : vector<16xf32>
      %min3A_762 = arith.minimumf %max3A_741, %min3A_760 : vector<16xf32>
      %max3A_763 = arith.maximumf %max3A_743, %min3A_762 : vector<16xf32>
      %min3A_764 = arith.minimumf %max3A_743, %min3A_762 : vector<16xf32>
      %add3A_765 = arith.constant 37 : i32
      %add3A_766 = vector.broadcast %add3A_765 : i32 to vector<16xi32>
      %add3A_767 = arith.addi %mul3A_20, %add3A_766 : vector<16xi32>
      %gather3A_768 = tpu.vector_load_idx %arg4[%add3A_767] : memref<16640xf32, #tpu.memory_space<vmem>>[vector<16xi32>], vector<16xf32>,
      %max3A_769 = arith.maximumf %max3A_749, %gather3A_768 : vector<16xf32>
      %min3A_770 = arith.minimumf %max3A_749, %gather3A_768 : vector<16xf32>
      %max3A_771 = arith.maximumf %max3A_751, %min3A_770 : vector<16xf32>
      %min3A_772 = arith.minimumf %max3A_751, %min3A_770 : vector<16xf32>
      %max3A_773 = arith.maximumf %max3A_753, %min3A_772 : vector<16xf32>
      %min3A_774 = arith.minimumf %max3A_753, %min3A_772 : vector<16xf32>
      %max3A_775 = arith.maximumf %max3A_755, %min3A_774 : vector<16xf32>
      %min3A_776 = arith.minimumf %max3A_755, %min3A_774 : vector<16xf32>
      %max3A_777 = arith.maximumf %max3A_757, %min3A_776 : vector<16xf32>
      %min3A_778 = arith.minimumf %max3A_757, %min3A_776 : vector<16xf32>
      %max3A_779 = arith.maximumf %max3A_759, %min3A_778 : vector<16xf32>
      %min3A_780 = arith.minimumf %max3A_759, %min3A_778 : vector<16xf32>
      %max3A_781 = arith.maximumf %max3A_761, %min3A_780 : vector<16xf32>
      %min3A_782 = arith.minimumf %max3A_761, %min3A_780 : vector<16xf32>
      %max3A_783 = arith.maximumf %max3A_763, %min3A_782 : vector<16xf32>
      %min3A_784 = arith.minimumf %max3A_763, %min3A_782 : vector<16xf32>
      %add3A_785 = arith.constant 38 : i32
      %add3A_786 = vector.broadcast %add3A_785 : i32 to vector<16xi32>
      %add3A_787 = arith.addi %mul3A_20, %add3A_786 : vector<16xi32>
      %gather3A_788 = tpu.vector_load_idx %arg4[%add3A_787] : memref<16640xf32, #tpu.memory_space<vmem>>[vector<16xi32>], vector<16xf32>,
      %max3A_789 = arith.maximumf %max3A_769, %gather3A_788 : vector<16xf32>
      %min3A_790 = arith.minimumf %max3A_769, %gather3A_788 : vector<16xf32>
      %max3A_791 = arith.maximumf %max3A_771, %min3A_790 : vector<16xf32>
      %min3A_792 = arith.minimumf %max3A_771, %min3A_790 : vector<16xf32>
      %max3A_793 = arith.maximumf %max3A_773, %min3A_792 : vector<16xf32>
      %min3A_794 = arith.minimumf %max3A_773, %min3A_792 : vector<16xf32>
      %max3A_795 = arith.maximumf %max3A_775, %min3A_794 : vector<16xf32>
      %min3A_796 = arith.minimumf %max3A_775, %min3A_794 : vector<16xf32>
      %max3A_797 = arith.maximumf %max3A_777, %min3A_796 : vector<16xf32>
      %min3A_798 = arith.minimumf %max3A_777, %min3A_796 : vector<16xf32>
      %max3A_799 = arith.maximumf %max3A_779, %min3A_798 : vector<16xf32>
      %min3A_800 = arith.minimumf %max3A_779, %min3A_798 : vector<16xf32>
      %max3A_801 = arith.maximumf %max3A_781, %min3A_800 : vector<16xf32>
      %min3A_802 = arith.minimumf %max3A_781, %min3A_800 : vector<16xf32>
      %max3A_803 = arith.maximumf %max3A_783, %min3A_802 : vector<16xf32>
      %min3A_804 = arith.minimumf %max3A_783, %min3A_802 : vector<16xf32>
      %add3A_805 = arith.constant 39 : i32
      %add3A_806 = vector.broadcast %add3A_805 : i32 to vector<16xi32>
      %add3A_807 = arith.addi %mul3A_20, %add3A_806 : vector<16xi32>
      %gather3A_808 = tpu.vector_load_idx %arg4[%add3A_807] : memref<16640xf32, #tpu.memory_space<vmem>>[vector<16xi32>], vector<16xf32>,
      %max3A_809 = arith.maximumf %max3A_789, %gather3A_808 : vector<16xf32>
      %min3A_810 = arith.minimumf %max3A_789, %gather3A_808 : vector<16xf32>
      %max3A_811 = arith.maximumf %max3A_791, %min3A_810 : vector<16xf32>
      %min3A_812 = arith.minimumf %max3A_791, %min3A_810 : vector<16xf32>
      %max3A_813 = arith.maximumf %max3A_793, %min3A_812 : vector<16xf32>
      %min3A_814 = arith.minimumf %max3A_793, %min3A_812 : vector<16xf32>
      %max3A_815 = arith.maximumf %max3A_795, %min3A_814 : vector<16xf32>
      %min3A_816 = arith.minimumf %max3A_795, %min3A_814 : vector<16xf32>
      %max3A_817 = arith.maximumf %max3A_797, %min3A_816 : vector<16xf32>
      %min3A_818 = arith.minimumf %max3A_797, %min3A_816 : vector<16xf32>
      %max3A_819 = arith.maximumf %max3A_799, %min3A_818 : vector<16xf32>
      %min3A_820 = arith.minimumf %max3A_799, %min3A_818 : vector<16xf32>
      %max3A_821 = arith.maximumf %max3A_801, %min3A_820 : vector<16xf32>
      %min3A_822 = arith.minimumf %max3A_801, %min3A_820 : vector<16xf32>
      %max3A_823 = arith.maximumf %max3A_803, %min3A_822 : vector<16xf32>
      %min3A_824 = arith.minimumf %max3A_803, %min3A_822 : vector<16xf32>
      %add3A_825 = arith.constant 40 : i32
      %add3A_826 = vector.broadcast %add3A_825 : i32 to vector<16xi32>
      %add3A_827 = arith.addi %mul3A_20, %add3A_826 : vector<16xi32>
      %gather3A_828 = tpu.vector_load_idx %arg4[%add3A_827] : memref<16640xf32, #tpu.memory_space<vmem>>[vector<16xi32>], vector<16xf32>,
      %max3A_829 = arith.maximumf %max3A_809, %gather3A_828 : vector<16xf32>
      %min3A_830 = arith.minimumf %max3A_809, %gather3A_828 : vector<16xf32>
      %max3A_831 = arith.maximumf %max3A_811, %min3A_830 : vector<16xf32>
      %min3A_832 = arith.minimumf %max3A_811, %min3A_830 : vector<16xf32>
      %max3A_833 = arith.maximumf %max3A_813, %min3A_832 : vector<16xf32>
      %min3A_834 = arith.minimumf %max3A_813, %min3A_832 : vector<16xf32>
      %max3A_835 = arith.maximumf %max3A_815, %min3A_834 : vector<16xf32>
      %min3A_836 = arith.minimumf %max3A_815, %min3A_834 : vector<16xf32>
      %max3A_837 = arith.maximumf %max3A_817, %min3A_836 : vector<16xf32>
      %min3A_838 = arith.minimumf %max3A_817, %min3A_836 : vector<16xf32>
      %max3A_839 = arith.maximumf %max3A_819, %min3A_838 : vector<16xf32>
      %min3A_840 = arith.minimumf %max3A_819, %min3A_838 : vector<16xf32>
      %max3A_841 = arith.maximumf %max3A_821, %min3A_840 : vector<16xf32>
      %min3A_842 = arith.minimumf %max3A_821, %min3A_840 : vector<16xf32>
      %max3A_843 = arith.maximumf %max3A_823, %min3A_842 : vector<16xf32>
      %min3A_844 = arith.minimumf %max3A_823, %min3A_842 : vector<16xf32>
      %add3A_845 = arith.constant 41 : i32
      %add3A_846 = vector.broadcast %add3A_845 : i32 to vector<16xi32>
      %add3A_847 = arith.addi %mul3A_20, %add3A_846 : vector<16xi32>
      %gather3A_848 = tpu.vector_load_idx %arg4[%add3A_847] : memref<16640xf32, #tpu.memory_space<vmem>>[vector<16xi32>], vector<16xf32>,
      %max3A_849 = arith.maximumf %max3A_829, %gather3A_848 : vector<16xf32>
      %min3A_850 = arith.minimumf %max3A_829, %gather3A_848 : vector<16xf32>
      %max3A_851 = arith.maximumf %max3A_831, %min3A_850 : vector<16xf32>
      %min3A_852 = arith.minimumf %max3A_831, %min3A_850 : vector<16xf32>
      %max3A_853 = arith.maximumf %max3A_833, %min3A_852 : vector<16xf32>
      %min3A_854 = arith.minimumf %max3A_833, %min3A_852 : vector<16xf32>
      %max3A_855 = arith.maximumf %max3A_835, %min3A_854 : vector<16xf32>
      %min3A_856 = arith.minimumf %max3A_835, %min3A_854 : vector<16xf32>
      %max3A_857 = arith.maximumf %max3A_837, %min3A_856 : vector<16xf32>
      %min3A_858 = arith.minimumf %max3A_837, %min3A_856 : vector<16xf32>
      %max3A_859 = arith.maximumf %max3A_839, %min3A_858 : vector<16xf32>
      %min3A_860 = arith.minimumf %max3A_839, %min3A_858 : vector<16xf32>
      %max3A_861 = arith.maximumf %max3A_841, %min3A_860 : vector<16xf32>
      %min3A_862 = arith.minimumf %max3A_841, %min3A_860 : vector<16xf32>
      %max3A_863 = arith.maximumf %max3A_843, %min3A_862 : vector<16xf32>
      %min3A_864 = arith.minimumf %max3A_843, %min3A_862 : vector<16xf32>
      %add3A_865 = arith.constant 42 : i32
      %add3A_866 = vector.broadcast %add3A_865 : i32 to vector<16xi32>
      %add3A_867 = arith.addi %mul3A_20, %add3A_866 : vector<16xi32>
      %gather3A_868 = tpu.vector_load_idx %arg4[%add3A_867] : memref<16640xf32, #tpu.memory_space<vmem>>[vector<16xi32>], vector<16xf32>,
      %max3A_869 = arith.maximumf %max3A_849, %gather3A_868 : vector<16xf32>
      %min3A_870 = arith.minimumf %max3A_849, %gather3A_868 : vector<16xf32>
      %max3A_871 = arith.maximumf %max3A_851, %min3A_870 : vector<16xf32>
      %min3A_872 = arith.minimumf %max3A_851, %min3A_870 : vector<16xf32>
      %max3A_873 = arith.maximumf %max3A_853, %min3A_872 : vector<16xf32>
      %min3A_874 = arith.minimumf %max3A_853, %min3A_872 : vector<16xf32>
      %max3A_875 = arith.maximumf %max3A_855, %min3A_874 : vector<16xf32>
      %min3A_876 = arith.minimumf %max3A_855, %min3A_874 : vector<16xf32>
      %max3A_877 = arith.maximumf %max3A_857, %min3A_876 : vector<16xf32>
      %min3A_878 = arith.minimumf %max3A_857, %min3A_876 : vector<16xf32>
      %max3A_879 = arith.maximumf %max3A_859, %min3A_878 : vector<16xf32>
      %min3A_880 = arith.minimumf %max3A_859, %min3A_878 : vector<16xf32>
      %max3A_881 = arith.maximumf %max3A_861, %min3A_880 : vector<16xf32>
      %min3A_882 = arith.minimumf %max3A_861, %min3A_880 : vector<16xf32>
      %max3A_883 = arith.maximumf %max3A_863, %min3A_882 : vector<16xf32>
      %min3A_884 = arith.minimumf %max3A_863, %min3A_882 : vector<16xf32>
      %add3A_885 = arith.constant 43 : i32
      %add3A_886 = vector.broadcast %add3A_885 : i32 to vector<16xi32>
      %add3A_887 = arith.addi %mul3A_20, %add3A_886 : vector<16xi32>
      %gather3A_888 = tpu.vector_load_idx %arg4[%add3A_887] : memref<16640xf32, #tpu.memory_space<vmem>>[vector<16xi32>], vector<16xf32>,
      %max3A_889 = arith.maximumf %max3A_869, %gather3A_888 : vector<16xf32>
      %min3A_890 = arith.minimumf %max3A_869, %gather3A_888 : vector<16xf32>
      %max3A_891 = arith.maximumf %max3A_871, %min3A_890 : vector<16xf32>
      %min3A_892 = arith.minimumf %max3A_871, %min3A_890 : vector<16xf32>
      %max3A_893 = arith.maximumf %max3A_873, %min3A_892 : vector<16xf32>
      %min3A_894 = arith.minimumf %max3A_873, %min3A_892 : vector<16xf32>
      %max3A_895 = arith.maximumf %max3A_875, %min3A_894 : vector<16xf32>
      %min3A_896 = arith.minimumf %max3A_875, %min3A_894 : vector<16xf32>
      %max3A_897 = arith.maximumf %max3A_877, %min3A_896 : vector<16xf32>
      %min3A_898 = arith.minimumf %max3A_877, %min3A_896 : vector<16xf32>
      %max3A_899 = arith.maximumf %max3A_879, %min3A_898 : vector<16xf32>
      %min3A_900 = arith.minimumf %max3A_879, %min3A_898 : vector<16xf32>
      %max3A_901 = arith.maximumf %max3A_881, %min3A_900 : vector<16xf32>
      %min3A_902 = arith.minimumf %max3A_881, %min3A_900 : vector<16xf32>
      %max3A_903 = arith.maximumf %max3A_883, %min3A_902 : vector<16xf32>
      %min3A_904 = arith.minimumf %max3A_883, %min3A_902 : vector<16xf32>
      %add3A_905 = arith.constant 44 : i32
      %add3A_906 = vector.broadcast %add3A_905 : i32 to vector<16xi32>
      %add3A_907 = arith.addi %mul3A_20, %add3A_906 : vector<16xi32>
      %gather3A_908 = tpu.vector_load_idx %arg4[%add3A_907] : memref<16640xf32, #tpu.memory_space<vmem>>[vector<16xi32>], vector<16xf32>,
      %max3A_909 = arith.maximumf %max3A_889, %gather3A_908 : vector<16xf32>
      %min3A_910 = arith.minimumf %max3A_889, %gather3A_908 : vector<16xf32>
      %max3A_911 = arith.maximumf %max3A_891, %min3A_910 : vector<16xf32>
      %min3A_912 = arith.minimumf %max3A_891, %min3A_910 : vector<16xf32>
      %max3A_913 = arith.maximumf %max3A_893, %min3A_912 : vector<16xf32>
      %min3A_914 = arith.minimumf %max3A_893, %min3A_912 : vector<16xf32>
      %max3A_915 = arith.maximumf %max3A_895, %min3A_914 : vector<16xf32>
      %min3A_916 = arith.minimumf %max3A_895, %min3A_914 : vector<16xf32>
      %max3A_917 = arith.maximumf %max3A_897, %min3A_916 : vector<16xf32>
      %min3A_918 = arith.minimumf %max3A_897, %min3A_916 : vector<16xf32>
      %max3A_919 = arith.maximumf %max3A_899, %min3A_918 : vector<16xf32>
      %min3A_920 = arith.minimumf %max3A_899, %min3A_918 : vector<16xf32>
      %max3A_921 = arith.maximumf %max3A_901, %min3A_920 : vector<16xf32>
      %min3A_922 = arith.minimumf %max3A_901, %min3A_920 : vector<16xf32>
      %max3A_923 = arith.maximumf %max3A_903, %min3A_922 : vector<16xf32>
      %min3A_924 = arith.minimumf %max3A_903, %min3A_922 : vector<16xf32>
      %add3A_925 = arith.constant 45 : i32
      %add3A_926 = vector.broadcast %add3A_925 : i32 to vector<16xi32>
      %add3A_927 = arith.addi %mul3A_20, %add3A_926 : vector<16xi32>
      %gather3A_928 = tpu.vector_load_idx %arg4[%add3A_927] : memref<16640xf32, #tpu.memory_space<vmem>>[vector<16xi32>], vector<16xf32>,
      %max3A_929 = arith.maximumf %max3A_909, %gather3A_928 : vector<16xf32>
      %min3A_930 = arith.minimumf %max3A_909, %gather3A_928 : vector<16xf32>
      %max3A_931 = arith.maximumf %max3A_911, %min3A_930 : vector<16xf32>
      %min3A_932 = arith.minimumf %max3A_911, %min3A_930 : vector<16xf32>
      %max3A_933 = arith.maximumf %max3A_913, %min3A_932 : vector<16xf32>
      %min3A_934 = arith.minimumf %max3A_913, %min3A_932 : vector<16xf32>
      %max3A_935 = arith.maximumf %max3A_915, %min3A_934 : vector<16xf32>
      %min3A_936 = arith.minimumf %max3A_915, %min3A_934 : vector<16xf32>
      %max3A_937 = arith.maximumf %max3A_917, %min3A_936 : vector<16xf32>
      %min3A_938 = arith.minimumf %max3A_917, %min3A_936 : vector<16xf32>
      %max3A_939 = arith.maximumf %max3A_919, %min3A_938 : vector<16xf32>
      %min3A_940 = arith.minimumf %max3A_919, %min3A_938 : vector<16xf32>
      %max3A_941 = arith.maximumf %max3A_921, %min3A_940 : vector<16xf32>
      %min3A_942 = arith.minimumf %max3A_921, %min3A_940 : vector<16xf32>
      %max3A_943 = arith.maximumf %max3A_923, %min3A_942 : vector<16xf32>
      %min3A_944 = arith.minimumf %max3A_923, %min3A_942 : vector<16xf32>
      %add3A_945 = arith.constant 46 : i32
      %add3A_946 = vector.broadcast %add3A_945 : i32 to vector<16xi32>
      %add3A_947 = arith.addi %mul3A_20, %add3A_946 : vector<16xi32>
      %gather3A_948 = tpu.vector_load_idx %arg4[%add3A_947] : memref<16640xf32, #tpu.memory_space<vmem>>[vector<16xi32>], vector<16xf32>,
      %max3A_949 = arith.maximumf %max3A_929, %gather3A_948 : vector<16xf32>
      %min3A_950 = arith.minimumf %max3A_929, %gather3A_948 : vector<16xf32>
      %max3A_951 = arith.maximumf %max3A_931, %min3A_950 : vector<16xf32>
      %min3A_952 = arith.minimumf %max3A_931, %min3A_950 : vector<16xf32>
      %max3A_953 = arith.maximumf %max3A_933, %min3A_952 : vector<16xf32>
      %min3A_954 = arith.minimumf %max3A_933, %min3A_952 : vector<16xf32>
      %max3A_955 = arith.maximumf %max3A_935, %min3A_954 : vector<16xf32>
      %min3A_956 = arith.minimumf %max3A_935, %min3A_954 : vector<16xf32>
      %max3A_957 = arith.maximumf %max3A_937, %min3A_956 : vector<16xf32>
      %min3A_958 = arith.minimumf %max3A_937, %min3A_956 : vector<16xf32>
      %max3A_959 = arith.maximumf %max3A_939, %min3A_958 : vector<16xf32>
      %min3A_960 = arith.minimumf %max3A_939, %min3A_958 : vector<16xf32>
      %max3A_961 = arith.maximumf %max3A_941, %min3A_960 : vector<16xf32>
      %min3A_962 = arith.minimumf %max3A_941, %min3A_960 : vector<16xf32>
      %max3A_963 = arith.maximumf %max3A_943, %min3A_962 : vector<16xf32>
      %min3A_964 = arith.minimumf %max3A_943, %min3A_962 : vector<16xf32>
      %add3A_965 = arith.constant 47 : i32
      %add3A_966 = vector.broadcast %add3A_965 : i32 to vector<16xi32>
      %add3A_967 = arith.addi %mul3A_20, %add3A_966 : vector<16xi32>
      %gather3A_968 = tpu.vector_load_idx %arg4[%add3A_967] : memref<16640xf32, #tpu.memory_space<vmem>>[vector<16xi32>], vector<16xf32>,
      %max3A_969 = arith.maximumf %max3A_949, %gather3A_968 : vector<16xf32>
      %min3A_970 = arith.minimumf %max3A_949, %gather3A_968 : vector<16xf32>
      %max3A_971 = arith.maximumf %max3A_951, %min3A_970 : vector<16xf32>
      %min3A_972 = arith.minimumf %max3A_951, %min3A_970 : vector<16xf32>
      %max3A_973 = arith.maximumf %max3A_953, %min3A_972 : vector<16xf32>
      %min3A_974 = arith.minimumf %max3A_953, %min3A_972 : vector<16xf32>
      %max3A_975 = arith.maximumf %max3A_955, %min3A_974 : vector<16xf32>
      %min3A_976 = arith.minimumf %max3A_955, %min3A_974 : vector<16xf32>
      %max3A_977 = arith.maximumf %max3A_957, %min3A_976 : vector<16xf32>
      %min3A_978 = arith.minimumf %max3A_957, %min3A_976 : vector<16xf32>
      %max3A_979 = arith.maximumf %max3A_959, %min3A_978 : vector<16xf32>
      %min3A_980 = arith.minimumf %max3A_959, %min3A_978 : vector<16xf32>
      %max3A_981 = arith.maximumf %max3A_961, %min3A_980 : vector<16xf32>
      %min3A_982 = arith.minimumf %max3A_961, %min3A_980 : vector<16xf32>
      %max3A_983 = arith.maximumf %max3A_963, %min3A_982 : vector<16xf32>
      %min3A_984 = arith.minimumf %max3A_963, %min3A_982 : vector<16xf32>
      %add3A_985 = arith.constant 48 : i32
      %add3A_986 = vector.broadcast %add3A_985 : i32 to vector<16xi32>
      %add3A_987 = arith.addi %mul3A_20, %add3A_986 : vector<16xi32>
      %gather3A_988 = tpu.vector_load_idx %arg4[%add3A_987] : memref<16640xf32, #tpu.memory_space<vmem>>[vector<16xi32>], vector<16xf32>,
      %max3A_989 = arith.maximumf %max3A_969, %gather3A_988 : vector<16xf32>
      %min3A_990 = arith.minimumf %max3A_969, %gather3A_988 : vector<16xf32>
      %max3A_991 = arith.maximumf %max3A_971, %min3A_990 : vector<16xf32>
      %min3A_992 = arith.minimumf %max3A_971, %min3A_990 : vector<16xf32>
      %max3A_993 = arith.maximumf %max3A_973, %min3A_992 : vector<16xf32>
      %min3A_994 = arith.minimumf %max3A_973, %min3A_992 : vector<16xf32>
      %max3A_995 = arith.maximumf %max3A_975, %min3A_994 : vector<16xf32>
      %min3A_996 = arith.minimumf %max3A_975, %min3A_994 : vector<16xf32>
      %max3A_997 = arith.maximumf %max3A_977, %min3A_996 : vector<16xf32>
      %min3A_998 = arith.minimumf %max3A_977, %min3A_996 : vector<16xf32>
      %max3A_999 = arith.maximumf %max3A_979, %min3A_998 : vector<16xf32>
      %min3A_1000 = arith.minimumf %max3A_979, %min3A_998 : vector<16xf32>
      %max3A_1001 = arith.maximumf %max3A_981, %min3A_1000 : vector<16xf32>
      %min3A_1002 = arith.minimumf %max3A_981, %min3A_1000 : vector<16xf32>
      %max3A_1003 = arith.maximumf %max3A_983, %min3A_1002 : vector<16xf32>
      %min3A_1004 = arith.minimumf %max3A_983, %min3A_1002 : vector<16xf32>
      %add3A_1005 = arith.constant 49 : i32
      %add3A_1006 = vector.broadcast %add3A_1005 : i32 to vector<16xi32>
      %add3A_1007 = arith.addi %mul3A_20, %add3A_1006 : vector<16xi32>
      %gather3A_1008 = tpu.vector_load_idx %arg4[%add3A_1007] : memref<16640xf32, #tpu.memory_space<vmem>>[vector<16xi32>], vector<16xf32>,
      %max3A_1009 = arith.maximumf %max3A_989, %gather3A_1008 : vector<16xf32>
      %min3A_1010 = arith.minimumf %max3A_989, %gather3A_1008 : vector<16xf32>
      %max3A_1011 = arith.maximumf %max3A_991, %min3A_1010 : vector<16xf32>
      %min3A_1012 = arith.minimumf %max3A_991, %min3A_1010 : vector<16xf32>
      %max3A_1013 = arith.maximumf %max3A_993, %min3A_1012 : vector<16xf32>
      %min3A_1014 = arith.minimumf %max3A_993, %min3A_1012 : vector<16xf32>
      %max3A_1015 = arith.maximumf %max3A_995, %min3A_1014 : vector<16xf32>
      %min3A_1016 = arith.minimumf %max3A_995, %min3A_1014 : vector<16xf32>
      %max3A_1017 = arith.maximumf %max3A_997, %min3A_1016 : vector<16xf32>
      %min3A_1018 = arith.minimumf %max3A_997, %min3A_1016 : vector<16xf32>
      %max3A_1019 = arith.maximumf %max3A_999, %min3A_1018 : vector<16xf32>
      %min3A_1020 = arith.minimumf %max3A_999, %min3A_1018 : vector<16xf32>
      %max3A_1021 = arith.maximumf %max3A_1001, %min3A_1020 : vector<16xf32>
      %min3A_1022 = arith.minimumf %max3A_1001, %min3A_1020 : vector<16xf32>
      %max3A_1023 = arith.maximumf %max3A_1003, %min3A_1022 : vector<16xf32>
      %min3A_1024 = arith.minimumf %max3A_1003, %min3A_1022 : vector<16xf32>
      %add3A_1025 = arith.constant 50 : i32
      %add3A_1026 = vector.broadcast %add3A_1025 : i32 to vector<16xi32>
      %add3A_1027 = arith.addi %mul3A_20, %add3A_1026 : vector<16xi32>
      %gather3A_1028 = tpu.vector_load_idx %arg4[%add3A_1027] : memref<16640xf32, #tpu.memory_space<vmem>>[vector<16xi32>], vector<16xf32>,
      %max3A_1029 = arith.maximumf %max3A_1009, %gather3A_1028 : vector<16xf32>
      %min3A_1030 = arith.minimumf %max3A_1009, %gather3A_1028 : vector<16xf32>
      %max3A_1031 = arith.maximumf %max3A_1011, %min3A_1030 : vector<16xf32>
      %min3A_1032 = arith.minimumf %max3A_1011, %min3A_1030 : vector<16xf32>
      %max3A_1033 = arith.maximumf %max3A_1013, %min3A_1032 : vector<16xf32>
      %min3A_1034 = arith.minimumf %max3A_1013, %min3A_1032 : vector<16xf32>
      %max3A_1035 = arith.maximumf %max3A_1015, %min3A_1034 : vector<16xf32>
      %min3A_1036 = arith.minimumf %max3A_1015, %min3A_1034 : vector<16xf32>
      %max3A_1037 = arith.maximumf %max3A_1017, %min3A_1036 : vector<16xf32>
      %min3A_1038 = arith.minimumf %max3A_1017, %min3A_1036 : vector<16xf32>
      %max3A_1039 = arith.maximumf %max3A_1019, %min3A_1038 : vector<16xf32>
      %min3A_1040 = arith.minimumf %max3A_1019, %min3A_1038 : vector<16xf32>
      %max3A_1041 = arith.maximumf %max3A_1021, %min3A_1040 : vector<16xf32>
      %min3A_1042 = arith.minimumf %max3A_1021, %min3A_1040 : vector<16xf32>
      %max3A_1043 = arith.maximumf %max3A_1023, %min3A_1042 : vector<16xf32>
      %min3A_1044 = arith.minimumf %max3A_1023, %min3A_1042 : vector<16xf32>
      %add3A_1045 = arith.constant 51 : i32
      %add3A_1046 = vector.broadcast %add3A_1045 : i32 to vector<16xi32>
      %add3A_1047 = arith.addi %mul3A_20, %add3A_1046 : vector<16xi32>
      %gather3A_1048 = tpu.vector_load_idx %arg4[%add3A_1047] : memref<16640xf32, #tpu.memory_space<vmem>>[vector<16xi32>], vector<16xf32>,
      %max3A_1049 = arith.maximumf %max3A_1029, %gather3A_1048 : vector<16xf32>
      %min3A_1050 = arith.minimumf %max3A_1029, %gather3A_1048 : vector<16xf32>
      %max3A_1051 = arith.maximumf %max3A_1031, %min3A_1050 : vector<16xf32>
      %min3A_1052 = arith.minimumf %max3A_1031, %min3A_1050 : vector<16xf32>
      %max3A_1053 = arith.maximumf %max3A_1033, %min3A_1052 : vector<16xf32>
      %min3A_1054 = arith.minimumf %max3A_1033, %min3A_1052 : vector<16xf32>
      %max3A_1055 = arith.maximumf %max3A_1035, %min3A_1054 : vector<16xf32>
      %min3A_1056 = arith.minimumf %max3A_1035, %min3A_1054 : vector<16xf32>
      %max3A_1057 = arith.maximumf %max3A_1037, %min3A_1056 : vector<16xf32>
      %min3A_1058 = arith.minimumf %max3A_1037, %min3A_1056 : vector<16xf32>
      %max3A_1059 = arith.maximumf %max3A_1039, %min3A_1058 : vector<16xf32>
      %min3A_1060 = arith.minimumf %max3A_1039, %min3A_1058 : vector<16xf32>
      %max3A_1061 = arith.maximumf %max3A_1041, %min3A_1060 : vector<16xf32>
      %min3A_1062 = arith.minimumf %max3A_1041, %min3A_1060 : vector<16xf32>
      %max3A_1063 = arith.maximumf %max3A_1043, %min3A_1062 : vector<16xf32>
      %min3A_1064 = arith.minimumf %max3A_1043, %min3A_1062 : vector<16xf32>
      %add3A_1065 = arith.constant 52 : i32
      %add3A_1066 = vector.broadcast %add3A_1065 : i32 to vector<16xi32>
      %add3A_1067 = arith.addi %mul3A_20, %add3A_1066 : vector<16xi32>
      %gather3A_1068 = tpu.vector_load_idx %arg4[%add3A_1067] : memref<16640xf32, #tpu.memory_space<vmem>>[vector<16xi32>], vector<16xf32>,
      %max3A_1069 = arith.maximumf %max3A_1049, %gather3A_1068 : vector<16xf32>
      %min3A_1070 = arith.minimumf %max3A_1049, %gather3A_1068 : vector<16xf32>
      %max3A_1071 = arith.maximumf %max3A_1051, %min3A_1070 : vector<16xf32>
      %min3A_1072 = arith.minimumf %max3A_1051, %min3A_1070 : vector<16xf32>
      %max3A_1073 = arith.maximumf %max3A_1053, %min3A_1072 : vector<16xf32>
      %min3A_1074 = arith.minimumf %max3A_1053, %min3A_1072 : vector<16xf32>
      %max3A_1075 = arith.maximumf %max3A_1055, %min3A_1074 : vector<16xf32>
      %min3A_1076 = arith.minimumf %max3A_1055, %min3A_1074 : vector<16xf32>
      %max3A_1077 = arith.maximumf %max3A_1057, %min3A_1076 : vector<16xf32>
      %min3A_1078 = arith.minimumf %max3A_1057, %min3A_1076 : vector<16xf32>
      %max3A_1079 = arith.maximumf %max3A_1059, %min3A_1078 : vector<16xf32>
      %min3A_1080 = arith.minimumf %max3A_1059, %min3A_1078 : vector<16xf32>
      %max3A_1081 = arith.maximumf %max3A_1061, %min3A_1080 : vector<16xf32>
      %min3A_1082 = arith.minimumf %max3A_1061, %min3A_1080 : vector<16xf32>
      %max3A_1083 = arith.maximumf %max3A_1063, %min3A_1082 : vector<16xf32>
      %min3A_1084 = arith.minimumf %max3A_1063, %min3A_1082 : vector<16xf32>
      %add3A_1085 = arith.constant 53 : i32
      %add3A_1086 = vector.broadcast %add3A_1085 : i32 to vector<16xi32>
      %add3A_1087 = arith.addi %mul3A_20, %add3A_1086 : vector<16xi32>
      %gather3A_1088 = tpu.vector_load_idx %arg4[%add3A_1087] : memref<16640xf32, #tpu.memory_space<vmem>>[vector<16xi32>], vector<16xf32>,
      %max3A_1089 = arith.maximumf %max3A_1069, %gather3A_1088 : vector<16xf32>
      %min3A_1090 = arith.minimumf %max3A_1069, %gather3A_1088 : vector<16xf32>
      %max3A_1091 = arith.maximumf %max3A_1071, %min3A_1090 : vector<16xf32>
      %min3A_1092 = arith.minimumf %max3A_1071, %min3A_1090 : vector<16xf32>
      %max3A_1093 = arith.maximumf %max3A_1073, %min3A_1092 : vector<16xf32>
      %min3A_1094 = arith.minimumf %max3A_1073, %min3A_1092 : vector<16xf32>
      %max3A_1095 = arith.maximumf %max3A_1075, %min3A_1094 : vector<16xf32>
      %min3A_1096 = arith.minimumf %max3A_1075, %min3A_1094 : vector<16xf32>
      %max3A_1097 = arith.maximumf %max3A_1077, %min3A_1096 : vector<16xf32>
      %min3A_1098 = arith.minimumf %max3A_1077, %min3A_1096 : vector<16xf32>
      %max3A_1099 = arith.maximumf %max3A_1079, %min3A_1098 : vector<16xf32>
      %min3A_1100 = arith.minimumf %max3A_1079, %min3A_1098 : vector<16xf32>
      %max3A_1101 = arith.maximumf %max3A_1081, %min3A_1100 : vector<16xf32>
      %min3A_1102 = arith.minimumf %max3A_1081, %min3A_1100 : vector<16xf32>
      %max3A_1103 = arith.maximumf %max3A_1083, %min3A_1102 : vector<16xf32>
      %min3A_1104 = arith.minimumf %max3A_1083, %min3A_1102 : vector<16xf32>
      %add3A_1105 = arith.constant 54 : i32
      %add3A_1106 = vector.broadcast %add3A_1105 : i32 to vector<16xi32>
      %add3A_1107 = arith.addi %mul3A_20, %add3A_1106 : vector<16xi32>
      %gather3A_1108 = tpu.vector_load_idx %arg4[%add3A_1107] : memref<16640xf32, #tpu.memory_space<vmem>>[vector<16xi32>], vector<16xf32>,
      %max3A_1109 = arith.maximumf %max3A_1089, %gather3A_1108 : vector<16xf32>
      %min3A_1110 = arith.minimumf %max3A_1089, %gather3A_1108 : vector<16xf32>
      %max3A_1111 = arith.maximumf %max3A_1091, %min3A_1110 : vector<16xf32>
      %min3A_1112 = arith.minimumf %max3A_1091, %min3A_1110 : vector<16xf32>
      %max3A_1113 = arith.maximumf %max3A_1093, %min3A_1112 : vector<16xf32>
      %min3A_1114 = arith.minimumf %max3A_1093, %min3A_1112 : vector<16xf32>
      %max3A_1115 = arith.maximumf %max3A_1095, %min3A_1114 : vector<16xf32>
      %min3A_1116 = arith.minimumf %max3A_1095, %min3A_1114 : vector<16xf32>
      %max3A_1117 = arith.maximumf %max3A_1097, %min3A_1116 : vector<16xf32>
      %min3A_1118 = arith.minimumf %max3A_1097, %min3A_1116 : vector<16xf32>
      %max3A_1119 = arith.maximumf %max3A_1099, %min3A_1118 : vector<16xf32>
      %min3A_1120 = arith.minimumf %max3A_1099, %min3A_1118 : vector<16xf32>
      %max3A_1121 = arith.maximumf %max3A_1101, %min3A_1120 : vector<16xf32>
      %min3A_1122 = arith.minimumf %max3A_1101, %min3A_1120 : vector<16xf32>
      %max3A_1123 = arith.maximumf %max3A_1103, %min3A_1122 : vector<16xf32>
      %min3A_1124 = arith.minimumf %max3A_1103, %min3A_1122 : vector<16xf32>
      %add3A_1125 = arith.constant 55 : i32
      %add3A_1126 = vector.broadcast %add3A_1125 : i32 to vector<16xi32>
      %add3A_1127 = arith.addi %mul3A_20, %add3A_1126 : vector<16xi32>
      %gather3A_1128 = tpu.vector_load_idx %arg4[%add3A_1127] : memref<16640xf32, #tpu.memory_space<vmem>>[vector<16xi32>], vector<16xf32>,
      %max3A_1129 = arith.maximumf %max3A_1109, %gather3A_1128 : vector<16xf32>
      %min3A_1130 = arith.minimumf %max3A_1109, %gather3A_1128 : vector<16xf32>
      %max3A_1131 = arith.maximumf %max3A_1111, %min3A_1130 : vector<16xf32>
      %min3A_1132 = arith.minimumf %max3A_1111, %min3A_1130 : vector<16xf32>
      %max3A_1133 = arith.maximumf %max3A_1113, %min3A_1132 : vector<16xf32>
      %min3A_1134 = arith.minimumf %max3A_1113, %min3A_1132 : vector<16xf32>
      %max3A_1135 = arith.maximumf %max3A_1115, %min3A_1134 : vector<16xf32>
      %min3A_1136 = arith.minimumf %max3A_1115, %min3A_1134 : vector<16xf32>
      %max3A_1137 = arith.maximumf %max3A_1117, %min3A_1136 : vector<16xf32>
      %min3A_1138 = arith.minimumf %max3A_1117, %min3A_1136 : vector<16xf32>
      %max3A_1139 = arith.maximumf %max3A_1119, %min3A_1138 : vector<16xf32>
      %min3A_1140 = arith.minimumf %max3A_1119, %min3A_1138 : vector<16xf32>
      %max3A_1141 = arith.maximumf %max3A_1121, %min3A_1140 : vector<16xf32>
      %min3A_1142 = arith.minimumf %max3A_1121, %min3A_1140 : vector<16xf32>
      %max3A_1143 = arith.maximumf %max3A_1123, %min3A_1142 : vector<16xf32>
      %min3A_1144 = arith.minimumf %max3A_1123, %min3A_1142 : vector<16xf32>
      %add3A_1145 = arith.constant 56 : i32
      %add3A_1146 = vector.broadcast %add3A_1145 : i32 to vector<16xi32>
      %add3A_1147 = arith.addi %mul3A_20, %add3A_1146 : vector<16xi32>
      %gather3A_1148 = tpu.vector_load_idx %arg4[%add3A_1147] : memref<16640xf32, #tpu.memory_space<vmem>>[vector<16xi32>], vector<16xf32>,
      %max3A_1149 = arith.maximumf %max3A_1129, %gather3A_1148 : vector<16xf32>
      %min3A_1150 = arith.minimumf %max3A_1129, %gather3A_1148 : vector<16xf32>
      %max3A_1151 = arith.maximumf %max3A_1131, %min3A_1150 : vector<16xf32>
      %min3A_1152 = arith.minimumf %max3A_1131, %min3A_1150 : vector<16xf32>
      %max3A_1153 = arith.maximumf %max3A_1133, %min3A_1152 : vector<16xf32>
      %min3A_1154 = arith.minimumf %max3A_1133, %min3A_1152 : vector<16xf32>
      %max3A_1155 = arith.maximumf %max3A_1135, %min3A_1154 : vector<16xf32>
      %min3A_1156 = arith.minimumf %max3A_1135, %min3A_1154 : vector<16xf32>
      %max3A_1157 = arith.maximumf %max3A_1137, %min3A_1156 : vector<16xf32>
      %min3A_1158 = arith.minimumf %max3A_1137, %min3A_1156 : vector<16xf32>
      %max3A_1159 = arith.maximumf %max3A_1139, %min3A_1158 : vector<16xf32>
      %min3A_1160 = arith.minimumf %max3A_1139, %min3A_1158 : vector<16xf32>
      %max3A_1161 = arith.maximumf %max3A_1141, %min3A_1160 : vector<16xf32>
      %min3A_1162 = arith.minimumf %max3A_1141, %min3A_1160 : vector<16xf32>
      %max3A_1163 = arith.maximumf %max3A_1143, %min3A_1162 : vector<16xf32>
      %min3A_1164 = arith.minimumf %max3A_1143, %min3A_1162 : vector<16xf32>
      %add3A_1165 = arith.constant 57 : i32
      %add3A_1166 = vector.broadcast %add3A_1165 : i32 to vector<16xi32>
      %add3A_1167 = arith.addi %mul3A_20, %add3A_1166 : vector<16xi32>
      %gather3A_1168 = tpu.vector_load_idx %arg4[%add3A_1167] : memref<16640xf32, #tpu.memory_space<vmem>>[vector<16xi32>], vector<16xf32>,
      %max3A_1169 = arith.maximumf %max3A_1149, %gather3A_1168 : vector<16xf32>
      %min3A_1170 = arith.minimumf %max3A_1149, %gather3A_1168 : vector<16xf32>
      %max3A_1171 = arith.maximumf %max3A_1151, %min3A_1170 : vector<16xf32>
      %min3A_1172 = arith.minimumf %max3A_1151, %min3A_1170 : vector<16xf32>
      %max3A_1173 = arith.maximumf %max3A_1153, %min3A_1172 : vector<16xf32>
      %min3A_1174 = arith.minimumf %max3A_1153, %min3A_1172 : vector<16xf32>
      %max3A_1175 = arith.maximumf %max3A_1155, %min3A_1174 : vector<16xf32>
      %min3A_1176 = arith.minimumf %max3A_1155, %min3A_1174 : vector<16xf32>
      %max3A_1177 = arith.maximumf %max3A_1157, %min3A_1176 : vector<16xf32>
      %min3A_1178 = arith.minimumf %max3A_1157, %min3A_1176 : vector<16xf32>
      %max3A_1179 = arith.maximumf %max3A_1159, %min3A_1178 : vector<16xf32>
      %min3A_1180 = arith.minimumf %max3A_1159, %min3A_1178 : vector<16xf32>
      %max3A_1181 = arith.maximumf %max3A_1161, %min3A_1180 : vector<16xf32>
      %min3A_1182 = arith.minimumf %max3A_1161, %min3A_1180 : vector<16xf32>
      %max3A_1183 = arith.maximumf %max3A_1163, %min3A_1182 : vector<16xf32>
      %min3A_1184 = arith.minimumf %max3A_1163, %min3A_1182 : vector<16xf32>
      %add3A_1185 = arith.constant 58 : i32
      %add3A_1186 = vector.broadcast %add3A_1185 : i32 to vector<16xi32>
      %add3A_1187 = arith.addi %mul3A_20, %add3A_1186 : vector<16xi32>
      %gather3A_1188 = tpu.vector_load_idx %arg4[%add3A_1187] : memref<16640xf32, #tpu.memory_space<vmem>>[vector<16xi32>], vector<16xf32>,
      %max3A_1189 = arith.maximumf %max3A_1169, %gather3A_1188 : vector<16xf32>
      %min3A_1190 = arith.minimumf %max3A_1169, %gather3A_1188 : vector<16xf32>
      %max3A_1191 = arith.maximumf %max3A_1171, %min3A_1190 : vector<16xf32>
      %min3A_1192 = arith.minimumf %max3A_1171, %min3A_1190 : vector<16xf32>
      %max3A_1193 = arith.maximumf %max3A_1173, %min3A_1192 : vector<16xf32>
      %min3A_1194 = arith.minimumf %max3A_1173, %min3A_1192 : vector<16xf32>
      %max3A_1195 = arith.maximumf %max3A_1175, %min3A_1194 : vector<16xf32>
      %min3A_1196 = arith.minimumf %max3A_1175, %min3A_1194 : vector<16xf32>
      %max3A_1197 = arith.maximumf %max3A_1177, %min3A_1196 : vector<16xf32>
      %min3A_1198 = arith.minimumf %max3A_1177, %min3A_1196 : vector<16xf32>
      %max3A_1199 = arith.maximumf %max3A_1179, %min3A_1198 : vector<16xf32>
      %min3A_1200 = arith.minimumf %max3A_1179, %min3A_1198 : vector<16xf32>
      %max3A_1201 = arith.maximumf %max3A_1181, %min3A_1200 : vector<16xf32>
      %min3A_1202 = arith.minimumf %max3A_1181, %min3A_1200 : vector<16xf32>
      %max3A_1203 = arith.maximumf %max3A_1183, %min3A_1202 : vector<16xf32>
      %min3A_1204 = arith.minimumf %max3A_1183, %min3A_1202 : vector<16xf32>
      %add3A_1205 = arith.constant 59 : i32
      %add3A_1206 = vector.broadcast %add3A_1205 : i32 to vector<16xi32>
      %add3A_1207 = arith.addi %mul3A_20, %add3A_1206 : vector<16xi32>
      %gather3A_1208 = tpu.vector_load_idx %arg4[%add3A_1207] : memref<16640xf32, #tpu.memory_space<vmem>>[vector<16xi32>], vector<16xf32>,
      %max3A_1209 = arith.maximumf %max3A_1189, %gather3A_1208 : vector<16xf32>
      %min3A_1210 = arith.minimumf %max3A_1189, %gather3A_1208 : vector<16xf32>
      %max3A_1211 = arith.maximumf %max3A_1191, %min3A_1210 : vector<16xf32>
      %min3A_1212 = arith.minimumf %max3A_1191, %min3A_1210 : vector<16xf32>
      %max3A_1213 = arith.maximumf %max3A_1193, %min3A_1212 : vector<16xf32>
      %min3A_1214 = arith.minimumf %max3A_1193, %min3A_1212 : vector<16xf32>
      %max3A_1215 = arith.maximumf %max3A_1195, %min3A_1214 : vector<16xf32>
      %min3A_1216 = arith.minimumf %max3A_1195, %min3A_1214 : vector<16xf32>
      %max3A_1217 = arith.maximumf %max3A_1197, %min3A_1216 : vector<16xf32>
      %min3A_1218 = arith.minimumf %max3A_1197, %min3A_1216 : vector<16xf32>
      %max3A_1219 = arith.maximumf %max3A_1199, %min3A_1218 : vector<16xf32>
      %min3A_1220 = arith.minimumf %max3A_1199, %min3A_1218 : vector<16xf32>
      %max3A_1221 = arith.maximumf %max3A_1201, %min3A_1220 : vector<16xf32>
      %min3A_1222 = arith.minimumf %max3A_1201, %min3A_1220 : vector<16xf32>
      %max3A_1223 = arith.maximumf %max3A_1203, %min3A_1222 : vector<16xf32>
      %min3A_1224 = arith.minimumf %max3A_1203, %min3A_1222 : vector<16xf32>
      %add3A_1225 = arith.constant 60 : i32
      %add3A_1226 = vector.broadcast %add3A_1225 : i32 to vector<16xi32>
      %add3A_1227 = arith.addi %mul3A_20, %add3A_1226 : vector<16xi32>
      %gather3A_1228 = tpu.vector_load_idx %arg4[%add3A_1227] : memref<16640xf32, #tpu.memory_space<vmem>>[vector<16xi32>], vector<16xf32>,
      %max3A_1229 = arith.maximumf %max3A_1209, %gather3A_1228 : vector<16xf32>
      %min3A_1230 = arith.minimumf %max3A_1209, %gather3A_1228 : vector<16xf32>
      %max3A_1231 = arith.maximumf %max3A_1211, %min3A_1230 : vector<16xf32>
      %min3A_1232 = arith.minimumf %max3A_1211, %min3A_1230 : vector<16xf32>
      %max3A_1233 = arith.maximumf %max3A_1213, %min3A_1232 : vector<16xf32>
      %min3A_1234 = arith.minimumf %max3A_1213, %min3A_1232 : vector<16xf32>
      %max3A_1235 = arith.maximumf %max3A_1215, %min3A_1234 : vector<16xf32>
      %min3A_1236 = arith.minimumf %max3A_1215, %min3A_1234 : vector<16xf32>
      %max3A_1237 = arith.maximumf %max3A_1217, %min3A_1236 : vector<16xf32>
      %min3A_1238 = arith.minimumf %max3A_1217, %min3A_1236 : vector<16xf32>
      %max3A_1239 = arith.maximumf %max3A_1219, %min3A_1238 : vector<16xf32>
      %min3A_1240 = arith.minimumf %max3A_1219, %min3A_1238 : vector<16xf32>
      %max3A_1241 = arith.maximumf %max3A_1221, %min3A_1240 : vector<16xf32>
      %min3A_1242 = arith.minimumf %max3A_1221, %min3A_1240 : vector<16xf32>
      %max3A_1243 = arith.maximumf %max3A_1223, %min3A_1242 : vector<16xf32>
      %min3A_1244 = arith.minimumf %max3A_1223, %min3A_1242 : vector<16xf32>
      %add3A_1245 = arith.constant 61 : i32
      %add3A_1246 = vector.broadcast %add3A_1245 : i32 to vector<16xi32>
      %add3A_1247 = arith.addi %mul3A_20, %add3A_1246 : vector<16xi32>
      %gather3A_1248 = tpu.vector_load_idx %arg4[%add3A_1247] : memref<16640xf32, #tpu.memory_space<vmem>>[vector<16xi32>], vector<16xf32>,
      %max3A_1249 = arith.maximumf %max3A_1229, %gather3A_1248 : vector<16xf32>
      %min3A_1250 = arith.minimumf %max3A_1229, %gather3A_1248 : vector<16xf32>
      %max3A_1251 = arith.maximumf %max3A_1231, %min3A_1250 : vector<16xf32>
      %min3A_1252 = arith.minimumf %max3A_1231, %min3A_1250 : vector<16xf32>
      %max3A_1253 = arith.maximumf %max3A_1233, %min3A_1252 : vector<16xf32>
      %min3A_1254 = arith.minimumf %max3A_1233, %min3A_1252 : vector<16xf32>
      %max3A_1255 = arith.maximumf %max3A_1235, %min3A_1254 : vector<16xf32>
      %min3A_1256 = arith.minimumf %max3A_1235, %min3A_1254 : vector<16xf32>
      %max3A_1257 = arith.maximumf %max3A_1237, %min3A_1256 : vector<16xf32>
      %min3A_1258 = arith.minimumf %max3A_1237, %min3A_1256 : vector<16xf32>
      %max3A_1259 = arith.maximumf %max3A_1239, %min3A_1258 : vector<16xf32>
      %min3A_1260 = arith.minimumf %max3A_1239, %min3A_1258 : vector<16xf32>
      %max3A_1261 = arith.maximumf %max3A_1241, %min3A_1260 : vector<16xf32>
      %min3A_1262 = arith.minimumf %max3A_1241, %min3A_1260 : vector<16xf32>
      %max3A_1263 = arith.maximumf %max3A_1243, %min3A_1262 : vector<16xf32>
      %min3A_1264 = arith.minimumf %max3A_1243, %min3A_1262 : vector<16xf32>
      %add3A_1265 = arith.constant 62 : i32
      %add3A_1266 = vector.broadcast %add3A_1265 : i32 to vector<16xi32>
      %add3A_1267 = arith.addi %mul3A_20, %add3A_1266 : vector<16xi32>
      %gather3A_1268 = tpu.vector_load_idx %arg4[%add3A_1267] : memref<16640xf32, #tpu.memory_space<vmem>>[vector<16xi32>], vector<16xf32>,
      %max3A_1269 = arith.maximumf %max3A_1249, %gather3A_1268 : vector<16xf32>
      %min3A_1270 = arith.minimumf %max3A_1249, %gather3A_1268 : vector<16xf32>
      %max3A_1271 = arith.maximumf %max3A_1251, %min3A_1270 : vector<16xf32>
      %min3A_1272 = arith.minimumf %max3A_1251, %min3A_1270 : vector<16xf32>
      %max3A_1273 = arith.maximumf %max3A_1253, %min3A_1272 : vector<16xf32>
      %min3A_1274 = arith.minimumf %max3A_1253, %min3A_1272 : vector<16xf32>
      %max3A_1275 = arith.maximumf %max3A_1255, %min3A_1274 : vector<16xf32>
      %min3A_1276 = arith.minimumf %max3A_1255, %min3A_1274 : vector<16xf32>
      %max3A_1277 = arith.maximumf %max3A_1257, %min3A_1276 : vector<16xf32>
      %min3A_1278 = arith.minimumf %max3A_1257, %min3A_1276 : vector<16xf32>
      %max3A_1279 = arith.maximumf %max3A_1259, %min3A_1278 : vector<16xf32>
      %min3A_1280 = arith.minimumf %max3A_1259, %min3A_1278 : vector<16xf32>
      %max3A_1281 = arith.maximumf %max3A_1261, %min3A_1280 : vector<16xf32>
      %min3A_1282 = arith.minimumf %max3A_1261, %min3A_1280 : vector<16xf32>
      %max3A_1283 = arith.maximumf %max3A_1263, %min3A_1282 : vector<16xf32>
      %min3A_1284 = arith.minimumf %max3A_1263, %min3A_1282 : vector<16xf32>
      %add3A_1285 = arith.constant 63 : i32
      %add3A_1286 = vector.broadcast %add3A_1285 : i32 to vector<16xi32>
      %add3A_1287 = arith.addi %mul3A_20, %add3A_1286 : vector<16xi32>
      %gather3A_1288 = tpu.vector_load_idx %arg4[%add3A_1287] : memref<16640xf32, #tpu.memory_space<vmem>>[vector<16xi32>], vector<16xf32>,
      %max3A_1289 = arith.maximumf %max3A_1269, %gather3A_1288 : vector<16xf32>
      %min3A_1290 = arith.minimumf %max3A_1269, %gather3A_1288 : vector<16xf32>
      %max3A_1291 = arith.maximumf %max3A_1271, %min3A_1290 : vector<16xf32>
      %min3A_1292 = arith.minimumf %max3A_1271, %min3A_1290 : vector<16xf32>
      %max3A_1293 = arith.maximumf %max3A_1273, %min3A_1292 : vector<16xf32>
      %min3A_1294 = arith.minimumf %max3A_1273, %min3A_1292 : vector<16xf32>
      %max3A_1295 = arith.maximumf %max3A_1275, %min3A_1294 : vector<16xf32>
      %min3A_1296 = arith.minimumf %max3A_1275, %min3A_1294 : vector<16xf32>
      %max3A_1297 = arith.maximumf %max3A_1277, %min3A_1296 : vector<16xf32>
      %min3A_1298 = arith.minimumf %max3A_1277, %min3A_1296 : vector<16xf32>
      %max3A_1299 = arith.maximumf %max3A_1279, %min3A_1298 : vector<16xf32>
      %min3A_1300 = arith.minimumf %max3A_1279, %min3A_1298 : vector<16xf32>
      %max3A_1301 = arith.maximumf %max3A_1281, %min3A_1300 : vector<16xf32>
      %min3A_1302 = arith.minimumf %max3A_1281, %min3A_1300 : vector<16xf32>
      %max3A_1303 = arith.maximumf %max3A_1283, %min3A_1302 : vector<16xf32>
      %min3A_1304 = arith.minimumf %max3A_1283, %min3A_1302 : vector<16xf32>
      %broadcast_in_dim3A_1305 = arith.constant 1.000000e+00 : f32
      %broadcast_in_dim3A_1306 = vector.broadcast %broadcast_in_dim3A_1305 : f32 to vector<16xf32>
      %sub3A = arith.subf %max3A_1291, %max3A_1289 : vector<16xf32>
      %exp3A = math.exp %sub3A : vector<16xf32>
      %add3A_1307 = arith.addf %broadcast_in_dim3A_1306, %exp3A : vector<16xf32>
      %sub3A_1308 = arith.subf %max3A_1293, %max3A_1289 : vector<16xf32>
      %exp3A_1309 = math.exp %sub3A_1308 : vector<16xf32>
      %add3A_1310 = arith.addf %add3A_1307, %exp3A_1309 : vector<16xf32>
      %sub3A_1311 = arith.subf %max3A_1295, %max3A_1289 : vector<16xf32>
      %exp3A_1312 = math.exp %sub3A_1311 : vector<16xf32>
      %add3A_1313 = arith.addf %add3A_1310, %exp3A_1312 : vector<16xf32>
      %sub3A_1314 = arith.subf %max3A_1297, %max3A_1289 : vector<16xf32>
      %exp3A_1315 = math.exp %sub3A_1314 : vector<16xf32>
      %add3A_1316 = arith.addf %add3A_1313, %exp3A_1315 : vector<16xf32>
      %sub3A_1317 = arith.subf %max3A_1299, %max3A_1289 : vector<16xf32>
      %exp3A_1318 = math.exp %sub3A_1317 : vector<16xf32>
      %add3A_1319 = arith.addf %add3A_1316, %exp3A_1318 : vector<16xf32>
      %sub3A_1320 = arith.subf %max3A_1301, %max3A_1289 : vector<16xf32>
      %exp3A_1321 = math.exp %sub3A_1320 : vector<16xf32>
      %add3A_1322 = arith.addf %add3A_1319, %exp3A_1321 : vector<16xf32>
      %sub3A_1323 = arith.subf %max3A_1303, %max3A_1289 : vector<16xf32>
      %exp3A_1324 = math.exp %sub3A_1323 : vector<16xf32>
      %add3A_1325 = arith.addf %add3A_1322, %exp3A_1324 : vector<16xf32>
      %div3A = arith.constant 1.000000e+00 : f32
      %div3A_1326 = vector.broadcast %div3A : f32 to vector<16xf32>
      %div3A_1327 = arith.divf %div3A_1326, %add3A_1325 : vector<16xf32>
      %broadcast_in_dim3A_1328 = arith.constant 0 : i32
      %broadcast_in_dim3A_1329 = vector.broadcast %broadcast_in_dim3A_1328 : i32 to vector<16x1xi32>
      %gather3A_1330 = vector.shape_cast %broadcast_in_dim3A_1329 : vector<16x1xi32> to vector<16xi32>
      %gather3A_1331 = tpu.dynamic_gather %max3A_1303[%gather3A_1330] in [0] : vector<16xf32>, vector<16xi32> -> vector<16xf32>
      %broadcast_in_dim3A_1332 = arith.constant 0 : i32
      %broadcast_in_dim3A_1333 = vector.broadcast %broadcast_in_dim3A_1332 : i32 to vector<16x1xi32>
      %gather3A_1334 = vector.shape_cast %broadcast_in_dim3A_1333 : vector<16x1xi32> to vector<16xi32>
      %gather3A_1335 = tpu.dynamic_gather %max3A_1289[%gather3A_1334] in [0] : vector<16xf32>, vector<16xi32> -> vector<16xf32>
      %broadcast_in_dim3A_1336 = arith.constant 0 : i32
      %broadcast_in_dim3A_1337 = vector.broadcast %broadcast_in_dim3A_1336 : i32 to vector<16x1xi32>
      %gather3A_1338 = vector.shape_cast %broadcast_in_dim3A_1337 : vector<16x1xi32> to vector<16xi32>
      %gather3A_1339 = tpu.dynamic_gather %div3A_1327[%gather3A_1338] in [0] : vector<16xf32>, vector<16xi32> -> vector<16xf32>
      %mul3A_1340 = arith.constant 16 : i32
      %mul3A_1341 = arith.muli %scan3A_13, %mul3A_1340 : i32
      %add3A_1342 = arith.constant 0 : i32
      %add3A_1343 = arith.addi %mul3A_1341, %add3A_1342 : i32
      %mul3A_1344 = arith.constant 65 : i32
      %mul3A_1345 = arith.muli %add3A_1343, %mul3A_1344 : i32
      %mul3A_1346 = arith.constant 16 : i32
      %mul3A_1347 = arith.muli %scan3A_13, %mul3A_1346 : i32
      %add3A_1348 = arith.constant 0 : i32
      %add3A_1349 = arith.addi %mul3A_1347, %add3A_1348 : i32
      %mul3A_1350 = arith.constant 64 : i32
      %mul3A_1351 = arith.muli %add3A_1349, %mul3A_1350 : i32
      %add3A_1352 = arith.constant 0 : i32
      %add3A_1353 = arith.addi %mul3A_1345, %add3A_1352 : i32
      %broadcast_in_dim3A_1354 = vector.broadcast %add3A_1353 : i32 to vector<16xi32>
      %add3A_1355 = arith.addi %broadcast_in_dim3A_1354, %iota3A : vector<16xi32>
      %gather3A_1356 = tpu.vector_load_idx %arg4[%add3A_1355] : memref<16640xf32, #tpu.memory_space<vmem>>[vector<16xi32>], vector<16xf32>,
      %ge3A = arith.cmpf oge, %gather3A_1356, %gather3A_1331 : vector<16xf32>
      %sub3A_1357 = arith.subf %gather3A_1356, %gather3A_1335 : vector<16xf32>
      %exp3A_1358 = math.exp %sub3A_1357 : vector<16xf32>
      %mul3A_1359 = arith.mulf %exp3A_1358, %gather3A_1339 : vector<16xf32>
      %jit3A = arith.constant 0.000000e+00 : f32
      %broadcast_in_dim3A_1360 = vector.broadcast %jit3A : f32 to vector<16xf32>
      %select_n3A = arith.select %ge3A, %mul3A_1359, %broadcast_in_dim3A_1360 : vector<16xi1>, vector<16xf32>
      %add3A_1361 = arith.constant 0 : i32
      %add3A_1362 = arith.addi %mul3A_1351, %add3A_1361 : i32
      %swap3A = arith.index_cast %add3A_1362 : i32 to index
      %swap3A_1363 = tpu.vector_load %arg5[%swap3A] {strides = array<i32>} : memref<16384xf32, #tpu.memory_space<vmem>>, vector<16xf32>,
      tpu.vector_store %arg5[%swap3A], %select_n3A {strides = array<i32>} : memref<16384xf32, #tpu.memory_space<vmem>>, vector<16xf32>,
      %add3A_1364 = arith.constant 16 : i32
      %add3A_1365 = arith.addi %mul3A_1345, %add3A_1364 : i32
      %broadcast_in_dim3A_1366 = vector.broadcast %add3A_1365 : i32 to vector<16xi32>
      %add3A_1367 = arith.addi %broadcast_in_dim3A_1366, %iota3A : vector<16xi32>
      %gather3A_1368 = tpu.vector_load_idx %arg4[%add3A_1367] : memref<16640xf32, #tpu.memory_space<vmem>>[vector<16xi32>], vector<16xf32>,
      %ge3A_1369 = arith.cmpf oge, %gather3A_1368, %gather3A_1331 : vector<16xf32>
      %sub3A_1370 = arith.subf %gather3A_1368, %gather3A_1335 : vector<16xf32>
      %exp3A_1371 = math.exp %sub3A_1370 : vector<16xf32>
      %mul3A_1372 = arith.mulf %exp3A_1371, %gather3A_1339 : vector<16xf32>
      %jit3A_1373 = arith.constant 0.000000e+00 : f32
      %broadcast_in_dim3A_1374 = vector.broadcast %jit3A_1373 : f32 to vector<16xf32>
      %select_n3A_1375 = arith.select %ge3A_1369, %mul3A_1372, %broadcast_in_dim3A_1374 : vector<16xi1>, vector<16xf32>
      %add3A_1376 = arith.constant 16 : i32
      %add3A_1377 = arith.addi %mul3A_1351, %add3A_1376 : i32
      %swap3A_1378 = arith.index_cast %add3A_1377 : i32 to index
      %swap3A_1379 = tpu.vector_load %arg5[%swap3A_1378] {strides = array<i32>} : memref<16384xf32, #tpu.memory_space<vmem>>, vector<16xf32>,
      tpu.vector_store %arg5[%swap3A_1378], %select_n3A_1375 {strides = array<i32>} : memref<16384xf32, #tpu.memory_space<vmem>>, vector<16xf32>,
      %add3A_1380 = arith.constant 32 : i32
      %add3A_1381 = arith.addi %mul3A_1345, %add3A_1380 : i32
      %broadcast_in_dim3A_1382 = vector.broadcast %add3A_1381 : i32 to vector<16xi32>
      %add3A_1383 = arith.addi %broadcast_in_dim3A_1382, %iota3A : vector<16xi32>
      %gather3A_1384 = tpu.vector_load_idx %arg4[%add3A_1383] : memref<16640xf32, #tpu.memory_space<vmem>>[vector<16xi32>], vector<16xf32>,
      %ge3A_1385 = arith.cmpf oge, %gather3A_1384, %gather3A_1331 : vector<16xf32>
      %sub3A_1386 = arith.subf %gather3A_1384, %gather3A_1335 : vector<16xf32>
      %exp3A_1387 = math.exp %sub3A_1386 : vector<16xf32>
      %mul3A_1388 = arith.mulf %exp3A_1387, %gather3A_1339 : vector<16xf32>
      %jit3A_1389 = arith.constant 0.000000e+00 : f32
      %broadcast_in_dim3A_1390 = vector.broadcast %jit3A_1389 : f32 to vector<16xf32>
      %select_n3A_1391 = arith.select %ge3A_1385, %mul3A_1388, %broadcast_in_dim3A_1390 : vector<16xi1>, vector<16xf32>
      %add3A_1392 = arith.constant 32 : i32
      %add3A_1393 = arith.addi %mul3A_1351, %add3A_1392 : i32
      %swap3A_1394 = arith.index_cast %add3A_1393 : i32 to index
      %swap3A_1395 = tpu.vector_load %arg5[%swap3A_1394] {strides = array<i32>} : memref<16384xf32, #tpu.memory_space<vmem>>, vector<16xf32>,
      tpu.vector_store %arg5[%swap3A_1394], %select_n3A_1391 {strides = array<i32>} : memref<16384xf32, #tpu.memory_space<vmem>>, vector<16xf32>,
      %add3A_1396 = arith.constant 48 : i32
      %add3A_1397 = arith.addi %mul3A_1345, %add3A_1396 : i32
      %broadcast_in_dim3A_1398 = vector.broadcast %add3A_1397 : i32 to vector<16xi32>
      %add3A_1399 = arith.addi %broadcast_in_dim3A_1398, %iota3A : vector<16xi32>
      %gather3A_1400 = tpu.vector_load_idx %arg4[%add3A_1399] : memref<16640xf32, #tpu.memory_space<vmem>>[vector<16xi32>], vector<16xf32>,
      %ge3A_1401 = arith.cmpf oge, %gather3A_1400, %gather3A_1331 : vector<16xf32>
      %sub3A_1402 = arith.subf %gather3A_1400, %gather3A_1335 : vector<16xf32>
      %exp3A_1403 = math.exp %sub3A_1402 : vector<16xf32>
      %mul3A_1404 = arith.mulf %exp3A_1403, %gather3A_1339 : vector<16xf32>
      %jit3A_1405 = arith.constant 0.000000e+00 : f32
      %broadcast_in_dim3A_1406 = vector.broadcast %jit3A_1405 : f32 to vector<16xf32>
      %select_n3A_1407 = arith.select %ge3A_1401, %mul3A_1404, %broadcast_in_dim3A_1406 : vector<16xi1>, vector<16xf32>
      %add3A_1408 = arith.constant 48 : i32
      %add3A_1409 = arith.addi %mul3A_1351, %add3A_1408 : i32
      %swap3A_1410 = arith.index_cast %add3A_1409 : i32 to index
      %swap3A_1411 = tpu.vector_load %arg5[%swap3A_1410] {strides = array<i32>} : memref<16384xf32, #tpu.memory_space<vmem>>, vector<16xf32>,
      tpu.vector_store %arg5[%swap3A_1410], %select_n3A_1407 {strides = array<i32>} : memref<16384xf32, #tpu.memory_space<vmem>>, vector<16xf32>,
      %broadcast_in_dim3A_1412 = arith.constant 1 : i32
      %broadcast_in_dim3A_1413 = vector.broadcast %broadcast_in_dim3A_1412 : i32 to vector<16x1xi32>
      %gather3A_1414 = vector.shape_cast %broadcast_in_dim3A_1413 : vector<16x1xi32> to vector<16xi32>
      %gather3A_1415 = tpu.dynamic_gather %max3A_1303[%gather3A_1414] in [0] : vector<16xf32>, vector<16xi32> -> vector<16xf32>
      %broadcast_in_dim3A_1416 = arith.constant 1 : i32
      %broadcast_in_dim3A_1417 = vector.broadcast %broadcast_in_dim3A_1416 : i32 to vector<16x1xi32>
      %gather3A_1418 = vector.shape_cast %broadcast_in_dim3A_1417 : vector<16x1xi32> to vector<16xi32>
      %gather3A_1419 = tpu.dynamic_gather %max3A_1289[%gather3A_1418] in [0] : vector<16xf32>, vector<16xi32> -> vector<16xf32>
      %broadcast_in_dim3A_1420 = arith.constant 1 : i32
      %broadcast_in_dim3A_1421 = vector.broadcast %broadcast_in_dim3A_1420 : i32 to vector<16x1xi32>
      %gather3A_1422 = vector.shape_cast %broadcast_in_dim3A_1421 : vector<16x1xi32> to vector<16xi32>
      %gather3A_1423 = tpu.dynamic_gather %div3A_1327[%gather3A_1422] in [0] : vector<16xf32>, vector<16xi32> -> vector<16xf32>
      %mul3A_1424 = arith.constant 16 : i32
      %mul3A_1425 = arith.muli %scan3A_13, %mul3A_1424 : i32
      %add3A_1426 = arith.constant 1 : i32
      %add3A_1427 = arith.addi %mul3A_1425, %add3A_1426 : i32
      %mul3A_1428 = arith.constant 65 : i32
      %mul3A_1429 = arith.muli %add3A_1427, %mul3A_1428 : i32
      %mul3A_1430 = arith.constant 16 : i32
      %mul3A_1431 = arith.muli %scan3A_13, %mul3A_1430 : i32
      %add3A_1432 = arith.constant 1 : i32
      %add3A_1433 = arith.addi %mul3A_1431, %add3A_1432 : i32
      %mul3A_1434 = arith.constant 64 : i32
      %mul3A_1435 = arith.muli %add3A_1433, %mul3A_1434 : i32
      %add3A_1436 = arith.constant 0 : i32
      %add3A_1437 = arith.addi %mul3A_1429, %add3A_1436 : i32
      %broadcast_in_dim3A_1438 = vector.broadcast %add3A_1437 : i32 to vector<16xi32>
      %add3A_1439 = arith.addi %broadcast_in_dim3A_1438, %iota3A : vector<16xi32>
      %gather3A_1440 = tpu.vector_load_idx %arg4[%add3A_1439] : memref<16640xf32, #tpu.memory_space<vmem>>[vector<16xi32>], vector<16xf32>,
      %ge3A_1441 = arith.cmpf oge, %gather3A_1440, %gather3A_1415 : vector<16xf32>
      %sub3A_1442 = arith.subf %gather3A_1440, %gather3A_1419 : vector<16xf32>
      %exp3A_1443 = math.exp %sub3A_1442 : vector<16xf32>
      %mul3A_1444 = arith.mulf %exp3A_1443, %gather3A_1423 : vector<16xf32>
      %jit3A_1445 = arith.constant 0.000000e+00 : f32
      %broadcast_in_dim3A_1446 = vector.broadcast %jit3A_1445 : f32 to vector<16xf32>
      %select_n3A_1447 = arith.select %ge3A_1441, %mul3A_1444, %broadcast_in_dim3A_1446 : vector<16xi1>, vector<16xf32>
      %add3A_1448 = arith.constant 0 : i32
      %add3A_1449 = arith.addi %mul3A_1435, %add3A_1448 : i32
      %swap3A_1450 = arith.index_cast %add3A_1449 : i32 to index
      %swap3A_1451 = tpu.vector_load %arg5[%swap3A_1450] {strides = array<i32>} : memref<16384xf32, #tpu.memory_space<vmem>>, vector<16xf32>,
      tpu.vector_store %arg5[%swap3A_1450], %select_n3A_1447 {strides = array<i32>} : memref<16384xf32, #tpu.memory_space<vmem>>, vector<16xf32>,
      %add3A_1452 = arith.constant 16 : i32
      %add3A_1453 = arith.addi %mul3A_1429, %add3A_1452 : i32
      %broadcast_in_dim3A_1454 = vector.broadcast %add3A_1453 : i32 to vector<16xi32>
      %add3A_1455 = arith.addi %broadcast_in_dim3A_1454, %iota3A : vector<16xi32>
      %gather3A_1456 = tpu.vector_load_idx %arg4[%add3A_1455] : memref<16640xf32, #tpu.memory_space<vmem>>[vector<16xi32>], vector<16xf32>,
      %ge3A_1457 = arith.cmpf oge, %gather3A_1456, %gather3A_1415 : vector<16xf32>
      %sub3A_1458 = arith.subf %gather3A_1456, %gather3A_1419 : vector<16xf32>
      %exp3A_1459 = math.exp %sub3A_1458 : vector<16xf32>
      %mul3A_1460 = arith.mulf %exp3A_1459, %gather3A_1423 : vector<16xf32>
      %jit3A_1461 = arith.constant 0.000000e+00 : f32
      %broadcast_in_dim3A_1462 = vector.broadcast %jit3A_1461 : f32 to vector<16xf32>
      %select_n3A_1463 = arith.select %ge3A_1457, %mul3A_1460, %broadcast_in_dim3A_1462 : vector<16xi1>, vector<16xf32>
      %add3A_1464 = arith.constant 16 : i32
      %add3A_1465 = arith.addi %mul3A_1435, %add3A_1464 : i32
      %swap3A_1466 = arith.index_cast %add3A_1465 : i32 to index
      %swap3A_1467 = tpu.vector_load %arg5[%swap3A_1466] {strides = array<i32>} : memref<16384xf32, #tpu.memory_space<vmem>>, vector<16xf32>,
      tpu.vector_store %arg5[%swap3A_1466], %select_n3A_1463 {strides = array<i32>} : memref<16384xf32, #tpu.memory_space<vmem>>, vector<16xf32>,
      %add3A_1468 = arith.constant 32 : i32
      %add3A_1469 = arith.addi %mul3A_1429, %add3A_1468 : i32
      %broadcast_in_dim3A_1470 = vector.broadcast %add3A_1469 : i32 to vector<16xi32>
      %add3A_1471 = arith.addi %broadcast_in_dim3A_1470, %iota3A : vector<16xi32>
      %gather3A_1472 = tpu.vector_load_idx %arg4[%add3A_1471] : memref<16640xf32, #tpu.memory_space<vmem>>[vector<16xi32>], vector<16xf32>,
      %ge3A_1473 = arith.cmpf oge, %gather3A_1472, %gather3A_1415 : vector<16xf32>
      %sub3A_1474 = arith.subf %gather3A_1472, %gather3A_1419 : vector<16xf32>
      %exp3A_1475 = math.exp %sub3A_1474 : vector<16xf32>
      %mul3A_1476 = arith.mulf %exp3A_1475, %gather3A_1423 : vector<16xf32>
      %jit3A_1477 = arith.constant 0.000000e+00 : f32
      %broadcast_in_dim3A_1478 = vector.broadcast %jit3A_1477 : f32 to vector<16xf32>
      %select_n3A_1479 = arith.select %ge3A_1473, %mul3A_1476, %broadcast_in_dim3A_1478 : vector<16xi1>, vector<16xf32>
      %add3A_1480 = arith.constant 32 : i32
      %add3A_1481 = arith.addi %mul3A_1435, %add3A_1480 : i32
      %swap3A_1482 = arith.index_cast %add3A_1481 : i32 to index
      %swap3A_1483 = tpu.vector_load %arg5[%swap3A_1482] {strides = array<i32>} : memref<16384xf32, #tpu.memory_space<vmem>>, vector<16xf32>,
      tpu.vector_store %arg5[%swap3A_1482], %select_n3A_1479 {strides = array<i32>} : memref<16384xf32, #tpu.memory_space<vmem>>, vector<16xf32>,
      %add3A_1484 = arith.constant 48 : i32
      %add3A_1485 = arith.addi %mul3A_1429, %add3A_1484 : i32
      %broadcast_in_dim3A_1486 = vector.broadcast %add3A_1485 : i32 to vector<16xi32>
      %add3A_1487 = arith.addi %broadcast_in_dim3A_1486, %iota3A : vector<16xi32>
      %gather3A_1488 = tpu.vector_load_idx %arg4[%add3A_1487] : memref<16640xf32, #tpu.memory_space<vmem>>[vector<16xi32>], vector<16xf32>,
      %ge3A_1489 = arith.cmpf oge, %gather3A_1488, %gather3A_1415 : vector<16xf32>
      %sub3A_1490 = arith.subf %gather3A_1488, %gather3A_1419 : vector<16xf32>
      %exp3A_1491 = math.exp %sub3A_1490 : vector<16xf32>
      %mul3A_1492 = arith.mulf %exp3A_1491, %gather3A_1423 : vector<16xf32>
      %jit3A_1493 = arith.constant 0.000000e+00 : f32
      %broadcast_in_dim3A_1494 = vector.broadcast %jit3A_1493 : f32 to vector<16xf32>
      %select_n3A_1495 = arith.select %ge3A_1489, %mul3A_1492, %broadcast_in_dim3A_1494 : vector<16xi1>, vector<16xf32>
      %add3A_1496 = arith.constant 48 : i32
      %add3A_1497 = arith.addi %mul3A_1435, %add3A_1496 : i32
      %swap3A_1498 = arith.index_cast %add3A_1497 : i32 to index
      %swap3A_1499 = tpu.vector_load %arg5[%swap3A_1498] {strides = array<i32>} : memref<16384xf32, #tpu.memory_space<vmem>>, vector<16xf32>,
      tpu.vector_store %arg5[%swap3A_1498], %select_n3A_1495 {strides = array<i32>} : memref<16384xf32, #tpu.memory_space<vmem>>, vector<16xf32>,
      %broadcast_in_dim3A_1500 = arith.constant 2 : i32
      %broadcast_in_dim3A_1501 = vector.broadcast %broadcast_in_dim3A_1500 : i32 to vector<16x1xi32>
      %gather3A_1502 = vector.shape_cast %broadcast_in_dim3A_1501 : vector<16x1xi32> to vector<16xi32>
      %gather3A_1503 = tpu.dynamic_gather %max3A_1303[%gather3A_1502] in [0] : vector<16xf32>, vector<16xi32> -> vector<16xf32>
      %broadcast_in_dim3A_1504 = arith.constant 2 : i32
      %broadcast_in_dim3A_1505 = vector.broadcast %broadcast_in_dim3A_1504 : i32 to vector<16x1xi32>
      %gather3A_1506 = vector.shape_cast %broadcast_in_dim3A_1505 : vector<16x1xi32> to vector<16xi32>
      %gather3A_1507 = tpu.dynamic_gather %max3A_1289[%gather3A_1506] in [0] : vector<16xf32>, vector<16xi32> -> vector<16xf32>
      %broadcast_in_dim3A_1508 = arith.constant 2 : i32
      %broadcast_in_dim3A_1509 = vector.broadcast %broadcast_in_dim3A_1508 : i32 to vector<16x1xi32>
      %gather3A_1510 = vector.shape_cast %broadcast_in_dim3A_1509 : vector<16x1xi32> to vector<16xi32>
      %gather3A_1511 = tpu.dynamic_gather %div3A_1327[%gather3A_1510] in [0] : vector<16xf32>, vector<16xi32> -> vector<16xf32>
      %mul3A_1512 = arith.constant 16 : i32
      %mul3A_1513 = arith.muli %scan3A_13, %mul3A_1512 : i32
      %add3A_1514 = arith.constant 2 : i32
      %add3A_1515 = arith.addi %mul3A_1513, %add3A_1514 : i32
      %mul3A_1516 = arith.constant 65 : i32
      %mul3A_1517 = arith.muli %add3A_1515, %mul3A_1516 : i32
      %mul3A_1518 = arith.constant 16 : i32
      %mul3A_1519 = arith.muli %scan3A_13, %mul3A_1518 : i32
      %add3A_1520 = arith.constant 2 : i32
      %add3A_1521 = arith.addi %mul3A_1519, %add3A_1520 : i32
      %mul3A_1522 = arith.constant 64 : i32
      %mul3A_1523 = arith.muli %add3A_1521, %mul3A_1522 : i32
      %add3A_1524 = arith.constant 0 : i32
      %add3A_1525 = arith.addi %mul3A_1517, %add3A_1524 : i32
      %broadcast_in_dim3A_1526 = vector.broadcast %add3A_1525 : i32 to vector<16xi32>
      %add3A_1527 = arith.addi %broadcast_in_dim3A_1526, %iota3A : vector<16xi32>
      %gather3A_1528 = tpu.vector_load_idx %arg4[%add3A_1527] : memref<16640xf32, #tpu.memory_space<vmem>>[vector<16xi32>], vector<16xf32>,
      %ge3A_1529 = arith.cmpf oge, %gather3A_1528, %gather3A_1503 : vector<16xf32>
      %sub3A_1530 = arith.subf %gather3A_1528, %gather3A_1507 : vector<16xf32>
      %exp3A_1531 = math.exp %sub3A_1530 : vector<16xf32>
      %mul3A_1532 = arith.mulf %exp3A_1531, %gather3A_1511 : vector<16xf32>
      %jit3A_1533 = arith.constant 0.000000e+00 : f32
      %broadcast_in_dim3A_1534 = vector.broadcast %jit3A_1533 : f32 to vector<16xf32>
      %select_n3A_1535 = arith.select %ge3A_1529, %mul3A_1532, %broadcast_in_dim3A_1534 : vector<16xi1>, vector<16xf32>
      %add3A_1536 = arith.constant 0 : i32
      %add3A_1537 = arith.addi %mul3A_1523, %add3A_1536 : i32
      %swap3A_1538 = arith.index_cast %add3A_1537 : i32 to index
      %swap3A_1539 = tpu.vector_load %arg5[%swap3A_1538] {strides = array<i32>} : memref<16384xf32, #tpu.memory_space<vmem>>, vector<16xf32>,
      tpu.vector_store %arg5[%swap3A_1538], %select_n3A_1535 {strides = array<i32>} : memref<16384xf32, #tpu.memory_space<vmem>>, vector<16xf32>,
      %add3A_1540 = arith.constant 16 : i32
      %add3A_1541 = arith.addi %mul3A_1517, %add3A_1540 : i32
      %broadcast_in_dim3A_1542 = vector.broadcast %add3A_1541 : i32 to vector<16xi32>
      %add3A_1543 = arith.addi %broadcast_in_dim3A_1542, %iota3A : vector<16xi32>
      %gather3A_1544 = tpu.vector_load_idx %arg4[%add3A_1543] : memref<16640xf32, #tpu.memory_space<vmem>>[vector<16xi32>], vector<16xf32>,
      %ge3A_1545 = arith.cmpf oge, %gather3A_1544, %gather3A_1503 : vector<16xf32>
      %sub3A_1546 = arith.subf %gather3A_1544, %gather3A_1507 : vector<16xf32>
      %exp3A_1547 = math.exp %sub3A_1546 : vector<16xf32>
      %mul3A_1548 = arith.mulf %exp3A_1547, %gather3A_1511 : vector<16xf32>
      %jit3A_1549 = arith.constant 0.000000e+00 : f32
      %broadcast_in_dim3A_1550 = vector.broadcast %jit3A_1549 : f32 to vector<16xf32>
      %select_n3A_1551 = arith.select %ge3A_1545, %mul3A_1548, %broadcast_in_dim3A_1550 : vector<16xi1>, vector<16xf32>
      %add3A_1552 = arith.constant 16 : i32
      %add3A_1553 = arith.addi %mul3A_1523, %add3A_1552 : i32
      %swap3A_1554 = arith.index_cast %add3A_1553 : i32 to index
      %swap3A_1555 = tpu.vector_load %arg5[%swap3A_1554] {strides = array<i32>} : memref<16384xf32, #tpu.memory_space<vmem>>, vector<16xf32>,
      tpu.vector_store %arg5[%swap3A_1554], %select_n3A_1551 {strides = array<i32>} : memref<16384xf32, #tpu.memory_space<vmem>>, vector<16xf32>,
      %add3A_1556 = arith.constant 32 : i32
      %add3A_1557 = arith.addi %mul3A_1517, %add3A_1556 : i32
      %broadcast_in_dim3A_1558 = vector.broadcast %add3A_1557 : i32 to vector<16xi32>
      %add3A_1559 = arith.addi %broadcast_in_dim3A_1558, %iota3A : vector<16xi32>
      %gather3A_1560 = tpu.vector_load_idx %arg4[%add3A_1559] : memref<16640xf32, #tpu.memory_space<vmem>>[vector<16xi32>], vector<16xf32>,
      %ge3A_1561 = arith.cmpf oge, %gather3A_1560, %gather3A_1503 : vector<16xf32>
      %sub3A_1562 = arith.subf %gather3A_1560, %gather3A_1507 : vector<16xf32>
      %exp3A_1563 = math.exp %sub3A_1562 : vector<16xf32>
      %mul3A_1564 = arith.mulf %exp3A_1563, %gather3A_1511 : vector<16xf32>
      %jit3A_1565 = arith.constant 0.000000e+00 : f32
      %broadcast_in_dim3A_1566 = vector.broadcast %jit3A_1565 : f32 to vector<16xf32>
      %select_n3A_1567 = arith.select %ge3A_1561, %mul3A_1564, %broadcast_in_dim3A_1566 : vector<16xi1>, vector<16xf32>
      %add3A_1568 = arith.constant 32 : i32
      %add3A_1569 = arith.addi %mul3A_1523, %add3A_1568 : i32
      %swap3A_1570 = arith.index_cast %add3A_1569 : i32 to index
      %swap3A_1571 = tpu.vector_load %arg5[%swap3A_1570] {strides = array<i32>} : memref<16384xf32, #tpu.memory_space<vmem>>, vector<16xf32>,
      tpu.vector_store %arg5[%swap3A_1570], %select_n3A_1567 {strides = array<i32>} : memref<16384xf32, #tpu.memory_space<vmem>>, vector<16xf32>,
      %add3A_1572 = arith.constant 48 : i32
      %add3A_1573 = arith.addi %mul3A_1517, %add3A_1572 : i32
      %broadcast_in_dim3A_1574 = vector.broadcast %add3A_1573 : i32 to vector<16xi32>
      %add3A_1575 = arith.addi %broadcast_in_dim3A_1574, %iota3A : vector<16xi32>
      %gather3A_1576 = tpu.vector_load_idx %arg4[%add3A_1575] : memref<16640xf32, #tpu.memory_space<vmem>>[vector<16xi32>], vector<16xf32>,
      %ge3A_1577 = arith.cmpf oge, %gather3A_1576, %gather3A_1503 : vector<16xf32>
      %sub3A_1578 = arith.subf %gather3A_1576, %gather3A_1507 : vector<16xf32>
      %exp3A_1579 = math.exp %sub3A_1578 : vector<16xf32>
      %mul3A_1580 = arith.mulf %exp3A_1579, %gather3A_1511 : vector<16xf32>
      %jit3A_1581 = arith.constant 0.000000e+00 : f32
      %broadcast_in_dim3A_1582 = vector.broadcast %jit3A_1581 : f32 to vector<16xf32>
      %select_n3A_1583 = arith.select %ge3A_1577, %mul3A_1580, %broadcast_in_dim3A_1582 : vector<16xi1>, vector<16xf32>
      %add3A_1584 = arith.constant 48 : i32
      %add3A_1585 = arith.addi %mul3A_1523, %add3A_1584 : i32
      %swap3A_1586 = arith.index_cast %add3A_1585 : i32 to index
      %swap3A_1587 = tpu.vector_load %arg5[%swap3A_1586] {strides = array<i32>} : memref<16384xf32, #tpu.memory_space<vmem>>, vector<16xf32>,
      tpu.vector_store %arg5[%swap3A_1586], %select_n3A_1583 {strides = array<i32>} : memref<16384xf32, #tpu.memory_space<vmem>>, vector<16xf32>,
      %broadcast_in_dim3A_1588 = arith.constant 3 : i32
      %broadcast_in_dim3A_1589 = vector.broadcast %broadcast_in_dim3A_1588 : i32 to vector<16x1xi32>
      %gather3A_1590 = vector.shape_cast %broadcast_in_dim3A_1589 : vector<16x1xi32> to vector<16xi32>
      %gather3A_1591 = tpu.dynamic_gather %max3A_1303[%gather3A_1590] in [0] : vector<16xf32>, vector<16xi32> -> vector<16xf32>
      %broadcast_in_dim3A_1592 = arith.constant 3 : i32
      %broadcast_in_dim3A_1593 = vector.broadcast %broadcast_in_dim3A_1592 : i32 to vector<16x1xi32>
      %gather3A_1594 = vector.shape_cast %broadcast_in_dim3A_1593 : vector<16x1xi32> to vector<16xi32>
      %gather3A_1595 = tpu.dynamic_gather %max3A_1289[%gather3A_1594] in [0] : vector<16xf32>, vector<16xi32> -> vector<16xf32>
      %broadcast_in_dim3A_1596 = arith.constant 3 : i32
      %broadcast_in_dim3A_1597 = vector.broadcast %broadcast_in_dim3A_1596 : i32 to vector<16x1xi32>
      %gather3A_1598 = vector.shape_cast %broadcast_in_dim3A_1597 : vector<16x1xi32> to vector<16xi32>
      %gather3A_1599 = tpu.dynamic_gather %div3A_1327[%gather3A_1598] in [0] : vector<16xf32>, vector<16xi32> -> vector<16xf32>
      %mul3A_1600 = arith.constant 16 : i32
      %mul3A_1601 = arith.muli %scan3A_13, %mul3A_1600 : i32
      %add3A_1602 = arith.constant 3 : i32
      %add3A_1603 = arith.addi %mul3A_1601, %add3A_1602 : i32
      %mul3A_1604 = arith.constant 65 : i32
      %mul3A_1605 = arith.muli %add3A_1603, %mul3A_1604 : i32
      %mul3A_1606 = arith.constant 16 : i32
      %mul3A_1607 = arith.muli %scan3A_13, %mul3A_1606 : i32
      %add3A_1608 = arith.constant 3 : i32
      %add3A_1609 = arith.addi %mul3A_1607, %add3A_1608 : i32
      %mul3A_1610 = arith.constant 64 : i32
      %mul3A_1611 = arith.muli %add3A_1609, %mul3A_1610 : i32
      %add3A_1612 = arith.constant 0 : i32
      %add3A_1613 = arith.addi %mul3A_1605, %add3A_1612 : i32
      %broadcast_in_dim3A_1614 = vector.broadcast %add3A_1613 : i32 to vector<16xi32>
      %add3A_1615 = arith.addi %broadcast_in_dim3A_1614, %iota3A : vector<16xi32>
      %gather3A_1616 = tpu.vector_load_idx %arg4[%add3A_1615] : memref<16640xf32, #tpu.memory_space<vmem>>[vector<16xi32>], vector<16xf32>,
      %ge3A_1617 = arith.cmpf oge, %gather3A_1616, %gather3A_1591 : vector<16xf32>
      %sub3A_1618 = arith.subf %gather3A_1616, %gather3A_1595 : vector<16xf32>
      %exp3A_1619 = math.exp %sub3A_1618 : vector<16xf32>
      %mul3A_1620 = arith.mulf %exp3A_1619, %gather3A_1599 : vector<16xf32>
      %jit3A_1621 = arith.constant 0.000000e+00 : f32
      %broadcast_in_dim3A_1622 = vector.broadcast %jit3A_1621 : f32 to vector<16xf32>
      %select_n3A_1623 = arith.select %ge3A_1617, %mul3A_1620, %broadcast_in_dim3A_1622 : vector<16xi1>, vector<16xf32>
      %add3A_1624 = arith.constant 0 : i32
      %add3A_1625 = arith.addi %mul3A_1611, %add3A_1624 : i32
      %swap3A_1626 = arith.index_cast %add3A_1625 : i32 to index
      %swap3A_1627 = tpu.vector_load %arg5[%swap3A_1626] {strides = array<i32>} : memref<16384xf32, #tpu.memory_space<vmem>>, vector<16xf32>,
      tpu.vector_store %arg5[%swap3A_1626], %select_n3A_1623 {strides = array<i32>} : memref<16384xf32, #tpu.memory_space<vmem>>, vector<16xf32>,
      %add3A_1628 = arith.constant 16 : i32
      %add3A_1629 = arith.addi %mul3A_1605, %add3A_1628 : i32
      %broadcast_in_dim3A_1630 = vector.broadcast %add3A_1629 : i32 to vector<16xi32>
      %add3A_1631 = arith.addi %broadcast_in_dim3A_1630, %iota3A : vector<16xi32>
      %gather3A_1632 = tpu.vector_load_idx %arg4[%add3A_1631] : memref<16640xf32, #tpu.memory_space<vmem>>[vector<16xi32>], vector<16xf32>,
      %ge3A_1633 = arith.cmpf oge, %gather3A_1632, %gather3A_1591 : vector<16xf32>
      %sub3A_1634 = arith.subf %gather3A_1632, %gather3A_1595 : vector<16xf32>
      %exp3A_1635 = math.exp %sub3A_1634 : vector<16xf32>
      %mul3A_1636 = arith.mulf %exp3A_1635, %gather3A_1599 : vector<16xf32>
      %jit3A_1637 = arith.constant 0.000000e+00 : f32
      %broadcast_in_dim3A_1638 = vector.broadcast %jit3A_1637 : f32 to vector<16xf32>
      %select_n3A_1639 = arith.select %ge3A_1633, %mul3A_1636, %broadcast_in_dim3A_1638 : vector<16xi1>, vector<16xf32>
      %add3A_1640 = arith.constant 16 : i32
      %add3A_1641 = arith.addi %mul3A_1611, %add3A_1640 : i32
      %swap3A_1642 = arith.index_cast %add3A_1641 : i32 to index
      %swap3A_1643 = tpu.vector_load %arg5[%swap3A_1642] {strides = array<i32>} : memref<16384xf32, #tpu.memory_space<vmem>>, vector<16xf32>,
      tpu.vector_store %arg5[%swap3A_1642], %select_n3A_1639 {strides = array<i32>} : memref<16384xf32, #tpu.memory_space<vmem>>, vector<16xf32>,
      %add3A_1644 = arith.constant 32 : i32
      %add3A_1645 = arith.addi %mul3A_1605, %add3A_1644 : i32
      %broadcast_in_dim3A_1646 = vector.broadcast %add3A_1645 : i32 to vector<16xi32>
      %add3A_1647 = arith.addi %broadcast_in_dim3A_1646, %iota3A : vector<16xi32>
      %gather3A_1648 = tpu.vector_load_idx %arg4[%add3A_1647] : memref<16640xf32, #tpu.memory_space<vmem>>[vector<16xi32>], vector<16xf32>,
      %ge3A_1649 = arith.cmpf oge, %gather3A_1648, %gather3A_1591 : vector<16xf32>
      %sub3A_1650 = arith.subf %gather3A_1648, %gather3A_1595 : vector<16xf32>
      %exp3A_1651 = math.exp %sub3A_1650 : vector<16xf32>
      %mul3A_1652 = arith.mulf %exp3A_1651, %gather3A_1599 : vector<16xf32>
      %jit3A_1653 = arith.constant 0.000000e+00 : f32
      %broadcast_in_dim3A_1654 = vector.broadcast %jit3A_1653 : f32 to vector<16xf32>
      %select_n3A_1655 = arith.select %ge3A_1649, %mul3A_1652, %broadcast_in_dim3A_1654 : vector<16xi1>, vector<16xf32>
      %add3A_1656 = arith.constant 32 : i32
      %add3A_1657 = arith.addi %mul3A_1611, %add3A_1656 : i32
      %swap3A_1658 = arith.index_cast %add3A_1657 : i32 to index
      %swap3A_1659 = tpu.vector_load %arg5[%swap3A_1658] {strides = array<i32>} : memref<16384xf32, #tpu.memory_space<vmem>>, vector<16xf32>,
      tpu.vector_store %arg5[%swap3A_1658], %select_n3A_1655 {strides = array<i32>} : memref<16384xf32, #tpu.memory_space<vmem>>, vector<16xf32>,
      %add3A_1660 = arith.constant 48 : i32
      %add3A_1661 = arith.addi %mul3A_1605, %add3A_1660 : i32
      %broadcast_in_dim3A_1662 = vector.broadcast %add3A_1661 : i32 to vector<16xi32>
      %add3A_1663 = arith.addi %broadcast_in_dim3A_1662, %iota3A : vector<16xi32>
      %gather3A_1664 = tpu.vector_load_idx %arg4[%add3A_1663] : memref<16640xf32, #tpu.memory_space<vmem>>[vector<16xi32>], vector<16xf32>,
      %ge3A_1665 = arith.cmpf oge, %gather3A_1664, %gather3A_1591 : vector<16xf32>
      %sub3A_1666 = arith.subf %gather3A_1664, %gather3A_1595 : vector<16xf32>
      %exp3A_1667 = math.exp %sub3A_1666 : vector<16xf32>
      %mul3A_1668 = arith.mulf %exp3A_1667, %gather3A_1599 : vector<16xf32>
      %jit3A_1669 = arith.constant 0.000000e+00 : f32
      %broadcast_in_dim3A_1670 = vector.broadcast %jit3A_1669 : f32 to vector<16xf32>
      %select_n3A_1671 = arith.select %ge3A_1665, %mul3A_1668, %broadcast_in_dim3A_1670 : vector<16xi1>, vector<16xf32>
      %add3A_1672 = arith.constant 48 : i32
      %add3A_1673 = arith.addi %mul3A_1611, %add3A_1672 : i32
      %swap3A_1674 = arith.index_cast %add3A_1673 : i32 to index
      %swap3A_1675 = tpu.vector_load %arg5[%swap3A_1674] {strides = array<i32>} : memref<16384xf32, #tpu.memory_space<vmem>>, vector<16xf32>,
      tpu.vector_store %arg5[%swap3A_1674], %select_n3A_1671 {strides = array<i32>} : memref<16384xf32, #tpu.memory_space<vmem>>, vector<16xf32>,
      %broadcast_in_dim3A_1676 = arith.constant 4 : i32
      %broadcast_in_dim3A_1677 = vector.broadcast %broadcast_in_dim3A_1676 : i32 to vector<16x1xi32>
      %gather3A_1678 = vector.shape_cast %broadcast_in_dim3A_1677 : vector<16x1xi32> to vector<16xi32>
      %gather3A_1679 = tpu.dynamic_gather %max3A_1303[%gather3A_1678] in [0] : vector<16xf32>, vector<16xi32> -> vector<16xf32>
      %broadcast_in_dim3A_1680 = arith.constant 4 : i32
      %broadcast_in_dim3A_1681 = vector.broadcast %broadcast_in_dim3A_1680 : i32 to vector<16x1xi32>
      %gather3A_1682 = vector.shape_cast %broadcast_in_dim3A_1681 : vector<16x1xi32> to vector<16xi32>
      %gather3A_1683 = tpu.dynamic_gather %max3A_1289[%gather3A_1682] in [0] : vector<16xf32>, vector<16xi32> -> vector<16xf32>
      %broadcast_in_dim3A_1684 = arith.constant 4 : i32
      %broadcast_in_dim3A_1685 = vector.broadcast %broadcast_in_dim3A_1684 : i32 to vector<16x1xi32>
      %gather3A_1686 = vector.shape_cast %broadcast_in_dim3A_1685 : vector<16x1xi32> to vector<16xi32>
      %gather3A_1687 = tpu.dynamic_gather %div3A_1327[%gather3A_1686] in [0] : vector<16xf32>, vector<16xi32> -> vector<16xf32>
      %mul3A_1688 = arith.constant 16 : i32
      %mul3A_1689 = arith.muli %scan3A_13, %mul3A_1688 : i32
      %add3A_1690 = arith.constant 4 : i32
      %add3A_1691 = arith.addi %mul3A_1689, %add3A_1690 : i32
      %mul3A_1692 = arith.constant 65 : i32
      %mul3A_1693 = arith.muli %add3A_1691, %mul3A_1692 : i32
      %mul3A_1694 = arith.constant 16 : i32
      %mul3A_1695 = arith.muli %scan3A_13, %mul3A_1694 : i32
      %add3A_1696 = arith.constant 4 : i32
      %add3A_1697 = arith.addi %mul3A_1695, %add3A_1696 : i32
      %mul3A_1698 = arith.constant 64 : i32
      %mul3A_1699 = arith.muli %add3A_1697, %mul3A_1698 : i32
      %add3A_1700 = arith.constant 0 : i32
      %add3A_1701 = arith.addi %mul3A_1693, %add3A_1700 : i32
      %broadcast_in_dim3A_1702 = vector.broadcast %add3A_1701 : i32 to vector<16xi32>
      %add3A_1703 = arith.addi %broadcast_in_dim3A_1702, %iota3A : vector<16xi32>
      %gather3A_1704 = tpu.vector_load_idx %arg4[%add3A_1703] : memref<16640xf32, #tpu.memory_space<vmem>>[vector<16xi32>], vector<16xf32>,
      %ge3A_1705 = arith.cmpf oge, %gather3A_1704, %gather3A_1679 : vector<16xf32>
      %sub3A_1706 = arith.subf %gather3A_1704, %gather3A_1683 : vector<16xf32>
      %exp3A_1707 = math.exp %sub3A_1706 : vector<16xf32>
      %mul3A_1708 = arith.mulf %exp3A_1707, %gather3A_1687 : vector<16xf32>
      %jit3A_1709 = arith.constant 0.000000e+00 : f32
      %broadcast_in_dim3A_1710 = vector.broadcast %jit3A_1709 : f32 to vector<16xf32>
      %select_n3A_1711 = arith.select %ge3A_1705, %mul3A_1708, %broadcast_in_dim3A_1710 : vector<16xi1>, vector<16xf32>
      %add3A_1712 = arith.constant 0 : i32
      %add3A_1713 = arith.addi %mul3A_1699, %add3A_1712 : i32
      %swap3A_1714 = arith.index_cast %add3A_1713 : i32 to index
      %swap3A_1715 = tpu.vector_load %arg5[%swap3A_1714] {strides = array<i32>} : memref<16384xf32, #tpu.memory_space<vmem>>, vector<16xf32>,
      tpu.vector_store %arg5[%swap3A_1714], %select_n3A_1711 {strides = array<i32>} : memref<16384xf32, #tpu.memory_space<vmem>>, vector<16xf32>,
      %add3A_1716 = arith.constant 16 : i32
      %add3A_1717 = arith.addi %mul3A_1693, %add3A_1716 : i32
      %broadcast_in_dim3A_1718 = vector.broadcast %add3A_1717 : i32 to vector<16xi32>
      %add3A_1719 = arith.addi %broadcast_in_dim3A_1718, %iota3A : vector<16xi32>
      %gather3A_1720 = tpu.vector_load_idx %arg4[%add3A_1719] : memref<16640xf32, #tpu.memory_space<vmem>>[vector<16xi32>], vector<16xf32>,
      %ge3A_1721 = arith.cmpf oge, %gather3A_1720, %gather3A_1679 : vector<16xf32>
      %sub3A_1722 = arith.subf %gather3A_1720, %gather3A_1683 : vector<16xf32>
      %exp3A_1723 = math.exp %sub3A_1722 : vector<16xf32>
      %mul3A_1724 = arith.mulf %exp3A_1723, %gather3A_1687 : vector<16xf32>
      %jit3A_1725 = arith.constant 0.000000e+00 : f32
      %broadcast_in_dim3A_1726 = vector.broadcast %jit3A_1725 : f32 to vector<16xf32>
      %select_n3A_1727 = arith.select %ge3A_1721, %mul3A_1724, %broadcast_in_dim3A_1726 : vector<16xi1>, vector<16xf32>
      %add3A_1728 = arith.constant 16 : i32
      %add3A_1729 = arith.addi %mul3A_1699, %add3A_1728 : i32
      %swap3A_1730 = arith.index_cast %add3A_1729 : i32 to index
      %swap3A_1731 = tpu.vector_load %arg5[%swap3A_1730] {strides = array<i32>} : memref<16384xf32, #tpu.memory_space<vmem>>, vector<16xf32>,
      tpu.vector_store %arg5[%swap3A_1730], %select_n3A_1727 {strides = array<i32>} : memref<16384xf32, #tpu.memory_space<vmem>>, vector<16xf32>,
      %add3A_1732 = arith.constant 32 : i32
      %add3A_1733 = arith.addi %mul3A_1693, %add3A_1732 : i32
      %broadcast_in_dim3A_1734 = vector.broadcast %add3A_1733 : i32 to vector<16xi32>
      %add3A_1735 = arith.addi %broadcast_in_dim3A_1734, %iota3A : vector<16xi32>
      %gather3A_1736 = tpu.vector_load_idx %arg4[%add3A_1735] : memref<16640xf32, #tpu.memory_space<vmem>>[vector<16xi32>], vector<16xf32>,
      %ge3A_1737 = arith.cmpf oge, %gather3A_1736, %gather3A_1679 : vector<16xf32>
      %sub3A_1738 = arith.subf %gather3A_1736, %gather3A_1683 : vector<16xf32>
      %exp3A_1739 = math.exp %sub3A_1738 : vector<16xf32>
      %mul3A_1740 = arith.mulf %exp3A_1739, %gather3A_1687 : vector<16xf32>
      %jit3A_1741 = arith.constant 0.000000e+00 : f32
      %broadcast_in_dim3A_1742 = vector.broadcast %jit3A_1741 : f32 to vector<16xf32>
      %select_n3A_1743 = arith.select %ge3A_1737, %mul3A_1740, %broadcast_in_dim3A_1742 : vector<16xi1>, vector<16xf32>
      %add3A_1744 = arith.constant 32 : i32
      %add3A_1745 = arith.addi %mul3A_1699, %add3A_1744 : i32
      %swap3A_1746 = arith.index_cast %add3A_1745 : i32 to index
      %swap3A_1747 = tpu.vector_load %arg5[%swap3A_1746] {strides = array<i32>} : memref<16384xf32, #tpu.memory_space<vmem>>, vector<16xf32>,
      tpu.vector_store %arg5[%swap3A_1746], %select_n3A_1743 {strides = array<i32>} : memref<16384xf32, #tpu.memory_space<vmem>>, vector<16xf32>,
      %add3A_1748 = arith.constant 48 : i32
      %add3A_1749 = arith.addi %mul3A_1693, %add3A_1748 : i32
      %broadcast_in_dim3A_1750 = vector.broadcast %add3A_1749 : i32 to vector<16xi32>
      %add3A_1751 = arith.addi %broadcast_in_dim3A_1750, %iota3A : vector<16xi32>
      %gather3A_1752 = tpu.vector_load_idx %arg4[%add3A_1751] : memref<16640xf32, #tpu.memory_space<vmem>>[vector<16xi32>], vector<16xf32>,
      %ge3A_1753 = arith.cmpf oge, %gather3A_1752, %gather3A_1679 : vector<16xf32>
      %sub3A_1754 = arith.subf %gather3A_1752, %gather3A_1683 : vector<16xf32>
      %exp3A_1755 = math.exp %sub3A_1754 : vector<16xf32>
      %mul3A_1756 = arith.mulf %exp3A_1755, %gather3A_1687 : vector<16xf32>
      %jit3A_1757 = arith.constant 0.000000e+00 : f32
      %broadcast_in_dim3A_1758 = vector.broadcast %jit3A_1757 : f32 to vector<16xf32>
      %select_n3A_1759 = arith.select %ge3A_1753, %mul3A_1756, %broadcast_in_dim3A_1758 : vector<16xi1>, vector<16xf32>
      %add3A_1760 = arith.constant 48 : i32
      %add3A_1761 = arith.addi %mul3A_1699, %add3A_1760 : i32
      %swap3A_1762 = arith.index_cast %add3A_1761 : i32 to index
      %swap3A_1763 = tpu.vector_load %arg5[%swap3A_1762] {strides = array<i32>} : memref<16384xf32, #tpu.memory_space<vmem>>, vector<16xf32>,
      tpu.vector_store %arg5[%swap3A_1762], %select_n3A_1759 {strides = array<i32>} : memref<16384xf32, #tpu.memory_space<vmem>>, vector<16xf32>,
      %broadcast_in_dim3A_1764 = arith.constant 5 : i32
      %broadcast_in_dim3A_1765 = vector.broadcast %broadcast_in_dim3A_1764 : i32 to vector<16x1xi32>
      %gather3A_1766 = vector.shape_cast %broadcast_in_dim3A_1765 : vector<16x1xi32> to vector<16xi32>
      %gather3A_1767 = tpu.dynamic_gather %max3A_1303[%gather3A_1766] in [0] : vector<16xf32>, vector<16xi32> -> vector<16xf32>
      %broadcast_in_dim3A_1768 = arith.constant 5 : i32
      %broadcast_in_dim3A_1769 = vector.broadcast %broadcast_in_dim3A_1768 : i32 to vector<16x1xi32>
      %gather3A_1770 = vector.shape_cast %broadcast_in_dim3A_1769 : vector<16x1xi32> to vector<16xi32>
      %gather3A_1771 = tpu.dynamic_gather %max3A_1289[%gather3A_1770] in [0] : vector<16xf32>, vector<16xi32> -> vector<16xf32>
      %broadcast_in_dim3A_1772 = arith.constant 5 : i32
      %broadcast_in_dim3A_1773 = vector.broadcast %broadcast_in_dim3A_1772 : i32 to vector<16x1xi32>
      %gather3A_1774 = vector.shape_cast %broadcast_in_dim3A_1773 : vector<16x1xi32> to vector<16xi32>
      %gather3A_1775 = tpu.dynamic_gather %div3A_1327[%gather3A_1774] in [0] : vector<16xf32>, vector<16xi32> -> vector<16xf32>
      %mul3A_1776 = arith.constant 16 : i32
      %mul3A_1777 = arith.muli %scan3A_13, %mul3A_1776 : i32
      %add3A_1778 = arith.constant 5 : i32
      %add3A_1779 = arith.addi %mul3A_1777, %add3A_1778 : i32
      %mul3A_1780 = arith.constant 65 : i32
      %mul3A_1781 = arith.muli %add3A_1779, %mul3A_1780 : i32
      %mul3A_1782 = arith.constant 16 : i32
      %mul3A_1783 = arith.muli %scan3A_13, %mul3A_1782 : i32
      %add3A_1784 = arith.constant 5 : i32
      %add3A_1785 = arith.addi %mul3A_1783, %add3A_1784 : i32
      %mul3A_1786 = arith.constant 64 : i32
      %mul3A_1787 = arith.muli %add3A_1785, %mul3A_1786 : i32
      %add3A_1788 = arith.constant 0 : i32
      %add3A_1789 = arith.addi %mul3A_1781, %add3A_1788 : i32
      %broadcast_in_dim3A_1790 = vector.broadcast %add3A_1789 : i32 to vector<16xi32>
      %add3A_1791 = arith.addi %broadcast_in_dim3A_1790, %iota3A : vector<16xi32>
      %gather3A_1792 = tpu.vector_load_idx %arg4[%add3A_1791] : memref<16640xf32, #tpu.memory_space<vmem>>[vector<16xi32>], vector<16xf32>,
      %ge3A_1793 = arith.cmpf oge, %gather3A_1792, %gather3A_1767 : vector<16xf32>
      %sub3A_1794 = arith.subf %gather3A_1792, %gather3A_1771 : vector<16xf32>
      %exp3A_1795 = math.exp %sub3A_1794 : vector<16xf32>
      %mul3A_1796 = arith.mulf %exp3A_1795, %gather3A_1775 : vector<16xf32>
      %jit3A_1797 = arith.constant 0.000000e+00 : f32
      %broadcast_in_dim3A_1798 = vector.broadcast %jit3A_1797 : f32 to vector<16xf32>
      %select_n3A_1799 = arith.select %ge3A_1793, %mul3A_1796, %broadcast_in_dim3A_1798 : vector<16xi1>, vector<16xf32>
      %add3A_1800 = arith.constant 0 : i32
      %add3A_1801 = arith.addi %mul3A_1787, %add3A_1800 : i32
      %swap3A_1802 = arith.index_cast %add3A_1801 : i32 to index
      %swap3A_1803 = tpu.vector_load %arg5[%swap3A_1802] {strides = array<i32>} : memref<16384xf32, #tpu.memory_space<vmem>>, vector<16xf32>,
      tpu.vector_store %arg5[%swap3A_1802], %select_n3A_1799 {strides = array<i32>} : memref<16384xf32, #tpu.memory_space<vmem>>, vector<16xf32>,
      %add3A_1804 = arith.constant 16 : i32
      %add3A_1805 = arith.addi %mul3A_1781, %add3A_1804 : i32
      %broadcast_in_dim3A_1806 = vector.broadcast %add3A_1805 : i32 to vector<16xi32>
      %add3A_1807 = arith.addi %broadcast_in_dim3A_1806, %iota3A : vector<16xi32>
      %gather3A_1808 = tpu.vector_load_idx %arg4[%add3A_1807] : memref<16640xf32, #tpu.memory_space<vmem>>[vector<16xi32>], vector<16xf32>,
      %ge3A_1809 = arith.cmpf oge, %gather3A_1808, %gather3A_1767 : vector<16xf32>
      %sub3A_1810 = arith.subf %gather3A_1808, %gather3A_1771 : vector<16xf32>
      %exp3A_1811 = math.exp %sub3A_1810 : vector<16xf32>
      %mul3A_1812 = arith.mulf %exp3A_1811, %gather3A_1775 : vector<16xf32>
      %jit3A_1813 = arith.constant 0.000000e+00 : f32
      %broadcast_in_dim3A_1814 = vector.broadcast %jit3A_1813 : f32 to vector<16xf32>
      %select_n3A_1815 = arith.select %ge3A_1809, %mul3A_1812, %broadcast_in_dim3A_1814 : vector<16xi1>, vector<16xf32>
      %add3A_1816 = arith.constant 16 : i32
      %add3A_1817 = arith.addi %mul3A_1787, %add3A_1816 : i32
      %swap3A_1818 = arith.index_cast %add3A_1817 : i32 to index
      %swap3A_1819 = tpu.vector_load %arg5[%swap3A_1818] {strides = array<i32>} : memref<16384xf32, #tpu.memory_space<vmem>>, vector<16xf32>,
      tpu.vector_store %arg5[%swap3A_1818], %select_n3A_1815 {strides = array<i32>} : memref<16384xf32, #tpu.memory_space<vmem>>, vector<16xf32>,
      %add3A_1820 = arith.constant 32 : i32
      %add3A_1821 = arith.addi %mul3A_1781, %add3A_1820 : i32
      %broadcast_in_dim3A_1822 = vector.broadcast %add3A_1821 : i32 to vector<16xi32>
      %add3A_1823 = arith.addi %broadcast_in_dim3A_1822, %iota3A : vector<16xi32>
      %gather3A_1824 = tpu.vector_load_idx %arg4[%add3A_1823] : memref<16640xf32, #tpu.memory_space<vmem>>[vector<16xi32>], vector<16xf32>,
      %ge3A_1825 = arith.cmpf oge, %gather3A_1824, %gather3A_1767 : vector<16xf32>
      %sub3A_1826 = arith.subf %gather3A_1824, %gather3A_1771 : vector<16xf32>
      %exp3A_1827 = math.exp %sub3A_1826 : vector<16xf32>
      %mul3A_1828 = arith.mulf %exp3A_1827, %gather3A_1775 : vector<16xf32>
      %jit3A_1829 = arith.constant 0.000000e+00 : f32
      %broadcast_in_dim3A_1830 = vector.broadcast %jit3A_1829 : f32 to vector<16xf32>
      %select_n3A_1831 = arith.select %ge3A_1825, %mul3A_1828, %broadcast_in_dim3A_1830 : vector<16xi1>, vector<16xf32>
      %add3A_1832 = arith.constant 32 : i32
      %add3A_1833 = arith.addi %mul3A_1787, %add3A_1832 : i32
      %swap3A_1834 = arith.index_cast %add3A_1833 : i32 to index
      %swap3A_1835 = tpu.vector_load %arg5[%swap3A_1834] {strides = array<i32>} : memref<16384xf32, #tpu.memory_space<vmem>>, vector<16xf32>,
      tpu.vector_store %arg5[%swap3A_1834], %select_n3A_1831 {strides = array<i32>} : memref<16384xf32, #tpu.memory_space<vmem>>, vector<16xf32>,
      %add3A_1836 = arith.constant 48 : i32
      %add3A_1837 = arith.addi %mul3A_1781, %add3A_1836 : i32
      %broadcast_in_dim3A_1838 = vector.broadcast %add3A_1837 : i32 to vector<16xi32>
      %add3A_1839 = arith.addi %broadcast_in_dim3A_1838, %iota3A : vector<16xi32>
      %gather3A_1840 = tpu.vector_load_idx %arg4[%add3A_1839] : memref<16640xf32, #tpu.memory_space<vmem>>[vector<16xi32>], vector<16xf32>,
      %ge3A_1841 = arith.cmpf oge, %gather3A_1840, %gather3A_1767 : vector<16xf32>
      %sub3A_1842 = arith.subf %gather3A_1840, %gather3A_1771 : vector<16xf32>
      %exp3A_1843 = math.exp %sub3A_1842 : vector<16xf32>
      %mul3A_1844 = arith.mulf %exp3A_1843, %gather3A_1775 : vector<16xf32>
      %jit3A_1845 = arith.constant 0.000000e+00 : f32
      %broadcast_in_dim3A_1846 = vector.broadcast %jit3A_1845 : f32 to vector<16xf32>
      %select_n3A_1847 = arith.select %ge3A_1841, %mul3A_1844, %broadcast_in_dim3A_1846 : vector<16xi1>, vector<16xf32>
      %add3A_1848 = arith.constant 48 : i32
      %add3A_1849 = arith.addi %mul3A_1787, %add3A_1848 : i32
      %swap3A_1850 = arith.index_cast %add3A_1849 : i32 to index
      %swap3A_1851 = tpu.vector_load %arg5[%swap3A_1850] {strides = array<i32>} : memref<16384xf32, #tpu.memory_space<vmem>>, vector<16xf32>,
      tpu.vector_store %arg5[%swap3A_1850], %select_n3A_1847 {strides = array<i32>} : memref<16384xf32, #tpu.memory_space<vmem>>, vector<16xf32>,
      %broadcast_in_dim3A_1852 = arith.constant 6 : i32
      %broadcast_in_dim3A_1853 = vector.broadcast %broadcast_in_dim3A_1852 : i32 to vector<16x1xi32>
      %gather3A_1854 = vector.shape_cast %broadcast_in_dim3A_1853 : vector<16x1xi32> to vector<16xi32>
      %gather3A_1855 = tpu.dynamic_gather %max3A_1303[%gather3A_1854] in [0] : vector<16xf32>, vector<16xi32> -> vector<16xf32>
      %broadcast_in_dim3A_1856 = arith.constant 6 : i32
      %broadcast_in_dim3A_1857 = vector.broadcast %broadcast_in_dim3A_1856 : i32 to vector<16x1xi32>
      %gather3A_1858 = vector.shape_cast %broadcast_in_dim3A_1857 : vector<16x1xi32> to vector<16xi32>
      %gather3A_1859 = tpu.dynamic_gather %max3A_1289[%gather3A_1858] in [0] : vector<16xf32>, vector<16xi32> -> vector<16xf32>
      %broadcast_in_dim3A_1860 = arith.constant 6 : i32
      %broadcast_in_dim3A_1861 = vector.broadcast %broadcast_in_dim3A_1860 : i32 to vector<16x1xi32>
      %gather3A_1862 = vector.shape_cast %broadcast_in_dim3A_1861 : vector<16x1xi32> to vector<16xi32>
      %gather3A_1863 = tpu.dynamic_gather %div3A_1327[%gather3A_1862] in [0] : vector<16xf32>, vector<16xi32> -> vector<16xf32>
      %mul3A_1864 = arith.constant 16 : i32
      %mul3A_1865 = arith.muli %scan3A_13, %mul3A_1864 : i32
      %add3A_1866 = arith.constant 6 : i32
      %add3A_1867 = arith.addi %mul3A_1865, %add3A_1866 : i32
      %mul3A_1868 = arith.constant 65 : i32
      %mul3A_1869 = arith.muli %add3A_1867, %mul3A_1868 : i32
      %mul3A_1870 = arith.constant 16 : i32
      %mul3A_1871 = arith.muli %scan3A_13, %mul3A_1870 : i32
      %add3A_1872 = arith.constant 6 : i32
      %add3A_1873 = arith.addi %mul3A_1871, %add3A_1872 : i32
      %mul3A_1874 = arith.constant 64 : i32
      %mul3A_1875 = arith.muli %add3A_1873, %mul3A_1874 : i32
      %add3A_1876 = arith.constant 0 : i32
      %add3A_1877 = arith.addi %mul3A_1869, %add3A_1876 : i32
      %broadcast_in_dim3A_1878 = vector.broadcast %add3A_1877 : i32 to vector<16xi32>
      %add3A_1879 = arith.addi %broadcast_in_dim3A_1878, %iota3A : vector<16xi32>
      %gather3A_1880 = tpu.vector_load_idx %arg4[%add3A_1879] : memref<16640xf32, #tpu.memory_space<vmem>>[vector<16xi32>], vector<16xf32>,
      %ge3A_1881 = arith.cmpf oge, %gather3A_1880, %gather3A_1855 : vector<16xf32>
      %sub3A_1882 = arith.subf %gather3A_1880, %gather3A_1859 : vector<16xf32>
      %exp3A_1883 = math.exp %sub3A_1882 : vector<16xf32>
      %mul3A_1884 = arith.mulf %exp3A_1883, %gather3A_1863 : vector<16xf32>
      %jit3A_1885 = arith.constant 0.000000e+00 : f32
      %broadcast_in_dim3A_1886 = vector.broadcast %jit3A_1885 : f32 to vector<16xf32>
      %select_n3A_1887 = arith.select %ge3A_1881, %mul3A_1884, %broadcast_in_dim3A_1886 : vector<16xi1>, vector<16xf32>
      %add3A_1888 = arith.constant 0 : i32
      %add3A_1889 = arith.addi %mul3A_1875, %add3A_1888 : i32
      %swap3A_1890 = arith.index_cast %add3A_1889 : i32 to index
      %swap3A_1891 = tpu.vector_load %arg5[%swap3A_1890] {strides = array<i32>} : memref<16384xf32, #tpu.memory_space<vmem>>, vector<16xf32>,
      tpu.vector_store %arg5[%swap3A_1890], %select_n3A_1887 {strides = array<i32>} : memref<16384xf32, #tpu.memory_space<vmem>>, vector<16xf32>,
      %add3A_1892 = arith.constant 16 : i32
      %add3A_1893 = arith.addi %mul3A_1869, %add3A_1892 : i32
      %broadcast_in_dim3A_1894 = vector.broadcast %add3A_1893 : i32 to vector<16xi32>
      %add3A_1895 = arith.addi %broadcast_in_dim3A_1894, %iota3A : vector<16xi32>
      %gather3A_1896 = tpu.vector_load_idx %arg4[%add3A_1895] : memref<16640xf32, #tpu.memory_space<vmem>>[vector<16xi32>], vector<16xf32>,
      %ge3A_1897 = arith.cmpf oge, %gather3A_1896, %gather3A_1855 : vector<16xf32>
      %sub3A_1898 = arith.subf %gather3A_1896, %gather3A_1859 : vector<16xf32>
      %exp3A_1899 = math.exp %sub3A_1898 : vector<16xf32>
      %mul3A_1900 = arith.mulf %exp3A_1899, %gather3A_1863 : vector<16xf32>
      %jit3A_1901 = arith.constant 0.000000e+00 : f32
      %broadcast_in_dim3A_1902 = vector.broadcast %jit3A_1901 : f32 to vector<16xf32>
      %select_n3A_1903 = arith.select %ge3A_1897, %mul3A_1900, %broadcast_in_dim3A_1902 : vector<16xi1>, vector<16xf32>
      %add3A_1904 = arith.constant 16 : i32
      %add3A_1905 = arith.addi %mul3A_1875, %add3A_1904 : i32
      %swap3A_1906 = arith.index_cast %add3A_1905 : i32 to index
      %swap3A_1907 = tpu.vector_load %arg5[%swap3A_1906] {strides = array<i32>} : memref<16384xf32, #tpu.memory_space<vmem>>, vector<16xf32>,
      tpu.vector_store %arg5[%swap3A_1906], %select_n3A_1903 {strides = array<i32>} : memref<16384xf32, #tpu.memory_space<vmem>>, vector<16xf32>,
      %add3A_1908 = arith.constant 32 : i32
      %add3A_1909 = arith.addi %mul3A_1869, %add3A_1908 : i32
      %broadcast_in_dim3A_1910 = vector.broadcast %add3A_1909 : i32 to vector<16xi32>
      %add3A_1911 = arith.addi %broadcast_in_dim3A_1910, %iota3A : vector<16xi32>
      %gather3A_1912 = tpu.vector_load_idx %arg4[%add3A_1911] : memref<16640xf32, #tpu.memory_space<vmem>>[vector<16xi32>], vector<16xf32>,
      %ge3A_1913 = arith.cmpf oge, %gather3A_1912, %gather3A_1855 : vector<16xf32>
      %sub3A_1914 = arith.subf %gather3A_1912, %gather3A_1859 : vector<16xf32>
      %exp3A_1915 = math.exp %sub3A_1914 : vector<16xf32>
      %mul3A_1916 = arith.mulf %exp3A_1915, %gather3A_1863 : vector<16xf32>
      %jit3A_1917 = arith.constant 0.000000e+00 : f32
      %broadcast_in_dim3A_1918 = vector.broadcast %jit3A_1917 : f32 to vector<16xf32>
      %select_n3A_1919 = arith.select %ge3A_1913, %mul3A_1916, %broadcast_in_dim3A_1918 : vector<16xi1>, vector<16xf32>
      %add3A_1920 = arith.constant 32 : i32
      %add3A_1921 = arith.addi %mul3A_1875, %add3A_1920 : i32
      %swap3A_1922 = arith.index_cast %add3A_1921 : i32 to index
      %swap3A_1923 = tpu.vector_load %arg5[%swap3A_1922] {strides = array<i32>} : memref<16384xf32, #tpu.memory_space<vmem>>, vector<16xf32>,
      tpu.vector_store %arg5[%swap3A_1922], %select_n3A_1919 {strides = array<i32>} : memref<16384xf32, #tpu.memory_space<vmem>>, vector<16xf32>,
      %add3A_1924 = arith.constant 48 : i32
      %add3A_1925 = arith.addi %mul3A_1869, %add3A_1924 : i32
      %broadcast_in_dim3A_1926 = vector.broadcast %add3A_1925 : i32 to vector<16xi32>
      %add3A_1927 = arith.addi %broadcast_in_dim3A_1926, %iota3A : vector<16xi32>
      %gather3A_1928 = tpu.vector_load_idx %arg4[%add3A_1927] : memref<16640xf32, #tpu.memory_space<vmem>>[vector<16xi32>], vector<16xf32>,
      %ge3A_1929 = arith.cmpf oge, %gather3A_1928, %gather3A_1855 : vector<16xf32>
      %sub3A_1930 = arith.subf %gather3A_1928, %gather3A_1859 : vector<16xf32>
      %exp3A_1931 = math.exp %sub3A_1930 : vector<16xf32>
      %mul3A_1932 = arith.mulf %exp3A_1931, %gather3A_1863 : vector<16xf32>
      %jit3A_1933 = arith.constant 0.000000e+00 : f32
      %broadcast_in_dim3A_1934 = vector.broadcast %jit3A_1933 : f32 to vector<16xf32>
      %select_n3A_1935 = arith.select %ge3A_1929, %mul3A_1932, %broadcast_in_dim3A_1934 : vector<16xi1>, vector<16xf32>
      %add3A_1936 = arith.constant 48 : i32
      %add3A_1937 = arith.addi %mul3A_1875, %add3A_1936 : i32
      %swap3A_1938 = arith.index_cast %add3A_1937 : i32 to index
      %swap3A_1939 = tpu.vector_load %arg5[%swap3A_1938] {strides = array<i32>} : memref<16384xf32, #tpu.memory_space<vmem>>, vector<16xf32>,
      tpu.vector_store %arg5[%swap3A_1938], %select_n3A_1935 {strides = array<i32>} : memref<16384xf32, #tpu.memory_space<vmem>>, vector<16xf32>,
      %broadcast_in_dim3A_1940 = arith.constant 7 : i32
      %broadcast_in_dim3A_1941 = vector.broadcast %broadcast_in_dim3A_1940 : i32 to vector<16x1xi32>
      %gather3A_1942 = vector.shape_cast %broadcast_in_dim3A_1941 : vector<16x1xi32> to vector<16xi32>
      %gather3A_1943 = tpu.dynamic_gather %max3A_1303[%gather3A_1942] in [0] : vector<16xf32>, vector<16xi32> -> vector<16xf32>
      %broadcast_in_dim3A_1944 = arith.constant 7 : i32
      %broadcast_in_dim3A_1945 = vector.broadcast %broadcast_in_dim3A_1944 : i32 to vector<16x1xi32>
      %gather3A_1946 = vector.shape_cast %broadcast_in_dim3A_1945 : vector<16x1xi32> to vector<16xi32>
      %gather3A_1947 = tpu.dynamic_gather %max3A_1289[%gather3A_1946] in [0] : vector<16xf32>, vector<16xi32> -> vector<16xf32>
      %broadcast_in_dim3A_1948 = arith.constant 7 : i32
      %broadcast_in_dim3A_1949 = vector.broadcast %broadcast_in_dim3A_1948 : i32 to vector<16x1xi32>
      %gather3A_1950 = vector.shape_cast %broadcast_in_dim3A_1949 : vector<16x1xi32> to vector<16xi32>
      %gather3A_1951 = tpu.dynamic_gather %div3A_1327[%gather3A_1950] in [0] : vector<16xf32>, vector<16xi32> -> vector<16xf32>
      %mul3A_1952 = arith.constant 16 : i32
      %mul3A_1953 = arith.muli %scan3A_13, %mul3A_1952 : i32
      %add3A_1954 = arith.constant 7 : i32
      %add3A_1955 = arith.addi %mul3A_1953, %add3A_1954 : i32
      %mul3A_1956 = arith.constant 65 : i32
      %mul3A_1957 = arith.muli %add3A_1955, %mul3A_1956 : i32
      %mul3A_1958 = arith.constant 16 : i32
      %mul3A_1959 = arith.muli %scan3A_13, %mul3A_1958 : i32
      %add3A_1960 = arith.constant 7 : i32
      %add3A_1961 = arith.addi %mul3A_1959, %add3A_1960 : i32
      %mul3A_1962 = arith.constant 64 : i32
      %mul3A_1963 = arith.muli %add3A_1961, %mul3A_1962 : i32
      %add3A_1964 = arith.constant 0 : i32
      %add3A_1965 = arith.addi %mul3A_1957, %add3A_1964 : i32
      %broadcast_in_dim3A_1966 = vector.broadcast %add3A_1965 : i32 to vector<16xi32>
      %add3A_1967 = arith.addi %broadcast_in_dim3A_1966, %iota3A : vector<16xi32>
      %gather3A_1968 = tpu.vector_load_idx %arg4[%add3A_1967] : memref<16640xf32, #tpu.memory_space<vmem>>[vector<16xi32>], vector<16xf32>,
      %ge3A_1969 = arith.cmpf oge, %gather3A_1968, %gather3A_1943 : vector<16xf32>
      %sub3A_1970 = arith.subf %gather3A_1968, %gather3A_1947 : vector<16xf32>
      %exp3A_1971 = math.exp %sub3A_1970 : vector<16xf32>
      %mul3A_1972 = arith.mulf %exp3A_1971, %gather3A_1951 : vector<16xf32>
      %jit3A_1973 = arith.constant 0.000000e+00 : f32
      %broadcast_in_dim3A_1974 = vector.broadcast %jit3A_1973 : f32 to vector<16xf32>
      %select_n3A_1975 = arith.select %ge3A_1969, %mul3A_1972, %broadcast_in_dim3A_1974 : vector<16xi1>, vector<16xf32>
      %add3A_1976 = arith.constant 0 : i32
      %add3A_1977 = arith.addi %mul3A_1963, %add3A_1976 : i32
      %swap3A_1978 = arith.index_cast %add3A_1977 : i32 to index
      %swap3A_1979 = tpu.vector_load %arg5[%swap3A_1978] {strides = array<i32>} : memref<16384xf32, #tpu.memory_space<vmem>>, vector<16xf32>,
      tpu.vector_store %arg5[%swap3A_1978], %select_n3A_1975 {strides = array<i32>} : memref<16384xf32, #tpu.memory_space<vmem>>, vector<16xf32>,
      %add3A_1980 = arith.constant 16 : i32
      %add3A_1981 = arith.addi %mul3A_1957, %add3A_1980 : i32
      %broadcast_in_dim3A_1982 = vector.broadcast %add3A_1981 : i32 to vector<16xi32>
      %add3A_1983 = arith.addi %broadcast_in_dim3A_1982, %iota3A : vector<16xi32>
      %gather3A_1984 = tpu.vector_load_idx %arg4[%add3A_1983] : memref<16640xf32, #tpu.memory_space<vmem>>[vector<16xi32>], vector<16xf32>,
      %ge3A_1985 = arith.cmpf oge, %gather3A_1984, %gather3A_1943 : vector<16xf32>
      %sub3A_1986 = arith.subf %gather3A_1984, %gather3A_1947 : vector<16xf32>
      %exp3A_1987 = math.exp %sub3A_1986 : vector<16xf32>
      %mul3A_1988 = arith.mulf %exp3A_1987, %gather3A_1951 : vector<16xf32>
      %jit3A_1989 = arith.constant 0.000000e+00 : f32
      %broadcast_in_dim3A_1990 = vector.broadcast %jit3A_1989 : f32 to vector<16xf32>
      %select_n3A_1991 = arith.select %ge3A_1985, %mul3A_1988, %broadcast_in_dim3A_1990 : vector<16xi1>, vector<16xf32>
      %add3A_1992 = arith.constant 16 : i32
      %add3A_1993 = arith.addi %mul3A_1963, %add3A_1992 : i32
      %swap3A_1994 = arith.index_cast %add3A_1993 : i32 to index
      %swap3A_1995 = tpu.vector_load %arg5[%swap3A_1994] {strides = array<i32>} : memref<16384xf32, #tpu.memory_space<vmem>>, vector<16xf32>,
      tpu.vector_store %arg5[%swap3A_1994], %select_n3A_1991 {strides = array<i32>} : memref<16384xf32, #tpu.memory_space<vmem>>, vector<16xf32>,
      %add3A_1996 = arith.constant 32 : i32
      %add3A_1997 = arith.addi %mul3A_1957, %add3A_1996 : i32
      %broadcast_in_dim3A_1998 = vector.broadcast %add3A_1997 : i32 to vector<16xi32>
      %add3A_1999 = arith.addi %broadcast_in_dim3A_1998, %iota3A : vector<16xi32>
      %gather3A_2000 = tpu.vector_load_idx %arg4[%add3A_1999] : memref<16640xf32, #tpu.memory_space<vmem>>[vector<16xi32>], vector<16xf32>,
      %ge3A_2001 = arith.cmpf oge, %gather3A_2000, %gather3A_1943 : vector<16xf32>
      %sub3A_2002 = arith.subf %gather3A_2000, %gather3A_1947 : vector<16xf32>
      %exp3A_2003 = math.exp %sub3A_2002 : vector<16xf32>
      %mul3A_2004 = arith.mulf %exp3A_2003, %gather3A_1951 : vector<16xf32>
      %jit3A_2005 = arith.constant 0.000000e+00 : f32
      %broadcast_in_dim3A_2006 = vector.broadcast %jit3A_2005 : f32 to vector<16xf32>
      %select_n3A_2007 = arith.select %ge3A_2001, %mul3A_2004, %broadcast_in_dim3A_2006 : vector<16xi1>, vector<16xf32>
      %add3A_2008 = arith.constant 32 : i32
      %add3A_2009 = arith.addi %mul3A_1963, %add3A_2008 : i32
      %swap3A_2010 = arith.index_cast %add3A_2009 : i32 to index
      %swap3A_2011 = tpu.vector_load %arg5[%swap3A_2010] {strides = array<i32>} : memref<16384xf32, #tpu.memory_space<vmem>>, vector<16xf32>,
      tpu.vector_store %arg5[%swap3A_2010], %select_n3A_2007 {strides = array<i32>} : memref<16384xf32, #tpu.memory_space<vmem>>, vector<16xf32>,
      %add3A_2012 = arith.constant 48 : i32
      %add3A_2013 = arith.addi %mul3A_1957, %add3A_2012 : i32
      %broadcast_in_dim3A_2014 = vector.broadcast %add3A_2013 : i32 to vector<16xi32>
      %add3A_2015 = arith.addi %broadcast_in_dim3A_2014, %iota3A : vector<16xi32>
      %gather3A_2016 = tpu.vector_load_idx %arg4[%add3A_2015] : memref<16640xf32, #tpu.memory_space<vmem>>[vector<16xi32>], vector<16xf32>,
      %ge3A_2017 = arith.cmpf oge, %gather3A_2016, %gather3A_1943 : vector<16xf32>
      %sub3A_2018 = arith.subf %gather3A_2016, %gather3A_1947 : vector<16xf32>
      %exp3A_2019 = math.exp %sub3A_2018 : vector<16xf32>
      %mul3A_2020 = arith.mulf %exp3A_2019, %gather3A_1951 : vector<16xf32>
      %jit3A_2021 = arith.constant 0.000000e+00 : f32
      %broadcast_in_dim3A_2022 = vector.broadcast %jit3A_2021 : f32 to vector<16xf32>
      %select_n3A_2023 = arith.select %ge3A_2017, %mul3A_2020, %broadcast_in_dim3A_2022 : vector<16xi1>, vector<16xf32>
      %add3A_2024 = arith.constant 48 : i32
      %add3A_2025 = arith.addi %mul3A_1963, %add3A_2024 : i32
      %swap3A_2026 = arith.index_cast %add3A_2025 : i32 to index
      %swap3A_2027 = tpu.vector_load %arg5[%swap3A_2026] {strides = array<i32>} : memref<16384xf32, #tpu.memory_space<vmem>>, vector<16xf32>,
      tpu.vector_store %arg5[%swap3A_2026], %select_n3A_2023 {strides = array<i32>} : memref<16384xf32, #tpu.memory_space<vmem>>, vector<16xf32>,
      %broadcast_in_dim3A_2028 = arith.constant 8 : i32
      %broadcast_in_dim3A_2029 = vector.broadcast %broadcast_in_dim3A_2028 : i32 to vector<16x1xi32>
      %gather3A_2030 = vector.shape_cast %broadcast_in_dim3A_2029 : vector<16x1xi32> to vector<16xi32>
      %gather3A_2031 = tpu.dynamic_gather %max3A_1303[%gather3A_2030] in [0] : vector<16xf32>, vector<16xi32> -> vector<16xf32>
      %broadcast_in_dim3A_2032 = arith.constant 8 : i32
      %broadcast_in_dim3A_2033 = vector.broadcast %broadcast_in_dim3A_2032 : i32 to vector<16x1xi32>
      %gather3A_2034 = vector.shape_cast %broadcast_in_dim3A_2033 : vector<16x1xi32> to vector<16xi32>
      %gather3A_2035 = tpu.dynamic_gather %max3A_1289[%gather3A_2034] in [0] : vector<16xf32>, vector<16xi32> -> vector<16xf32>
      %broadcast_in_dim3A_2036 = arith.constant 8 : i32
      %broadcast_in_dim3A_2037 = vector.broadcast %broadcast_in_dim3A_2036 : i32 to vector<16x1xi32>
      %gather3A_2038 = vector.shape_cast %broadcast_in_dim3A_2037 : vector<16x1xi32> to vector<16xi32>
      %gather3A_2039 = tpu.dynamic_gather %div3A_1327[%gather3A_2038] in [0] : vector<16xf32>, vector<16xi32> -> vector<16xf32>
      %mul3A_2040 = arith.constant 16 : i32
      %mul3A_2041 = arith.muli %scan3A_13, %mul3A_2040 : i32
      %add3A_2042 = arith.constant 8 : i32
      %add3A_2043 = arith.addi %mul3A_2041, %add3A_2042 : i32
      %mul3A_2044 = arith.constant 65 : i32
      %mul3A_2045 = arith.muli %add3A_2043, %mul3A_2044 : i32
      %mul3A_2046 = arith.constant 16 : i32
      %mul3A_2047 = arith.muli %scan3A_13, %mul3A_2046 : i32
      %add3A_2048 = arith.constant 8 : i32
      %add3A_2049 = arith.addi %mul3A_2047, %add3A_2048 : i32
      %mul3A_2050 = arith.constant 64 : i32
      %mul3A_2051 = arith.muli %add3A_2049, %mul3A_2050 : i32
      %add3A_2052 = arith.constant 0 : i32
      %add3A_2053 = arith.addi %mul3A_2045, %add3A_2052 : i32
      %broadcast_in_dim3A_2054 = vector.broadcast %add3A_2053 : i32 to vector<16xi32>
      %add3A_2055 = arith.addi %broadcast_in_dim3A_2054, %iota3A : vector<16xi32>
      %gather3A_2056 = tpu.vector_load_idx %arg4[%add3A_2055] : memref<16640xf32, #tpu.memory_space<vmem>>[vector<16xi32>], vector<16xf32>,
      %ge3A_2057 = arith.cmpf oge, %gather3A_2056, %gather3A_2031 : vector<16xf32>
      %sub3A_2058 = arith.subf %gather3A_2056, %gather3A_2035 : vector<16xf32>
      %exp3A_2059 = math.exp %sub3A_2058 : vector<16xf32>
      %mul3A_2060 = arith.mulf %exp3A_2059, %gather3A_2039 : vector<16xf32>
      %jit3A_2061 = arith.constant 0.000000e+00 : f32
      %broadcast_in_dim3A_2062 = vector.broadcast %jit3A_2061 : f32 to vector<16xf32>
      %select_n3A_2063 = arith.select %ge3A_2057, %mul3A_2060, %broadcast_in_dim3A_2062 : vector<16xi1>, vector<16xf32>
      %add3A_2064 = arith.constant 0 : i32
      %add3A_2065 = arith.addi %mul3A_2051, %add3A_2064 : i32
      %swap3A_2066 = arith.index_cast %add3A_2065 : i32 to index
      %swap3A_2067 = tpu.vector_load %arg5[%swap3A_2066] {strides = array<i32>} : memref<16384xf32, #tpu.memory_space<vmem>>, vector<16xf32>,
      tpu.vector_store %arg5[%swap3A_2066], %select_n3A_2063 {strides = array<i32>} : memref<16384xf32, #tpu.memory_space<vmem>>, vector<16xf32>,
      %add3A_2068 = arith.constant 16 : i32
      %add3A_2069 = arith.addi %mul3A_2045, %add3A_2068 : i32
      %broadcast_in_dim3A_2070 = vector.broadcast %add3A_2069 : i32 to vector<16xi32>
      %add3A_2071 = arith.addi %broadcast_in_dim3A_2070, %iota3A : vector<16xi32>
      %gather3A_2072 = tpu.vector_load_idx %arg4[%add3A_2071] : memref<16640xf32, #tpu.memory_space<vmem>>[vector<16xi32>], vector<16xf32>,
      %ge3A_2073 = arith.cmpf oge, %gather3A_2072, %gather3A_2031 : vector<16xf32>
      %sub3A_2074 = arith.subf %gather3A_2072, %gather3A_2035 : vector<16xf32>
      %exp3A_2075 = math.exp %sub3A_2074 : vector<16xf32>
      %mul3A_2076 = arith.mulf %exp3A_2075, %gather3A_2039 : vector<16xf32>
      %jit3A_2077 = arith.constant 0.000000e+00 : f32
      %broadcast_in_dim3A_2078 = vector.broadcast %jit3A_2077 : f32 to vector<16xf32>
      %select_n3A_2079 = arith.select %ge3A_2073, %mul3A_2076, %broadcast_in_dim3A_2078 : vector<16xi1>, vector<16xf32>
      %add3A_2080 = arith.constant 16 : i32
      %add3A_2081 = arith.addi %mul3A_2051, %add3A_2080 : i32
      %swap3A_2082 = arith.index_cast %add3A_2081 : i32 to index
      %swap3A_2083 = tpu.vector_load %arg5[%swap3A_2082] {strides = array<i32>} : memref<16384xf32, #tpu.memory_space<vmem>>, vector<16xf32>,
      tpu.vector_store %arg5[%swap3A_2082], %select_n3A_2079 {strides = array<i32>} : memref<16384xf32, #tpu.memory_space<vmem>>, vector<16xf32>,
      %add3A_2084 = arith.constant 32 : i32
      %add3A_2085 = arith.addi %mul3A_2045, %add3A_2084 : i32
      %broadcast_in_dim3A_2086 = vector.broadcast %add3A_2085 : i32 to vector<16xi32>
      %add3A_2087 = arith.addi %broadcast_in_dim3A_2086, %iota3A : vector<16xi32>
      %gather3A_2088 = tpu.vector_load_idx %arg4[%add3A_2087] : memref<16640xf32, #tpu.memory_space<vmem>>[vector<16xi32>], vector<16xf32>,
      %ge3A_2089 = arith.cmpf oge, %gather3A_2088, %gather3A_2031 : vector<16xf32>
      %sub3A_2090 = arith.subf %gather3A_2088, %gather3A_2035 : vector<16xf32>
      %exp3A_2091 = math.exp %sub3A_2090 : vector<16xf32>
      %mul3A_2092 = arith.mulf %exp3A_2091, %gather3A_2039 : vector<16xf32>
      %jit3A_2093 = arith.constant 0.000000e+00 : f32
      %broadcast_in_dim3A_2094 = vector.broadcast %jit3A_2093 : f32 to vector<16xf32>
      %select_n3A_2095 = arith.select %ge3A_2089, %mul3A_2092, %broadcast_in_dim3A_2094 : vector<16xi1>, vector<16xf32>
      %add3A_2096 = arith.constant 32 : i32
      %add3A_2097 = arith.addi %mul3A_2051, %add3A_2096 : i32
      %swap3A_2098 = arith.index_cast %add3A_2097 : i32 to index
      %swap3A_2099 = tpu.vector_load %arg5[%swap3A_2098] {strides = array<i32>} : memref<16384xf32, #tpu.memory_space<vmem>>, vector<16xf32>,
      tpu.vector_store %arg5[%swap3A_2098], %select_n3A_2095 {strides = array<i32>} : memref<16384xf32, #tpu.memory_space<vmem>>, vector<16xf32>,
      %add3A_2100 = arith.constant 48 : i32
      %add3A_2101 = arith.addi %mul3A_2045, %add3A_2100 : i32
      %broadcast_in_dim3A_2102 = vector.broadcast %add3A_2101 : i32 to vector<16xi32>
      %add3A_2103 = arith.addi %broadcast_in_dim3A_2102, %iota3A : vector<16xi32>
      %gather3A_2104 = tpu.vector_load_idx %arg4[%add3A_2103] : memref<16640xf32, #tpu.memory_space<vmem>>[vector<16xi32>], vector<16xf32>,
      %ge3A_2105 = arith.cmpf oge, %gather3A_2104, %gather3A_2031 : vector<16xf32>
      %sub3A_2106 = arith.subf %gather3A_2104, %gather3A_2035 : vector<16xf32>
      %exp3A_2107 = math.exp %sub3A_2106 : vector<16xf32>
      %mul3A_2108 = arith.mulf %exp3A_2107, %gather3A_2039 : vector<16xf32>
      %jit3A_2109 = arith.constant 0.000000e+00 : f32
      %broadcast_in_dim3A_2110 = vector.broadcast %jit3A_2109 : f32 to vector<16xf32>
      %select_n3A_2111 = arith.select %ge3A_2105, %mul3A_2108, %broadcast_in_dim3A_2110 : vector<16xi1>, vector<16xf32>
      %add3A_2112 = arith.constant 48 : i32
      %add3A_2113 = arith.addi %mul3A_2051, %add3A_2112 : i32
      %swap3A_2114 = arith.index_cast %add3A_2113 : i32 to index
      %swap3A_2115 = tpu.vector_load %arg5[%swap3A_2114] {strides = array<i32>} : memref<16384xf32, #tpu.memory_space<vmem>>, vector<16xf32>,
      tpu.vector_store %arg5[%swap3A_2114], %select_n3A_2111 {strides = array<i32>} : memref<16384xf32, #tpu.memory_space<vmem>>, vector<16xf32>,
      %broadcast_in_dim3A_2116 = arith.constant 9 : i32
      %broadcast_in_dim3A_2117 = vector.broadcast %broadcast_in_dim3A_2116 : i32 to vector<16x1xi32>
      %gather3A_2118 = vector.shape_cast %broadcast_in_dim3A_2117 : vector<16x1xi32> to vector<16xi32>
      %gather3A_2119 = tpu.dynamic_gather %max3A_1303[%gather3A_2118] in [0] : vector<16xf32>, vector<16xi32> -> vector<16xf32>
      %broadcast_in_dim3A_2120 = arith.constant 9 : i32
      %broadcast_in_dim3A_2121 = vector.broadcast %broadcast_in_dim3A_2120 : i32 to vector<16x1xi32>
      %gather3A_2122 = vector.shape_cast %broadcast_in_dim3A_2121 : vector<16x1xi32> to vector<16xi32>
      %gather3A_2123 = tpu.dynamic_gather %max3A_1289[%gather3A_2122] in [0] : vector<16xf32>, vector<16xi32> -> vector<16xf32>
      %broadcast_in_dim3A_2124 = arith.constant 9 : i32
      %broadcast_in_dim3A_2125 = vector.broadcast %broadcast_in_dim3A_2124 : i32 to vector<16x1xi32>
      %gather3A_2126 = vector.shape_cast %broadcast_in_dim3A_2125 : vector<16x1xi32> to vector<16xi32>
      %gather3A_2127 = tpu.dynamic_gather %div3A_1327[%gather3A_2126] in [0] : vector<16xf32>, vector<16xi32> -> vector<16xf32>
      %mul3A_2128 = arith.constant 16 : i32
      %mul3A_2129 = arith.muli %scan3A_13, %mul3A_2128 : i32
      %add3A_2130 = arith.constant 9 : i32
      %add3A_2131 = arith.addi %mul3A_2129, %add3A_2130 : i32
      %mul3A_2132 = arith.constant 65 : i32
      %mul3A_2133 = arith.muli %add3A_2131, %mul3A_2132 : i32
      %mul3A_2134 = arith.constant 16 : i32
      %mul3A_2135 = arith.muli %scan3A_13, %mul3A_2134 : i32
      %add3A_2136 = arith.constant 9 : i32
      %add3A_2137 = arith.addi %mul3A_2135, %add3A_2136 : i32
      %mul3A_2138 = arith.constant 64 : i32
      %mul3A_2139 = arith.muli %add3A_2137, %mul3A_2138 : i32
      %add3A_2140 = arith.constant 0 : i32
      %add3A_2141 = arith.addi %mul3A_2133, %add3A_2140 : i32
      %broadcast_in_dim3A_2142 = vector.broadcast %add3A_2141 : i32 to vector<16xi32>
      %add3A_2143 = arith.addi %broadcast_in_dim3A_2142, %iota3A : vector<16xi32>
      %gather3A_2144 = tpu.vector_load_idx %arg4[%add3A_2143] : memref<16640xf32, #tpu.memory_space<vmem>>[vector<16xi32>], vector<16xf32>,
      %ge3A_2145 = arith.cmpf oge, %gather3A_2144, %gather3A_2119 : vector<16xf32>
      %sub3A_2146 = arith.subf %gather3A_2144, %gather3A_2123 : vector<16xf32>
      %exp3A_2147 = math.exp %sub3A_2146 : vector<16xf32>
      %mul3A_2148 = arith.mulf %exp3A_2147, %gather3A_2127 : vector<16xf32>
      %jit3A_2149 = arith.constant 0.000000e+00 : f32
      %broadcast_in_dim3A_2150 = vector.broadcast %jit3A_2149 : f32 to vector<16xf32>
      %select_n3A_2151 = arith.select %ge3A_2145, %mul3A_2148, %broadcast_in_dim3A_2150 : vector<16xi1>, vector<16xf32>
      %add3A_2152 = arith.constant 0 : i32
      %add3A_2153 = arith.addi %mul3A_2139, %add3A_2152 : i32
      %swap3A_2154 = arith.index_cast %add3A_2153 : i32 to index
      %swap3A_2155 = tpu.vector_load %arg5[%swap3A_2154] {strides = array<i32>} : memref<16384xf32, #tpu.memory_space<vmem>>, vector<16xf32>,
      tpu.vector_store %arg5[%swap3A_2154], %select_n3A_2151 {strides = array<i32>} : memref<16384xf32, #tpu.memory_space<vmem>>, vector<16xf32>,
      %add3A_2156 = arith.constant 16 : i32
      %add3A_2157 = arith.addi %mul3A_2133, %add3A_2156 : i32
      %broadcast_in_dim3A_2158 = vector.broadcast %add3A_2157 : i32 to vector<16xi32>
      %add3A_2159 = arith.addi %broadcast_in_dim3A_2158, %iota3A : vector<16xi32>
      %gather3A_2160 = tpu.vector_load_idx %arg4[%add3A_2159] : memref<16640xf32, #tpu.memory_space<vmem>>[vector<16xi32>], vector<16xf32>,
      %ge3A_2161 = arith.cmpf oge, %gather3A_2160, %gather3A_2119 : vector<16xf32>
      %sub3A_2162 = arith.subf %gather3A_2160, %gather3A_2123 : vector<16xf32>
      %exp3A_2163 = math.exp %sub3A_2162 : vector<16xf32>
      %mul3A_2164 = arith.mulf %exp3A_2163, %gather3A_2127 : vector<16xf32>
      %jit3A_2165 = arith.constant 0.000000e+00 : f32
      %broadcast_in_dim3A_2166 = vector.broadcast %jit3A_2165 : f32 to vector<16xf32>
      %select_n3A_2167 = arith.select %ge3A_2161, %mul3A_2164, %broadcast_in_dim3A_2166 : vector<16xi1>, vector<16xf32>
      %add3A_2168 = arith.constant 16 : i32
      %add3A_2169 = arith.addi %mul3A_2139, %add3A_2168 : i32
      %swap3A_2170 = arith.index_cast %add3A_2169 : i32 to index
      %swap3A_2171 = tpu.vector_load %arg5[%swap3A_2170] {strides = array<i32>} : memref<16384xf32, #tpu.memory_space<vmem>>, vector<16xf32>,
      tpu.vector_store %arg5[%swap3A_2170], %select_n3A_2167 {strides = array<i32>} : memref<16384xf32, #tpu.memory_space<vmem>>, vector<16xf32>,
      %add3A_2172 = arith.constant 32 : i32
      %add3A_2173 = arith.addi %mul3A_2133, %add3A_2172 : i32
      %broadcast_in_dim3A_2174 = vector.broadcast %add3A_2173 : i32 to vector<16xi32>
      %add3A_2175 = arith.addi %broadcast_in_dim3A_2174, %iota3A : vector<16xi32>
      %gather3A_2176 = tpu.vector_load_idx %arg4[%add3A_2175] : memref<16640xf32, #tpu.memory_space<vmem>>[vector<16xi32>], vector<16xf32>,
      %ge3A_2177 = arith.cmpf oge, %gather3A_2176, %gather3A_2119 : vector<16xf32>
      %sub3A_2178 = arith.subf %gather3A_2176, %gather3A_2123 : vector<16xf32>
      %exp3A_2179 = math.exp %sub3A_2178 : vector<16xf32>
      %mul3A_2180 = arith.mulf %exp3A_2179, %gather3A_2127 : vector<16xf32>
      %jit3A_2181 = arith.constant 0.000000e+00 : f32
      %broadcast_in_dim3A_2182 = vector.broadcast %jit3A_2181 : f32 to vector<16xf32>
      %select_n3A_2183 = arith.select %ge3A_2177, %mul3A_2180, %broadcast_in_dim3A_2182 : vector<16xi1>, vector<16xf32>
      %add3A_2184 = arith.constant 32 : i32
      %add3A_2185 = arith.addi %mul3A_2139, %add3A_2184 : i32
      %swap3A_2186 = arith.index_cast %add3A_2185 : i32 to index
      %swap3A_2187 = tpu.vector_load %arg5[%swap3A_2186] {strides = array<i32>} : memref<16384xf32, #tpu.memory_space<vmem>>, vector<16xf32>,
      tpu.vector_store %arg5[%swap3A_2186], %select_n3A_2183 {strides = array<i32>} : memref<16384xf32, #tpu.memory_space<vmem>>, vector<16xf32>,
      %add3A_2188 = arith.constant 48 : i32
      %add3A_2189 = arith.addi %mul3A_2133, %add3A_2188 : i32
      %broadcast_in_dim3A_2190 = vector.broadcast %add3A_2189 : i32 to vector<16xi32>
      %add3A_2191 = arith.addi %broadcast_in_dim3A_2190, %iota3A : vector<16xi32>
      %gather3A_2192 = tpu.vector_load_idx %arg4[%add3A_2191] : memref<16640xf32, #tpu.memory_space<vmem>>[vector<16xi32>], vector<16xf32>,
      %ge3A_2193 = arith.cmpf oge, %gather3A_2192, %gather3A_2119 : vector<16xf32>
      %sub3A_2194 = arith.subf %gather3A_2192, %gather3A_2123 : vector<16xf32>
      %exp3A_2195 = math.exp %sub3A_2194 : vector<16xf32>
      %mul3A_2196 = arith.mulf %exp3A_2195, %gather3A_2127 : vector<16xf32>
      %jit3A_2197 = arith.constant 0.000000e+00 : f32
      %broadcast_in_dim3A_2198 = vector.broadcast %jit3A_2197 : f32 to vector<16xf32>
      %select_n3A_2199 = arith.select %ge3A_2193, %mul3A_2196, %broadcast_in_dim3A_2198 : vector<16xi1>, vector<16xf32>
      %add3A_2200 = arith.constant 48 : i32
      %add3A_2201 = arith.addi %mul3A_2139, %add3A_2200 : i32
      %swap3A_2202 = arith.index_cast %add3A_2201 : i32 to index
      %swap3A_2203 = tpu.vector_load %arg5[%swap3A_2202] {strides = array<i32>} : memref<16384xf32, #tpu.memory_space<vmem>>, vector<16xf32>,
      tpu.vector_store %arg5[%swap3A_2202], %select_n3A_2199 {strides = array<i32>} : memref<16384xf32, #tpu.memory_space<vmem>>, vector<16xf32>,
      %broadcast_in_dim3A_2204 = arith.constant 10 : i32
      %broadcast_in_dim3A_2205 = vector.broadcast %broadcast_in_dim3A_2204 : i32 to vector<16x1xi32>
      %gather3A_2206 = vector.shape_cast %broadcast_in_dim3A_2205 : vector<16x1xi32> to vector<16xi32>
      %gather3A_2207 = tpu.dynamic_gather %max3A_1303[%gather3A_2206] in [0] : vector<16xf32>, vector<16xi32> -> vector<16xf32>
      %broadcast_in_dim3A_2208 = arith.constant 10 : i32
      %broadcast_in_dim3A_2209 = vector.broadcast %broadcast_in_dim3A_2208 : i32 to vector<16x1xi32>
      %gather3A_2210 = vector.shape_cast %broadcast_in_dim3A_2209 : vector<16x1xi32> to vector<16xi32>
      %gather3A_2211 = tpu.dynamic_gather %max3A_1289[%gather3A_2210] in [0] : vector<16xf32>, vector<16xi32> -> vector<16xf32>
      %broadcast_in_dim3A_2212 = arith.constant 10 : i32
      %broadcast_in_dim3A_2213 = vector.broadcast %broadcast_in_dim3A_2212 : i32 to vector<16x1xi32>
      %gather3A_2214 = vector.shape_cast %broadcast_in_dim3A_2213 : vector<16x1xi32> to vector<16xi32>
      %gather3A_2215 = tpu.dynamic_gather %div3A_1327[%gather3A_2214] in [0] : vector<16xf32>, vector<16xi32> -> vector<16xf32>
      %mul3A_2216 = arith.constant 16 : i32
      %mul3A_2217 = arith.muli %scan3A_13, %mul3A_2216 : i32
      %add3A_2218 = arith.constant 10 : i32
      %add3A_2219 = arith.addi %mul3A_2217, %add3A_2218 : i32
      %mul3A_2220 = arith.constant 65 : i32
      %mul3A_2221 = arith.muli %add3A_2219, %mul3A_2220 : i32
      %mul3A_2222 = arith.constant 16 : i32
      %mul3A_2223 = arith.muli %scan3A_13, %mul3A_2222 : i32
      %add3A_2224 = arith.constant 10 : i32
      %add3A_2225 = arith.addi %mul3A_2223, %add3A_2224 : i32
      %mul3A_2226 = arith.constant 64 : i32
      %mul3A_2227 = arith.muli %add3A_2225, %mul3A_2226 : i32
      %add3A_2228 = arith.constant 0 : i32
      %add3A_2229 = arith.addi %mul3A_2221, %add3A_2228 : i32
      %broadcast_in_dim3A_2230 = vector.broadcast %add3A_2229 : i32 to vector<16xi32>
      %add3A_2231 = arith.addi %broadcast_in_dim3A_2230, %iota3A : vector<16xi32>
      %gather3A_2232 = tpu.vector_load_idx %arg4[%add3A_2231] : memref<16640xf32, #tpu.memory_space<vmem>>[vector<16xi32>], vector<16xf32>,
      %ge3A_2233 = arith.cmpf oge, %gather3A_2232, %gather3A_2207 : vector<16xf32>
      %sub3A_2234 = arith.subf %gather3A_2232, %gather3A_2211 : vector<16xf32>
      %exp3A_2235 = math.exp %sub3A_2234 : vector<16xf32>
      %mul3A_2236 = arith.mulf %exp3A_2235, %gather3A_2215 : vector<16xf32>
      %jit3A_2237 = arith.constant 0.000000e+00 : f32
      %broadcast_in_dim3A_2238 = vector.broadcast %jit3A_2237 : f32 to vector<16xf32>
      %select_n3A_2239 = arith.select %ge3A_2233, %mul3A_2236, %broadcast_in_dim3A_2238 : vector<16xi1>, vector<16xf32>
      %add3A_2240 = arith.constant 0 : i32
      %add3A_2241 = arith.addi %mul3A_2227, %add3A_2240 : i32
      %swap3A_2242 = arith.index_cast %add3A_2241 : i32 to index
      %swap3A_2243 = tpu.vector_load %arg5[%swap3A_2242] {strides = array<i32>} : memref<16384xf32, #tpu.memory_space<vmem>>, vector<16xf32>,
      tpu.vector_store %arg5[%swap3A_2242], %select_n3A_2239 {strides = array<i32>} : memref<16384xf32, #tpu.memory_space<vmem>>, vector<16xf32>,
      %add3A_2244 = arith.constant 16 : i32
      %add3A_2245 = arith.addi %mul3A_2221, %add3A_2244 : i32
      %broadcast_in_dim3A_2246 = vector.broadcast %add3A_2245 : i32 to vector<16xi32>
      %add3A_2247 = arith.addi %broadcast_in_dim3A_2246, %iota3A : vector<16xi32>
      %gather3A_2248 = tpu.vector_load_idx %arg4[%add3A_2247] : memref<16640xf32, #tpu.memory_space<vmem>>[vector<16xi32>], vector<16xf32>,
      %ge3A_2249 = arith.cmpf oge, %gather3A_2248, %gather3A_2207 : vector<16xf32>
      %sub3A_2250 = arith.subf %gather3A_2248, %gather3A_2211 : vector<16xf32>
      %exp3A_2251 = math.exp %sub3A_2250 : vector<16xf32>
      %mul3A_2252 = arith.mulf %exp3A_2251, %gather3A_2215 : vector<16xf32>
      %jit3A_2253 = arith.constant 0.000000e+00 : f32
      %broadcast_in_dim3A_2254 = vector.broadcast %jit3A_2253 : f32 to vector<16xf32>
      %select_n3A_2255 = arith.select %ge3A_2249, %mul3A_2252, %broadcast_in_dim3A_2254 : vector<16xi1>, vector<16xf32>
      %add3A_2256 = arith.constant 16 : i32
      %add3A_2257 = arith.addi %mul3A_2227, %add3A_2256 : i32
      %swap3A_2258 = arith.index_cast %add3A_2257 : i32 to index
      %swap3A_2259 = tpu.vector_load %arg5[%swap3A_2258] {strides = array<i32>} : memref<16384xf32, #tpu.memory_space<vmem>>, vector<16xf32>,
      tpu.vector_store %arg5[%swap3A_2258], %select_n3A_2255 {strides = array<i32>} : memref<16384xf32, #tpu.memory_space<vmem>>, vector<16xf32>,
      %add3A_2260 = arith.constant 32 : i32
      %add3A_2261 = arith.addi %mul3A_2221, %add3A_2260 : i32
      %broadcast_in_dim3A_2262 = vector.broadcast %add3A_2261 : i32 to vector<16xi32>
      %add3A_2263 = arith.addi %broadcast_in_dim3A_2262, %iota3A : vector<16xi32>
      %gather3A_2264 = tpu.vector_load_idx %arg4[%add3A_2263] : memref<16640xf32, #tpu.memory_space<vmem>>[vector<16xi32>], vector<16xf32>,
      %ge3A_2265 = arith.cmpf oge, %gather3A_2264, %gather3A_2207 : vector<16xf32>
      %sub3A_2266 = arith.subf %gather3A_2264, %gather3A_2211 : vector<16xf32>
      %exp3A_2267 = math.exp %sub3A_2266 : vector<16xf32>
      %mul3A_2268 = arith.mulf %exp3A_2267, %gather3A_2215 : vector<16xf32>
      %jit3A_2269 = arith.constant 0.000000e+00 : f32
      %broadcast_in_dim3A_2270 = vector.broadcast %jit3A_2269 : f32 to vector<16xf32>
      %select_n3A_2271 = arith.select %ge3A_2265, %mul3A_2268, %broadcast_in_dim3A_2270 : vector<16xi1>, vector<16xf32>
      %add3A_2272 = arith.constant 32 : i32
      %add3A_2273 = arith.addi %mul3A_2227, %add3A_2272 : i32
      %swap3A_2274 = arith.index_cast %add3A_2273 : i32 to index
      %swap3A_2275 = tpu.vector_load %arg5[%swap3A_2274] {strides = array<i32>} : memref<16384xf32, #tpu.memory_space<vmem>>, vector<16xf32>,
      tpu.vector_store %arg5[%swap3A_2274], %select_n3A_2271 {strides = array<i32>} : memref<16384xf32, #tpu.memory_space<vmem>>, vector<16xf32>,
      %add3A_2276 = arith.constant 48 : i32
      %add3A_2277 = arith.addi %mul3A_2221, %add3A_2276 : i32
      %broadcast_in_dim3A_2278 = vector.broadcast %add3A_2277 : i32 to vector<16xi32>
      %add3A_2279 = arith.addi %broadcast_in_dim3A_2278, %iota3A : vector<16xi32>
      %gather3A_2280 = tpu.vector_load_idx %arg4[%add3A_2279] : memref<16640xf32, #tpu.memory_space<vmem>>[vector<16xi32>], vector<16xf32>,
      %ge3A_2281 = arith.cmpf oge, %gather3A_2280, %gather3A_2207 : vector<16xf32>
      %sub3A_2282 = arith.subf %gather3A_2280, %gather3A_2211 : vector<16xf32>
      %exp3A_2283 = math.exp %sub3A_2282 : vector<16xf32>
      %mul3A_2284 = arith.mulf %exp3A_2283, %gather3A_2215 : vector<16xf32>
      %jit3A_2285 = arith.constant 0.000000e+00 : f32
      %broadcast_in_dim3A_2286 = vector.broadcast %jit3A_2285 : f32 to vector<16xf32>
      %select_n3A_2287 = arith.select %ge3A_2281, %mul3A_2284, %broadcast_in_dim3A_2286 : vector<16xi1>, vector<16xf32>
      %add3A_2288 = arith.constant 48 : i32
      %add3A_2289 = arith.addi %mul3A_2227, %add3A_2288 : i32
      %swap3A_2290 = arith.index_cast %add3A_2289 : i32 to index
      %swap3A_2291 = tpu.vector_load %arg5[%swap3A_2290] {strides = array<i32>} : memref<16384xf32, #tpu.memory_space<vmem>>, vector<16xf32>,
      tpu.vector_store %arg5[%swap3A_2290], %select_n3A_2287 {strides = array<i32>} : memref<16384xf32, #tpu.memory_space<vmem>>, vector<16xf32>,
      %broadcast_in_dim3A_2292 = arith.constant 11 : i32
      %broadcast_in_dim3A_2293 = vector.broadcast %broadcast_in_dim3A_2292 : i32 to vector<16x1xi32>
      %gather3A_2294 = vector.shape_cast %broadcast_in_dim3A_2293 : vector<16x1xi32> to vector<16xi32>
      %gather3A_2295 = tpu.dynamic_gather %max3A_1303[%gather3A_2294] in [0] : vector<16xf32>, vector<16xi32> -> vector<16xf32>
      %broadcast_in_dim3A_2296 = arith.constant 11 : i32
      %broadcast_in_dim3A_2297 = vector.broadcast %broadcast_in_dim3A_2296 : i32 to vector<16x1xi32>
      %gather3A_2298 = vector.shape_cast %broadcast_in_dim3A_2297 : vector<16x1xi32> to vector<16xi32>
      %gather3A_2299 = tpu.dynamic_gather %max3A_1289[%gather3A_2298] in [0] : vector<16xf32>, vector<16xi32> -> vector<16xf32>
      %broadcast_in_dim3A_2300 = arith.constant 11 : i32
      %broadcast_in_dim3A_2301 = vector.broadcast %broadcast_in_dim3A_2300 : i32 to vector<16x1xi32>
      %gather3A_2302 = vector.shape_cast %broadcast_in_dim3A_2301 : vector<16x1xi32> to vector<16xi32>
      %gather3A_2303 = tpu.dynamic_gather %div3A_1327[%gather3A_2302] in [0] : vector<16xf32>, vector<16xi32> -> vector<16xf32>
      %mul3A_2304 = arith.constant 16 : i32
      %mul3A_2305 = arith.muli %scan3A_13, %mul3A_2304 : i32
      %add3A_2306 = arith.constant 11 : i32
      %add3A_2307 = arith.addi %mul3A_2305, %add3A_2306 : i32
      %mul3A_2308 = arith.constant 65 : i32
      %mul3A_2309 = arith.muli %add3A_2307, %mul3A_2308 : i32
      %mul3A_2310 = arith.constant 16 : i32
      %mul3A_2311 = arith.muli %scan3A_13, %mul3A_2310 : i32
      %add3A_2312 = arith.constant 11 : i32
      %add3A_2313 = arith.addi %mul3A_2311, %add3A_2312 : i32
      %mul3A_2314 = arith.constant 64 : i32
      %mul3A_2315 = arith.muli %add3A_2313, %mul3A_2314 : i32
      %add3A_2316 = arith.constant 0 : i32
      %add3A_2317 = arith.addi %mul3A_2309, %add3A_2316 : i32
      %broadcast_in_dim3A_2318 = vector.broadcast %add3A_2317 : i32 to vector<16xi32>
      %add3A_2319 = arith.addi %broadcast_in_dim3A_2318, %iota3A : vector<16xi32>
      %gather3A_2320 = tpu.vector_load_idx %arg4[%add3A_2319] : memref<16640xf32, #tpu.memory_space<vmem>>[vector<16xi32>], vector<16xf32>,
      %ge3A_2321 = arith.cmpf oge, %gather3A_2320, %gather3A_2295 : vector<16xf32>
      %sub3A_2322 = arith.subf %gather3A_2320, %gather3A_2299 : vector<16xf32>
      %exp3A_2323 = math.exp %sub3A_2322 : vector<16xf32>
      %mul3A_2324 = arith.mulf %exp3A_2323, %gather3A_2303 : vector<16xf32>
      %jit3A_2325 = arith.constant 0.000000e+00 : f32
      %broadcast_in_dim3A_2326 = vector.broadcast %jit3A_2325 : f32 to vector<16xf32>
      %select_n3A_2327 = arith.select %ge3A_2321, %mul3A_2324, %broadcast_in_dim3A_2326 : vector<16xi1>, vector<16xf32>
      %add3A_2328 = arith.constant 0 : i32
      %add3A_2329 = arith.addi %mul3A_2315, %add3A_2328 : i32
      %swap3A_2330 = arith.index_cast %add3A_2329 : i32 to index
      %swap3A_2331 = tpu.vector_load %arg5[%swap3A_2330] {strides = array<i32>} : memref<16384xf32, #tpu.memory_space<vmem>>, vector<16xf32>,
      tpu.vector_store %arg5[%swap3A_2330], %select_n3A_2327 {strides = array<i32>} : memref<16384xf32, #tpu.memory_space<vmem>>, vector<16xf32>,
      %add3A_2332 = arith.constant 16 : i32
      %add3A_2333 = arith.addi %mul3A_2309, %add3A_2332 : i32
      %broadcast_in_dim3A_2334 = vector.broadcast %add3A_2333 : i32 to vector<16xi32>
      %add3A_2335 = arith.addi %broadcast_in_dim3A_2334, %iota3A : vector<16xi32>
      %gather3A_2336 = tpu.vector_load_idx %arg4[%add3A_2335] : memref<16640xf32, #tpu.memory_space<vmem>>[vector<16xi32>], vector<16xf32>,
      %ge3A_2337 = arith.cmpf oge, %gather3A_2336, %gather3A_2295 : vector<16xf32>
      %sub3A_2338 = arith.subf %gather3A_2336, %gather3A_2299 : vector<16xf32>
      %exp3A_2339 = math.exp %sub3A_2338 : vector<16xf32>
      %mul3A_2340 = arith.mulf %exp3A_2339, %gather3A_2303 : vector<16xf32>
      %jit3A_2341 = arith.constant 0.000000e+00 : f32
      %broadcast_in_dim3A_2342 = vector.broadcast %jit3A_2341 : f32 to vector<16xf32>
      %select_n3A_2343 = arith.select %ge3A_2337, %mul3A_2340, %broadcast_in_dim3A_2342 : vector<16xi1>, vector<16xf32>
      %add3A_2344 = arith.constant 16 : i32
      %add3A_2345 = arith.addi %mul3A_2315, %add3A_2344 : i32
      %swap3A_2346 = arith.index_cast %add3A_2345 : i32 to index
      %swap3A_2347 = tpu.vector_load %arg5[%swap3A_2346] {strides = array<i32>} : memref<16384xf32, #tpu.memory_space<vmem>>, vector<16xf32>,
      tpu.vector_store %arg5[%swap3A_2346], %select_n3A_2343 {strides = array<i32>} : memref<16384xf32, #tpu.memory_space<vmem>>, vector<16xf32>,
      %add3A_2348 = arith.constant 32 : i32
      %add3A_2349 = arith.addi %mul3A_2309, %add3A_2348 : i32
      %broadcast_in_dim3A_2350 = vector.broadcast %add3A_2349 : i32 to vector<16xi32>
      %add3A_2351 = arith.addi %broadcast_in_dim3A_2350, %iota3A : vector<16xi32>
      %gather3A_2352 = tpu.vector_load_idx %arg4[%add3A_2351] : memref<16640xf32, #tpu.memory_space<vmem>>[vector<16xi32>], vector<16xf32>,
      %ge3A_2353 = arith.cmpf oge, %gather3A_2352, %gather3A_2295 : vector<16xf32>
      %sub3A_2354 = arith.subf %gather3A_2352, %gather3A_2299 : vector<16xf32>
      %exp3A_2355 = math.exp %sub3A_2354 : vector<16xf32>
      %mul3A_2356 = arith.mulf %exp3A_2355, %gather3A_2303 : vector<16xf32>
      %jit3A_2357 = arith.constant 0.000000e+00 : f32
      %broadcast_in_dim3A_2358 = vector.broadcast %jit3A_2357 : f32 to vector<16xf32>
      %select_n3A_2359 = arith.select %ge3A_2353, %mul3A_2356, %broadcast_in_dim3A_2358 : vector<16xi1>, vector<16xf32>
      %add3A_2360 = arith.constant 32 : i32
      %add3A_2361 = arith.addi %mul3A_2315, %add3A_2360 : i32
      %swap3A_2362 = arith.index_cast %add3A_2361 : i32 to index
      %swap3A_2363 = tpu.vector_load %arg5[%swap3A_2362] {strides = array<i32>} : memref<16384xf32, #tpu.memory_space<vmem>>, vector<16xf32>,
      tpu.vector_store %arg5[%swap3A_2362], %select_n3A_2359 {strides = array<i32>} : memref<16384xf32, #tpu.memory_space<vmem>>, vector<16xf32>,
      %add3A_2364 = arith.constant 48 : i32
      %add3A_2365 = arith.addi %mul3A_2309, %add3A_2364 : i32
      %broadcast_in_dim3A_2366 = vector.broadcast %add3A_2365 : i32 to vector<16xi32>
      %add3A_2367 = arith.addi %broadcast_in_dim3A_2366, %iota3A : vector<16xi32>
      %gather3A_2368 = tpu.vector_load_idx %arg4[%add3A_2367] : memref<16640xf32, #tpu.memory_space<vmem>>[vector<16xi32>], vector<16xf32>,
      %ge3A_2369 = arith.cmpf oge, %gather3A_2368, %gather3A_2295 : vector<16xf32>
      %sub3A_2370 = arith.subf %gather3A_2368, %gather3A_2299 : vector<16xf32>
      %exp3A_2371 = math.exp %sub3A_2370 : vector<16xf32>
      %mul3A_2372 = arith.mulf %exp3A_2371, %gather3A_2303 : vector<16xf32>
      %jit3A_2373 = arith.constant 0.000000e+00 : f32
      %broadcast_in_dim3A_2374 = vector.broadcast %jit3A_2373 : f32 to vector<16xf32>
      %select_n3A_2375 = arith.select %ge3A_2369, %mul3A_2372, %broadcast_in_dim3A_2374 : vector<16xi1>, vector<16xf32>
      %add3A_2376 = arith.constant 48 : i32
      %add3A_2377 = arith.addi %mul3A_2315, %add3A_2376 : i32
      %swap3A_2378 = arith.index_cast %add3A_2377 : i32 to index
      %swap3A_2379 = tpu.vector_load %arg5[%swap3A_2378] {strides = array<i32>} : memref<16384xf32, #tpu.memory_space<vmem>>, vector<16xf32>,
      tpu.vector_store %arg5[%swap3A_2378], %select_n3A_2375 {strides = array<i32>} : memref<16384xf32, #tpu.memory_space<vmem>>, vector<16xf32>,
      %broadcast_in_dim3A_2380 = arith.constant 12 : i32
      %broadcast_in_dim3A_2381 = vector.broadcast %broadcast_in_dim3A_2380 : i32 to vector<16x1xi32>
      %gather3A_2382 = vector.shape_cast %broadcast_in_dim3A_2381 : vector<16x1xi32> to vector<16xi32>
      %gather3A_2383 = tpu.dynamic_gather %max3A_1303[%gather3A_2382] in [0] : vector<16xf32>, vector<16xi32> -> vector<16xf32>
      %broadcast_in_dim3A_2384 = arith.constant 12 : i32
      %broadcast_in_dim3A_2385 = vector.broadcast %broadcast_in_dim3A_2384 : i32 to vector<16x1xi32>
      %gather3A_2386 = vector.shape_cast %broadcast_in_dim3A_2385 : vector<16x1xi32> to vector<16xi32>
      %gather3A_2387 = tpu.dynamic_gather %max3A_1289[%gather3A_2386] in [0] : vector<16xf32>, vector<16xi32> -> vector<16xf32>
      %broadcast_in_dim3A_2388 = arith.constant 12 : i32
      %broadcast_in_dim3A_2389 = vector.broadcast %broadcast_in_dim3A_2388 : i32 to vector<16x1xi32>
      %gather3A_2390 = vector.shape_cast %broadcast_in_dim3A_2389 : vector<16x1xi32> to vector<16xi32>
      %gather3A_2391 = tpu.dynamic_gather %div3A_1327[%gather3A_2390] in [0] : vector<16xf32>, vector<16xi32> -> vector<16xf32>
      %mul3A_2392 = arith.constant 16 : i32
      %mul3A_2393 = arith.muli %scan3A_13, %mul3A_2392 : i32
      %add3A_2394 = arith.constant 12 : i32
      %add3A_2395 = arith.addi %mul3A_2393, %add3A_2394 : i32
      %mul3A_2396 = arith.constant 65 : i32
      %mul3A_2397 = arith.muli %add3A_2395, %mul3A_2396 : i32
      %mul3A_2398 = arith.constant 16 : i32
      %mul3A_2399 = arith.muli %scan3A_13, %mul3A_2398 : i32
      %add3A_2400 = arith.constant 12 : i32
      %add3A_2401 = arith.addi %mul3A_2399, %add3A_2400 : i32
      %mul3A_2402 = arith.constant 64 : i32
      %mul3A_2403 = arith.muli %add3A_2401, %mul3A_2402 : i32
      %add3A_2404 = arith.constant 0 : i32
      %add3A_2405 = arith.addi %mul3A_2397, %add3A_2404 : i32
      %broadcast_in_dim3A_2406 = vector.broadcast %add3A_2405 : i32 to vector<16xi32>
      %add3A_2407 = arith.addi %broadcast_in_dim3A_2406, %iota3A : vector<16xi32>
      %gather3A_2408 = tpu.vector_load_idx %arg4[%add3A_2407] : memref<16640xf32, #tpu.memory_space<vmem>>[vector<16xi32>], vector<16xf32>,
      %ge3A_2409 = arith.cmpf oge, %gather3A_2408, %gather3A_2383 : vector<16xf32>
      %sub3A_2410 = arith.subf %gather3A_2408, %gather3A_2387 : vector<16xf32>
      %exp3A_2411 = math.exp %sub3A_2410 : vector<16xf32>
      %mul3A_2412 = arith.mulf %exp3A_2411, %gather3A_2391 : vector<16xf32>
      %jit3A_2413 = arith.constant 0.000000e+00 : f32
      %broadcast_in_dim3A_2414 = vector.broadcast %jit3A_2413 : f32 to vector<16xf32>
      %select_n3A_2415 = arith.select %ge3A_2409, %mul3A_2412, %broadcast_in_dim3A_2414 : vector<16xi1>, vector<16xf32>
      %add3A_2416 = arith.constant 0 : i32
      %add3A_2417 = arith.addi %mul3A_2403, %add3A_2416 : i32
      %swap3A_2418 = arith.index_cast %add3A_2417 : i32 to index
      %swap3A_2419 = tpu.vector_load %arg5[%swap3A_2418] {strides = array<i32>} : memref<16384xf32, #tpu.memory_space<vmem>>, vector<16xf32>,
      tpu.vector_store %arg5[%swap3A_2418], %select_n3A_2415 {strides = array<i32>} : memref<16384xf32, #tpu.memory_space<vmem>>, vector<16xf32>,
      %add3A_2420 = arith.constant 16 : i32
      %add3A_2421 = arith.addi %mul3A_2397, %add3A_2420 : i32
      %broadcast_in_dim3A_2422 = vector.broadcast %add3A_2421 : i32 to vector<16xi32>
      %add3A_2423 = arith.addi %broadcast_in_dim3A_2422, %iota3A : vector<16xi32>
      %gather3A_2424 = tpu.vector_load_idx %arg4[%add3A_2423] : memref<16640xf32, #tpu.memory_space<vmem>>[vector<16xi32>], vector<16xf32>,
      %ge3A_2425 = arith.cmpf oge, %gather3A_2424, %gather3A_2383 : vector<16xf32>
      %sub3A_2426 = arith.subf %gather3A_2424, %gather3A_2387 : vector<16xf32>
      %exp3A_2427 = math.exp %sub3A_2426 : vector<16xf32>
      %mul3A_2428 = arith.mulf %exp3A_2427, %gather3A_2391 : vector<16xf32>
      %jit3A_2429 = arith.constant 0.000000e+00 : f32
      %broadcast_in_dim3A_2430 = vector.broadcast %jit3A_2429 : f32 to vector<16xf32>
      %select_n3A_2431 = arith.select %ge3A_2425, %mul3A_2428, %broadcast_in_dim3A_2430 : vector<16xi1>, vector<16xf32>
      %add3A_2432 = arith.constant 16 : i32
      %add3A_2433 = arith.addi %mul3A_2403, %add3A_2432 : i32
      %swap3A_2434 = arith.index_cast %add3A_2433 : i32 to index
      %swap3A_2435 = tpu.vector_load %arg5[%swap3A_2434] {strides = array<i32>} : memref<16384xf32, #tpu.memory_space<vmem>>, vector<16xf32>,
      tpu.vector_store %arg5[%swap3A_2434], %select_n3A_2431 {strides = array<i32>} : memref<16384xf32, #tpu.memory_space<vmem>>, vector<16xf32>,
      %add3A_2436 = arith.constant 32 : i32
      %add3A_2437 = arith.addi %mul3A_2397, %add3A_2436 : i32
      %broadcast_in_dim3A_2438 = vector.broadcast %add3A_2437 : i32 to vector<16xi32>
      %add3A_2439 = arith.addi %broadcast_in_dim3A_2438, %iota3A : vector<16xi32>
      %gather3A_2440 = tpu.vector_load_idx %arg4[%add3A_2439] : memref<16640xf32, #tpu.memory_space<vmem>>[vector<16xi32>], vector<16xf32>,
      %ge3A_2441 = arith.cmpf oge, %gather3A_2440, %gather3A_2383 : vector<16xf32>
      %sub3A_2442 = arith.subf %gather3A_2440, %gather3A_2387 : vector<16xf32>
      %exp3A_2443 = math.exp %sub3A_2442 : vector<16xf32>
      %mul3A_2444 = arith.mulf %exp3A_2443, %gather3A_2391 : vector<16xf32>
      %jit3A_2445 = arith.constant 0.000000e+00 : f32
      %broadcast_in_dim3A_2446 = vector.broadcast %jit3A_2445 : f32 to vector<16xf32>
      %select_n3A_2447 = arith.select %ge3A_2441, %mul3A_2444, %broadcast_in_dim3A_2446 : vector<16xi1>, vector<16xf32>
      %add3A_2448 = arith.constant 32 : i32
      %add3A_2449 = arith.addi %mul3A_2403, %add3A_2448 : i32
      %swap3A_2450 = arith.index_cast %add3A_2449 : i32 to index
      %swap3A_2451 = tpu.vector_load %arg5[%swap3A_2450] {strides = array<i32>} : memref<16384xf32, #tpu.memory_space<vmem>>, vector<16xf32>,
      tpu.vector_store %arg5[%swap3A_2450], %select_n3A_2447 {strides = array<i32>} : memref<16384xf32, #tpu.memory_space<vmem>>, vector<16xf32>,
      %add3A_2452 = arith.constant 48 : i32
      %add3A_2453 = arith.addi %mul3A_2397, %add3A_2452 : i32
      %broadcast_in_dim3A_2454 = vector.broadcast %add3A_2453 : i32 to vector<16xi32>
      %add3A_2455 = arith.addi %broadcast_in_dim3A_2454, %iota3A : vector<16xi32>
      %gather3A_2456 = tpu.vector_load_idx %arg4[%add3A_2455] : memref<16640xf32, #tpu.memory_space<vmem>>[vector<16xi32>], vector<16xf32>,
      %ge3A_2457 = arith.cmpf oge, %gather3A_2456, %gather3A_2383 : vector<16xf32>
      %sub3A_2458 = arith.subf %gather3A_2456, %gather3A_2387 : vector<16xf32>
      %exp3A_2459 = math.exp %sub3A_2458 : vector<16xf32>
      %mul3A_2460 = arith.mulf %exp3A_2459, %gather3A_2391 : vector<16xf32>
      %jit3A_2461 = arith.constant 0.000000e+00 : f32
      %broadcast_in_dim3A_2462 = vector.broadcast %jit3A_2461 : f32 to vector<16xf32>
      %select_n3A_2463 = arith.select %ge3A_2457, %mul3A_2460, %broadcast_in_dim3A_2462 : vector<16xi1>, vector<16xf32>
      %add3A_2464 = arith.constant 48 : i32
      %add3A_2465 = arith.addi %mul3A_2403, %add3A_2464 : i32
      %swap3A_2466 = arith.index_cast %add3A_2465 : i32 to index
      %swap3A_2467 = tpu.vector_load %arg5[%swap3A_2466] {strides = array<i32>} : memref<16384xf32, #tpu.memory_space<vmem>>, vector<16xf32>,
      tpu.vector_store %arg5[%swap3A_2466], %select_n3A_2463 {strides = array<i32>} : memref<16384xf32, #tpu.memory_space<vmem>>, vector<16xf32>,
      %broadcast_in_dim3A_2468 = arith.constant 13 : i32
      %broadcast_in_dim3A_2469 = vector.broadcast %broadcast_in_dim3A_2468 : i32 to vector<16x1xi32>
      %gather3A_2470 = vector.shape_cast %broadcast_in_dim3A_2469 : vector<16x1xi32> to vector<16xi32>
      %gather3A_2471 = tpu.dynamic_gather %max3A_1303[%gather3A_2470] in [0] : vector<16xf32>, vector<16xi32> -> vector<16xf32>
      %broadcast_in_dim3A_2472 = arith.constant 13 : i32
      %broadcast_in_dim3A_2473 = vector.broadcast %broadcast_in_dim3A_2472 : i32 to vector<16x1xi32>
      %gather3A_2474 = vector.shape_cast %broadcast_in_dim3A_2473 : vector<16x1xi32> to vector<16xi32>
      %gather3A_2475 = tpu.dynamic_gather %max3A_1289[%gather3A_2474] in [0] : vector<16xf32>, vector<16xi32> -> vector<16xf32>
      %broadcast_in_dim3A_2476 = arith.constant 13 : i32
      %broadcast_in_dim3A_2477 = vector.broadcast %broadcast_in_dim3A_2476 : i32 to vector<16x1xi32>
      %gather3A_2478 = vector.shape_cast %broadcast_in_dim3A_2477 : vector<16x1xi32> to vector<16xi32>
      %gather3A_2479 = tpu.dynamic_gather %div3A_1327[%gather3A_2478] in [0] : vector<16xf32>, vector<16xi32> -> vector<16xf32>
      %mul3A_2480 = arith.constant 16 : i32
      %mul3A_2481 = arith.muli %scan3A_13, %mul3A_2480 : i32
      %add3A_2482 = arith.constant 13 : i32
      %add3A_2483 = arith.addi %mul3A_2481, %add3A_2482 : i32
      %mul3A_2484 = arith.constant 65 : i32
      %mul3A_2485 = arith.muli %add3A_2483, %mul3A_2484 : i32
      %mul3A_2486 = arith.constant 16 : i32
      %mul3A_2487 = arith.muli %scan3A_13, %mul3A_2486 : i32
      %add3A_2488 = arith.constant 13 : i32
      %add3A_2489 = arith.addi %mul3A_2487, %add3A_2488 : i32
      %mul3A_2490 = arith.constant 64 : i32
      %mul3A_2491 = arith.muli %add3A_2489, %mul3A_2490 : i32
      %add3A_2492 = arith.constant 0 : i32
      %add3A_2493 = arith.addi %mul3A_2485, %add3A_2492 : i32
      %broadcast_in_dim3A_2494 = vector.broadcast %add3A_2493 : i32 to vector<16xi32>
      %add3A_2495 = arith.addi %broadcast_in_dim3A_2494, %iota3A : vector<16xi32>
      %gather3A_2496 = tpu.vector_load_idx %arg4[%add3A_2495] : memref<16640xf32, #tpu.memory_space<vmem>>[vector<16xi32>], vector<16xf32>,
      %ge3A_2497 = arith.cmpf oge, %gather3A_2496, %gather3A_2471 : vector<16xf32>
      %sub3A_2498 = arith.subf %gather3A_2496, %gather3A_2475 : vector<16xf32>
      %exp3A_2499 = math.exp %sub3A_2498 : vector<16xf32>
      %mul3A_2500 = arith.mulf %exp3A_2499, %gather3A_2479 : vector<16xf32>
      %jit3A_2501 = arith.constant 0.000000e+00 : f32
      %broadcast_in_dim3A_2502 = vector.broadcast %jit3A_2501 : f32 to vector<16xf32>
      %select_n3A_2503 = arith.select %ge3A_2497, %mul3A_2500, %broadcast_in_dim3A_2502 : vector<16xi1>, vector<16xf32>
      %add3A_2504 = arith.constant 0 : i32
      %add3A_2505 = arith.addi %mul3A_2491, %add3A_2504 : i32
      %swap3A_2506 = arith.index_cast %add3A_2505 : i32 to index
      %swap3A_2507 = tpu.vector_load %arg5[%swap3A_2506] {strides = array<i32>} : memref<16384xf32, #tpu.memory_space<vmem>>, vector<16xf32>,
      tpu.vector_store %arg5[%swap3A_2506], %select_n3A_2503 {strides = array<i32>} : memref<16384xf32, #tpu.memory_space<vmem>>, vector<16xf32>,
      %add3A_2508 = arith.constant 16 : i32
      %add3A_2509 = arith.addi %mul3A_2485, %add3A_2508 : i32
      %broadcast_in_dim3A_2510 = vector.broadcast %add3A_2509 : i32 to vector<16xi32>
      %add3A_2511 = arith.addi %broadcast_in_dim3A_2510, %iota3A : vector<16xi32>
      %gather3A_2512 = tpu.vector_load_idx %arg4[%add3A_2511] : memref<16640xf32, #tpu.memory_space<vmem>>[vector<16xi32>], vector<16xf32>,
      %ge3A_2513 = arith.cmpf oge, %gather3A_2512, %gather3A_2471 : vector<16xf32>
      %sub3A_2514 = arith.subf %gather3A_2512, %gather3A_2475 : vector<16xf32>
      %exp3A_2515 = math.exp %sub3A_2514 : vector<16xf32>
      %mul3A_2516 = arith.mulf %exp3A_2515, %gather3A_2479 : vector<16xf32>
      %jit3A_2517 = arith.constant 0.000000e+00 : f32
      %broadcast_in_dim3A_2518 = vector.broadcast %jit3A_2517 : f32 to vector<16xf32>
      %select_n3A_2519 = arith.select %ge3A_2513, %mul3A_2516, %broadcast_in_dim3A_2518 : vector<16xi1>, vector<16xf32>
      %add3A_2520 = arith.constant 16 : i32
      %add3A_2521 = arith.addi %mul3A_2491, %add3A_2520 : i32
      %swap3A_2522 = arith.index_cast %add3A_2521 : i32 to index
      %swap3A_2523 = tpu.vector_load %arg5[%swap3A_2522] {strides = array<i32>} : memref<16384xf32, #tpu.memory_space<vmem>>, vector<16xf32>,
      tpu.vector_store %arg5[%swap3A_2522], %select_n3A_2519 {strides = array<i32>} : memref<16384xf32, #tpu.memory_space<vmem>>, vector<16xf32>,
      %add3A_2524 = arith.constant 32 : i32
      %add3A_2525 = arith.addi %mul3A_2485, %add3A_2524 : i32
      %broadcast_in_dim3A_2526 = vector.broadcast %add3A_2525 : i32 to vector<16xi32>
      %add3A_2527 = arith.addi %broadcast_in_dim3A_2526, %iota3A : vector<16xi32>
      %gather3A_2528 = tpu.vector_load_idx %arg4[%add3A_2527] : memref<16640xf32, #tpu.memory_space<vmem>>[vector<16xi32>], vector<16xf32>,
      %ge3A_2529 = arith.cmpf oge, %gather3A_2528, %gather3A_2471 : vector<16xf32>
      %sub3A_2530 = arith.subf %gather3A_2528, %gather3A_2475 : vector<16xf32>
      %exp3A_2531 = math.exp %sub3A_2530 : vector<16xf32>
      %mul3A_2532 = arith.mulf %exp3A_2531, %gather3A_2479 : vector<16xf32>
      %jit3A_2533 = arith.constant 0.000000e+00 : f32
      %broadcast_in_dim3A_2534 = vector.broadcast %jit3A_2533 : f32 to vector<16xf32>
      %select_n3A_2535 = arith.select %ge3A_2529, %mul3A_2532, %broadcast_in_dim3A_2534 : vector<16xi1>, vector<16xf32>
      %add3A_2536 = arith.constant 32 : i32
      %add3A_2537 = arith.addi %mul3A_2491, %add3A_2536 : i32
      %swap3A_2538 = arith.index_cast %add3A_2537 : i32 to index
      %swap3A_2539 = tpu.vector_load %arg5[%swap3A_2538] {strides = array<i32>} : memref<16384xf32, #tpu.memory_space<vmem>>, vector<16xf32>,
      tpu.vector_store %arg5[%swap3A_2538], %select_n3A_2535 {strides = array<i32>} : memref<16384xf32, #tpu.memory_space<vmem>>, vector<16xf32>,
      %add3A_2540 = arith.constant 48 : i32
      %add3A_2541 = arith.addi %mul3A_2485, %add3A_2540 : i32
      %broadcast_in_dim3A_2542 = vector.broadcast %add3A_2541 : i32 to vector<16xi32>
      %add3A_2543 = arith.addi %broadcast_in_dim3A_2542, %iota3A : vector<16xi32>
      %gather3A_2544 = tpu.vector_load_idx %arg4[%add3A_2543] : memref<16640xf32, #tpu.memory_space<vmem>>[vector<16xi32>], vector<16xf32>,
      %ge3A_2545 = arith.cmpf oge, %gather3A_2544, %gather3A_2471 : vector<16xf32>
      %sub3A_2546 = arith.subf %gather3A_2544, %gather3A_2475 : vector<16xf32>
      %exp3A_2547 = math.exp %sub3A_2546 : vector<16xf32>
      %mul3A_2548 = arith.mulf %exp3A_2547, %gather3A_2479 : vector<16xf32>
      %jit3A_2549 = arith.constant 0.000000e+00 : f32
      %broadcast_in_dim3A_2550 = vector.broadcast %jit3A_2549 : f32 to vector<16xf32>
      %select_n3A_2551 = arith.select %ge3A_2545, %mul3A_2548, %broadcast_in_dim3A_2550 : vector<16xi1>, vector<16xf32>
      %add3A_2552 = arith.constant 48 : i32
      %add3A_2553 = arith.addi %mul3A_2491, %add3A_2552 : i32
      %swap3A_2554 = arith.index_cast %add3A_2553 : i32 to index
      %swap3A_2555 = tpu.vector_load %arg5[%swap3A_2554] {strides = array<i32>} : memref<16384xf32, #tpu.memory_space<vmem>>, vector<16xf32>,
      tpu.vector_store %arg5[%swap3A_2554], %select_n3A_2551 {strides = array<i32>} : memref<16384xf32, #tpu.memory_space<vmem>>, vector<16xf32>,
      %broadcast_in_dim3A_2556 = arith.constant 14 : i32
      %broadcast_in_dim3A_2557 = vector.broadcast %broadcast_in_dim3A_2556 : i32 to vector<16x1xi32>
      %gather3A_2558 = vector.shape_cast %broadcast_in_dim3A_2557 : vector<16x1xi32> to vector<16xi32>
      %gather3A_2559 = tpu.dynamic_gather %max3A_1303[%gather3A_2558] in [0] : vector<16xf32>, vector<16xi32> -> vector<16xf32>
      %broadcast_in_dim3A_2560 = arith.constant 14 : i32
      %broadcast_in_dim3A_2561 = vector.broadcast %broadcast_in_dim3A_2560 : i32 to vector<16x1xi32>
      %gather3A_2562 = vector.shape_cast %broadcast_in_dim3A_2561 : vector<16x1xi32> to vector<16xi32>
      %gather3A_2563 = tpu.dynamic_gather %max3A_1289[%gather3A_2562] in [0] : vector<16xf32>, vector<16xi32> -> vector<16xf32>
      %broadcast_in_dim3A_2564 = arith.constant 14 : i32
      %broadcast_in_dim3A_2565 = vector.broadcast %broadcast_in_dim3A_2564 : i32 to vector<16x1xi32>
      %gather3A_2566 = vector.shape_cast %broadcast_in_dim3A_2565 : vector<16x1xi32> to vector<16xi32>
      %gather3A_2567 = tpu.dynamic_gather %div3A_1327[%gather3A_2566] in [0] : vector<16xf32>, vector<16xi32> -> vector<16xf32>
      %mul3A_2568 = arith.constant 16 : i32
      %mul3A_2569 = arith.muli %scan3A_13, %mul3A_2568 : i32
      %add3A_2570 = arith.constant 14 : i32
      %add3A_2571 = arith.addi %mul3A_2569, %add3A_2570 : i32
      %mul3A_2572 = arith.constant 65 : i32
      %mul3A_2573 = arith.muli %add3A_2571, %mul3A_2572 : i32
      %mul3A_2574 = arith.constant 16 : i32
      %mul3A_2575 = arith.muli %scan3A_13, %mul3A_2574 : i32
      %add3A_2576 = arith.constant 14 : i32
      %add3A_2577 = arith.addi %mul3A_2575, %add3A_2576 : i32
      %mul3A_2578 = arith.constant 64 : i32
      %mul3A_2579 = arith.muli %add3A_2577, %mul3A_2578 : i32
      %add3A_2580 = arith.constant 0 : i32
      %add3A_2581 = arith.addi %mul3A_2573, %add3A_2580 : i32
      %broadcast_in_dim3A_2582 = vector.broadcast %add3A_2581 : i32 to vector<16xi32>
      %add3A_2583 = arith.addi %broadcast_in_dim3A_2582, %iota3A : vector<16xi32>
      %gather3A_2584 = tpu.vector_load_idx %arg4[%add3A_2583] : memref<16640xf32, #tpu.memory_space<vmem>>[vector<16xi32>], vector<16xf32>,
      %ge3A_2585 = arith.cmpf oge, %gather3A_2584, %gather3A_2559 : vector<16xf32>
      %sub3A_2586 = arith.subf %gather3A_2584, %gather3A_2563 : vector<16xf32>
      %exp3A_2587 = math.exp %sub3A_2586 : vector<16xf32>
      %mul3A_2588 = arith.mulf %exp3A_2587, %gather3A_2567 : vector<16xf32>
      %jit3A_2589 = arith.constant 0.000000e+00 : f32
      %broadcast_in_dim3A_2590 = vector.broadcast %jit3A_2589 : f32 to vector<16xf32>
      %select_n3A_2591 = arith.select %ge3A_2585, %mul3A_2588, %broadcast_in_dim3A_2590 : vector<16xi1>, vector<16xf32>
      %add3A_2592 = arith.constant 0 : i32
      %add3A_2593 = arith.addi %mul3A_2579, %add3A_2592 : i32
      %swap3A_2594 = arith.index_cast %add3A_2593 : i32 to index
      %swap3A_2595 = tpu.vector_load %arg5[%swap3A_2594] {strides = array<i32>} : memref<16384xf32, #tpu.memory_space<vmem>>, vector<16xf32>,
      tpu.vector_store %arg5[%swap3A_2594], %select_n3A_2591 {strides = array<i32>} : memref<16384xf32, #tpu.memory_space<vmem>>, vector<16xf32>,
      %add3A_2596 = arith.constant 16 : i32
      %add3A_2597 = arith.addi %mul3A_2573, %add3A_2596 : i32
      %broadcast_in_dim3A_2598 = vector.broadcast %add3A_2597 : i32 to vector<16xi32>
      %add3A_2599 = arith.addi %broadcast_in_dim3A_2598, %iota3A : vector<16xi32>
      %gather3A_2600 = tpu.vector_load_idx %arg4[%add3A_2599] : memref<16640xf32, #tpu.memory_space<vmem>>[vector<16xi32>], vector<16xf32>,
      %ge3A_2601 = arith.cmpf oge, %gather3A_2600, %gather3A_2559 : vector<16xf32>
      %sub3A_2602 = arith.subf %gather3A_2600, %gather3A_2563 : vector<16xf32>
      %exp3A_2603 = math.exp %sub3A_2602 : vector<16xf32>
      %mul3A_2604 = arith.mulf %exp3A_2603, %gather3A_2567 : vector<16xf32>
      %jit3A_2605 = arith.constant 0.000000e+00 : f32
      %broadcast_in_dim3A_2606 = vector.broadcast %jit3A_2605 : f32 to vector<16xf32>
      %select_n3A_2607 = arith.select %ge3A_2601, %mul3A_2604, %broadcast_in_dim3A_2606 : vector<16xi1>, vector<16xf32>
      %add3A_2608 = arith.constant 16 : i32
      %add3A_2609 = arith.addi %mul3A_2579, %add3A_2608 : i32
      %swap3A_2610 = arith.index_cast %add3A_2609 : i32 to index
      %swap3A_2611 = tpu.vector_load %arg5[%swap3A_2610] {strides = array<i32>} : memref<16384xf32, #tpu.memory_space<vmem>>, vector<16xf32>,
      tpu.vector_store %arg5[%swap3A_2610], %select_n3A_2607 {strides = array<i32>} : memref<16384xf32, #tpu.memory_space<vmem>>, vector<16xf32>,
      %add3A_2612 = arith.constant 32 : i32
      %add3A_2613 = arith.addi %mul3A_2573, %add3A_2612 : i32
      %broadcast_in_dim3A_2614 = vector.broadcast %add3A_2613 : i32 to vector<16xi32>
      %add3A_2615 = arith.addi %broadcast_in_dim3A_2614, %iota3A : vector<16xi32>
      %gather3A_2616 = tpu.vector_load_idx %arg4[%add3A_2615] : memref<16640xf32, #tpu.memory_space<vmem>>[vector<16xi32>], vector<16xf32>,
      %ge3A_2617 = arith.cmpf oge, %gather3A_2616, %gather3A_2559 : vector<16xf32>
      %sub3A_2618 = arith.subf %gather3A_2616, %gather3A_2563 : vector<16xf32>
      %exp3A_2619 = math.exp %sub3A_2618 : vector<16xf32>
      %mul3A_2620 = arith.mulf %exp3A_2619, %gather3A_2567 : vector<16xf32>
      %jit3A_2621 = arith.constant 0.000000e+00 : f32
      %broadcast_in_dim3A_2622 = vector.broadcast %jit3A_2621 : f32 to vector<16xf32>
      %select_n3A_2623 = arith.select %ge3A_2617, %mul3A_2620, %broadcast_in_dim3A_2622 : vector<16xi1>, vector<16xf32>
      %add3A_2624 = arith.constant 32 : i32
      %add3A_2625 = arith.addi %mul3A_2579, %add3A_2624 : i32
      %swap3A_2626 = arith.index_cast %add3A_2625 : i32 to index
      %swap3A_2627 = tpu.vector_load %arg5[%swap3A_2626] {strides = array<i32>} : memref<16384xf32, #tpu.memory_space<vmem>>, vector<16xf32>,
      tpu.vector_store %arg5[%swap3A_2626], %select_n3A_2623 {strides = array<i32>} : memref<16384xf32, #tpu.memory_space<vmem>>, vector<16xf32>,
      %add3A_2628 = arith.constant 48 : i32
      %add3A_2629 = arith.addi %mul3A_2573, %add3A_2628 : i32
      %broadcast_in_dim3A_2630 = vector.broadcast %add3A_2629 : i32 to vector<16xi32>
      %add3A_2631 = arith.addi %broadcast_in_dim3A_2630, %iota3A : vector<16xi32>
      %gather3A_2632 = tpu.vector_load_idx %arg4[%add3A_2631] : memref<16640xf32, #tpu.memory_space<vmem>>[vector<16xi32>], vector<16xf32>,
      %ge3A_2633 = arith.cmpf oge, %gather3A_2632, %gather3A_2559 : vector<16xf32>
      %sub3A_2634 = arith.subf %gather3A_2632, %gather3A_2563 : vector<16xf32>
      %exp3A_2635 = math.exp %sub3A_2634 : vector<16xf32>
      %mul3A_2636 = arith.mulf %exp3A_2635, %gather3A_2567 : vector<16xf32>
      %jit3A_2637 = arith.constant 0.000000e+00 : f32
      %broadcast_in_dim3A_2638 = vector.broadcast %jit3A_2637 : f32 to vector<16xf32>
      %select_n3A_2639 = arith.select %ge3A_2633, %mul3A_2636, %broadcast_in_dim3A_2638 : vector<16xi1>, vector<16xf32>
      %add3A_2640 = arith.constant 48 : i32
      %add3A_2641 = arith.addi %mul3A_2579, %add3A_2640 : i32
      %swap3A_2642 = arith.index_cast %add3A_2641 : i32 to index
      %swap3A_2643 = tpu.vector_load %arg5[%swap3A_2642] {strides = array<i32>} : memref<16384xf32, #tpu.memory_space<vmem>>, vector<16xf32>,
      tpu.vector_store %arg5[%swap3A_2642], %select_n3A_2639 {strides = array<i32>} : memref<16384xf32, #tpu.memory_space<vmem>>, vector<16xf32>,
      %broadcast_in_dim3A_2644 = arith.constant 15 : i32
      %broadcast_in_dim3A_2645 = vector.broadcast %broadcast_in_dim3A_2644 : i32 to vector<16x1xi32>
      %gather3A_2646 = vector.shape_cast %broadcast_in_dim3A_2645 : vector<16x1xi32> to vector<16xi32>
      %gather3A_2647 = tpu.dynamic_gather %max3A_1303[%gather3A_2646] in [0] : vector<16xf32>, vector<16xi32> -> vector<16xf32>
      %broadcast_in_dim3A_2648 = arith.constant 15 : i32
      %broadcast_in_dim3A_2649 = vector.broadcast %broadcast_in_dim3A_2648 : i32 to vector<16x1xi32>
      %gather3A_2650 = vector.shape_cast %broadcast_in_dim3A_2649 : vector<16x1xi32> to vector<16xi32>
      %gather3A_2651 = tpu.dynamic_gather %max3A_1289[%gather3A_2650] in [0] : vector<16xf32>, vector<16xi32> -> vector<16xf32>
      %broadcast_in_dim3A_2652 = arith.constant 15 : i32
      %broadcast_in_dim3A_2653 = vector.broadcast %broadcast_in_dim3A_2652 : i32 to vector<16x1xi32>
      %gather3A_2654 = vector.shape_cast %broadcast_in_dim3A_2653 : vector<16x1xi32> to vector<16xi32>
      %gather3A_2655 = tpu.dynamic_gather %div3A_1327[%gather3A_2654] in [0] : vector<16xf32>, vector<16xi32> -> vector<16xf32>
      %mul3A_2656 = arith.constant 16 : i32
      %mul3A_2657 = arith.muli %scan3A_13, %mul3A_2656 : i32
      %add3A_2658 = arith.constant 15 : i32
      %add3A_2659 = arith.addi %mul3A_2657, %add3A_2658 : i32
      %mul3A_2660 = arith.constant 65 : i32
      %mul3A_2661 = arith.muli %add3A_2659, %mul3A_2660 : i32
      %mul3A_2662 = arith.constant 16 : i32
      %mul3A_2663 = arith.muli %scan3A_13, %mul3A_2662 : i32
      %add3A_2664 = arith.constant 15 : i32
      %add3A_2665 = arith.addi %mul3A_2663, %add3A_2664 : i32
      %mul3A_2666 = arith.constant 64 : i32
      %mul3A_2667 = arith.muli %add3A_2665, %mul3A_2666 : i32
      %add3A_2668 = arith.constant 0 : i32
      %add3A_2669 = arith.addi %mul3A_2661, %add3A_2668 : i32
      %broadcast_in_dim3A_2670 = vector.broadcast %add3A_2669 : i32 to vector<16xi32>
      %add3A_2671 = arith.addi %broadcast_in_dim3A_2670, %iota3A : vector<16xi32>
      %gather3A_2672 = tpu.vector_load_idx %arg4[%add3A_2671] : memref<16640xf32, #tpu.memory_space<vmem>>[vector<16xi32>], vector<16xf32>,
      %ge3A_2673 = arith.cmpf oge, %gather3A_2672, %gather3A_2647 : vector<16xf32>
      %sub3A_2674 = arith.subf %gather3A_2672, %gather3A_2651 : vector<16xf32>
      %exp3A_2675 = math.exp %sub3A_2674 : vector<16xf32>
      %mul3A_2676 = arith.mulf %exp3A_2675, %gather3A_2655 : vector<16xf32>
      %jit3A_2677 = arith.constant 0.000000e+00 : f32
      %broadcast_in_dim3A_2678 = vector.broadcast %jit3A_2677 : f32 to vector<16xf32>
      %select_n3A_2679 = arith.select %ge3A_2673, %mul3A_2676, %broadcast_in_dim3A_2678 : vector<16xi1>, vector<16xf32>
      %add3A_2680 = arith.constant 0 : i32
      %add3A_2681 = arith.addi %mul3A_2667, %add3A_2680 : i32
      %swap3A_2682 = arith.index_cast %add3A_2681 : i32 to index
      %swap3A_2683 = tpu.vector_load %arg5[%swap3A_2682] {strides = array<i32>} : memref<16384xf32, #tpu.memory_space<vmem>>, vector<16xf32>,
      tpu.vector_store %arg5[%swap3A_2682], %select_n3A_2679 {strides = array<i32>} : memref<16384xf32, #tpu.memory_space<vmem>>, vector<16xf32>,
      %add3A_2684 = arith.constant 16 : i32
      %add3A_2685 = arith.addi %mul3A_2661, %add3A_2684 : i32
      %broadcast_in_dim3A_2686 = vector.broadcast %add3A_2685 : i32 to vector<16xi32>
      %add3A_2687 = arith.addi %broadcast_in_dim3A_2686, %iota3A : vector<16xi32>
      %gather3A_2688 = tpu.vector_load_idx %arg4[%add3A_2687] : memref<16640xf32, #tpu.memory_space<vmem>>[vector<16xi32>], vector<16xf32>,
      %ge3A_2689 = arith.cmpf oge, %gather3A_2688, %gather3A_2647 : vector<16xf32>
      %sub3A_2690 = arith.subf %gather3A_2688, %gather3A_2651 : vector<16xf32>
      %exp3A_2691 = math.exp %sub3A_2690 : vector<16xf32>
      %mul3A_2692 = arith.mulf %exp3A_2691, %gather3A_2655 : vector<16xf32>
      %jit3A_2693 = arith.constant 0.000000e+00 : f32
      %broadcast_in_dim3A_2694 = vector.broadcast %jit3A_2693 : f32 to vector<16xf32>
      %select_n3A_2695 = arith.select %ge3A_2689, %mul3A_2692, %broadcast_in_dim3A_2694 : vector<16xi1>, vector<16xf32>
      %add3A_2696 = arith.constant 16 : i32
      %add3A_2697 = arith.addi %mul3A_2667, %add3A_2696 : i32
      %swap3A_2698 = arith.index_cast %add3A_2697 : i32 to index
      %swap3A_2699 = tpu.vector_load %arg5[%swap3A_2698] {strides = array<i32>} : memref<16384xf32, #tpu.memory_space<vmem>>, vector<16xf32>,
      tpu.vector_store %arg5[%swap3A_2698], %select_n3A_2695 {strides = array<i32>} : memref<16384xf32, #tpu.memory_space<vmem>>, vector<16xf32>,
      %add3A_2700 = arith.constant 32 : i32
      %add3A_2701 = arith.addi %mul3A_2661, %add3A_2700 : i32
      %broadcast_in_dim3A_2702 = vector.broadcast %add3A_2701 : i32 to vector<16xi32>
      %add3A_2703 = arith.addi %broadcast_in_dim3A_2702, %iota3A : vector<16xi32>
      %gather3A_2704 = tpu.vector_load_idx %arg4[%add3A_2703] : memref<16640xf32, #tpu.memory_space<vmem>>[vector<16xi32>], vector<16xf32>,
      %ge3A_2705 = arith.cmpf oge, %gather3A_2704, %gather3A_2647 : vector<16xf32>
      %sub3A_2706 = arith.subf %gather3A_2704, %gather3A_2651 : vector<16xf32>
      %exp3A_2707 = math.exp %sub3A_2706 : vector<16xf32>
      %mul3A_2708 = arith.mulf %exp3A_2707, %gather3A_2655 : vector<16xf32>
      %jit3A_2709 = arith.constant 0.000000e+00 : f32
      %broadcast_in_dim3A_2710 = vector.broadcast %jit3A_2709 : f32 to vector<16xf32>
      %select_n3A_2711 = arith.select %ge3A_2705, %mul3A_2708, %broadcast_in_dim3A_2710 : vector<16xi1>, vector<16xf32>
      %add3A_2712 = arith.constant 32 : i32
      %add3A_2713 = arith.addi %mul3A_2667, %add3A_2712 : i32
      %swap3A_2714 = arith.index_cast %add3A_2713 : i32 to index
      %swap3A_2715 = tpu.vector_load %arg5[%swap3A_2714] {strides = array<i32>} : memref<16384xf32, #tpu.memory_space<vmem>>, vector<16xf32>,
      tpu.vector_store %arg5[%swap3A_2714], %select_n3A_2711 {strides = array<i32>} : memref<16384xf32, #tpu.memory_space<vmem>>, vector<16xf32>,
      %add3A_2716 = arith.constant 48 : i32
      %add3A_2717 = arith.addi %mul3A_2661, %add3A_2716 : i32
      %broadcast_in_dim3A_2718 = vector.broadcast %add3A_2717 : i32 to vector<16xi32>
      %add3A_2719 = arith.addi %broadcast_in_dim3A_2718, %iota3A : vector<16xi32>
      %gather3A_2720 = tpu.vector_load_idx %arg4[%add3A_2719] : memref<16640xf32, #tpu.memory_space<vmem>>[vector<16xi32>], vector<16xf32>,
      %ge3A_2721 = arith.cmpf oge, %gather3A_2720, %gather3A_2647 : vector<16xf32>
      %sub3A_2722 = arith.subf %gather3A_2720, %gather3A_2651 : vector<16xf32>
      %exp3A_2723 = math.exp %sub3A_2722 : vector<16xf32>
      %mul3A_2724 = arith.mulf %exp3A_2723, %gather3A_2655 : vector<16xf32>
      %jit3A_2725 = arith.constant 0.000000e+00 : f32
      %broadcast_in_dim3A_2726 = vector.broadcast %jit3A_2725 : f32 to vector<16xf32>
      %select_n3A_2727 = arith.select %ge3A_2721, %mul3A_2724, %broadcast_in_dim3A_2726 : vector<16xi1>, vector<16xf32>
      %add3A_2728 = arith.constant 48 : i32
      %add3A_2729 = arith.addi %mul3A_2667, %add3A_2728 : i32
      %swap3A_2730 = arith.index_cast %add3A_2729 : i32 to index
      %swap3A_2731 = tpu.vector_load %arg5[%swap3A_2730] {strides = array<i32>} : memref<16384xf32, #tpu.memory_space<vmem>>, vector<16xf32>,
      tpu.vector_store %arg5[%swap3A_2730], %select_n3A_2727 {strides = array<i32>} : memref<16384xf32, #tpu.memory_space<vmem>>, vector<16xf32>,
    }
    %scan3A_10 = arith.constant 16 : i32
    %mul3A_11 = arith.constant 64 : i32
    %mul3A_12 = arith.muli %mul3A_2, %mul3A_11 : i32
    "tpu.region"() ({
      %run_scoped3A = tpu.sem_alloc : memref<!tpu.dma_semaphore, #tpu.memory_space<semaphore_mem>>
      %dma_start3A = tpu.memref_slice %arg3[%mul3A_12] : memref<524288xf32, #tpu.memory_space<hbm>> -> memref<16384xf32, #tpu.memory_space<hbm>>
      %dma_start3A_13 = tpu.memref_slice %arg3[%mul3A_12] : memref<524288xf32, #tpu.memory_space<hbm>> -> memref<16384xf32, #tpu.memory_space<hbm>>
      tpu.enqueue_dma source(%arg5 : memref<16384xf32, #tpu.memory_space<vmem>>) target(%dma_start3A_13 : memref<16384xf32, #tpu.memory_space<hbm>>) target_semaphore(%run_scoped3A : memref<!tpu.dma_semaphore, #tpu.memory_space<semaphore_mem>>)
      %dma_wait3A = tpu.memref_slice %arg3[%mul3A_12] : memref<524288xf32, #tpu.memory_space<hbm>> -> memref<16384xf32, #tpu.memory_space<hbm>>
      %dma_wait3A_14 = tpu.memref_slice %arg3[%mul3A_12] : memref<524288xf32, #tpu.memory_space<hbm>> -> memref<16384xf32, #tpu.memory_space<hbm>>
      tpu.wait_dma2 semaphore(%run_scoped3A : memref<!tpu.dma_semaphore, #tpu.memory_space<semaphore_mem>>) src(%arg5 : memref<16384xf32, #tpu.memory_space<vmem>>) dst(%dma_wait3A_14 : memref<16384xf32, #tpu.memory_space<hbm>>)
      tpu.yield
    }) : () -> ()
    return
  }
}

module attributes {stable_mosaic.version = 14 : i64} {
  func.func @_logits_block(%arg0: i32, %arg1: memref<4096x768xf32, #tpu.memory_space<vmem>>, %arg2: memref<768x16xf32, #tpu.memory_space<vmem>>, %arg3: memref<1x16xf32, #tpu.memory_space<vmem>>, %arg4: memref<16x64xf32, #tpu.memory_space<vmem>>, %arg5: memref<1x64xf32, #tpu.memory_space<vmem>>, %arg6: memref<4096x65xf32, #tpu.memory_space<vmem>>) attributes {dimension_semantics = [#tpu.dimension_semantics<arbitrary>], iteration_bounds = array<i64: 2>, scalar_prefetch = 0 : i64, scratch_operands = 0 : i64, tpu.core_type = #tpu.core_type<tc>, window_params = [{transform_indices = @transform_0, window_bounds = array<i64: 4096, 768>}, {pipeline_mode = #tpu.pipeline_mode<synchronous>, transform_indices = @transform_1, window_bounds = array<i64: 768, 16>}, {pipeline_mode = #tpu.pipeline_mode<synchronous>, transform_indices = @transform_2, window_bounds = array<i64: 1, 16>}, {pipeline_mode = #tpu.pipeline_mode<synchronous>, transform_indices = @transform_3, window_bounds = array<i64: 16, 64>}, {pipeline_mode = #tpu.pipeline_mode<synchronous>, transform_indices = @transform_4, window_bounds = array<i64: 1, 64>}, {transform_indices = @transform_5, window_bounds = array<i64: 4096, 65>}]} {
    %get3A = arith.constant 0 : index
    %get3A_0 = arith.constant 0 : index
    %get3A_1 = vector.load %arg1[%get3A, %get3A_0] : memref<4096x768xf32, #tpu.memory_space<vmem>>, vector<4096x768xf32>
    %get3A_2 = arith.constant 0 : index
    %get3A_3 = arith.constant 0 : index
    %get3A_4 = vector.load %arg2[%get3A_2, %get3A_3] : memref<768x16xf32, #tpu.memory_space<vmem>>, vector<768x16xf32>
    %dot_general3A = arith.constant dense<0.000000e+00> : vector<4096x16xf32>
    %dot_general3A_5 = tpu.matmul %get3A_1, %get3A_4, %dot_general3A {dimension_numbers = #tpu.dot_dimension_numbers<[1], [0], [0], [1], [0, 0, 1, 1], [], []>, transpose_lhs_hint = false} : vector<4096x768xf32>, vector<768x16xf32>, vector<4096x16xf32> -> vector<4096x16xf32>
    %get3A_6 = arith.constant 0 : index
    %get3A_7 = arith.constant 0 : index
    %get3A_8 = vector.load %arg3[%get3A_6, %get3A_7] : memref<1x16xf32, #tpu.memory_space<vmem>>, vector<1x16xf32>
    %add3A = vector.broadcast %get3A_8 : vector<1x16xf32> to vector<4096x16xf32>
    %add3A_9 = arith.addf %dot_general3A_5, %add3A : vector<4096x16xf32>
    %max3A = arith.constant 0.000000e+00 : f32
    %max3A_10 = vector.broadcast %max3A : f32 to vector<4096x16xf32>
    %max3A_11 = arith.maximumf %add3A_9, %max3A_10 : vector<4096x16xf32>
    %get3A_12 = arith.constant 0 : index
    %get3A_13 = arith.constant 0 : index
    %get3A_14 = vector.load %arg4[%get3A_12, %get3A_13] : memref<16x64xf32, #tpu.memory_space<vmem>>, vector<16x64xf32>
    %dot_general3A_15 = arith.constant dense<0.000000e+00> : vector<4096x64xf32>
    %dot_general3A_16 = tpu.matmul %max3A_11, %get3A_14, %dot_general3A_15 {dimension_numbers = #tpu.dot_dimension_numbers<[1], [0], [0], [1], [0, 0, 1, 1], [], []>, transpose_lhs_hint = false} : vector<4096x16xf32>, vector<16x64xf32>, vector<4096x64xf32> -> vector<4096x64xf32>
    %get3A_17 = arith.constant 0 : index
    %get3A_18 = arith.constant 0 : index
    %get3A_19 = vector.load %arg5[%get3A_17, %get3A_18] : memref<1x64xf32, #tpu.memory_space<vmem>>, vector<1x64xf32>
    %add3A_20 = vector.broadcast %get3A_19 : vector<1x64xf32> to vector<4096x64xf32>
    %add3A_21 = arith.addf %dot_general3A_16, %add3A_20 : vector<4096x64xf32>
    %swap3A = arith.constant 0 : index
    %swap3A_22 = arith.constant 0 : index
    %swap3A_23 = vector.load %arg6[%swap3A, %swap3A_22] : memref<4096x65xf32, #tpu.memory_space<vmem>>, vector<4096x64xf32>
    tpu.vector_store %arg6[%swap3A, %swap3A_22], %add3A_21 {strides = array<i32>} : memref<4096x65xf32, #tpu.memory_space<vmem>>, vector<4096x64xf32>,
    %broadcast_in_dim3A = arith.constant -3.400000e+38 : f32
    %broadcast_in_dim3A_24 = vector.broadcast %broadcast_in_dim3A : f32 to vector<4096x1xf32>
    %swap3A_25 = arith.constant 0 : index
    %swap3A_26 = arith.constant 64 : index
    %swap3A_27 = vector.load %arg6[%swap3A_25, %swap3A_26] : memref<4096x65xf32, #tpu.memory_space<vmem>>, vector<4096x1xf32>
    tpu.vector_store %arg6[%swap3A_25, %swap3A_26], %broadcast_in_dim3A_24 {strides = array<i32>} : memref<4096x65xf32, #tpu.memory_space<vmem>>, vector<4096x1xf32>,
    return
  }
  func.func @transform_0(%arg0: i32) -> (i32, i32) {
    %c0_i32 = arith.constant 0 : i32
    %c0_i32_0 = arith.constant 0 : i32
    return %arg0, %c0_i32 : i32, i32
  }
  func.func @transform_1(%arg0: i32) -> (i32, i32) {
    %c0_i32 = arith.constant 0 : i32
    %c0_i32_0 = arith.constant 0 : i32
    %c0_i32_1 = arith.constant 0 : i32
    return %c0_i32, %c0_i32_0 : i32, i32
  }
  func.func @transform_2(%arg0: i32) -> (i32, i32) {
    %c0_i32 = arith.constant 0 : i32
    %c0_i32_0 = arith.constant 0 : i32
    %c0_i32_1 = arith.constant 0 : i32
    return %c0_i32, %c0_i32_0 : i32, i32
  }
  func.func @transform_3(%arg0: i32) -> (i32, i32) {
    %c0_i32 = arith.constant 0 : i32
    %c0_i32_0 = arith.constant 0 : i32
    %c0_i32_1 = arith.constant 0 : i32
    return %c0_i32, %c0_i32_0 : i32, i32
  }
  func.func @transform_4(%arg0: i32) -> (i32, i32) {
    %c0_i32 = arith.constant 0 : i32
    %c0_i32_0 = arith.constant 0 : i32
    %c0_i32_1 = arith.constant 0 : i32
    return %c0_i32, %c0_i32_0 : i32, i32
  }
  func.func @transform_5(%arg0: i32) -> (i32, i32) {
    %c0_i32 = arith.constant 0 : i32
    %c0_i32_0 = arith.constant 0 : i32
    return %arg0, %c0_i32 : i32, i32
  }
}

module attributes {stable_mosaic.version = 14 : i64} {
  func.func @_gate_block(%arg0: i32, %arg1: memref<4096x768xf32, #tpu.memory_space<vmem>>, %arg2: memref<768x16xf32, #tpu.memory_space<vmem>>, %arg3: memref<1x16xf32, #tpu.memory_space<vmem>>, %arg4: memref<16x64xf32, #tpu.memory_space<vmem>>, %arg5: memref<1x64xf32, #tpu.memory_space<vmem>>, %arg6: memref<4096x64xf32, #tpu.memory_space<vmem>>) attributes {dimension_semantics = [#tpu.dimension_semantics<arbitrary>], iteration_bounds = array<i64: 6>, scalar_prefetch = 0 : i64, scratch_operands = 0 : i64, tpu.core_type = #tpu.core_type<tc>, window_params = [{transform_indices = @transform_0, window_bounds = array<i64: 4096, 768>}, {pipeline_mode = #tpu.pipeline_mode<synchronous>, transform_indices = @transform_1, window_bounds = array<i64: 768, 16>}, {pipeline_mode = #tpu.pipeline_mode<synchronous>, transform_indices = @transform_2, window_bounds = array<i64: 1, 16>}, {pipeline_mode = #tpu.pipeline_mode<synchronous>, transform_indices = @transform_3, window_bounds = array<i64: 16, 64>}, {pipeline_mode = #tpu.pipeline_mode<synchronous>, transform_indices = @transform_4, window_bounds = array<i64: 1, 64>}, {transform_indices = @transform_5, window_bounds = array<i64: 4096, 64>}]} {
    %get3A = arith.constant 0 : index
    %get3A_0 = arith.constant 0 : index
    %get3A_1 = vector.load %arg1[%get3A, %get3A_0] : memref<4096x768xf32, #tpu.memory_space<vmem>>, vector<4096x768xf32>
    %get3A_2 = arith.constant 0 : index
    %get3A_3 = arith.constant 0 : index
    %get3A_4 = vector.load %arg2[%get3A_2, %get3A_3] : memref<768x16xf32, #tpu.memory_space<vmem>>, vector<768x16xf32>
    %dot_general3A = arith.constant dense<0.000000e+00> : vector<4096x16xf32>
    %dot_general3A_5 = tpu.matmul %get3A_1, %get3A_4, %dot_general3A {dimension_numbers = #tpu.dot_dimension_numbers<[1], [0], [0], [1], [0, 0, 1, 1], [], []>, transpose_lhs_hint = false} : vector<4096x768xf32>, vector<768x16xf32>, vector<4096x16xf32> -> vector<4096x16xf32>
    %get3A_6 = arith.constant 0 : index
    %get3A_7 = arith.constant 0 : index
    %get3A_8 = vector.load %arg3[%get3A_6, %get3A_7] : memref<1x16xf32, #tpu.memory_space<vmem>>, vector<1x16xf32>
    %add3A = vector.broadcast %get3A_8 : vector<1x16xf32> to vector<4096x16xf32>
    %add3A_9 = arith.addf %dot_general3A_5, %add3A : vector<4096x16xf32>
    %max3A = arith.constant 0.000000e+00 : f32
    %max3A_10 = vector.broadcast %max3A : f32 to vector<4096x16xf32>
    %max3A_11 = arith.maximumf %add3A_9, %max3A_10 : vector<4096x16xf32>
    %get3A_12 = arith.constant 0 : index
    %get3A_13 = arith.constant 0 : index
    %get3A_14 = vector.load %arg4[%get3A_12, %get3A_13] : memref<16x64xf32, #tpu.memory_space<vmem>>, vector<16x64xf32>
    %dot_general3A_15 = arith.constant dense<0.000000e+00> : vector<4096x64xf32>
    %dot_general3A_16 = tpu.matmul %max3A_11, %get3A_14, %dot_general3A_15 {dimension_numbers = #tpu.dot_dimension_numbers<[1], [0], [0], [1], [0, 0, 1, 1], [], []>, transpose_lhs_hint = false} : vector<4096x16xf32>, vector<16x64xf32>, vector<4096x64xf32> -> vector<4096x64xf32>
    %get3A_17 = arith.constant 0 : index
    %get3A_18 = arith.constant 0 : index
    %get3A_19 = vector.load %arg5[%get3A_17, %get3A_18] : memref<1x64xf32, #tpu.memory_space<vmem>>, vector<1x64xf32>
    %add3A_20 = vector.broadcast %get3A_19 : vector<1x64xf32> to vector<4096x64xf32>
    %add3A_21 = arith.addf %dot_general3A_16, %add3A_20 : vector<4096x64xf32>
    %reduce_max3A = arith.constant dense<0xFF800000> : vector<4096xf32>
    %reduce_max3A_22 = vector.multi_reduction <maximumf>, %add3A_21, %reduce_max3A [1] : vector<4096x64xf32> to vector<4096xf32>
    %broadcast_in_dim3A = vector.shape_cast %reduce_max3A_22 : vector<4096xf32> to vector<4096x1xf32>
    %ge3A = vector.broadcast %broadcast_in_dim3A : vector<4096x1xf32> to vector<4096x64xf32>
    %ge3A_23 = arith.cmpf oge, %add3A_21, %ge3A : vector<4096x64xf32>
    %jit3A = arith.constant -3.400000e+38 : f32
    %broadcast_in_dim3A_24 = vector.broadcast %jit3A : f32 to vector<4096x64xf32>
    %select_n3A = arith.select %ge3A_23, %broadcast_in_dim3A_24, %add3A_21 : vector<4096x64xi1>, vector<4096x64xf32>
    %reduce_max3A_25 = arith.constant dense<0xFF800000> : vector<4096xf32>
    %reduce_max3A_26 = vector.multi_reduction <maximumf>, %select_n3A, %reduce_max3A_25 [1] : vector<4096x64xf32> to vector<4096xf32>
    %broadcast_in_dim3A_27 = vector.shape_cast %reduce_max3A_26 : vector<4096xf32> to vector<4096x1xf32>
    %ge3A_28 = vector.broadcast %broadcast_in_dim3A_27 : vector<4096x1xf32> to vector<4096x64xf32>
    %ge3A_29 = arith.cmpf oge, %add3A_21, %ge3A_28 : vector<4096x64xf32>
    %jit3A_30 = arith.constant -3.400000e+38 : f32
    %broadcast_in_dim3A_31 = vector.broadcast %jit3A_30 : f32 to vector<4096x64xf32>
    %select_n3A_32 = arith.select %ge3A_29, %broadcast_in_dim3A_31, %add3A_21 : vector<4096x64xi1>, vector<4096x64xf32>
    %reduce_max3A_33 = arith.constant dense<0xFF800000> : vector<4096xf32>
    %reduce_max3A_34 = vector.multi_reduction <maximumf>, %select_n3A_32, %reduce_max3A_33 [1] : vector<4096x64xf32> to vector<4096xf32>
    %broadcast_in_dim3A_35 = vector.shape_cast %reduce_max3A_34 : vector<4096xf32> to vector<4096x1xf32>
    %ge3A_36 = vector.broadcast %broadcast_in_dim3A_35 : vector<4096x1xf32> to vector<4096x64xf32>
    %ge3A_37 = arith.cmpf oge, %add3A_21, %ge3A_36 : vector<4096x64xf32>
    %jit3A_38 = arith.constant -3.400000e+38 : f32
    %broadcast_in_dim3A_39 = vector.broadcast %jit3A_38 : f32 to vector<4096x64xf32>
    %select_n3A_40 = arith.select %ge3A_37, %broadcast_in_dim3A_39, %add3A_21 : vector<4096x64xi1>, vector<4096x64xf32>
    %reduce_max3A_41 = arith.constant dense<0xFF800000> : vector<4096xf32>
    %reduce_max3A_42 = vector.multi_reduction <maximumf>, %select_n3A_40, %reduce_max3A_41 [1] : vector<4096x64xf32> to vector<4096xf32>
    %broadcast_in_dim3A_43 = vector.shape_cast %reduce_max3A_42 : vector<4096xf32> to vector<4096x1xf32>
    %ge3A_44 = vector.broadcast %broadcast_in_dim3A_43 : vector<4096x1xf32> to vector<4096x64xf32>
    %ge3A_45 = arith.cmpf oge, %add3A_21, %ge3A_44 : vector<4096x64xf32>
    %jit3A_46 = arith.constant -3.400000e+38 : f32
    %broadcast_in_dim3A_47 = vector.broadcast %jit3A_46 : f32 to vector<4096x64xf32>
    %select_n3A_48 = arith.select %ge3A_45, %broadcast_in_dim3A_47, %add3A_21 : vector<4096x64xi1>, vector<4096x64xf32>
    %reduce_max3A_49 = arith.constant dense<0xFF800000> : vector<4096xf32>
    %reduce_max3A_50 = vector.multi_reduction <maximumf>, %select_n3A_48, %reduce_max3A_49 [1] : vector<4096x64xf32> to vector<4096xf32>
    %broadcast_in_dim3A_51 = vector.shape_cast %reduce_max3A_50 : vector<4096xf32> to vector<4096x1xf32>
    %ge3A_52 = vector.broadcast %broadcast_in_dim3A_51 : vector<4096x1xf32> to vector<4096x64xf32>
    %ge3A_53 = arith.cmpf oge, %add3A_21, %ge3A_52 : vector<4096x64xf32>
    %jit3A_54 = arith.constant -3.400000e+38 : f32
    %broadcast_in_dim3A_55 = vector.broadcast %jit3A_54 : f32 to vector<4096x64xf32>
    %select_n3A_56 = arith.select %ge3A_53, %broadcast_in_dim3A_55, %add3A_21 : vector<4096x64xi1>, vector<4096x64xf32>
    %reduce_max3A_57 = arith.constant dense<0xFF800000> : vector<4096xf32>
    %reduce_max3A_58 = vector.multi_reduction <maximumf>, %select_n3A_56, %reduce_max3A_57 [1] : vector<4096x64xf32> to vector<4096xf32>
    %broadcast_in_dim3A_59 = vector.shape_cast %reduce_max3A_58 : vector<4096xf32> to vector<4096x1xf32>
    %ge3A_60 = vector.broadcast %broadcast_in_dim3A_59 : vector<4096x1xf32> to vector<4096x64xf32>
    %ge3A_61 = arith.cmpf oge, %add3A_21, %ge3A_60 : vector<4096x64xf32>
    %jit3A_62 = arith.constant -3.400000e+38 : f32
    %broadcast_in_dim3A_63 = vector.broadcast %jit3A_62 : f32 to vector<4096x64xf32>
    %select_n3A_64 = arith.select %ge3A_61, %broadcast_in_dim3A_63, %add3A_21 : vector<4096x64xi1>, vector<4096x64xf32>
    %reduce_max3A_65 = arith.constant dense<0xFF800000> : vector<4096xf32>
    %reduce_max3A_66 = vector.multi_reduction <maximumf>, %select_n3A_64, %reduce_max3A_65 [1] : vector<4096x64xf32> to vector<4096xf32>
    %broadcast_in_dim3A_67 = vector.shape_cast %reduce_max3A_66 : vector<4096xf32> to vector<4096x1xf32>
    %ge3A_68 = vector.broadcast %broadcast_in_dim3A_67 : vector<4096x1xf32> to vector<4096x64xf32>
    %ge3A_69 = arith.cmpf oge, %add3A_21, %ge3A_68 : vector<4096x64xf32>
    %jit3A_70 = arith.constant -3.400000e+38 : f32
    %broadcast_in_dim3A_71 = vector.broadcast %jit3A_70 : f32 to vector<4096x64xf32>
    %select_n3A_72 = arith.select %ge3A_69, %broadcast_in_dim3A_71, %add3A_21 : vector<4096x64xi1>, vector<4096x64xf32>
    %reduce_max3A_73 = arith.constant dense<0xFF800000> : vector<4096xf32>
    %reduce_max3A_74 = vector.multi_reduction <maximumf>, %select_n3A_72, %reduce_max3A_73 [1] : vector<4096x64xf32> to vector<4096xf32>
    %broadcast_in_dim3A_75 = vector.shape_cast %reduce_max3A_74 : vector<4096xf32> to vector<4096x1xf32>
    %ge3A_76 = vector.broadcast %broadcast_in_dim3A_75 : vector<4096x1xf32> to vector<4096x64xf32>
    %ge3A_77 = arith.cmpf oge, %add3A_21, %ge3A_76 : vector<4096x64xf32>
    %sub3A = vector.broadcast %broadcast_in_dim3A : vector<4096x1xf32> to vector<4096x64xf32>
    %sub3A_78 = arith.subf %add3A_21, %sub3A : vector<4096x64xf32>
    %exp3A = math.exp %sub3A_78 : vector<4096x64xf32>
    %jit3A_79 = arith.constant 0.000000e+00 : f32
    %broadcast_in_dim3A_80 = vector.broadcast %jit3A_79 : f32 to vector<4096x64xf32>
    %select_n3A_81 = arith.select %ge3A_77, %exp3A, %broadcast_in_dim3A_80 : vector<4096x64xi1>, vector<4096x64xf32>
    %reduce_sum3A = arith.constant dense<0.000000e+00> : vector<4096xf32>
    %reduce_sum3A_82 = vector.multi_reduction <add>, %select_n3A_81, %reduce_sum3A [1] : vector<4096x64xf32> to vector<4096xf32>
    %broadcast_in_dim3A_83 = vector.shape_cast %reduce_sum3A_82 : vector<4096xf32> to vector<4096x1xf32>
    %div3A = vector.broadcast %broadcast_in_dim3A_83 : vector<4096x1xf32> to vector<4096x64xf32>
    %div3A_84 = arith.divf %select_n3A_81, %div3A : vector<4096x64xf32>
    %swap3A = arith.constant 0 : index
    %swap3A_85 = arith.constant 0 : index
    %swap3A_86 = vector.load %arg6[%swap3A, %swap3A_85] : memref<4096x64xf32, #tpu.memory_space<vmem>>, vector<4096x64xf32>
    tpu.vector_store %arg6[%swap3A, %swap3A_85], %div3A_84 {strides = array<i32>} : memref<4096x64xf32, #tpu.memory_space<vmem>>, vector<4096x64xf32>,
    return
  }
  func.func @transform_0(%arg0: i32) -> (i32, i32) {
    %c0_i32 = arith.constant 0 : i32
    %c0_i32_0 = arith.constant 0 : i32
    return %arg0, %c0_i32 : i32, i32
  }
  func.func @transform_1(%arg0: i32) -> (i32, i32) {
    %c0_i32 = arith.constant 0 : i32
    %c0_i32_0 = arith.constant 0 : i32
    %c0_i32_1 = arith.constant 0 : i32
    return %c0_i32, %c0_i32_0 : i32, i32
  }
  func.func @transform_2(%arg0: i32) -> (i32, i32) {
    %c0_i32 = arith.constant 0 : i32
    %c0_i32_0 = arith.constant 0 : i32
    %c0_i32_1 = arith.constant 0 : i32
    return %c0_i32, %c0_i32_0 : i32, i32
  }
  func.func @transform_3(%arg0: i32) -> (i32, i32) {
    %c0_i32 = arith.constant 0 : i32
    %c0_i32_0 = arith.constant 0 : i32
    %c0_i32_1 = arith.constant 0 : i32
    return %c0_i32, %c0_i32_0 : i32, i32
  }
  func.func @transform_4(%arg0: i32) -> (i32, i32) {
    %c0_i32 = arith.constant 0 : i32
    %c0_i32_0 = arith.constant 0 : i32
    %c0_i32_1 = arith.constant 0 : i32
    return %c0_i32, %c0_i32_0 : i32, i32
  }
  func.func @transform_5(%arg0: i32) -> (i32, i32) {
    %c0_i32 = arith.constant 0 : i32
    %c0_i32_0 = arith.constant 0 : i32
    return %arg0, %c0_i32 : i32, i32
  }
}

</mosaic_0001>

<sc_bundles>
// kernel: kernel.5.cloned.1.call-start
scs
__scs_entry_jumppad:
0x0: {  	(pc) =	sbr.rel $0x88, $3  }
0x1: {  	(tag) =	ssettag $0x0;
	lr =	simm.s32 $0x1  }
0x2: {  	[smem:$0x3F9C] =	sst lr;
	_ =	strace $0xD0000000  }
0x3: {  	_ = 	snop  }
0x4: {  	_ = 	snop  }
0x5: {  	_ = 	snop  }
0x6: {  	_ = 	snop  }
0x7: {  	_ = 	snop  }
__scs_overlays_trampoline_lowered:
0x8: {  	[smem:$0x3FAB] =	sst s0  }
0x9: {  	[smem:$0x3FAC] =	sst s1  }
0xa: {  	[smem:$0x3FAD] =	sst s2  }
0xb: {  	[smem:$0x3FAE] =	sst s3  }
0xc: {  	[smem:$0x3FAF] =	sst s4  }
0xd: {  	[smem:$0x3FB0] =	sst s5  }
0xe: {  	[smem:$0x3FB1] =	sst s6  }
0xf: {  	[smem:$0x3FB2] =	sst s7  }
0x10: {  	[smem:$0x3FB3] =	sst s8  }
0x11: {  	[smem:$0x3FB4] =	sst s9;
	s0 =	simm.s32 @!p0 $0x0  }
0x12: {  	s1 =	sld [smem:$0x3F9A];
	s0 =	simm.s32 @p0 $0x1  }
0x13: {  	[smem:$0x3FB5] =	sst s0;
	s0 =	simm.s32 @!p1 $0x0  }
0x14: {  	s2 =	sld [smem:$0x3F99];
	s0 =	simm.s32 @p1 $0x1  }
0x15: {  	[smem:$0x3FB6] =	sst s0;
	s0 =	simm.s32 @!p2 $0x0  }
0x16: {  	s3 =	sld [smem:$0x3FDB];
	s0 =	simm.s32 @p2 $0x1  }
0x17: {  	s4 =	simm.s32 $0x1BF5;
	[smem:$0x3FB8] =	sst s0  }
0x18: {  	s0 =	sld [smem:$0x3F9B];
	_ =	swait.ge [sflag:s4], $0x0  }
0x19: {  	s7 =	sld [smem:$0x3F9C]  }
0x1a: {  	s8 =	sadd.s32 $0xFFFFE003, lr  }
0x1b: {  	s9 =	sadd.s32 $0xFFFFFEF7, lr;
	s5 =	simm.s32 $0xFFFFFFFF;
	p2 =	slt.u32 s8, $0xFFFFF086  }
0x1c: {  	p1 =	slt.u32 s9, $0xF7A;
	s5 =	simm.s32 @!p2 $0x0  }
0x1d: {  	s5 =	simm.s32 @p1 $0x1;
	p0 =	seq.s32 s7, s2  }
0x1e: {  	s7 =	smul.u32 @!p0 $0xF7A, s2;
	p2 =	seq.s32 @!p0 s5, $0x0  }
0x1f: {  	s9 =	smul.u32 $0xF7A, s1;
	s8 =	simm.s32 @!p0 $0x1BF5;
	p2 =	por !p2, p0  }
0x20: {  	[sflag:s8] =	ssyncset.s32 @!p0 $0xFFFFF086;
	s6 =	sadd.s32 @!p0 s3, s7;
	s7 =	simm.s32 @!p0 $0x108  }
0x21: {  	s3 =	sadd.s32 s3, s9;
	s6 =	sadd.s32 @!p0 $0x88, s6;
	s7 =	simm.s32 @p2 $0x1082  }
0x22: {  	[simem:s7], [sflag:s8] =	dma.local @!p0 [hbm:s6], $0xF7A  }
0x23: {  	s9 =	sor.u32 $0xD0000000, s2;
	s6 =	simm.s32 $0x108;
	_ =	swait.ge @!p0 [sflag:s8], $0x0  }
0x24: {  	s3 =	sadd.s32 $0x88, s3;
	s6 =	simm.s32 @!p1 $0x1082;
	[sflag:s4] =	ssyncset.s32 $0xFFFFF086  }
0x25: {  	[simem:s6], [sflag:s4] =	dma.local [hbm:s3], $0xF7A  }
0x26: {  	[smem:$0x3F9C] =	sst s1;
	(tag) =	ssettag s2;
	_ =	strace s9  }
0x27: {  	s1 =	sld [smem:$0x3FAC]  }
0x28: {  	s2 =	sld [smem:$0x3FAD]  }
0x29: {  	s4 =	sld [smem:$0x3FAF]  }
0x2a: {  	p0 =	seq.s32 s5, $0x0;
	s5 =	sld [smem:$0x3FB0]  }
0x2b: {  	s6 =	sld [smem:$0x3FB1]  }
0x2c: {  	s7 =	sld [smem:$0x3FB2]  }
0x2d: {  	s3 =	simm.s32 $0x108;
	s8 =	sld [smem:$0x3FB3]  }
0x2e: {  	s3 =	simm.s32 @!p0 $0x1082;
	s9 =	sld [smem:$0x3FB4]  }
0x2f: {  	lr =	sadd.s32 s0, s3;
	s0 =	sld [smem:$0x3FAB]  }
0x30: {  	s3 =	sld [smem:$0x3FAE]  }
0x31: {  	[smem:$0x3FB7] =	sst s10  }
0x32: {  	s10 =	sld [smem:$0x3FB5];
	_ =	sdelay $0x3  }
0x33: {  	p0 =	seq.s32 s10, $0x1;
	s10 =	sld [smem:$0x3FB7];
	_ =	sdelay $0x3  }
0x34: {  	[smem:$0x3FB7] =	sst s10  }
0x35: {  	s10 =	sld [smem:$0x3FB6];
	_ =	sdelay $0x3  }
0x36: {  	p1 =	seq.s32 s10, $0x1;
	s10 =	sld [smem:$0x3FB7];
	_ =	sdelay $0x3  }
0x37: {  	[smem:$0x3FB7] =	sst s10  }
0x38: {  	s10 =	sld [smem:$0x3FB8]  }
0x39: {  	_ = 	snop;
	(pc) =	sbr.ind lr, $3  }
0x3a: {  	_ = 	snop  }
0x3b: {  	_ = 	snop  }
0x3c: {  	p2 =	seq.s32 s10, $0x1;
	s10 =	sld [smem:$0x3FB7]  }
0x3d: {  	_ =	shalt  }
0x3e: {  	_ =	shalt  }
0x3f: {  	_ =	shalt  }
0x40: {  	_ =	shalt  }
0x41: {  	_ =	shalt  }
0x42: {  	_ =	shalt  }
0x43: {  	_ =	shalt  }
0x44: {  	_ =	shalt  }
0x45: {  	_ =	shalt  }
0x46: {  	_ =	shalt  }
0x47: {  	_ =	shalt  }
0x48: {  	_ =	shalt  }
0x49: {  	_ =	shalt  }
0x4a: {  	_ =	shalt  }
0x4b: {  	_ =	shalt  }
0x4c: {  	_ =	shalt  }
0x4d: {  	_ =	shalt  }
0x4e: {  	_ =	shalt  }
0x4f: {  	_ =	shalt  }
0x50: {  	_ =	shalt  }
0x51: {  	_ =	shalt  }
0x52: {  	_ =	shalt  }
0x53: {  	_ =	shalt  }
0x54: {  	_ =	shalt  }
0x55: {  	_ =	shalt  }
0x56: {  	_ =	shalt  }
0x57: {  	_ =	shalt  }
0x58: {  	_ =	shalt  }
0x59: {  	_ =	shalt  }
0x5a: {  	_ =	shalt  }
0x5b: {  	_ =	shalt  }
0x5c: {  	_ =	shalt  }
0x5d: {  	_ =	shalt  }
0x5e: {  	_ =	shalt  }
0x5f: {  	_ =	shalt  }
0x60: {  	_ =	shalt  }
0x61: {  	_ =	shalt  }
0x62: {  	_ =	shalt  }
0x63: {  	_ =	shalt  }
0x64: {  	_ =	shalt  }
0x65: {  	_ =	shalt  }
0x66: {  	_ =	shalt  }
0x67: {  	_ =	shalt  }
0x68: {  	_ =	shalt  }
0x69: {  	_ =	shalt  }
0x6a: {  	_ =	shalt  }
0x6b: {  	_ =	shalt  }
0x6c: {  	_ =	shalt  }
0x6d: {  	_ =	shalt  }
0x6e: {  	_ =	shalt  }
0x6f: {  	_ =	shalt  }
0x70: {  	_ =	shalt  }
0x71: {  	_ =	shalt  }
0x72: {  	_ =	shalt  }
0x73: {  	_ =	shalt  }
0x74: {  	_ =	shalt  }
0x75: {  	_ =	shalt  }
0x76: {  	_ =	shalt  }
0x77: {  	_ =	shalt  }
0x78: {  	_ =	shalt  }
0x79: {  	_ =	shalt  }
0x7a: {  	_ =	shalt  }
0x7b: {  	_ =	shalt  }
0x7c: {  	_ =	shalt  }
0x7d: {  	_ =	shalt  }
0x7e: {  	_ =	shalt  }
0x7f: {  	_ =	shalt  }
0x80: {  	_ =	shalt  }
0x81: {  	_ =	shalt  }
0x82: {  	_ =	shalt  }
0x83: {  	_ =	shalt  }
0x84: {  	_ =	shalt  }
0x85: {  	_ =	shalt  }
0x86: {  	_ =	shalt  }
0x87: {  	_ =	shalt  }
.Lfunc_end0:
.L_simem_size_0:
called_computation_lowered:
.L_overlay_start_0:
0x88: {  	s2 =	sld [smem:$0x3FD9]  }
0x89: {  	s3 =	sld [smem:$0x3FFE];
	_ =	sdelay $0x1  }
0x8a: {  	s1 =	srdreg.scid  }
0x8b: {  	s0 =	sand.u32 $0x1, s1  }
0x8c: {  	s17 =	sshll.u32 s0, $0xA;
	s2 =	sadd.s32 s3, s2  }
0x8d: {  	s2 =	sadd.s32 s2, s17  }
0x8e: {  	[smem:$0x3FC3] =	sst s2  }
0x8f: {  	_ = 	snop  }
0x90: {  	s2 =	sld [smem:$0x3FD0];
	(tm) =	ssettm $0x1  }
0x91: {  	s18 =	sld [smem:$0x3FFB];
	_ =	sdelay $0x3  }
0x92: {  	_ =	strace s18  }
0x93: {  	s3 =	sld [smem:$0x3FFC];
	_ =	sdelay $0x3  }
0x94: {  	_ =	strace s3  }
0x95: {  	s3 =	sld [smem:$0x3FFD];
	_ =	sdelay $0x3  }
0x96: {  	_ =	strace s3  }
0x97: {  	_ =	strace $0x8FFFFFFF  }
0x98: {  	s19 =	sld [smem:$0x3FDB];
	_ =	sdelay $0x1  }
0x99: {  	s4 =	simm.s32 $_scs_section_size  }
0x9a: {  	s5 =	simm.s32 $_size__tile_overlayer_lowered;
	s6 =	simm.s32 $_tile_overlayer_lowered  }
0x9b: {  	s22 =	simm.s32 $0x1BFF;
	s21 =	sshll.u32 s6, $0x1;
	s3 =	sadd.s32 s4, s19  }
0x9c: {  	s7 =	simm.s32 $0x0;
	s20 =	sshll.u32 s5, $0x1;
	s5 =	sadd.s32 s21, s3  }
0x9d: {  	[timem:s7], [sflag:s22] =	dma.local [hbm:s5], s20  }
0x9e: {  	_ =	swait.ge [sflag:s22], s20  }
0x9f: {  	s4 =	ssub.s32 $0x0, s20;
	[sflag:s22] =	ssyncset.done $0x0  }
0xa0: {  	[sflag:s22] =	ssyncadd.s32 s4;
	_ =	sdelay $0x1  }
0xa1: {  	s23 =	simm.s32 $0x1B8B  }
0xa2: {  	_ =	swait.ge [sflag:s23], $0x1  }
0xa3: {  	[sflag:s23] =	ssyncset.done $0x0  }
0xa4: {  	s25 =	simm.s32 $0x1B8E;
	s24 =	sld [smem:$0x3FFE];
	[sflag:s23] =	ssyncadd.s32 $0xFFFFFFFF  }
0xa5: {  	s26 =	simm.s32 $execute0_lowered;
	[smem:$0x3FD2] =	sst s25  }
0xa6: {  	s5 =	sshll.u32 s26, $0x1;
	_ =	strace $0x80000046;
	[dreg:$0x1] =	wrdreg $0xFFFFFFFF  }
0xa7: {  	s28 =	simm.s32 $_size_execute0_lowered;
	s3 =	sadd.s32 s3, s5;
	[dreg:$0x0] =	wrdreg $0x0  }
0xa8: {  	s5 =	sshll.u32 s28, $0x1;
	[dreg:$0x2] =	wrdreg s3  }
0xa9: {  	[dreg:$0x3] =	wrdreg s5  }
0xaa: {  	[dreg:$0x4] =	wrdreg $0xC0  }
0xab: {  	_ =	task [dreg:s7], $0x5FFFF  }
0xac: {  	[dreg:$0x1] =	wrdreg $0xFFFFFFFF  }
0xad: {  	[dreg:$0x0] =	wrdreg $0x60  }
0xae: {  	[dreg:$0x2] =	wrdreg s2  }
0xaf: {  	[dreg:$0x3] =	wrdreg s24  }
0xb0: {  	[dreg:$0x4] =	wrdreg $0x9  }
0xb1: {  	_ =	task.clear_ibuf [dreg:s7], $0x5FFFF;
	_ =	strace $0x90000046  }
0xb2: {  	s29 =	simm.s32 $0x9;
	_ =	strace $0x80000048  }
0xb3: {  	_ =	swait.ge [sflag:s29], $0x1  }
0xb4: {  	[sflag:s29] =	ssyncadd.s32 $0xFFFFFFFF  }
0xb5: {  	_ =	strace $0x90000048  }
0xb6: {  	_ =	sfence  }
0xb7: {  	s30 =	sld [smem:$0x0];
	_ =	sdelay $0x2  }
0xb8: {  	s31 =	sshll.u32 s1, $0xD;
	s1 =	sshrl.u32 s1, $0x2  }
0xb9: {  	s3 =	sand.u32 $0x4000, s31;
	s1 =	sadd.s32 s1, s30  }
0xba: {  	s0 =	sor.u32 s3, s0;
	s1 =	sshll.u32 s1, $0x11  }
0xbb: {  	s0 =	sor.u32 s1, s0  }
0xbc: {  	s0 =	sadd.s32 $0x8F2B, s0  }
0xbd: {  	[sflag:s0] =	ssyncadd.remote.s32 $0x1  }
0xbe: {  	_ =	sfence.sel $0xFFFF  }
0xbf: {  	[dreg:$0x0] =	wrdreg $0xFFFFFFFF;
	(pc) =	sbr.abs _section_cstart, $3  }
0xc0: {  	[dreg:$0x1] =	wrdreg $0xFFFFFFFF  }
0xc1: {  	_ =	task.clear_ibuf [dreg:s7], $0x2FFFF;
	_ =	strace $0x9FFFFFFF  }
0xc2: {  	(tm) =	ssettm $0x7FFFFFFF  }
0xc3: {  	_ =	shalt  }
tec
execute0_lowered:
.L_overlay_start_1:
0x0: {  	(tag) =	ssettag $0x1  }
0x1: {  	v0 =	vlaneseq.u32  }
0x2: {  	v1 =	vmul.u32 $0x41, v0;
	_ =	sdelay $0x1  }
0x3: {  	v2 =	vadd.s32 $0xB, v1  }
0x4: {  	[tilespmem:$0x1FCD0] =	vst v2;
	v2 =	vadd.s32 $0xC, v1  }
0x5: {  	[tilespmem:$0x1FCE0] =	vst v2;
	v2 =	vadd.s32 $0xD, v1  }
0x6: {  	[tilespmem:$0x1FCF0] =	vst v2;
	v2 =	vadd.s32 $0xE, v1  }
0x7: {  	[tilespmem:$0x1FD00] =	vst v2;
	v2 =	vadd.s32 $0xF, v1  }
0x8: {  	[tilespmem:$0x1FD10] =	vst v2;
	v2 =	vadd.s32 $0x10, v1  }
0x9: {  	[tilespmem:$0x1FD20] =	vst v2;
	v2 =	vadd.s32 $0x11, v1  }
0xa: {  	[tilespmem:$0x1FD30] =	vst v2;
	v2 =	vadd.s32 $0x12, v1  }
0xb: {  	[tilespmem:$0x1FD40] =	vst v2;
	v2 =	vadd.s32 $0x13, v1  }
0xc: {  	[tilespmem:$0x1FD50] =	vst v2;
	v2 =	vadd.s32 $0x14, v1  }
0xd: {  	[tilespmem:$0x1FD60] =	vst v2;
	v2 =	vadd.s32 $0x15, v1  }
0xe: {  	[tilespmem:$0x1FD70] =	vst v2;
	v2 =	vadd.s32 $0x16, v1  }
0xf: {  	[tilespmem:$0x1FD80] =	vst v2;
	v2 =	vadd.s32 $0x17, v1  }
0x10: {  	[tilespmem:$0x1FD90] =	vst v2;
	v2 =	vadd.s32 $0x18, v1  }
0x11: {  	[tilespmem:$0x1FDA0] =	vst v2;
	v2 =	vadd.s32 $0x19, v1  }
0x12: {  	[tilespmem:$0x1FDB0] =	vst v2;
	v2 =	vadd.s32 $0x1A, v1  }
0x13: {  	[tilespmem:$0x1FDC0] =	vst v2;
	v2 =	vadd.s32 $0x1B, v1  }
0x14: {  	[tilespmem:$0x1FDD0] =	vst v2;
	v2 =	vadd.s32 $0x1C, v1  }
0x15: {  	[tilespmem:$0x1FDE0] =	vst v2;
	v2 =	vadd.s32 $0x1D, v1  }
0x16: {  	[tilespmem:$0x1FDF0] =	vst v2;
	v2 =	vadd.s32 $0x1E, v1  }
0x17: {  	[tilespmem:$0x1FE00] =	vst v2;
	v2 =	vadd.s32 $0x1F, v1  }
0x18: {  	[tilespmem:$0x1FE10] =	vst v2;
	v2 =	vadd.s32 $0x20, v1  }
0x19: {  	[tilespmem:$0x1FE20] =	vst v2;
	v2 =	vadd.s32 $0x21, v1  }
0x1a: {  	[tilespmem:$0x1FE30] =	vst v2;
	v2 =	vadd.s32 $0x22, v1  }
0x1b: {  	[tilespmem:$0x1FE40] =	vst v2;
	v2 =	vadd.s32 $0x23, v1  }
0x1c: {  	[tilespmem:$0x1FE50] =	vst v2;
	v2 =	vadd.s32 $0x24, v1  }
0x1d: {  	[tilespmem:$0x1FE60] =	vst v2;
	v2 =	vadd.s32 $0x25, v1  }
0x1e: {  	[tilespmem:$0x1FE70] =	vst v2;
	v2 =	vadd.s32 $0x26, v1  }
0x1f: {  	[tilespmem:$0x1FE80] =	vst v2;
	v2 =	vadd.s32 $0x27, v1  }
0x20: {  	[tilespmem:$0x1FE90] =	vst v2;
	v2 =	vadd.s32 $0x28, v1  }
0x21: {  	[tilespmem:$0x1FEA0] =	vst v2;
	v2 =	vadd.s32 $0x29, v1  }
0x22: {  	[tilespmem:$0x1FEB0] =	vst v2;
	v2 =	vadd.s32 $0x2A, v1  }
0x23: {  	[tilespmem:$0x1FEC0] =	vst v2;
	v2 =	vadd.s32 $0x2B, v1  }
0x24: {  	[tilespmem:$0x1FED0] =	vst v2;
	v2 =	vadd.s32 $0x2C, v1  }
0x25: {  	[tilespmem:$0x1FEE0] =	vst v2;
	v2 =	vadd.s32 $0x2D, v1  }
0x26: {  	[tilespmem:$0x1FEF0] =	vst v2;
	v2 =	vadd.s32 $0x2E, v1  }
0x27: {  	[tilespmem:$0x1FF00] =	vst v2;
	v2 =	vadd.s32 $0x2F, v1  }
0x28: {  	[tilespmem:$0x1FF10] =	vst v2;
	v2 =	vadd.s32 $0x30, v1  }
0x29: {  	[tilespmem:$0x1FF20] =	vst v2;
	v2 =	vadd.s32 $0x31, v1  }
0x2a: {  	[tilespmem:$0x1FF30] =	vst v2;
	v2 =	vadd.s32 $0x32, v1  }
0x2b: {  	v3 =	vimm.s32 $0x1;
	[tilespmem:$0x1FF40] =	vst v2;
	v2 =	vadd.s32 $0x33, v1  }
0x2c: {  	v4 =	vimm.s32 $0x2;
	v5 =	vimm.s32 $0x3;
	[tilespmem:$0x1FF50] =	vst v2;
	v2 =	vadd.s32 $0x34, v1  }
0x2d: {  	v6 =	vimm.s32 $0x4;
	v7 =	vimm.s32 $0x5;
	[tilespmem:$0x1FF60] =	vst v2;
	v2 =	vadd.s32 $0x35, v1  }
0x2e: {  	s3 =	rddreg [dreg:$0x0];
	v8 =	vimm.s32 $0x6;
	v9 =	vimm.s32 $0x7;
	[tilespmem:$0x1FF70] =	vst v2;
	v2 =	vadd.s32 $0x36, v1  }
0x2f: {  	s4 =	rddreg [dreg:$0x1];
	v10 =	vimm.s32 $0x8;
	v11 =	vimm.s32 $0x9;
	[tilespmem:$0x1FF80] =	vst v2;
	v2 =	vadd.s32 $0x37, v1  }
0x30: {  	s0 =	rddreg [dreg:$0x2];
	v12 =	vimm.s32 $0xA;
	v13 =	vimm.s32 $0xB;
	[tilespmem:$0x1FF90] =	vst v2;
	v2 =	vadd.s32 $0x38, v1  }
0x31: {  	s5 =	srdreg.scid;
	s1 =	stileid.u32;
	v14 =	vimm.s32 $0xC;
	v15 =	vimm.s32 $0xD;
	[tilespmem:$0x1FFA0] =	vst v2;
	v2 =	vadd.s32 $0x39, v1  }
0x32: {  	s2 =	simm.s32 $0x0;
	v16 =	vimm.s32 $0xE;
	v17 =	vimm.s32 $0xF;
	s5 =	sand.u32 $0x1, s5;
	s6 =	sshll.u32 s1, $0x1;
	[tilespmem:$0x1FFB0] =	vst v2;
	v2 =	vadd.s32 $0x3A, v1  }
0x33: {  	[smem:$0x7FF] =	sst s2;
	s6 =	sor.u32 s5, s6;
	s5 =	ssub.s32 $0x2, s5;
	v34 =	vadd.s32 $0x1, v1;
	v35 =	vadd.s32 $0x2, v1;
	[tilespmem:$0x1FFC0] =	vst v2;
	v2 =	vadd.s32 $0x3B, v1  }
0x34: {  	v36 =	vadd.s32 $0x3, v1;
	v37 =	vadd.s32 $0x4, v1;
	s7 =	sshll.u32 s6, $0xB;
	s8 =	sshrl.u32 s5, $0x1;
	s6 =	smul.u32 $0x820, s6;
	[tilespmem:$0x1FFD0] =	vst v2;
	v2 =	vadd.s32 $0x3C, v1  }
0x35: {  	v38 =	vadd.s32 $0x5, v1;
	v39 =	vadd.s32 $0x6, v1;
	s4 =	sadd.s32 s7, s4;
	s5 =	ssub.s32 s5, s8;
	s7 =	simm.s32 $0x4100;
	[tilespmem:$0x1FFE0] =	vst v2;
	v2 =	vadd.s32 $0x3D, v1  }
0x36: {  	v40 =	vadd.s32 $0x7, v1;
	v41 =	vadd.s32 $0x8, v1;
	v42 =	vadd.s32 $0x9, v1;
	s8 =	simm.s32 $0x0;
	s3 =	sadd.s32 s3, s6;
	s4 =	sadd.s32 $0xA00, s4;
	[tilespmem:$0x1FFF0] =	vst v2  }
0x37: {  	v33 =	vadd.s32 $0xA, v1;
	v55 =	vadd.s32 $0x3E, v1;
	s5 =	smax.u32 s5, $0x1;
	s6 =	simm.s32 $0x1;
	v2 =	vimm.s32 $0x0;
	_ =	strace $0x80000047  }
.LBB2_1:
0x38: {  	[tilespmem:s2], [sflag:$0x1] =	stream.linear.gather [hbm4b:s3+s2], $0x4100, $0x38;
	[tilespmem:$0x8100] =	vst v63  }
0x39: {  	_ =	swait.ge [sflag:s6], $0x4100  }
0x3a: {  	v56 =	vld [tilespmem:$0x1FED0]  }
0x3b: {  	v57 =	vld [tilespmem:$0x1FEE0]  }
0x3c: {  	v58 =	vld [tilespmem:$0x1FEF0]  }
0x3d: {  	v59 =	vld [tilespmem:$0x1FF00]  }
0x3e: {  	v60 =	vld [tilespmem:$0x1FF10]  }
0x3f: {  	v61 =	vld [tilespmem:$0x1FF20]  }
0x40: {  	v62 =	vld [tilespmem:$0x1FF30]  }
0x41: {  	v63 =	vld [tilespmem:$0x1FF40]  }
0x42: {  	v44 =	vld [tilespmem:$0x1FF50]  }
0x43: {  	v45 =	vld [tilespmem:$0x1FF60]  }
0x44: {  	v46 =	vld [tilespmem:$0x1FF70]  }
0x45: {  	v47 =	vld [tilespmem:$0x1FF80]  }
0x46: {  	v48 =	vld [tilespmem:$0x1FF90]  }
0x47: {  	v49 =	vld [tilespmem:$0x1FFA0]  }
0x48: {  	v50 =	vld [tilespmem:$0x1FFB0]  }
0x49: {  	v51 =	vld [tilespmem:$0x1FFC0]  }
0x4a: {  	v52 =	vld [tilespmem:$0x1FFD0]  }
0x4b: {  	s9 =	simm.s32 $0x3C0;
	s10 =	simm.s32 $0x4300;
	[sflag:s6] =	ssyncset.done $0x0;
	v53 =	vld [tilespmem:$0x1FFE0]  }
0x4c: {  	s11 =	simm.s32 $0x0;
	s12 =	simm.s32 $0x0;
	v54 =	vld [tilespmem:$0x1FFF0];
	[sflag:s6] =	ssyncadd.s32 $0xFFFFBF00  }
.LBB2_2:
0x4d: {  	v18 =	vmov s11  }
0x4e: {  	v18 =	vmul.u32 $0x41, v18;
	_ =	sdelay $0x1  }
0x4f: {  	v18 =	vbroadcast v18, $0x0;
	_ =	sdelay $0x1  }
0x50: {  	v19 =	vadd.s32 v1, v18  }
0x51: {  	v20 =	vadd.s32 v34, v18;
	_ =	sdelay $0x1  }
0x52: {  	v21 =	vadd.s32 v35, v18;
	_ =	sdelay $0x1  }
0x53: {  	v22 =	vadd.s32 v36, v18;
	v19 =	vld.idx.msk [tilespmem:v19+s2+$0x0], $0xffff  }
0x54: {  	v20 =	vld.idx.msk [tilespmem:v20+s2+$0x0], $0xffff  }
0x55: {  	v23 =	vadd.s32 v37, v18  }
0x56: {  	v21 =	vld.idx.msk [tilespmem:v21+s2+$0x0], $0xffff;
	_ =	sdelay $0x1  }
0x57: {  	v22 =	vld.idx.msk [tilespmem:v22+s2+$0x0], $0xffff;
	v24 =	vmin.f32 v19, $-3.399999950e+38;
	v19 =	vmax.f32 v19, $-3.399999950e+38  }
0x58: {  	v24 =	vmax.f32 v24, $-3.399999950e+38;
	v25 =	vmax.f32 v19, v20;
	v19 =	vmin.f32 v19, v20  }
0x59: {  	v29 =	vadd.s32 v40, v18;
	v23 =	vld.idx.msk [tilespmem:v23+s2+$0x0], $0xffff;
	v20 =	vadd.s32 v38, v18;
	v26 =	vmax.f32 v24, v19  }
0x5a: {  	v19 =	vmin.f32 v24, v19;
	v27 =	vmin.f32 v25, v21;
	v21 =	vmax.f32 v25, v21  }
0x5b: {  	v19 =	vmax.f32 v24, v19;
	v32 =	vmin.f32 v26, v27;
	v43 =	vmax.f32 v26, v27  }
0x5c: {  	v31 =	vmin.f32 v21, v22;
	v21 =	vmax.f32 v21, v22;
	v27 =	vadd.s32 v39, v18  }
0x5d: {  	v30 =	vmin.f32 v19, v32;
	v24 =	vmax.f32 v19, v32;
	v32 =	vmin.f32 v43, v31  }
0x5e: {  	v25 =	vmax.f32 v43, v31;
	v28 =	vmin.f32 v21, v23;
	v21 =	vmax.f32 v21, v23;
	v20 =	vld.idx.msk [tilespmem:v20+s2+$0x0], $0xffff  }
0x5f: {  	v19 =	vmax.f32 v19, v30;
	v43 =	vmax.f32 v24, v32;
	v22 =	vmin.f32 v24, v32  }
0x60: {  	v32 =	vmin.f32 v25, v28;
	v24 =	vmax.f32 v19, v22;
	v22 =	vmin.f32 v19, v22  }
0x61: {  	v23 =	vmax.f32 v25, v28;
	v19 =	vmax.f32 v19, v22;
	v22 =	vmin.f32 v43, v32  }
0x62: {  	v25 =	vmax.f32 v43, v32;
	v26 =	vmin.f32 v24, v22;
	v27 =	vld.idx.msk [tilespmem:v27+s2+$0x0], $0xffff;
	v22 =	vmax.f32 v24, v22  }
0x63: {  	v43 =	vmin.f32 v19, v26;
	v26 =	vmax.f32 v19, v26;
	v28 =	vmin.f32 v21, v20  }
0x64: {  	v19 =	vmax.f32 v19, v43;
	v20 =	vmax.f32 v21, v20;
	v30 =	vmin.f32 v23, v28  }
0x65: {  	v21 =	vmax.f32 v23, v28;
	v28 =	vld.idx.msk [tilespmem:v29+s2+$0x0], $0xffff;
	v29 =	vadd.s32 v41, v18;
	v31 =	vmin.f32 v25, v30  }
0x66: {  	v25 =	vmax.f32 v25, v30;
	v32 =	vmin.f32 v22, v31;
	v22 =	vmax.f32 v22, v31  }
0x67: {  	v24 =	vmax.f32 v26, v32;
	v23 =	vmin.f32 v26, v32;
	v26 =	vmin.f32 v20, v27  }
0x68: {  	v20 =	vmax.f32 v20, v27;
	v30 =	vmax.f32 v19, v23;
	v23 =	vmin.f32 v19, v23  }
0x69: {  	v31 =	vmin.f32 v21, v26;
	v21 =	vmax.f32 v21, v26;
	v19 =	vmax.f32 v19, v23  }
0x6a: {  	v43 =	vmin.f32 v25, v31;
	v25 =	vmax.f32 v25, v31;
	v27 =	vmin.f32 v20, v28  }
0x6b: {  	v20 =	vmax.f32 v20, v28;
	v32 =	vmin.f32 v22, v43;
	v31 =	vmin.f32 v21, v27  }
0x6c: {  	v29 =	vld.idx.msk [tilespmem:v29+s2+$0x0], $0xffff;
	v23 =	vmax.f32 v24, v32;
	v24 =	vmin.f32 v24, v32;
	v32 =	vadd.s32 v42, v18  }
0x6d: {  	v22 =	vmax.f32 v22, v43;
	v21 =	vmax.f32 v21, v27;
	v43 =	vmin.f32 v25, v31  }
0x6e: {  	v25 =	vmax.f32 v25, v31;
	v26 =	vmax.f32 v30, v24;
	v24 =	vmin.f32 v30, v24  }
0x6f: {  	v27 =	vmin.f32 v22, v43;
	v22 =	vmax.f32 v22, v43;
	v30 =	vmin.f32 v19, v24  }
0x70: {  	v24 =	vmax.f32 v19, v24;
	v43 =	vmin.f32 v23, v27;
	v23 =	vmax.f32 v23, v27  }
0x71: {  	v19 =	vmax.f32 v19, v30;
	v30 =	vmin.f32 v20, v29;
	v31 =	vld.idx.msk [tilespmem:v32+s2+$0x0], $0xffff;
	v32 =	vadd.s32 v33, v18  }
0x72: {  	v27 =	vmax.f32 v26, v43;
	v26 =	vmin.f32 v26, v43;
	v28 =	vmin.f32 v21, v30  }
0x73: {  	v43 =	vmovc v33;
	v33 =	vmax.f32 v24, v26;
	v24 =	vmin.f32 v24, v26;
	v26 =	vmin.f32 v25, v28  }
0x74: {  	v19 =	vmax.f32 v19, v24;
	v24 =	vmin.f32 v22, v26  }
0x75: {  	v25 =	vmax.f32 v25, v28;
	v22 =	vmax.f32 v22, v26;
	v28 =	vmin.f32 v23, v24  }
0x76: {  	v23 =	vmax.f32 v23, v24;
	v24 =	vmax.f32 v27, v28;
	v26 =	vmin.f32 v27, v28;
	v28 =	vld.idx.msk [tilespmem:v32+s2+$0x0], $0xffff  }
0x77: {  	v32 =	vld [tilespmem:$0x1FCD0];
	_ =	sdelay $0x2  }
0x78: {  	v20 =	vmax.f32 v20, v29  }
0x79: {  	v21 =	vmax.f32 v21, v30;
	v30 =	vmax.f32 v33, v26;
	v27 =	vmin.f32 v20, v31  }
0x7a: {  	v26 =	vmin.f32 v33, v26;
	v29 =	vadd.s32 v32, v18;
	v32 =	vmin.f32 v21, v27  }
0x7b: {  	v19 =	vmax.f32 v19, v26;
	v33 =	vmin.f32 v25, v32  }
0x7c: {  	v20 =	vmax.f32 v20, v31;
	v21 =	vmax.f32 v21, v27;
	v31 =	vmin.f32 v22, v33  }
0x7d: {  	v22 =	vmax.f32 v22, v33;
	v33 =	vld [tilespmem:$0x1FCE0];
	v26 =	vmax.f32 v23, v31;
	v23 =	vmin.f32 v23, v31  }
0x7e: {  	v27 =	vmax.f32 v24, v23;
	v23 =	vmin.f32 v24, v23;
	v24 =	vmin.f32 v20, v28  }
0x7f: {  	v25 =	vmax.f32 v25, v32;
	v29 =	vld.idx.msk [tilespmem:v29+s2+$0x0], $0xffff;
	v31 =	vmin.f32 v30, v23;
	v32 =	vmin.f32 v21, v24  }
0x80: {  	v23 =	vmax.f32 v30, v23;
	v30 =	vmin.f32 v25, v32;
	v25 =	vmax.f32 v25, v32;
	v32 =	vld [tilespmem:$0x1FCF0];
	_ =	sdelay $0x1  }
0x81: {  	v33 =	vadd.s32 v33, v18  }
0x82: {  	v20 =	vmax.f32 v20, v28;
	v21 =	vmax.f32 v21, v24;
	v24 =	vmin.f32 v22, v30  }
0x83: {  	v19 =	vmax.f32 v19, v31;
	v22 =	vmax.f32 v22, v30;
	v28 =	vmin.f32 v26, v24  }
0x84: {  	v24 =	vmax.f32 v26, v24;
	v30 =	vmin.f32 v20, v29;
	v32 =	vadd.s32 v32, v18  }
0x85: {  	v26 =	vmax.f32 v27, v28;
	v27 =	vmin.f32 v27, v28;
	v28 =	vmin.f32 v21, v30  }
0x86: {  	v31 =	vld.idx.msk [tilespmem:v33+s2+$0x0], $0xffff;
	v33 =	vmax.f32 v23, v27;
	v23 =	vmin.f32 v23, v27;
	v27 =	vmin.f32 v25, v28  }
0x87: {  	v19 =	vmax.f32 v19, v23;
	v23 =	vmin.f32 v22, v27  }
0x88: {  	v25 =	vmax.f32 v25, v28;
	v28 =	vmin.f32 v24, v23  }
0x89: {  	v23 =	vmax.f32 v24, v23;
	v24 =	vmax.f32 v26, v28;
	v26 =	vmin.f32 v26, v28;
	v28 =	vld.idx.msk [tilespmem:v32+s2+$0x0], $0xffff  }
0x8a: {  	v32 =	vld [tilespmem:$0x1FD00];
	_ =	sdelay $0x2  }
0x8b: {  	v20 =	vmax.f32 v20, v29;
	v21 =	vmax.f32 v21, v30  }
0x8c: {  	v22 =	vmax.f32 v22, v27;
	v30 =	vmax.f32 v33, v26;
	v27 =	vmin.f32 v20, v31  }
0x8d: {  	v26 =	vmin.f32 v33, v26;
	v29 =	vadd.s32 v32, v18;
	v32 =	vmin.f32 v21, v27  }
0x8e: {  	v19 =	vmax.f32 v19, v26;
	v33 =	vmin.f32 v25, v32  }
0x8f: {  	v20 =	vmax.f32 v20, v31;
	v21 =	vmax.f32 v21, v27;
	v31 =	vmin.f32 v22, v33  }
0x90: {  	v22 =	vmax.f32 v22, v33;
	v33 =	vld [tilespmem:$0x1FD10];
	v26 =	vmax.f32 v23, v31;
	v23 =	vmin.f32 v23, v31  }
0x91: {  	v27 =	vmax.f32 v24, v23;
	v23 =	vmin.f32 v24, v23;
	v24 =	vmin.f32 v20, v28  }
0x92: {  	v25 =	vmax.f32 v25, v32;
	v29 =	vld.idx.msk [tilespmem:v29+s2+$0x0], $0xffff;
	v31 =	vmin.f32 v30, v23;
	v32 =	vmin.f32 v21, v24  }
0x93: {  	v23 =	vmax.f32 v30, v23;
	v30 =	vmin.f32 v25, v32;
	v25 =	vmax.f32 v25, v32;
	v32 =	vld [tilespmem:$0x1FD20];
	_ =	sdelay $0x1  }
0x94: {  	v33 =	vadd.s32 v33, v18  }
0x95: {  	v20 =	vmax.f32 v20, v28;
	v21 =	vmax.f32 v21, v24;
	v24 =	vmin.f32 v22, v30  }
0x96: {  	v19 =	vmax.f32 v19, v31;
	v22 =	vmax.f32 v22, v30;
	v28 =	vmin.f32 v26, v24  }
0x97: {  	v24 =	vmax.f32 v26, v24;
	v30 =	vmin.f32 v20, v29;
	v32 =	vadd.s32 v32, v18  }
0x98: {  	v26 =	vmax.f32 v27, v28;
	v27 =	vmin.f32 v27, v28;
	v28 =	vmin.f32 v21, v30  }
0x99: {  	v31 =	vld.idx.msk [tilespmem:v33+s2+$0x0], $0xffff;
	v33 =	vmax.f32 v23, v27;
	v23 =	vmin.f32 v23, v27;
	v27 =	vmin.f32 v25, v28  }
0x9a: {  	v19 =	vmax.f32 v19, v23;
	v23 =	vmin.f32 v22, v27  }
0x9b: {  	v25 =	vmax.f32 v25, v28;
	v28 =	vmin.f32 v24, v23  }
0x9c: {  	v23 =	vmax.f32 v24, v23;
	v24 =	vmax.f32 v26, v28;
	v26 =	vmin.f32 v26, v28;
	v28 =	vld.idx.msk [tilespmem:v32+s2+$0x0], $0xffff  }
0x9d: {  	v32 =	vld [tilespmem:$0x1FD30];
	_ =	sdelay $0x2  }
0x9e: {  	v20 =	vmax.f32 v20, v29;
	v21 =	vmax.f32 v21, v30  }
0x9f: {  	v22 =	vmax.f32 v22, v27;
	v30 =	vmax.f32 v33, v26;
	v27 =	vmin.f32 v20, v31  }
0xa0: {  	v26 =	vmin.f32 v33, v26;
	v29 =	vadd.s32 v32, v18;
	v32 =	vmin.f32 v21, v27  }
0xa1: {  	v19 =	vmax.f32 v19, v26;
	v33 =	vmin.f32 v25, v32  }
0xa2: {  	v20 =	vmax.f32 v20, v31;
	v21 =	vmax.f32 v21, v27;
	v31 =	vmin.f32 v22, v33  }
0xa3: {  	v22 =	vmax.f32 v22, v33;
	v33 =	vld [tilespmem:$0x1FD40];
	v26 =	vmax.f32 v23, v31;
	v23 =	vmin.f32 v23, v31  }
0xa4: {  	v27 =	vmax.f32 v24, v23;
	v23 =	vmin.f32 v24, v23;
	v24 =	vmin.f32 v20, v28  }
0xa5: {  	v25 =	vmax.f32 v25, v32;
	v29 =	vld.idx.msk [tilespmem:v29+s2+$0x0], $0xffff;
	v31 =	vmin.f32 v30, v23;
	v32 =	vmin.f32 v21, v24  }
0xa6: {  	v23 =	vmax.f32 v30, v23;
	v30 =	vmin.f32 v25, v32;
	v25 =	vmax.f32 v25, v32;
	v32 =	vld [tilespmem:$0x1FD50];
	_ =	sdelay $0x1  }
0xa7: {  	v33 =	vadd.s32 v33, v18  }
0xa8: {  	v20 =	vmax.f32 v20, v28;
	v21 =	vmax.f32 v21, v24;
	v24 =	vmin.f32 v22, v30  }
0xa9: {  	v19 =	vmax.f32 v19, v31;
	v22 =	vmax.f32 v22, v30;
	v28 =	vmin.f32 v26, v24  }
0xaa: {  	v24 =	vmax.f32 v26, v24;
	v30 =	vmin.f32 v20, v29;
	v32 =	vadd.s32 v32, v18  }
0xab: {  	v26 =	vmax.f32 v27, v28;
	v27 =	vmin.f32 v27, v28;
	v28 =	vmin.f32 v21, v30  }
0xac: {  	v31 =	vld.idx.msk [tilespmem:v33+s2+$0x0], $0xffff;
	v33 =	vmax.f32 v23, v27;
	v23 =	vmin.f32 v23, v27;
	v27 =	vmin.f32 v25, v28  }
0xad: {  	v19 =	vmax.f32 v19, v23;
	v23 =	vmin.f32 v22, v27  }
0xae: {  	v25 =	vmax.f32 v25, v28;
	v28 =	vmin.f32 v24, v23  }
0xaf: {  	v23 =	vmax.f32 v24, v23;
	v24 =	vmax.f32 v26, v28;
	v26 =	vmin.f32 v26, v28;
	v28 =	vld.idx.msk [tilespmem:v32+s2+$0x0], $0xffff  }
0xb0: {  	v32 =	vld [tilespmem:$0x1FD60];
	_ =	sdelay $0x2  }
0xb1: {  	v20 =	vmax.f32 v20, v29;
	v21 =	vmax.f32 v21, v30  }
0xb2: {  	v22 =	vmax.f32 v22, v27;
	v30 =	vmax.f32 v33, v26;
	v27 =	vmin.f32 v20, v31  }
0xb3: {  	v26 =	vmin.f32 v33, v26;
	v29 =	vadd.s32 v32, v18;
	v32 =	vmin.f32 v21, v27  }
0xb4: {  	v19 =	vmax.f32 v19, v26;
	v33 =	vmin.f32 v25, v32  }
0xb5: {  	v20 =	vmax.f32 v20, v31;
	v21 =	vmax.f32 v21, v27;
	v31 =	vmin.f32 v22, v33  }
0xb6: {  	v22 =	vmax.f32 v22, v33;
	v33 =	vld [tilespmem:$0x1FD70];
	v26 =	vmax.f32 v23, v31;
	v23 =	vmin.f32 v23, v31  }
0xb7: {  	v27 =	vmax.f32 v24, v23;
	v23 =	vmin.f32 v24, v23;
	v24 =	vmin.f32 v20, v28  }
0xb8: {  	v25 =	vmax.f32 v25, v32;
	v29 =	vld.idx.msk [tilespmem:v29+s2+$0x0], $0xffff;
	v31 =	vmin.f32 v30, v23;
	v32 =	vmin.f32 v21, v24  }
0xb9: {  	v23 =	vmax.f32 v30, v23;
	v30 =	vmin.f32 v25, v32;
	v25 =	vmax.f32 v25, v32;
	v32 =	vld [tilespmem:$0x1FD80];
	_ =	sdelay $0x1  }
0xba: {  	v33 =	vadd.s32 v33, v18  }
0xbb: {  	v20 =	vmax.f32 v20, v28;
	v21 =	vmax.f32 v21, v24;
	v24 =	vmin.f32 v22, v30  }
0xbc: {  	v19 =	vmax.f32 v19, v31;
	v22 =	vmax.f32 v22, v30;
	v28 =	vmin.f32 v26, v24  }
0xbd: {  	v24 =	vmax.f32 v26, v24;
	v30 =	vmin.f32 v20, v29;
	v32 =	vadd.s32 v32, v18  }
0xbe: {  	v26 =	vmax.f32 v27, v28;
	v27 =	vmin.f32 v27, v28;
	v28 =	vmin.f32 v21, v30  }
0xbf: {  	v31 =	vld.idx.msk [tilespmem:v33+s2+$0x0], $0xffff;
	v33 =	vmax.f32 v23, v27;
	v23 =	vmin.f32 v23, v27;
	v27 =	vmin.f32 v25, v28  }
0xc0: {  	v19 =	vmax.f32 v19, v23;
	v23 =	vmin.f32 v22, v27  }
0xc1: {  	v25 =	vmax.f32 v25, v28;
	v28 =	vmin.f32 v24, v23  }
0xc2: {  	v23 =	vmax.f32 v24, v23;
	v24 =	vmax.f32 v26, v28;
	v26 =	vmin.f32 v26, v28;
	v28 =	vld.idx.msk [tilespmem:v32+s2+$0x0], $0xffff  }
0xc3: {  	v32 =	vld [tilespmem:$0x1FD90];
	_ =	sdelay $0x2  }
0xc4: {  	v20 =	vmax.f32 v20, v29;
	v21 =	vmax.f32 v21, v30  }
0xc5: {  	v22 =	vmax.f32 v22, v27;
	v30 =	vmax.f32 v33, v26;
	v27 =	vmin.f32 v20, v31  }
0xc6: {  	v26 =	vmin.f32 v33, v26;
	v29 =	vadd.s32 v32, v18;
	v32 =	vmin.f32 v21, v27  }
0xc7: {  	v19 =	vmax.f32 v19, v26;
	v33 =	vmin.f32 v25, v32  }
0xc8: {  	v20 =	vmax.f32 v20, v31;
	v21 =	vmax.f32 v21, v27;
	v31 =	vmin.f32 v22, v33  }
0xc9: {  	v22 =	vmax.f32 v22, v33;
	v33 =	vld [tilespmem:$0x1FDA0];
	v26 =	vmax.f32 v23, v31;
	v23 =	vmin.f32 v23, v31  }
0xca: {  	v27 =	vmax.f32 v24, v23;
	v23 =	vmin.f32 v24, v23;
	v24 =	vmin.f32 v20, v28  }
0xcb: {  	v25 =	vmax.f32 v25, v32;
	v29 =	vld.idx.msk [tilespmem:v29+s2+$0x0], $0xffff;
	v31 =	vmin.f32 v30, v23;
	v32 =	vmin.f32 v21, v24  }
0xcc: {  	v23 =	vmax.f32 v30, v23;
	v30 =	vmin.f32 v25, v32;
	v25 =	vmax.f32 v25, v32;
	v32 =	vld [tilespmem:$0x1FDB0];
	_ =	sdelay $0x1  }
0xcd: {  	v33 =	vadd.s32 v33, v18  }
0xce: {  	v20 =	vmax.f32 v20, v28;
	v21 =	vmax.f32 v21, v24;
	v24 =	vmin.f32 v22, v30  }
0xcf: {  	v19 =	vmax.f32 v19, v31;
	v22 =	vmax.f32 v22, v30;
	v28 =	vmin.f32 v26, v24  }
0xd0: {  	v24 =	vmax.f32 v26, v24;
	v30 =	vmin.f32 v20, v29;
	v32 =	vadd.s32 v32, v18  }
0xd1: {  	v26 =	vmax.f32 v27, v28;
	v27 =	vmin.f32 v27, v28;
	v28 =	vmin.f32 v21, v30  }
0xd2: {  	v31 =	vld.idx.msk [tilespmem:v33+s2+$0x0], $0xffff;
	v33 =	vmax.f32 v23, v27;
	v23 =	vmin.f32 v23, v27;
	v27 =	vmin.f32 v25, v28  }
0xd3: {  	v19 =	vmax.f32 v19, v23;
	v23 =	vmin.f32 v22, v27  }
0xd4: {  	v25 =	vmax.f32 v25, v28;
	v28 =	vmin.f32 v24, v23  }
0xd5: {  	v23 =	vmax.f32 v24, v23;
	v24 =	vmax.f32 v26, v28;
	v26 =	vmin.f32 v26, v28;
	v28 =	vld.idx.msk [tilespmem:v32+s2+$0x0], $0xffff  }
0xd6: {  	v32 =	vld [tilespmem:$0x1FDC0];
	_ =	sdelay $0x2  }
0xd7: {  	v20 =	vmax.f32 v20, v29;
	v21 =	vmax.f32 v21, v30  }
0xd8: {  	v22 =	vmax.f32 v22, v27;
	v30 =	vmax.f32 v33, v26;
	v27 =	vmin.f32 v20, v31  }
0xd9: {  	v26 =	vmin.f32 v33, v26;
	v29 =	vadd.s32 v32, v18;
	v32 =	vmin.f32 v21, v27  }
0xda: {  	v19 =	vmax.f32 v19, v26;
	v33 =	vmin.f32 v25, v32  }
0xdb: {  	v20 =	vmax.f32 v20, v31;
	v21 =	vmax.f32 v21, v27;
	v31 =	vmin.f32 v22, v33  }
0xdc: {  	v22 =	vmax.f32 v22, v33;
	v33 =	vld [tilespmem:$0x1FDD0];
	v26 =	vmax.f32 v23, v31;
	v23 =	vmin.f32 v23, v31  }
0xdd: {  	v27 =	vmax.f32 v24, v23;
	v23 =	vmin.f32 v24, v23;
	v24 =	vmin.f32 v20, v28  }
0xde: {  	v25 =	vmax.f32 v25, v32;
	v29 =	vld.idx.msk [tilespmem:v29+s2+$0x0], $0xffff;
	v31 =	vmin.f32 v30, v23;
	v32 =	vmin.f32 v21, v24  }
0xdf: {  	v23 =	vmax.f32 v30, v23;
	v30 =	vmin.f32 v25, v32;
	v25 =	vmax.f32 v25, v32;
	v32 =	vld [tilespmem:$0x1FDE0];
	_ =	sdelay $0x1  }
0xe0: {  	v33 =	vadd.s32 v33, v18  }
0xe1: {  	v20 =	vmax.f32 v20, v28;
	v21 =	vmax.f32 v21, v24;
	v24 =	vmin.f32 v22, v30  }
0xe2: {  	v19 =	vmax.f32 v19, v31;
	v22 =	vmax.f32 v22, v30;
	v28 =	vmin.f32 v26, v24  }
0xe3: {  	v24 =	vmax.f32 v26, v24;
	v30 =	vmin.f32 v20, v29;
	v32 =	vadd.s32 v32, v18  }
0xe4: {  	v26 =	vmax.f32 v27, v28;
	v27 =	vmin.f32 v27, v28;
	v28 =	vmin.f32 v21, v30  }
0xe5: {  	v31 =	vld.idx.msk [tilespmem:v33+s2+$0x0], $0xffff;
	v33 =	vmax.f32 v23, v27;
	v23 =	vmin.f32 v23, v27;
	v27 =	vmin.f32 v25, v28  }
0xe6: {  	v19 =	vmax.f32 v19, v23;
	v23 =	vmin.f32 v22, v27  }
0xe7: {  	v25 =	vmax.f32 v25, v28;
	v28 =	vmin.f32 v24, v23  }
0xe8: {  	v23 =	vmax.f32 v24, v23;
	v24 =	vmax.f32 v26, v28;
	v26 =	vmin.f32 v26, v28;
	v28 =	vld.idx.msk [tilespmem:v32+s2+$0x0], $0xffff  }
0xe9: {  	v32 =	vld [tilespmem:$0x1FDF0];
	_ =	sdelay $0x2  }
0xea: {  	v20 =	vmax.f32 v20, v29;
	v21 =	vmax.f32 v21, v30  }
0xeb: {  	v22 =	vmax.f32 v22, v27;
	v30 =	vmax.f32 v33, v26;
	v27 =	vmin.f32 v20, v31  }
0xec: {  	v26 =	vmin.f32 v33, v26;
	v29 =	vadd.s32 v32, v18;
	v32 =	vmin.f32 v21, v27  }
0xed: {  	v19 =	vmax.f32 v19, v26;
	v33 =	vmin.f32 v25, v32  }
0xee: {  	v20 =	vmax.f32 v20, v31;
	v21 =	vmax.f32 v21, v27;
	v31 =	vmin.f32 v22, v33  }
0xef: {  	v22 =	vmax.f32 v22, v33;
	v33 =	vld [tilespmem:$0x1FE00];
	v26 =	vmax.f32 v23, v31;
	v23 =	vmin.f32 v23, v31  }
0xf0: {  	v27 =	vmax.f32 v24, v23;
	v23 =	vmin.f32 v24, v23;
	v24 =	vmin.f32 v20, v28  }
0xf1: {  	v25 =	vmax.f32 v25, v32;
	v29 =	vld.idx.msk [tilespmem:v29+s2+$0x0], $0xffff;
	v31 =	vmin.f32 v30, v23;
	v32 =	vmin.f32 v21, v24  }
0xf2: {  	v23 =	vmax.f32 v30, v23;
	v30 =	vmin.f32 v25, v32;
	v25 =	vmax.f32 v25, v32;
	v32 =	vld [tilespmem:$0x1FE10];
	_ =	sdelay $0x1  }
0xf3: {  	v33 =	vadd.s32 v33, v18  }
0xf4: {  	v20 =	vmax.f32 v20, v28;
	v21 =	vmax.f32 v21, v24;
	v24 =	vmin.f32 v22, v30  }
0xf5: {  	v19 =	vmax.f32 v19, v31;
	v22 =	vmax.f32 v22, v30;
	v28 =	vmin.f32 v26, v24  }
0xf6: {  	v24 =	vmax.f32 v26, v24;
	v30 =	vmin.f32 v20, v29;
	v32 =	vadd.s32 v32, v18  }
0xf7: {  	v26 =	vmax.f32 v27, v28;
	v27 =	vmin.f32 v27, v28;
	v28 =	vmin.f32 v21, v30  }
0xf8: {  	v31 =	vld.idx.msk [tilespmem:v33+s2+$0x0], $0xffff;
	v33 =	vmax.f32 v23, v27;
	v23 =	vmin.f32 v23, v27;
	v27 =	vmin.f32 v25, v28  }
0xf9: {  	v19 =	vmax.f32 v19, v23;
	v23 =	vmin.f32 v22, v27  }
0xfa: {  	v25 =	vmax.f32 v25, v28;
	v28 =	vmin.f32 v24, v23  }
0xfb: {  	v23 =	vmax.f32 v24, v23;
	v24 =	vmax.f32 v26, v28;
	v26 =	vmin.f32 v26, v28;
	v28 =	vld.idx.msk [tilespmem:v32+s2+$0x0], $0xffff  }
0xfc: {  	v32 =	vld [tilespmem:$0x1FE20];
	_ =	sdelay $0x2  }
0xfd: {  	v20 =	vmax.f32 v20, v29;
	v21 =	vmax.f32 v21, v30  }
0xfe: {  	v22 =	vmax.f32 v22, v27;
	v30 =	vmax.f32 v33, v26;
	v27 =	vmin.f32 v20, v31  }
0xff: {  	v26 =	vmin.f32 v33, v26;
	v29 =	vadd.s32 v32, v18;
	v32 =	vmin.f32 v21, v27  }
0x100: {  	v19 =	vmax.f32 v19, v26;
	v33 =	vmin.f32 v25, v32  }
0x101: {  	v20 =	vmax.f32 v20, v31;
	v21 =	vmax.f32 v21, v27;
	v31 =	vmin.f32 v22, v33  }
0x102: {  	v22 =	vmax.f32 v22, v33;
	v33 =	vld [tilespmem:$0x1FE30];
	v26 =	vmax.f32 v23, v31;
	v23 =	vmin.f32 v23, v31  }
0x103: {  	v27 =	vmax.f32 v24, v23;
	v23 =	vmin.f32 v24, v23;
	v24 =	vmin.f32 v20, v28  }
0x104: {  	v25 =	vmax.f32 v25, v32;
	v29 =	vld.idx.msk [tilespmem:v29+s2+$0x0], $0xffff;
	v31 =	vmin.f32 v30, v23;
	v32 =	vmin.f32 v21, v24  }
0x105: {  	v23 =	vmax.f32 v30, v23;
	v30 =	vmin.f32 v25, v32;
	v25 =	vmax.f32 v25, v32;
	v32 =	vld [tilespmem:$0x1FE40];
	_ =	sdelay $0x1  }
0x106: {  	v33 =	vadd.s32 v33, v18  }
0x107: {  	v20 =	vmax.f32 v20, v28;
	v21 =	vmax.f32 v21, v24;
	v24 =	vmin.f32 v22, v30  }
0x108: {  	v19 =	vmax.f32 v19, v31;
	v22 =	vmax.f32 v22, v30;
	v28 =	vmin.f32 v26, v24  }
0x109: {  	v24 =	vmax.f32 v26, v24;
	v30 =	vmin.f32 v20, v29;
	v32 =	vadd.s32 v32, v18  }
0x10a: {  	v26 =	vmax.f32 v27, v28;
	v27 =	vmin.f32 v27, v28;
	v28 =	vmin.f32 v21, v30  }
0x10b: {  	v31 =	vld.idx.msk [tilespmem:v33+s2+$0x0], $0xffff;
	v33 =	vmax.f32 v23, v27;
	v23 =	vmin.f32 v23, v27;
	v27 =	vmin.f32 v25, v28  }
0x10c: {  	v19 =	vmax.f32 v19, v23;
	v23 =	vmin.f32 v22, v27  }
0x10d: {  	v25 =	vmax.f32 v25, v28;
	v28 =	vmin.f32 v24, v23  }
0x10e: {  	v23 =	vmax.f32 v24, v23;
	v24 =	vmax.f32 v26, v28;
	v26 =	vmin.f32 v26, v28;
	v28 =	vld.idx.msk [tilespmem:v32+s2+$0x0], $0xffff  }
0x10f: {  	v32 =	vld [tilespmem:$0x1FE50];
	_ =	sdelay $0x2  }
0x110: {  	v20 =	vmax.f32 v20, v29;
	v21 =	vmax.f32 v21, v30  }
0x111: {  	v22 =	vmax.f32 v22, v27;
	v30 =	vmax.f32 v33, v26;
	v27 =	vmin.f32 v20, v31  }
0x112: {  	v26 =	vmin.f32 v33, v26;
	v29 =	vadd.s32 v32, v18;
	v32 =	vmin.f32 v21, v27  }
0x113: {  	v19 =	vmax.f32 v19, v26;
	v33 =	vmin.f32 v25, v32  }
0x114: {  	v20 =	vmax.f32 v20, v31;
	v21 =	vmax.f32 v21, v27;
	v31 =	vmin.f32 v22, v33  }
0x115: {  	v22 =	vmax.f32 v22, v33;
	v33 =	vld [tilespmem:$0x1FE60];
	v26 =	vmax.f32 v23, v31;
	v23 =	vmin.f32 v23, v31  }
0x116: {  	v27 =	vmax.f32 v24, v23;
	v23 =	vmin.f32 v24, v23;
	v24 =	vmin.f32 v20, v28  }
0x117: {  	v25 =	vmax.f32 v25, v32;
	v29 =	vld.idx.msk [tilespmem:v29+s2+$0x0], $0xffff;
	v31 =	vmin.f32 v30, v23;
	v32 =	vmin.f32 v21, v24  }
0x118: {  	v23 =	vmax.f32 v30, v23;
	v30 =	vmin.f32 v25, v32;
	v25 =	vmax.f32 v25, v32;
	v32 =	vld [tilespmem:$0x1FE70];
	_ =	sdelay $0x1  }
0x119: {  	v33 =	vadd.s32 v33, v18  }
0x11a: {  	v20 =	vmax.f32 v20, v28;
	v21 =	vmax.f32 v21, v24;
	v24 =	vmin.f32 v22, v30  }
0x11b: {  	v19 =	vmax.f32 v19, v31;
	v22 =	vmax.f32 v22, v30;
	v28 =	vmin.f32 v26, v24  }
0x11c: {  	v24 =	vmax.f32 v26, v24;
	v30 =	vmin.f32 v20, v29;
	v32 =	vadd.s32 v32, v18  }
0x11d: {  	v26 =	vmax.f32 v27, v28;
	v27 =	vmin.f32 v27, v28;
	v28 =	vmin.f32 v21, v30  }
0x11e: {  	v31 =	vld.idx.msk [tilespmem:v33+s2+$0x0], $0xffff;
	v33 =	vmax.f32 v23, v27;
	v23 =	vmin.f32 v23, v27;
	v27 =	vmin.f32 v25, v28  }
0x11f: {  	v19 =	vmax.f32 v19, v23;
	v23 =	vmin.f32 v22, v27  }
0x120: {  	v25 =	vmax.f32 v25, v28;
	v28 =	vmin.f32 v24, v23  }
0x121: {  	v23 =	vmax.f32 v24, v23;
	v24 =	vmax.f32 v26, v28;
	v26 =	vmin.f32 v26, v28;
	v28 =	vld.idx.msk [tilespmem:v32+s2+$0x0], $0xffff  }
0x122: {  	v32 =	vld [tilespmem:$0x1FE80];
	_ =	sdelay $0x2  }
0x123: {  	v20 =	vmax.f32 v20, v29;
	v21 =	vmax.f32 v21, v30  }
0x124: {  	v22 =	vmax.f32 v22, v27;
	v30 =	vmax.f32 v33, v26;
	v27 =	vmin.f32 v20, v31  }
0x125: {  	v26 =	vmin.f32 v33, v26;
	v29 =	vadd.s32 v32, v18;
	v32 =	vmin.f32 v21, v27  }
0x126: {  	v19 =	vmax.f32 v19, v26;
	v33 =	vmin.f32 v25, v32  }
0x127: {  	v20 =	vmax.f32 v20, v31;
	v21 =	vmax.f32 v21, v27;
	v31 =	vmin.f32 v22, v33  }
0x128: {  	v22 =	vmax.f32 v22, v33;
	v33 =	vld [tilespmem:$0x1FE90];
	v26 =	vmax.f32 v23, v31;
	v23 =	vmin.f32 v23, v31  }
0x129: {  	v27 =	vmax.f32 v24, v23;
	v23 =	vmin.f32 v24, v23;
	v24 =	vmin.f32 v20, v28  }
0x12a: {  	v25 =	vmax.f32 v25, v32;
	v29 =	vld.idx.msk [tilespmem:v29+s2+$0x0], $0xffff;
	v31 =	vmin.f32 v30, v23;
	v32 =	vmin.f32 v21, v24  }
0x12b: {  	v23 =	vmax.f32 v30, v23;
	v30 =	vmin.f32 v25, v32;
	v25 =	vmax.f32 v25, v32;
	v32 =	vld [tilespmem:$0x1FEA0];
	_ =	sdelay $0x1  }
0x12c: {  	v33 =	vadd.s32 v33, v18  }
0x12d: {  	v20 =	vmax.f32 v20, v28;
	v21 =	vmax.f32 v21, v24;
	v24 =	vmin.f32 v22, v30  }
0x12e: {  	v19 =	vmax.f32 v19, v31;
	v22 =	vmax.f32 v22, v30;
	v28 =	vmin.f32 v26, v24  }
0x12f: {  	v24 =	vmax.f32 v26, v24;
	v30 =	vmin.f32 v20, v29;
	v32 =	vadd.s32 v32, v18  }
0x130: {  	v26 =	vmax.f32 v27, v28;
	v27 =	vmin.f32 v27, v28;
	v28 =	vmin.f32 v21, v30  }
0x131: {  	v31 =	vld.idx.msk [tilespmem:v33+s2+$0x0], $0xffff;
	v33 =	vmax.f32 v23, v27;
	v23 =	vmin.f32 v23, v27;
	v27 =	vmin.f32 v25, v28  }
0x132: {  	v19 =	vmax.f32 v19, v23;
	v23 =	vmin.f32 v22, v27  }
0x133: {  	v25 =	vmax.f32 v25, v28;
	v28 =	vmin.f32 v24, v23  }
0x134: {  	v23 =	vmax.f32 v24, v23;
	v24 =	vmax.f32 v26, v28;
	v26 =	vmin.f32 v26, v28;
	v28 =	vld.idx.msk [tilespmem:v32+s2+$0x0], $0xffff  }
0x135: {  	v32 =	vld [tilespmem:$0x1FEB0];
	_ =	sdelay $0x2  }
0x136: {  	v20 =	vmax.f32 v20, v29  }
0x137: {  	v21 =	vmax.f32 v21, v30;
	v22 =	vmax.f32 v22, v27;
	v27 =	vmin.f32 v20, v31  }
0x138: {  	v29 =	vadd.s32 v32, v18;
	v32 =	vmin.f32 v21, v27  }
0x139: {  	v20 =	vmax.f32 v20, v31;
	v31 =	vmin.f32 v25, v32  }
0x13a: {  	v30 =	vmax.f32 v33, v26;
	v26 =	vmin.f32 v33, v26;
	v33 =	vmin.f32 v22, v31  }
0x13b: {  	v19 =	vmax.f32 v19, v26;
	v26 =	vmax.f32 v23, v33;
	v23 =	vmin.f32 v23, v33;
	v33 =	vld [tilespmem:$0x1FEC0];
	_ =	sdelay $0x1  }
0x13c: {  	v21 =	vmax.f32 v21, v27;
	v25 =	vmax.f32 v25, v32  }
0x13d: {  	v22 =	vmax.f32 v22, v31;
	v27 =	vmax.f32 v24, v23;
	v23 =	vmin.f32 v24, v23  }
0x13e: {  	v24 =	vmin.f32 v20, v28;
	v20 =	vmax.f32 v20, v28;
	v29 =	vld.idx.msk [tilespmem:v29+s2+$0x0], $0xffff;
	v31 =	vmin.f32 v30, v23  }
0x13f: {  	v32 =	vmin.f32 v21, v24;
	v23 =	vmax.f32 v30, v23;
	v33 =	vadd.s32 v33, v18  }
0x140: {  	v21 =	vmax.f32 v21, v24;
	v19 =	vmax.f32 v19, v31;
	v30 =	vmin.f32 v25, v32  }
0x141: {  	v25 =	vmax.f32 v25, v32;
	v32 =	vadd.s32 v56, v18;
	v24 =	vmin.f32 v22, v30  }
0x142: {  	v22 =	vmax.f32 v22, v30;
	v28 =	vmin.f32 v26, v24;
	v24 =	vmax.f32 v26, v24  }
0x143: {  	v26 =	vmax.f32 v27, v28;
	v27 =	vmin.f32 v27, v28;
	v30 =	vmin.f32 v20, v29  }
0x144: {  	v20 =	vmax.f32 v20, v29;
	v29 =	vadd.s32 v57, v18;
	v28 =	vmin.f32 v21, v30;
	v31 =	vld.idx.msk [tilespmem:v33+s2+$0x0], $0xffff  }
0x145: {  	v33 =	vmax.f32 v23, v27;
	v23 =	vmin.f32 v23, v27;
	v27 =	vmin.f32 v25, v28  }
0x146: {  	v21 =	vmax.f32 v21, v30;
	v19 =	vmax.f32 v19, v23;
	v23 =	vmin.f32 v22, v27  }
0x147: {  	v25 =	vmax.f32 v25, v28;
	v22 =	vmax.f32 v22, v27;
	v28 =	vmin.f32 v24, v23  }
0x148: {  	v23 =	vmax.f32 v24, v23;
	v24 =	vmax.f32 v26, v28;
	v26 =	vmin.f32 v26, v28  }
0x149: {  	v28 =	vld.idx.msk [tilespmem:v32+s2+$0x0], $0xffff;
	v30 =	vmax.f32 v33, v26;
	v26 =	vmin.f32 v33, v26;
	v27 =	vmin.f32 v20, v31  }
0x14a: {  	v19 =	vmax.f32 v19, v26;
	v32 =	vmin.f32 v21, v27  }
0x14b: {  	v20 =	vmax.f32 v20, v31;
	v21 =	vmax.f32 v21, v27;
	v31 =	vmin.f32 v25, v32  }
0x14c: {  	v25 =	vmax.f32 v25, v32;
	v33 =	vmin.f32 v22, v31;
	v22 =	vmax.f32 v22, v31  }
0x14d: {  	v29 =	vld.idx.msk [tilespmem:v29+s2+$0x0], $0xffff;
	v26 =	vmax.f32 v23, v33;
	v23 =	vmin.f32 v23, v33;
	v33 =	vadd.s32 v58, v18  }
0x14e: {  	v27 =	vmax.f32 v24, v23;
	v23 =	vmin.f32 v24, v23;
	v24 =	vmin.f32 v20, v28  }
0x14f: {  	v20 =	vmax.f32 v20, v28;
	v31 =	vmin.f32 v30, v23;
	v32 =	vmin.f32 v21, v24  }
0x150: {  	v23 =	vmax.f32 v30, v23;
	v21 =	vmax.f32 v21, v24;
	v19 =	vmax.f32 v19, v31  }
0x151: {  	v30 =	vmin.f32 v25, v32;
	v25 =	vmax.f32 v25, v32;
	v32 =	vadd.s32 v59, v18  }
0x152: {  	v24 =	vmin.f32 v22, v30;
	v22 =	vmax.f32 v22, v30;
	v30 =	vmin.f32 v20, v29  }
0x153: {  	v20 =	vmax.f32 v20, v29;
	v28 =	vmin.f32 v26, v24;
	v24 =	vmax.f32 v26, v24  }
0x154: {  	v31 =	vld.idx.msk [tilespmem:v33+s2+$0x0], $0xffff;
	v26 =	vmax.f32 v27, v28;
	v27 =	vmin.f32 v27, v28;
	v28 =	vmin.f32 v21, v30  }
0x155: {  	v33 =	vmax.f32 v23, v27;
	v23 =	vmin.f32 v23, v27;
	v27 =	vmin.f32 v25, v28  }
0x156: {  	v29 =	vadd.s32 v60, v18;
	v19 =	vmax.f32 v19, v23;
	v23 =	vmin.f32 v22, v27  }
0x157: {  	v21 =	vmax.f32 v21, v30;
	v25 =	vmax.f32 v25, v28;
	v28 =	vmin.f32 v24, v23  }
0x158: {  	v22 =	vmax.f32 v22, v27;
	v23 =	vmax.f32 v24, v23;
	v24 =	vmax.f32 v26, v28  }
0x159: {  	v26 =	vmin.f32 v26, v28;
	v27 =	vmin.f32 v20, v31;
	v28 =	vld.idx.msk [tilespmem:v32+s2+$0x0], $0xffff;
	v20 =	vmax.f32 v20, v31  }
0x15a: {  	v30 =	vmax.f32 v33, v26;
	v26 =	vmin.f32 v33, v26;
	v32 =	vmin.f32 v21, v27  }
0x15b: {  	v21 =	vmax.f32 v21, v27;
	v19 =	vmax.f32 v19, v26;
	v31 =	vmin.f32 v25, v32  }
0x15c: {  	v25 =	vmax.f32 v25, v32;
	v33 =	vmin.f32 v22, v31;
	v22 =	vmax.f32 v22, v31  }
0x15d: {  	v29 =	vld.idx.msk [tilespmem:v29+s2+$0x0], $0xffff;
	v26 =	vmax.f32 v23, v33;
	v23 =	vmin.f32 v23, v33;
	v33 =	vadd.s32 v61, v18  }
0x15e: {  	v27 =	vmax.f32 v24, v23;
	v23 =	vmin.f32 v24, v23;
	v24 =	vmin.f32 v20, v28  }
0x15f: {  	v20 =	vmax.f32 v20, v28;
	v31 =	vmin.f32 v30, v23;
	v32 =	vmin.f32 v21, v24  }
0x160: {  	v23 =	vmax.f32 v30, v23;
	v21 =	vmax.f32 v21, v24;
	v19 =	vmax.f32 v19, v31  }
0x161: {  	v30 =	vmin.f32 v25, v32;
	v25 =	vmax.f32 v25, v32;
	v32 =	vadd.s32 v62, v18  }
0x162: {  	v24 =	vmin.f32 v22, v30;
	v22 =	vmax.f32 v22, v30;
	v30 =	vmin.f32 v20, v29  }
0x163: {  	v20 =	vmax.f32 v20, v29;
	v28 =	vmin.f32 v26, v24;
	v24 =	vmax.f32 v26, v24  }
0x164: {  	v31 =	vld.idx.msk [tilespmem:v33+s2+$0x0], $0xffff;
	v26 =	vmax.f32 v27, v28;
	v27 =	vmin.f32 v27, v28;
	v28 =	vmin.f32 v21, v30  }
0x165: {  	v33 =	vmax.f32 v23, v27;
	v23 =	vmin.f32 v23, v27;
	v27 =	vmin.f32 v25, v28  }
0x166: {  	v29 =	vadd.s32 v63, v18;
	v19 =	vmax.f32 v19, v23;
	v23 =	vmin.f32 v22, v27  }
0x167: {  	v21 =	vmax.f32 v21, v30;
	v25 =	vmax.f32 v25, v28;
	v28 =	vmin.f32 v24, v23  }
0x168: {  	v22 =	vmax.f32 v22, v27;
	v23 =	vmax.f32 v24, v23;
	v24 =	vmax.f32 v26, v28  }
0x169: {  	v26 =	vmin.f32 v26, v28;
	v27 =	vmin.f32 v20, v31;
	v28 =	vld.idx.msk [tilespmem:v32+s2+$0x0], $0xffff;
	v20 =	vmax.f32 v20, v31  }
0x16a: {  	v30 =	vmax.f32 v33, v26;
	v26 =	vmin.f32 v33, v26;
	v32 =	vmin.f32 v21, v27  }
0x16b: {  	v21 =	vmax.f32 v21, v27;
	v19 =	vmax.f32 v19, v26;
	v31 =	vmin.f32 v25, v32  }
0x16c: {  	v25 =	vmax.f32 v25, v32;
	v33 =	vmin.f32 v22, v31;
	v22 =	vmax.f32 v22, v31  }
0x16d: {  	v29 =	vld.idx.msk [tilespmem:v29+s2+$0x0], $0xffff;
	v26 =	vmax.f32 v23, v33;
	v23 =	vmin.f32 v23, v33;
	v33 =	vadd.s32 v44, v18  }
0x16e: {  	v27 =	vmax.f32 v24, v23;
	v23 =	vmin.f32 v24, v23;
	v24 =	vmin.f32 v20, v28  }
0x16f: {  	v20 =	vmax.f32 v20, v28;
	v31 =	vmin.f32 v30, v23;
	v32 =	vmin.f32 v21, v24  }
0x170: {  	v23 =	vmax.f32 v30, v23;
	v21 =	vmax.f32 v21, v24;
	v19 =	vmax.f32 v19, v31  }
0x171: {  	v30 =	vmin.f32 v25, v32;
	v25 =	vmax.f32 v25, v32;
	v32 =	vadd.s32 v45, v18  }
0x172: {  	v24 =	vmin.f32 v22, v30;
	v22 =	vmax.f32 v22, v30;
	v30 =	vmin.f32 v20, v29  }
0x173: {  	v20 =	vmax.f32 v20, v29;
	v28 =	vmin.f32 v26, v24;
	v24 =	vmax.f32 v26, v24  }
0x174: {  	v31 =	vld.idx.msk [tilespmem:v33+s2+$0x0], $0xffff;
	v26 =	vmax.f32 v27, v28;
	v27 =	vmin.f32 v27, v28;
	v28 =	vmin.f32 v21, v30  }
0x175: {  	v33 =	vmax.f32 v23, v27;
	v23 =	vmin.f32 v23, v27;
	v27 =	vmin.f32 v25, v28  }
0x176: {  	v29 =	vadd.s32 v46, v18;
	v19 =	vmax.f32 v19, v23;
	v23 =	vmin.f32 v22, v27  }
0x177: {  	v21 =	vmax.f32 v21, v30;
	v25 =	vmax.f32 v25, v28;
	v28 =	vmin.f32 v24, v23  }
0x178: {  	v22 =	vmax.f32 v22, v27;
	v23 =	vmax.f32 v24, v23;
	v24 =	vmax.f32 v26, v28  }
0x179: {  	v26 =	vmin.f32 v26, v28;
	v27 =	vmin.f32 v20, v31;
	v28 =	vld.idx.msk [tilespmem:v32+s2+$0x0], $0xffff;
	v20 =	vmax.f32 v20, v31  }
0x17a: {  	v30 =	vmax.f32 v33, v26;
	v26 =	vmin.f32 v33, v26;
	v32 =	vmin.f32 v21, v27  }
0x17b: {  	v21 =	vmax.f32 v21, v27;
	v19 =	vmax.f32 v19, v26;
	v31 =	vmin.f32 v25, v32  }
0x17c: {  	v25 =	vmax.f32 v25, v32;
	v33 =	vmin.f32 v22, v31;
	v22 =	vmax.f32 v22, v31  }
0x17d: {  	v29 =	vld.idx.msk [tilespmem:v29+s2+$0x0], $0xffff;
	v26 =	vmax.f32 v23, v33;
	v23 =	vmin.f32 v23, v33;
	v33 =	vadd.s32 v47, v18  }
0x17e: {  	v27 =	vmax.f32 v24, v23;
	v23 =	vmin.f32 v24, v23;
	v24 =	vmin.f32 v20, v28  }
0x17f: {  	v20 =	vmax.f32 v20, v28;
	v31 =	vmin.f32 v30, v23;
	v32 =	vmin.f32 v21, v24  }
0x180: {  	v23 =	vmax.f32 v30, v23;
	v21 =	vmax.f32 v21, v24;
	v19 =	vmax.f32 v19, v31  }
0x181: {  	v30 =	vmin.f32 v25, v32;
	v25 =	vmax.f32 v25, v32;
	v32 =	vadd.s32 v48, v18  }
0x182: {  	v24 =	vmin.f32 v22, v30;
	v22 =	vmax.f32 v22, v30;
	v30 =	vmin.f32 v20, v29  }
0x183: {  	v20 =	vmax.f32 v20, v29;
	v28 =	vmin.f32 v26, v24;
	v24 =	vmax.f32 v26, v24  }
0x184: {  	v31 =	vld.idx.msk [tilespmem:v33+s2+$0x0], $0xffff;
	v26 =	vmax.f32 v27, v28;
	v27 =	vmin.f32 v27, v28;
	v28 =	vmin.f32 v21, v30  }
0x185: {  	v33 =	vmax.f32 v23, v27;
	v23 =	vmin.f32 v23, v27;
	v27 =	vmin.f32 v25, v28  }
0x186: {  	v29 =	vadd.s32 v49, v18;
	v19 =	vmax.f32 v19, v23;
	v23 =	vmin.f32 v22, v27  }
0x187: {  	v21 =	vmax.f32 v21, v30;
	v25 =	vmax.f32 v25, v28;
	v28 =	vmin.f32 v24, v23  }
0x188: {  	v22 =	vmax.f32 v22, v27;
	v23 =	vmax.f32 v24, v23;
	v24 =	vmax.f32 v26, v28  }
0x189: {  	v26 =	vmin.f32 v26, v28;
	v27 =	vmin.f32 v20, v31;
	v28 =	vld.idx.msk [tilespmem:v32+s2+$0x0], $0xffff;
	v20 =	vmax.f32 v20, v31  }
0x18a: {  	v30 =	vmax.f32 v33, v26;
	v26 =	vmin.f32 v33, v26;
	v32 =	vmin.f32 v21, v27  }
0x18b: {  	v21 =	vmax.f32 v21, v27;
	v19 =	vmax.f32 v19, v26;
	v31 =	vmin.f32 v25, v32  }
0x18c: {  	v25 =	vmax.f32 v25, v32;
	v33 =	vmin.f32 v22, v31;
	v22 =	vmax.f32 v22, v31  }
0x18d: {  	v29 =	vld.idx.msk [tilespmem:v29+s2+$0x0], $0xffff;
	v26 =	vmax.f32 v23, v33;
	v23 =	vmin.f32 v23, v33;
	v33 =	vadd.s32 v50, v18  }
0x18e: {  	v27 =	vmax.f32 v24, v23;
	v23 =	vmin.f32 v24, v23;
	v24 =	vmin.f32 v20, v28  }
0x18f: {  	v20 =	vmax.f32 v20, v28;
	v31 =	vmin.f32 v30, v23;
	v32 =	vmin.f32 v21, v24  }
0x190: {  	v23 =	vmax.f32 v30, v23;
	v21 =	vmax.f32 v21, v24;
	v19 =	vmax.f32 v19, v31  }
0x191: {  	v30 =	vmin.f32 v25, v32;
	v25 =	vmax.f32 v25, v32;
	v32 =	vadd.s32 v51, v18  }
0x192: {  	v24 =	vmin.f32 v22, v30;
	v22 =	vmax.f32 v22, v30;
	v30 =	vmin.f32 v20, v29  }
0x193: {  	v20 =	vmax.f32 v20, v29;
	v28 =	vmin.f32 v26, v24;
	v24 =	vmax.f32 v26, v24  }
0x194: {  	v31 =	vld.idx.msk [tilespmem:v33+s2+$0x0], $0xffff;
	v26 =	vmax.f32 v27, v28;
	v27 =	vmin.f32 v27, v28;
	v28 =	vmin.f32 v21, v30  }
0x195: {  	v33 =	vmax.f32 v23, v27;
	v23 =	vmin.f32 v23, v27;
	v27 =	vmin.f32 v25, v28  }
0x196: {  	v29 =	vadd.s32 v52, v18;
	v19 =	vmax.f32 v19, v23;
	v23 =	vmin.f32 v22, v27  }
0x197: {  	v21 =	vmax.f32 v21, v30;
	v25 =	vmax.f32 v25, v28;
	v28 =	vmin.f32 v24, v23  }
0x198: {  	v22 =	vmax.f32 v22, v27;
	v23 =	vmax.f32 v24, v23;
	v24 =	vmax.f32 v26, v28  }
0x199: {  	v26 =	vmin.f32 v26, v28;
	v27 =	vmin.f32 v20, v31;
	v28 =	vld.idx.msk [tilespmem:v32+s2+$0x0], $0xffff;
	v20 =	vmax.f32 v20, v31  }
0x19a: {  	v30 =	vmax.f32 v33, v26;
	v26 =	vmin.f32 v33, v26;
	v32 =	vmin.f32 v21, v27  }
0x19b: {  	v21 =	vmax.f32 v21, v27;
	v19 =	vmax.f32 v19, v26;
	v31 =	vmin.f32 v25, v32  }
0x19c: {  	v25 =	vmax.f32 v25, v32;
	v32 =	vadd.s32 v53, v18;
	v33 =	vmin.f32 v22, v31  }
0x19d: {  	v22 =	vmax.f32 v22, v31;
	v26 =	vmax.f32 v23, v33;
	v23 =	vmin.f32 v23, v33  }
0x19e: {  	v29 =	vld.idx.msk [tilespmem:v29+s2+$0x0], $0xffff;
	v27 =	vmax.f32 v24, v23;
	v23 =	vmin.f32 v24, v23;
	v24 =	vmin.f32 v20, v28  }
0x19f: {  	v31 =	vmax.f32 v30, v23;
	v23 =	vmin.f32 v30, v23;
	v30 =	vmin.f32 v21, v24  }
0x1a0: {  	v20 =	vmax.f32 v20, v28;
	v19 =	vmax.f32 v19, v23;
	v23 =	vmin.f32 v25, v30  }
0x1a1: {  	v21 =	vmax.f32 v21, v24;
	v25 =	vmax.f32 v25, v30;
	v28 =	vmin.f32 v22, v23  }
0x1a2: {  	v30 =	vadd.s32 v54, v18;
	v22 =	vmax.f32 v22, v23;
	v33 =	vmin.f32 v26, v28  }
0x1a3: {  	v24 =	vmax.f32 v26, v28;
	v28 =	vmin.f32 v20, v29;
	v20 =	vmax.f32 v20, v29  }
0x1a4: {  	v26 =	vmax.f32 v27, v33;
	v23 =	vmin.f32 v27, v33;
	v27 =	vmin.f32 v21, v28  }
0x1a5: {  	v32 =	vld.idx.msk [tilespmem:v32+s2+$0x0], $0xffff;
	v33 =	vmax.f32 v31, v23;
	v23 =	vmin.f32 v31, v23;
	v31 =	vmin.f32 v25, v27  }
0x1a6: {  	v29 =	vadd.s32 v55, v18;
	v19 =	vmax.f32 v19, v23;
	v23 =	vmin.f32 v22, v31  }
0x1a7: {  	v25 =	vmax.f32 v25, v27;
	v27 =	vmin.f32 v24, v23  }
0x1a8: {  	v21 =	vmax.f32 v21, v28;
	v22 =	vmax.f32 v22, v31;
	v31 =	vmin.f32 v26, v27  }
0x1a9: {  	v28 =	vld.idx.msk [tilespmem:v30+s2+$0x0], $0xffff;
	v23 =	vmax.f32 v24, v23;
	v26 =	vmax.f32 v26, v27;
	v27 =	vmax.f32 v33, v31  }
0x1aa: {  	v24 =	vmin.f32 v33, v31;
	v33 =	vmovc v43;
	v43 =	vmin.f32 v20, v32;
	v20 =	vmax.f32 v20, v32  }
0x1ab: {  	v29 =	vld.idx.msk [tilespmem:v29+s2+$0x0], $0xffff;
	v19 =	vmax.f32 v19, v24;
	v30 =	vmax.f32 v21, v43;
	v21 =	vmin.f32 v21, v43  }
0x1ac: {  	v43 =	vadd.s32 $0x3F, v1;
	v24 =	vmax.f32 v25, v21;
	v21 =	vmin.f32 v25, v21  }
0x1ad: {  	v18 =	vadd.s32 v43, v18;
	v31 =	vmax.f32 v22, v21;
	v21 =	vmin.f32 v22, v21  }
0x1ae: {  	v22 =	vmax.f32 v23, v21;
	v21 =	vmin.f32 v23, v21;
	v23 =	vmin.f32 v20, v28  }
0x1af: {  	v20 =	vmax.f32 v20, v28;
	v25 =	vmax.f32 v26, v21;
	v21 =	vmin.f32 v26, v21  }
0x1b0: {  	v26 =	vmin.f32 v30, v23;
	v23 =	vmax.f32 v30, v23;
	v28 =	vmin.f32 v20, v29  }
0x1b1: {  	v32 =	vmax.f32 v27, v21;
	v21 =	vmin.f32 v27, v21;
	v27 =	vmin.f32 v24, v26  }
0x1b2: {  	v20 =	vmax.f32 v20, v29;
	v24 =	vmax.f32 v24, v26;
	v43 =	vmin.f32 v31, v27;
	v18 =	vld.idx.msk [tilespmem:v18+s2+$0x0], $0xffff  }
0x1b3: {  	v19 =	vmax.f32 v19, v21;
	v27 =	vmax.f32 v31, v27;
	v30 =	vmin.f32 v22, v43  }
0x1b4: {  	v21 =	vmax.f32 v22, v43;
	v22 =	vmin.f32 v25, v30;
	v25 =	vmax.f32 v25, v30  }
0x1b5: {  	v43 =	vmin.f32 v32, v22;
	v22 =	vmax.f32 v32, v22;
	v32 =	vmin.f32 v23, v28  }
0x1b6: {  	v23 =	vmax.f32 v23, v28;
	v19 =	vmax.f32 v19, v43;
	v43 =	vmin.f32 v24, v32  }
0x1b7: {  	v24 =	vmax.f32 v24, v32;
	v26 =	vmax.f32 v27, v43;
	v29 =	vmin.f32 v20, v18  }
0x1b8: {  	v18 =	vmax.f32 v20, v18;
	v27 =	vmin.f32 v27, v43;
	v32 =	vmax.f32 v23, v29  }
0x1b9: {  	v23 =	vmin.f32 v23, v29;
	v29 =	vmax.f32 v21, v27;
	v20 =	vsub.f32 v32, v18  }
0x1ba: {  	v21 =	vmin.f32 v21, v27;
	v43 =	vmax.f32 v24, v23;
	v23 =	vmin.f32 v24, v23  }
0x1bb: {  	v31 =	vmax.f32 v25, v21;
	v30 =	vsub.f32 v43, v18;
	v20 =	vmul.f32 $1.442695020e+00, v20  }
0x1bc: {  	v21 =	vmin.f32 v25, v21;
	v32 =	vmax.f32 v26, v23;
	v23 =	vmin.f32 v26, v23  }
0x1bd: {  	v43 =	vsub.f32 v32, v18;
	v27 =	vmul.f32 $1.442695020e+00, v30;
	(erf) = vpow2.f32 v20  }
0x1be: {  	v28 =	vmax.f32 v29, v23;
	v23 =	vmin.f32 v29, v23;
	v29 =	vmax.f32 v22, v21  }
0x1bf: {  	v25 =	vsub.f32 v28, v18;
	v20 =	vmul.f32 $1.442695020e+00, v43;
	(erf) = vpow2.f32 v27  }
0x1c0: {  	v21 =	vmin.f32 v22, v21;
	v30 =	vmax.f32 v31, v23;
	v23 =	vmin.f32 v31, v23  }
0x1c1: {  	v22 =	vsub.f32 v30, v18;
	v31 =	vmul.f32 $1.442695020e+00, v25;
	(erf) = vpow2.f32 v20  }
0x1c2: {  	v19 =	vmax.f32 v19, v21;
	v32 =	vmax.f32 v29, v23;
	v23 =	vmin.f32 v29, v23  }
0x1c3: {  	v21 =	vsub.f32 v32, v18;
	v43 =	vmul.f32 $1.442695020e+00, v22;
	(erf) = vpow2.f32 v31  }
0x1c4: {  	v19 =	vmax.f32 v19, v23  }
0x1c5: {  	v25 =	vsub.f32 v19, v18;
	v24 =	vmul.f32 $1.442695020e+00, v21;
	(erf) = vpow2.f32 v43  }
0x1c6: {  	v26 =	vpop (erf)  }
0x1c7: {  	v27 =	vmul.f32 $1.442695020e+00, v25;
	(erf) = vpow2.f32 v24;
	v22 =	vadd.f32 $1.000000000e+00, v26  }
0x1c8: {  	v28 =	vpop (erf)  }
0x1c9: {  	v29 =	vor.u32 s12, v0;
	(erf) = vpow2.f32 v27;
	v21 =	vadd.f32 v28, v22  }
0x1ca: {  	v30 =	vpop (erf)  }
0x1cb: {  	v21 =	vadd.f32 v30, v21  }
0x1cc: {  	v31 =	vpop (erf)  }
0x1cd: {  	v21 =	vadd.f32 v31, v21  }
0x1ce: {  	v43 =	vld.idx.msk [tilespmem:v29+s2+$0x0], $0xffff;
	v32 =	vpop (erf)  }
0x1cf: {  	v24 =	vadd.f32 v32, v21  }
0x1d0: {  	v25 =	vpop (erf)  }
0x1d1: {  	v21 =	vperm.xlane v18, v2;
	v20 =	vadd.f32 v25, v24  }
0x1d2: {  	v26 =	vpop (erf)  }
0x1d3: {  	v27 =	vsub.f32 v43, v21;
	v20 =	vadd.f32 v26, v20;
	_ =	sdelay $0x1  }
0x1d4: {  	v28 =	vmul.f32 $1.442695020e+00, v27;
	(erf) = vrcp.f32 v20;
	_ =	sdelay $0x1  }
0x1d5: {  	(erf) = vpow2.f32 v28;
	_ =	sdelay $0x6  }
0x1d6: {  	v20 =	vpop (erf)  }
0x1d7: {  	s13 =	sadd.s32 $0x10, s12;
	v22 =	vperm.xlane v20, v2  }
0x1d8: {  	v30 =	vor.u32 s13, v0;
	v24 =	vperm.xlane v19, v2;
	v29 =	vpop (erf)  }
0x1d9: {  	v25 =	vmul.f32 v29, v22  }
0x1da: {  	vm0 =	vge.f32 v43, v24  }
0x1db: {  	v23 =	vnsel vm0, $0x0, v25  }
0x1dc: {  	[tilespmem:s10+$0xFFFFFE00] =	vst v23  }
0x1dd: {  	v23 =	vld.idx.msk [tilespmem:v30+s2+$0x0], $0xffff;
	_ =	sdelay $0x4  }
0x1de: {  	v31 =	vsub.f32 v23, v21;
	_ =	sdelay $0x1  }
0x1df: {  	v25 =	vmul.f32 $1.442695020e+00, v31;
	_ =	sdelay $0x1  }
0x1e0: {  	(erf) = vpow2.f32 v25;
	_ =	sdelay $0x7  }
0x1e1: {  	s30 =	sadd.s32 $0x20, s12  }
0x1e2: {  	v32 =	vor.u32 s30, v0;
	v25 =	vpop (erf)  }
0x1e3: {  	v25 =	vmul.f32 v25, v22  }
0x1e4: {  	vm13 =	vge.f32 v23, v24  }
0x1e5: {  	v23 =	vnsel vm13, $0x0, v25  }
0x1e6: {  	[tilespmem:s10+$0xFFFFFE10] =	vst v23  }
0x1e7: {  	v23 =	vld.idx.msk [tilespmem:v32+s2+$0x0], $0xffff;
	_ =	sdelay $0x4  }
0x1e8: {  	v43 =	vsub.f32 v23, v21;
	_ =	sdelay $0x1  }
0x1e9: {  	v25 =	vmul.f32 $1.442695020e+00, v43;
	_ =	sdelay $0x1  }
0x1ea: {  	(erf) = vpow2.f32 v25;
	_ =	sdelay $0x7  }
0x1eb: {  	s31 =	sadd.s32 $0x30, s12  }
0x1ec: {  	v28 =	vor.u32 s31, v0;
	v25 =	vpop (erf)  }
0x1ed: {  	v25 =	vmul.f32 v25, v22  }
0x1ee: {  	vm14 =	vge.f32 v23, v24  }
0x1ef: {  	v23 =	vnsel vm14, $0x0, v25  }
0x1f0: {  	[tilespmem:s10+$0xFFFFFE20] =	vst v23  }
0x1f1: {  	v23 =	vld.idx.msk [tilespmem:v28+s2+$0x0], $0xffff;
	_ =	sdelay $0x4  }
0x1f2: {  	v21 =	vsub.f32 v23, v21;
	_ =	sdelay $0x1  }
0x1f3: {  	v21 =	vmul.f32 $1.442695020e+00, v21;
	_ =	sdelay $0x1  }
0x1f4: {  	(erf) = vpow2.f32 v21;
	_ =	sdelay $0x7  }
0x1f5: {  	s14 =	sadd.s32 $0x41, s12  }
0x1f6: {  	v29 =	vadd.s32 s14, v0;
	v21 =	vpop (erf)  }
0x1f7: {  	v21 =	vmul.f32 v21, v22  }
0x1f8: {  	vm15 =	vge.f32 v23, v24  }
0x1f9: {  	v21 =	vnsel vm15, $0x0, v21  }
0x1fa: {  	[tilespmem:s10+$0xFFFFFE30] =	vst v21  }
0x1fb: {  	v21 =	vld.idx.msk [tilespmem:v29+s2+$0x0], $0xffff;
	_ =	sdelay $0x2  }
0x1fc: {  	v22 =	vperm.xlane v18, v3;
	_ =	sdelay $0x1  }
0x1fd: {  	v30 =	vsub.f32 v21, v22;
	_ =	sdelay $0x1  }
0x1fe: {  	v23 =	vmul.f32 $1.442695020e+00, v30;
	_ =	sdelay $0x1  }
0x1ff: {  	(erf) = vpow2.f32 v23;
	_ =	sdelay $0x7  }
0x200: {  	s15 =	sadd.s32 $0x51, s12;
	v23 =	vperm.xlane v20, v3  }
0x201: {  	v32 =	vadd.s32 s15, v0;
	v24 =	vperm.xlane v19, v3;
	v31 =	vpop (erf)  }
0x202: {  	v25 =	vmul.f32 v31, v23  }
0x203: {  	vm4 =	vge.f32 v21, v24  }
0x204: {  	v21 =	vnsel vm4, $0x0, v25  }
0x205: {  	[tilespmem:s10+$0xFFFFFE40] =	vst v21  }
0x206: {  	v21 =	vld.idx.msk [tilespmem:v32+s2+$0x0], $0xffff;
	_ =	sdelay $0x4  }
0x207: {  	v43 =	vsub.f32 v21, v22;
	_ =	sdelay $0x1  }
0x208: {  	v25 =	vmul.f32 $1.442695020e+00, v43;
	_ =	sdelay $0x1  }
0x209: {  	(erf) = vpow2.f32 v25;
	_ =	sdelay $0x7  }
0x20a: {  	s16 =	sadd.s32 $0x61, s12  }
0x20b: {  	v28 =	vadd.s32 s16, v0;
	v25 =	vpop (erf)  }
0x20c: {  	v25 =	vmul.f32 v25, v23  }
0x20d: {  	s17 =	sadd.s32 $0xFFFFFC80, s9;
	vm5 =	vge.f32 v21, v24  }
0x20e: {  	s14 =	sor.u32 $0x50, s17;
	v21 =	vnsel vm5, $0x0, v25  }
0x20f: {  	[tilespmem:s14+$0x4100] =	vst v21  }
0x210: {  	v21 =	vld.idx.msk [tilespmem:v28+s2+$0x0], $0xffff;
	_ =	sdelay $0x4  }
0x211: {  	v29 =	vsub.f32 v21, v22;
	_ =	sdelay $0x1  }
0x212: {  	v25 =	vmul.f32 $1.442695020e+00, v29;
	_ =	sdelay $0x1  }
0x213: {  	(erf) = vpow2.f32 v25;
	_ =	sdelay $0x7  }
0x214: {  	s18 =	sadd.s32 $0x71, s12  }
0x215: {  	v30 =	vadd.s32 s18, v0;
	v25 =	vpop (erf)  }
0x216: {  	v25 =	vmul.f32 v25, v23  }
0x217: {  	vm6 =	vge.f32 v21, v24  }
0x218: {  	s19 =	sor.u32 $0x60, s17;
	v21 =	vnsel vm6, $0x0, v25  }
0x219: {  	[tilespmem:s19+$0x4100] =	vst v21  }
0x21a: {  	v21 =	vld.idx.msk [tilespmem:v30+s2+$0x0], $0xffff;
	_ =	sdelay $0x4  }
0x21b: {  	v22 =	vsub.f32 v21, v22;
	_ =	sdelay $0x1  }
0x21c: {  	v22 =	vmul.f32 $1.442695020e+00, v22;
	_ =	sdelay $0x1  }
0x21d: {  	(erf) = vpow2.f32 v22;
	_ =	sdelay $0x7  }
0x21e: {  	s20 =	sadd.s32 $0x82, s12  }
0x21f: {  	v31 =	vadd.s32 s20, v0;
	v22 =	vpop (erf)  }
0x220: {  	v22 =	vmul.f32 v22, v23  }
0x221: {  	vm7 =	vge.f32 v21, v24  }
0x222: {  	s13 =	sor.u32 $0x70, s17;
	v21 =	vnsel vm7, $0x0, v22  }
0x223: {  	[tilespmem:s13+$0x4100] =	vst v21  }
0x224: {  	v21 =	vld.idx.msk [tilespmem:v31+s2+$0x0], $0xffff;
	_ =	sdelay $0x2  }
0x225: {  	v22 =	vperm.xlane v18, v4;
	_ =	sdelay $0x1  }
0x226: {  	v32 =	vsub.f32 v21, v22;
	_ =	sdelay $0x1  }
0x227: {  	v23 =	vmul.f32 $1.442695020e+00, v32;
	_ =	sdelay $0x1  }
0x228: {  	(erf) = vpow2.f32 v23;
	_ =	sdelay $0x7  }
0x229: {  	s21 =	sadd.s32 $0x92, s12;
	v23 =	vperm.xlane v20, v4  }
0x22a: {  	v28 =	vadd.s32 s21, v0;
	v24 =	vperm.xlane v19, v4;
	v43 =	vpop (erf)  }
0x22b: {  	v25 =	vmul.f32 v43, v23  }
0x22c: {  	vm8 =	vge.f32 v21, v24  }
0x22d: {  	v21 =	vnsel vm8, $0x0, v25  }
0x22e: {  	[tilespmem:s10+$0xFFFFFE80] =	vst v21  }
0x22f: {  	v21 =	vld.idx.msk [tilespmem:v28+s2+$0x0], $0xffff;
	_ =	sdelay $0x4  }
0x230: {  	v29 =	vsub.f32 v21, v22;
	_ =	sdelay $0x1  }
0x231: {  	v25 =	vmul.f32 $1.442695020e+00, v29;
	_ =	sdelay $0x1  }
0x232: {  	(erf) = vpow2.f32 v25;
	_ =	sdelay $0x7  }
0x233: {  	s22 =	sadd.s32 $0xA2, s12  }
0x234: {  	v30 =	vadd.s32 s22, v0;
	v25 =	vpop (erf)  }
0x235: {  	v25 =	vmul.f32 v25, v23  }
0x236: {  	vm9 =	vge.f32 v21, v24  }
0x237: {  	v21 =	vnsel vm9, $0x0, v25  }
0x238: {  	[tilespmem:s10+$0xFFFFFE90] =	vst v21  }
0x239: {  	v21 =	vld.idx.msk [tilespmem:v30+s2+$0x0], $0xffff;
	_ =	sdelay $0x4  }
0x23a: {  	v31 =	vsub.f32 v21, v22;
	_ =	sdelay $0x1  }
0x23b: {  	v25 =	vmul.f32 $1.442695020e+00, v31;
	_ =	sdelay $0x1  }
0x23c: {  	(erf) = vpow2.f32 v25;
	_ =	sdelay $0x7  }
0x23d: {  	s23 =	sadd.s32 $0xB2, s12  }
0x23e: {  	v32 =	vadd.s32 s23, v0;
	v25 =	vpop (erf)  }
0x23f: {  	v25 =	vmul.f32 v25, v23  }
0x240: {  	vm10 =	vge.f32 v21, v24  }
0x241: {  	v21 =	vnsel vm10, $0x0, v25  }
0x242: {  	[tilespmem:s10+$0xFFFFFEA0] =	vst v21  }
0x243: {  	v21 =	vld.idx.msk [tilespmem:v32+s2+$0x0], $0xffff;
	_ =	sdelay $0x4  }
0x244: {  	v22 =	vsub.f32 v21, v22;
	_ =	sdelay $0x1  }
0x245: {  	v22 =	vmul.f32 $1.442695020e+00, v22;
	_ =	sdelay $0x1  }
0x246: {  	(erf) = vpow2.f32 v22;
	_ =	sdelay $0x7  }
0x247: {  	s24 =	sadd.s32 $0xC3, s12  }
0x248: {  	v43 =	vadd.s32 s24, v0;
	v22 =	vpop (erf)  }
0x249: {  	v22 =	vmul.f32 v22, v23  }
0x24a: {  	vm11 =	vge.f32 v21, v24  }
0x24b: {  	v21 =	vnsel vm11, $0x0, v22  }
0x24c: {  	[tilespmem:s10+$0xFFFFFEB0] =	vst v21  }
0x24d: {  	v21 =	vld.idx.msk [tilespmem:v43+s2+$0x0], $0xffff;
	_ =	sdelay $0x2  }
0x24e: {  	v22 =	vperm.xlane v18, v5;
	_ =	sdelay $0x1  }
0x24f: {  	v28 =	vsub.f32 v21, v22;
	_ =	sdelay $0x1  }
0x250: {  	v23 =	vmul.f32 $1.442695020e+00, v28;
	_ =	sdelay $0x1  }
0x251: {  	(erf) = vpow2.f32 v23;
	_ =	sdelay $0x7  }
0x252: {  	s25 =	sadd.s32 $0xD3, s12;
	v23 =	vperm.xlane v20, v5  }
0x253: {  	v30 =	vadd.s32 s25, v0;
	v24 =	vperm.xlane v19, v5;
	v29 =	vpop (erf)  }
0x254: {  	v25 =	vmul.f32 v29, v23  }
0x255: {  	vm12 =	vge.f32 v21, v24  }
0x256: {  	v21 =	vnsel vm12, $0x0, v25  }
0x257: {  	[tilespmem:s10+$0xFFFFFEC0] =	vst v21  }
0x258: {  	v21 =	vld.idx.msk [tilespmem:v30+s2+$0x0], $0xffff;
	_ =	sdelay $0x4  }
0x259: {  	v31 =	vsub.f32 v21, v22;
	_ =	sdelay $0x1  }
0x25a: {  	v25 =	vmul.f32 $1.442695020e+00, v31;
	_ =	sdelay $0x1  }
0x25b: {  	(erf) = vpow2.f32 v25;
	_ =	sdelay $0x7  }
0x25c: {  	s26 =	sadd.s32 $0xE3, s12  }
0x25d: {  	v32 =	vadd.s32 s26, v0;
	v25 =	vpop (erf)  }
0x25e: {  	v25 =	vmul.f32 v25, v23  }
0x25f: {  	s28 =	sadd.s32 $0xFFFFFD00, s9;
	vm13 =	vge.f32 v21, v24  }
0x260: {  	s29 =	sor.u32 $0x50, s28;
	v21 =	vnsel vm13, $0x0, v25  }
0x261: {  	[tilespmem:s29+$0x4100] =	vst v21  }
0x262: {  	v21 =	vld.idx.msk [tilespmem:v32+s2+$0x0], $0xffff;
	_ =	sdelay $0x4  }
0x263: {  	v43 =	vsub.f32 v21, v22;
	_ =	sdelay $0x1  }
0x264: {  	v25 =	vmul.f32 $1.442695020e+00, v43;
	_ =	sdelay $0x1  }
0x265: {  	(erf) = vpow2.f32 v25;
	_ =	sdelay $0x7  }
0x266: {  	s30 =	sadd.s32 $0xF3, s12  }
0x267: {  	v28 =	vadd.s32 s30, v0;
	v25 =	vpop (erf)  }
0x268: {  	v25 =	vmul.f32 v25, v23  }
0x269: {  	vm14 =	vge.f32 v21, v24  }
0x26a: {  	s31 =	sor.u32 $0x60, s28;
	v21 =	vnsel vm14, $0x0, v25  }
0x26b: {  	[tilespmem:s31+$0x4100] =	vst v21  }
0x26c: {  	v21 =	vld.idx.msk [tilespmem:v28+s2+$0x0], $0xffff;
	_ =	sdelay $0x4  }
0x26d: {  	v22 =	vsub.f32 v21, v22;
	_ =	sdelay $0x1  }
0x26e: {  	v22 =	vmul.f32 $1.442695020e+00, v22;
	_ =	sdelay $0x1  }
0x26f: {  	(erf) = vpow2.f32 v22;
	_ =	sdelay $0x7  }
0x270: {  	s15 =	sadd.s32 $0x104, s12  }
0x271: {  	v29 =	vadd.s32 s15, v0;
	v22 =	vpop (erf)  }
0x272: {  	v22 =	vmul.f32 v22, v23  }
0x273: {  	vm15 =	vge.f32 v21, v24  }
0x274: {  	s13 =	sor.u32 $0x70, s28;
	v21 =	vnsel vm15, $0x0, v22  }
0x275: {  	[tilespmem:s13+$0x4100] =	vst v21  }
0x276: {  	v21 =	vld.idx.msk [tilespmem:v29+s2+$0x0], $0xffff;
	_ =	sdelay $0x2  }
0x277: {  	v22 =	vperm.xlane v18, v6;
	_ =	sdelay $0x1  }
0x278: {  	v30 =	vsub.f32 v21, v22;
	_ =	sdelay $0x1  }
0x279: {  	v23 =	vmul.f32 $1.442695020e+00, v30;
	_ =	sdelay $0x1  }
0x27a: {  	(erf) = vpow2.f32 v23;
	_ =	sdelay $0x7  }
0x27b: {  	s16 =	sadd.s32 $0x114, s12;
	v23 =	vperm.xlane v20, v6  }
0x27c: {  	v32 =	vadd.s32 s16, v0;
	v24 =	vperm.xlane v19, v6;
	v31 =	vpop (erf)  }
0x27d: {  	v25 =	vmul.f32 v31, v23  }
0x27e: {  	vm4 =	vge.f32 v21, v24  }
0x27f: {  	v21 =	vnsel vm4, $0x0, v25  }
0x280: {  	[tilespmem:s10+$0xFFFFFF00] =	vst v21  }
0x281: {  	v21 =	vld.idx.msk [tilespmem:v32+s2+$0x0], $0xffff;
	_ =	sdelay $0x4  }
0x282: {  	v43 =	vsub.f32 v21, v22;
	_ =	sdelay $0x1  }
0x283: {  	v25 =	vmul.f32 $1.442695020e+00, v43;
	_ =	sdelay $0x1  }
0x284: {  	(erf) = vpow2.f32 v25;
	_ =	sdelay $0x7  }
0x285: {  	s17 =	sadd.s32 $0x124, s12  }
0x286: {  	v28 =	vadd.s32 s17, v0;
	v25 =	vpop (erf)  }
0x287: {  	v25 =	vmul.f32 v25, v23  }
0x288: {  	vm5 =	vge.f32 v21, v24  }
0x289: {  	v21 =	vnsel vm5, $0x0, v25  }
0x28a: {  	[tilespmem:s10+$0xFFFFFF10] =	vst v21  }
0x28b: {  	v21 =	vld.idx.msk [tilespmem:v28+s2+$0x0], $0xffff;
	_ =	sdelay $0x4  }
0x28c: {  	v29 =	vsub.f32 v21, v22;
	_ =	sdelay $0x1  }
0x28d: {  	v25 =	vmul.f32 $1.442695020e+00, v29;
	_ =	sdelay $0x1  }
0x28e: {  	(erf) = vpow2.f32 v25;
	_ =	sdelay $0x7  }
0x28f: {  	s18 =	sadd.s32 $0x134, s12  }
0x290: {  	v30 =	vadd.s32 s18, v0;
	v25 =	vpop (erf)  }
0x291: {  	v25 =	vmul.f32 v25, v23  }
0x292: {  	vm6 =	vge.f32 v21, v24  }
0x293: {  	v21 =	vnsel vm6, $0x0, v25  }
0x294: {  	[tilespmem:s10+$0xFFFFFF20] =	vst v21  }
0x295: {  	v21 =	vld.idx.msk [tilespmem:v30+s2+$0x0], $0xffff;
	_ =	sdelay $0x4  }
0x296: {  	v22 =	vsub.f32 v21, v22;
	_ =	sdelay $0x1  }
0x297: {  	v22 =	vmul.f32 $1.442695020e+00, v22;
	_ =	sdelay $0x1  }
0x298: {  	(erf) = vpow2.f32 v22;
	_ =	sdelay $0x7  }
0x299: {  	s19 =	sadd.s32 $0x145, s12  }
0x29a: {  	v31 =	vadd.s32 s19, v0;
	v22 =	vpop (erf)  }
0x29b: {  	v22 =	vmul.f32 v22, v23  }
0x29c: {  	vm7 =	vge.f32 v21, v24  }
0x29d: {  	v21 =	vnsel vm7, $0x0, v22  }
0x29e: {  	[tilespmem:s10+$0xFFFFFF30] =	vst v21  }
0x29f: {  	v21 =	vld.idx.msk [tilespmem:v31+s2+$0x0], $0xffff;
	_ =	sdelay $0x2  }
0x2a0: {  	v22 =	vperm.xlane v18, v7;
	_ =	sdelay $0x1  }
0x2a1: {  	v32 =	vsub.f32 v21, v22;
	_ =	sdelay $0x1  }
0x2a2: {  	v23 =	vmul.f32 $1.442695020e+00, v32;
	_ =	sdelay $0x1  }
0x2a3: {  	(erf) = vpow2.f32 v23;
	_ =	sdelay $0x7  }
0x2a4: {  	s20 =	sadd.s32 $0x155, s12;
	v23 =	vperm.xlane v20, v7  }
0x2a5: {  	v28 =	vadd.s32 s20, v0;
	v24 =	vperm.xlane v19, v7;
	v43 =	vpop (erf)  }
0x2a6: {  	v25 =	vmul.f32 v43, v23  }
0x2a7: {  	vm8 =	vge.f32 v21, v24  }
0x2a8: {  	v21 =	vnsel vm8, $0x0, v25  }
0x2a9: {  	[tilespmem:s10+$0xFFFFFF40] =	vst v21  }
0x2aa: {  	v21 =	vld.idx.msk [tilespmem:v28+s2+$0x0], $0xffff;
	_ =	sdelay $0x4  }
0x2ab: {  	v29 =	vsub.f32 v21, v22;
	_ =	sdelay $0x1  }
0x2ac: {  	v25 =	vmul.f32 $1.442695020e+00, v29;
	_ =	sdelay $0x1  }
0x2ad: {  	(erf) = vpow2.f32 v25;
	_ =	sdelay $0x7  }
0x2ae: {  	s21 =	sadd.s32 $0x165, s12  }
0x2af: {  	v30 =	vadd.s32 s21, v0;
	v25 =	vpop (erf)  }
0x2b0: {  	v25 =	vmul.f32 v25, v23  }
0x2b1: {  	s22 =	sadd.s32 $0xFFFFFD80, s9;
	vm9 =	vge.f32 v21, v24  }
0x2b2: {  	s23 =	sor.u32 $0x50, s22;
	v21 =	vnsel vm9, $0x0, v25  }
0x2b3: {  	[tilespmem:s23+$0x4100] =	vst v21  }
0x2b4: {  	v21 =	vld.idx.msk [tilespmem:v30+s2+$0x0], $0xffff;
	_ =	sdelay $0x4  }
0x2b5: {  	v31 =	vsub.f32 v21, v22;
	_ =	sdelay $0x1  }
0x2b6: {  	v25 =	vmul.f32 $1.442695020e+00, v31;
	_ =	sdelay $0x1  }
0x2b7: {  	(erf) = vpow2.f32 v25;
	_ =	sdelay $0x7  }
0x2b8: {  	s24 =	sadd.s32 $0x175, s12  }
0x2b9: {  	v32 =	vadd.s32 s24, v0;
	v25 =	vpop (erf)  }
0x2ba: {  	v25 =	vmul.f32 v25, v23  }
0x2bb: {  	vm10 =	vge.f32 v21, v24  }
0x2bc: {  	s25 =	sor.u32 $0x60, s22;
	v21 =	vnsel vm10, $0x0, v25  }
0x2bd: {  	[tilespmem:s25+$0x4100] =	vst v21  }
0x2be: {  	v21 =	vld.idx.msk [tilespmem:v32+s2+$0x0], $0xffff;
	_ =	sdelay $0x4  }
0x2bf: {  	v22 =	vsub.f32 v21, v22;
	_ =	sdelay $0x1  }
0x2c0: {  	v22 =	vmul.f32 $1.442695020e+00, v22;
	_ =	sdelay $0x1  }
0x2c1: {  	(erf) = vpow2.f32 v22;
	_ =	sdelay $0x7  }
0x2c2: {  	s26 =	sadd.s32 $0x186, s12  }
0x2c3: {  	v43 =	vadd.s32 s26, v0;
	v22 =	vpop (erf)  }
0x2c4: {  	v22 =	vmul.f32 v22, v23  }
0x2c5: {  	vm11 =	vge.f32 v21, v24  }
0x2c6: {  	s13 =	sor.u32 $0x70, s22;
	v21 =	vnsel vm11, $0x0, v22  }
0x2c7: {  	[tilespmem:s13+$0x4100] =	vst v21  }
0x2c8: {  	v21 =	vld.idx.msk [tilespmem:v43+s2+$0x0], $0xffff;
	_ =	sdelay $0x2  }
0x2c9: {  	v22 =	vperm.xlane v18, v8;
	_ =	sdelay $0x1  }
0x2ca: {  	v28 =	vsub.f32 v21, v22;
	_ =	sdelay $0x1  }
0x2cb: {  	v23 =	vmul.f32 $1.442695020e+00, v28;
	_ =	sdelay $0x1  }
0x2cc: {  	(erf) = vpow2.f32 v23;
	_ =	sdelay $0x7  }
0x2cd: {  	s28 =	sadd.s32 $0x196, s12;
	v23 =	vperm.xlane v20, v8  }
0x2ce: {  	v30 =	vadd.s32 s28, v0;
	v24 =	vperm.xlane v19, v8;
	v29 =	vpop (erf)  }
0x2cf: {  	v25 =	vmul.f32 v29, v23  }
0x2d0: {  	vm12 =	vge.f32 v21, v24  }
0x2d1: {  	v21 =	vnsel vm12, $0x0, v25  }
0x2d2: {  	[tilespmem:s10+$0xFFFFFF80] =	vst v21  }
0x2d3: {  	v21 =	vld.idx.msk [tilespmem:v30+s2+$0x0], $0xffff;
	_ =	sdelay $0x4  }
0x2d4: {  	v31 =	vsub.f32 v21, v22;
	_ =	sdelay $0x1  }
0x2d5: {  	v25 =	vmul.f32 $1.442695020e+00, v31;
	_ =	sdelay $0x1  }
0x2d6: {  	(erf) = vpow2.f32 v25;
	_ =	sdelay $0x7  }
0x2d7: {  	s29 =	sadd.s32 $0x1A6, s12  }
0x2d8: {  	v32 =	vadd.s32 s29, v0;
	v25 =	vpop (erf)  }
0x2d9: {  	v25 =	vmul.f32 v25, v23  }
0x2da: {  	vm13 =	vge.f32 v21, v24  }
0x2db: {  	v21 =	vnsel vm13, $0x0, v25  }
0x2dc: {  	[tilespmem:s10+$0xFFFFFF90] =	vst v21  }
0x2dd: {  	v21 =	vld.idx.msk [tilespmem:v32+s2+$0x0], $0xffff;
	_ =	sdelay $0x4  }
0x2de: {  	v43 =	vsub.f32 v21, v22;
	_ =	sdelay $0x1  }
0x2df: {  	v25 =	vmul.f32 $1.442695020e+00, v43;
	_ =	sdelay $0x1  }
0x2e0: {  	(erf) = vpow2.f32 v25;
	_ =	sdelay $0x7  }
0x2e1: {  	s30 =	sadd.s32 $0x1B6, s12  }
0x2e2: {  	v28 =	vadd.s32 s30, v0;
	v25 =	vpop (erf)  }
0x2e3: {  	v25 =	vmul.f32 v25, v23  }
0x2e4: {  	vm14 =	vge.f32 v21, v24  }
0x2e5: {  	v21 =	vnsel vm14, $0x0, v25  }
0x2e6: {  	[tilespmem:s10+$0xFFFFFFA0] =	vst v21  }
0x2e7: {  	v21 =	vld.idx.msk [tilespmem:v28+s2+$0x0], $0xffff;
	_ =	sdelay $0x4  }
0x2e8: {  	v22 =	vsub.f32 v21, v22;
	_ =	sdelay $0x1  }
0x2e9: {  	v22 =	vmul.f32 $1.442695020e+00, v22;
	_ =	sdelay $0x1  }
0x2ea: {  	(erf) = vpow2.f32 v22;
	_ =	sdelay $0x7  }
0x2eb: {  	s31 =	sadd.s32 $0x1C7, s12  }
0x2ec: {  	v29 =	vadd.s32 s31, v0;
	v22 =	vpop (erf)  }
0x2ed: {  	v22 =	vmul.f32 v22, v23  }
0x2ee: {  	vm15 =	vge.f32 v21, v24  }
0x2ef: {  	v21 =	vnsel vm15, $0x0, v22  }
0x2f0: {  	[tilespmem:s10+$0xFFFFFFB0] =	vst v21  }
0x2f1: {  	v21 =	vld.idx.msk [tilespmem:v29+s2+$0x0], $0xffff;
	_ =	sdelay $0x2  }
0x2f2: {  	v22 =	vperm.xlane v18, v9;
	_ =	sdelay $0x1  }
0x2f3: {  	v30 =	vsub.f32 v21, v22;
	_ =	sdelay $0x1  }
0x2f4: {  	v23 =	vmul.f32 $1.442695020e+00, v30;
	_ =	sdelay $0x1  }
0x2f5: {  	(erf) = vpow2.f32 v23;
	_ =	sdelay $0x7  }
0x2f6: {  	s14 =	sadd.s32 $0x1D7, s12;
	v23 =	vperm.xlane v20, v9  }
0x2f7: {  	v32 =	vadd.s32 s14, v0;
	v24 =	vperm.xlane v19, v9;
	v31 =	vpop (erf)  }
0x2f8: {  	v25 =	vmul.f32 v31, v23  }
0x2f9: {  	vm4 =	vge.f32 v21, v24  }
0x2fa: {  	v21 =	vnsel vm4, $0x0, v25  }
0x2fb: {  	[tilespmem:s10+$0xFFFFFFC0] =	vst v21  }
0x2fc: {  	v21 =	vld.idx.msk [tilespmem:v32+s2+$0x0], $0xffff;
	_ =	sdelay $0x4  }
0x2fd: {  	v43 =	vsub.f32 v21, v22;
	_ =	sdelay $0x1  }
0x2fe: {  	v25 =	vmul.f32 $1.442695020e+00, v43;
	_ =	sdelay $0x1  }
0x2ff: {  	(erf) = vpow2.f32 v25;
	_ =	sdelay $0x7  }
0x300: {  	s15 =	sadd.s32 $0x1E7, s12  }
0x301: {  	v28 =	vadd.s32 s15, v0;
	v25 =	vpop (erf)  }
0x302: {  	v25 =	vmul.f32 v25, v23  }
0x303: {  	s16 =	sadd.s32 $0xFFFFFE00, s9;
	vm5 =	vge.f32 v21, v24  }
0x304: {  	s17 =	sor.u32 $0x50, s16;
	v21 =	vnsel vm5, $0x0, v25  }
0x305: {  	[tilespmem:s17+$0x4100] =	vst v21  }
0x306: {  	v21 =	vld.idx.msk [tilespmem:v28+s2+$0x0], $0xffff;
	_ =	sdelay $0x4  }
0x307: {  	v29 =	vsub.f32 v21, v22;
	_ =	sdelay $0x1  }
0x308: {  	v25 =	vmul.f32 $1.442695020e+00, v29;
	_ =	sdelay $0x1  }
0x309: {  	(erf) = vpow2.f32 v25;
	_ =	sdelay $0x7  }
0x30a: {  	s18 =	sadd.s32 $0x1F7, s12  }
0x30b: {  	v30 =	vadd.s32 s18, v0;
	v25 =	vpop (erf)  }
0x30c: {  	v25 =	vmul.f32 v25, v23  }
0x30d: {  	vm6 =	vge.f32 v21, v24  }
0x30e: {  	s19 =	sor.u32 $0x60, s16;
	v21 =	vnsel vm6, $0x0, v25  }
0x30f: {  	[tilespmem:s19+$0x4100] =	vst v21  }
0x310: {  	v21 =	vld.idx.msk [tilespmem:v30+s2+$0x0], $0xffff;
	_ =	sdelay $0x4  }
0x311: {  	v22 =	vsub.f32 v21, v22;
	_ =	sdelay $0x1  }
0x312: {  	v22 =	vmul.f32 $1.442695020e+00, v22;
	_ =	sdelay $0x1  }
0x313: {  	(erf) = vpow2.f32 v22;
	_ =	sdelay $0x7  }
0x314: {  	s20 =	sadd.s32 $0x208, s12  }
0x315: {  	v31 =	vadd.s32 s20, v0;
	v22 =	vpop (erf)  }
0x316: {  	v22 =	vmul.f32 v22, v23  }
0x317: {  	vm7 =	vge.f32 v21, v24  }
0x318: {  	s13 =	sor.u32 $0x70, s16;
	v21 =	vnsel vm7, $0x0, v22  }
0x319: {  	[tilespmem:s13+$0x4100] =	vst v21  }
0x31a: {  	v21 =	vld.idx.msk [tilespmem:v31+s2+$0x0], $0xffff;
	_ =	sdelay $0x2  }
0x31b: {  	v22 =	vperm.xlane v18, v10;
	_ =	sdelay $0x1  }
0x31c: {  	v32 =	vsub.f32 v21, v22;
	_ =	sdelay $0x1  }
0x31d: {  	v23 =	vmul.f32 $1.442695020e+00, v32;
	_ =	sdelay $0x1  }
0x31e: {  	(erf) = vpow2.f32 v23;
	_ =	sdelay $0x7  }
0x31f: {  	s21 =	sadd.s32 $0x218, s12;
	v23 =	vperm.xlane v20, v10  }
0x320: {  	v28 =	vadd.s32 s21, v0;
	v24 =	vperm.xlane v19, v10;
	v43 =	vpop (erf)  }
0x321: {  	v25 =	vmul.f32 v43, v23  }
0x322: {  	vm8 =	vge.f32 v21, v24  }
0x323: {  	v21 =	vnsel vm8, $0x0, v25  }
0x324: {  	[tilespmem:s10+$0x0] =	vst v21  }
0x325: {  	v21 =	vld.idx.msk [tilespmem:v28+s2+$0x0], $0xffff;
	_ =	sdelay $0x4  }
0x326: {  	v29 =	vsub.f32 v21, v22;
	_ =	sdelay $0x1  }
0x327: {  	v25 =	vmul.f32 $1.442695020e+00, v29;
	_ =	sdelay $0x1  }
0x328: {  	(erf) = vpow2.f32 v25;
	_ =	sdelay $0x7  }
0x329: {  	s22 =	sadd.s32 $0x228, s12  }
0x32a: {  	v30 =	vadd.s32 s22, v0;
	v25 =	vpop (erf)  }
0x32b: {  	v25 =	vmul.f32 v25, v23  }
0x32c: {  	vm9 =	vge.f32 v21, v24  }
0x32d: {  	v21 =	vnsel vm9, $0x0, v25  }
0x32e: {  	[tilespmem:s10+$0x10] =	vst v21  }
0x32f: {  	v21 =	vld.idx.msk [tilespmem:v30+s2+$0x0], $0xffff;
	_ =	sdelay $0x4  }
0x330: {  	v31 =	vsub.f32 v21, v22;
	_ =	sdelay $0x1  }
0x331: {  	v25 =	vmul.f32 $1.442695020e+00, v31;
	_ =	sdelay $0x1  }
0x332: {  	(erf) = vpow2.f32 v25;
	_ =	sdelay $0x7  }
0x333: {  	s23 =	sadd.s32 $0x238, s12  }
0x334: {  	v32 =	vadd.s32 s23, v0;
	v25 =	vpop (erf)  }
0x335: {  	v25 =	vmul.f32 v25, v23  }
0x336: {  	vm10 =	vge.f32 v21, v24  }
0x337: {  	v21 =	vnsel vm10, $0x0, v25  }
0x338: {  	[tilespmem:s10+$0x20] =	vst v21  }
0x339: {  	v21 =	vld.idx.msk [tilespmem:v32+s2+$0x0], $0xffff;
	_ =	sdelay $0x4  }
0x33a: {  	v22 =	vsub.f32 v21, v22;
	_ =	sdelay $0x1  }
0x33b: {  	v22 =	vmul.f32 $1.442695020e+00, v22;
	_ =	sdelay $0x1  }
0x33c: {  	(erf) = vpow2.f32 v22;
	_ =	sdelay $0x7  }
0x33d: {  	s24 =	sadd.s32 $0x249, s12  }
0x33e: {  	v43 =	vadd.s32 s24, v0;
	v22 =	vpop (erf)  }
0x33f: {  	v22 =	vmul.f32 v22, v23  }
0x340: {  	vm11 =	vge.f32 v21, v24  }
0x341: {  	v21 =	vnsel vm11, $0x0, v22  }
0x342: {  	[tilespmem:s10+$0x30] =	vst v21  }
0x343: {  	v21 =	vld.idx.msk [tilespmem:v43+s2+$0x0], $0xffff;
	_ =	sdelay $0x2  }
0x344: {  	v22 =	vperm.xlane v18, v11;
	_ =	sdelay $0x1  }
0x345: {  	v28 =	vsub.f32 v21, v22;
	_ =	sdelay $0x1  }
0x346: {  	v23 =	vmul.f32 $1.442695020e+00, v28;
	_ =	sdelay $0x1  }
0x347: {  	(erf) = vpow2.f32 v23;
	_ =	sdelay $0x7  }
0x348: {  	s25 =	sadd.s32 $0x259, s12;
	v23 =	vperm.xlane v20, v11  }
0x349: {  	v30 =	vadd.s32 s25, v0;
	v24 =	vperm.xlane v19, v11;
	v29 =	vpop (erf)  }
0x34a: {  	v25 =	vmul.f32 v29, v23  }
0x34b: {  	vm12 =	vge.f32 v21, v24  }
0x34c: {  	v21 =	vnsel vm12, $0x0, v25  }
0x34d: {  	[tilespmem:s10+$0x40] =	vst v21  }
0x34e: {  	v21 =	vld.idx.msk [tilespmem:v30+s2+$0x0], $0xffff;
	_ =	sdelay $0x4  }
0x34f: {  	v31 =	vsub.f32 v21, v22;
	_ =	sdelay $0x1  }
0x350: {  	v25 =	vmul.f32 $1.442695020e+00, v31;
	_ =	sdelay $0x1  }
0x351: {  	(erf) = vpow2.f32 v25;
	_ =	sdelay $0x7  }
0x352: {  	s26 =	sadd.s32 $0x269, s12  }
0x353: {  	v32 =	vadd.s32 s26, v0;
	v25 =	vpop (erf)  }
0x354: {  	v25 =	vmul.f32 v25, v23  }
0x355: {  	s28 =	sadd.s32 $0xFFFFFE80, s9;
	vm13 =	vge.f32 v21, v24  }
0x356: {  	s29 =	sor.u32 $0x50, s28;
	v21 =	vnsel vm13, $0x0, v25  }
0x357: {  	[tilespmem:s29+$0x4100] =	vst v21  }
0x358: {  	v21 =	vld.idx.msk [tilespmem:v32+s2+$0x0], $0xffff;
	_ =	sdelay $0x4  }
0x359: {  	v43 =	vsub.f32 v21, v22;
	_ =	sdelay $0x1  }
0x35a: {  	v25 =	vmul.f32 $1.442695020e+00, v43;
	_ =	sdelay $0x1  }
0x35b: {  	(erf) = vpow2.f32 v25;
	_ =	sdelay $0x7  }
0x35c: {  	s30 =	sadd.s32 $0x279, s12  }
0x35d: {  	v28 =	vadd.s32 s30, v0;
	v25 =	vpop (erf)  }
0x35e: {  	v25 =	vmul.f32 v25, v23  }
0x35f: {  	vm14 =	vge.f32 v21, v24  }
0x360: {  	s31 =	sor.u32 $0x60, s28;
	v21 =	vnsel vm14, $0x0, v25  }
0x361: {  	[tilespmem:s31+$0x4100] =	vst v21  }
0x362: {  	v21 =	vld.idx.msk [tilespmem:v28+s2+$0x0], $0xffff;
	_ =	sdelay $0x4  }
0x363: {  	v22 =	vsub.f32 v21, v22;
	_ =	sdelay $0x1  }
0x364: {  	v22 =	vmul.f32 $1.442695020e+00, v22;
	_ =	sdelay $0x1  }
0x365: {  	(erf) = vpow2.f32 v22;
	_ =	sdelay $0x7  }
0x366: {  	s15 =	sadd.s32 $0x28A, s12  }
0x367: {  	v29 =	vadd.s32 s15, v0;
	v22 =	vpop (erf)  }
0x368: {  	v22 =	vmul.f32 v22, v23  }
0x369: {  	vm15 =	vge.f32 v21, v24  }
0x36a: {  	s13 =	sor.u32 $0x70, s28;
	v21 =	vnsel vm15, $0x0, v22  }
0x36b: {  	[tilespmem:s13+$0x4100] =	vst v21  }
0x36c: {  	v21 =	vld.idx.msk [tilespmem:v29+s2+$0x0], $0xffff;
	_ =	sdelay $0x2  }
0x36d: {  	v22 =	vperm.xlane v18, v12;
	_ =	sdelay $0x1  }
0x36e: {  	v30 =	vsub.f32 v21, v22;
	_ =	sdelay $0x1  }
0x36f: {  	v23 =	vmul.f32 $1.442695020e+00, v30;
	_ =	sdelay $0x1  }
0x370: {  	(erf) = vpow2.f32 v23;
	_ =	sdelay $0x7  }
0x371: {  	s16 =	sadd.s32 $0x29A, s12;
	v23 =	vperm.xlane v20, v12  }
0x372: {  	v32 =	vadd.s32 s16, v0;
	v24 =	vperm.xlane v19, v12;
	v31 =	vpop (erf)  }
0x373: {  	v25 =	vmul.f32 v31, v23  }
0x374: {  	vm4 =	vge.f32 v21, v24  }
0x375: {  	v21 =	vnsel vm4, $0x0, v25  }
0x376: {  	[tilespmem:s10+$0x80] =	vst v21  }
0x377: {  	v21 =	vld.idx.msk [tilespmem:v32+s2+$0x0], $0xffff;
	_ =	sdelay $0x4  }
0x378: {  	v43 =	vsub.f32 v21, v22;
	_ =	sdelay $0x1  }
0x379: {  	v25 =	vmul.f32 $1.442695020e+00, v43;
	_ =	sdelay $0x1  }
0x37a: {  	(erf) = vpow2.f32 v25;
	_ =	sdelay $0x7  }
0x37b: {  	s17 =	sadd.s32 $0x2AA, s12  }
0x37c: {  	v28 =	vadd.s32 s17, v0;
	v25 =	vpop (erf)  }
0x37d: {  	v25 =	vmul.f32 v25, v23  }
0x37e: {  	vm5 =	vge.f32 v21, v24  }
0x37f: {  	v21 =	vnsel vm5, $0x0, v25  }
0x380: {  	[tilespmem:s10+$0x90] =	vst v21  }
0x381: {  	v21 =	vld.idx.msk [tilespmem:v28+s2+$0x0], $0xffff;
	_ =	sdelay $0x4  }
0x382: {  	v29 =	vsub.f32 v21, v22;
	_ =	sdelay $0x1  }
0x383: {  	v25 =	vmul.f32 $1.442695020e+00, v29;
	_ =	sdelay $0x1  }
0x384: {  	(erf) = vpow2.f32 v25;
	_ =	sdelay $0x7  }
0x385: {  	s18 =	sadd.s32 $0x2BA, s12  }
0x386: {  	v30 =	vadd.s32 s18, v0;
	v25 =	vpop (erf)  }
0x387: {  	v25 =	vmul.f32 v25, v23  }
0x388: {  	vm6 =	vge.f32 v21, v24  }
0x389: {  	v21 =	vnsel vm6, $0x0, v25  }
0x38a: {  	[tilespmem:s10+$0xA0] =	vst v21  }
0x38b: {  	v21 =	vld.idx.msk [tilespmem:v30+s2+$0x0], $0xffff;
	_ =	sdelay $0x4  }
0x38c: {  	v22 =	vsub.f32 v21, v22;
	_ =	sdelay $0x1  }
0x38d: {  	v22 =	vmul.f32 $1.442695020e+00, v22;
	_ =	sdelay $0x1  }
0x38e: {  	(erf) = vpow2.f32 v22;
	_ =	sdelay $0x7  }
0x38f: {  	s19 =	sadd.s32 $0x2CB, s12  }
0x390: {  	v31 =	vadd.s32 s19, v0;
	v22 =	vpop (erf)  }
0x391: {  	v22 =	vmul.f32 v22, v23  }
0x392: {  	vm7 =	vge.f32 v21, v24  }
0x393: {  	v21 =	vnsel vm7, $0x0, v22  }
0x394: {  	[tilespmem:s10+$0xB0] =	vst v21  }
0x395: {  	v21 =	vld.idx.msk [tilespmem:v31+s2+$0x0], $0xffff;
	_ =	sdelay $0x2  }
0x396: {  	v22 =	vperm.xlane v18, v13;
	_ =	sdelay $0x1  }
0x397: {  	v32 =	vsub.f32 v21, v22;
	_ =	sdelay $0x1  }
0x398: {  	v23 =	vmul.f32 $1.442695020e+00, v32;
	_ =	sdelay $0x1  }
0x399: {  	(erf) = vpow2.f32 v23;
	_ =	sdelay $0x7  }
0x39a: {  	s20 =	sadd.s32 $0x2DB, s12;
	v23 =	vperm.xlane v20, v13  }
0x39b: {  	v28 =	vadd.s32 s20, v0;
	v24 =	vperm.xlane v19, v13;
	v43 =	vpop (erf)  }
0x39c: {  	v25 =	vmul.f32 v43, v23  }
0x39d: {  	vm8 =	vge.f32 v21, v24  }
0x39e: {  	v21 =	vnsel vm8, $0x0, v25  }
0x39f: {  	[tilespmem:s10+$0xC0] =	vst v21  }
0x3a0: {  	v21 =	vld.idx.msk [tilespmem:v28+s2+$0x0], $0xffff;
	_ =	sdelay $0x4  }
0x3a1: {  	v29 =	vsub.f32 v21, v22;
	_ =	sdelay $0x1  }
0x3a2: {  	v25 =	vmul.f32 $1.442695020e+00, v29;
	_ =	sdelay $0x1  }
0x3a3: {  	(erf) = vpow2.f32 v25;
	_ =	sdelay $0x7  }
0x3a4: {  	s21 =	sadd.s32 $0x2EB, s12  }
0x3a5: {  	v30 =	vadd.s32 s21, v0;
	v25 =	vpop (erf)  }
0x3a6: {  	v25 =	vmul.f32 v25, v23  }
0x3a7: {  	s22 =	sadd.s32 $0xFFFFFF00, s9;
	vm9 =	vge.f32 v21, v24  }
0x3a8: {  	s23 =	sor.u32 $0x50, s22;
	v21 =	vnsel vm9, $0x0, v25  }
0x3a9: {  	[tilespmem:s23+$0x4100] =	vst v21  }
0x3aa: {  	v21 =	vld.idx.msk [tilespmem:v30+s2+$0x0], $0xffff;
	_ =	sdelay $0x4  }
0x3ab: {  	v31 =	vsub.f32 v21, v22;
	_ =	sdelay $0x1  }
0x3ac: {  	v25 =	vmul.f32 $1.442695020e+00, v31;
	_ =	sdelay $0x1  }
0x3ad: {  	(erf) = vpow2.f32 v25;
	_ =	sdelay $0x7  }
0x3ae: {  	s24 =	sadd.s32 $0x2FB, s12  }
0x3af: {  	v32 =	vadd.s32 s24, v0;
	v25 =	vpop (erf)  }
0x3b0: {  	v25 =	vmul.f32 v25, v23  }
0x3b1: {  	vm10 =	vge.f32 v21, v24  }
0x3b2: {  	s25 =	sor.u32 $0x60, s22;
	v21 =	vnsel vm10, $0x0, v25  }
0x3b3: {  	[tilespmem:s25+$0x4100] =	vst v21  }
0x3b4: {  	v21 =	vld.idx.msk [tilespmem:v32+s2+$0x0], $0xffff;
	_ =	sdelay $0x4  }
0x3b5: {  	v22 =	vsub.f32 v21, v22;
	_ =	sdelay $0x1  }
0x3b6: {  	v22 =	vmul.f32 $1.442695020e+00, v22;
	_ =	sdelay $0x1  }
0x3b7: {  	(erf) = vpow2.f32 v22;
	_ =	sdelay $0x7  }
0x3b8: {  	s26 =	sadd.s32 $0x30C, s12  }
0x3b9: {  	v43 =	vadd.s32 s26, v0;
	v22 =	vpop (erf)  }
0x3ba: {  	v22 =	vmul.f32 v22, v23  }
0x3bb: {  	vm11 =	vge.f32 v21, v24  }
0x3bc: {  	s13 =	sor.u32 $0x70, s22;
	v21 =	vnsel vm11, $0x0, v22  }
0x3bd: {  	[tilespmem:s13+$0x4100] =	vst v21  }
0x3be: {  	v21 =	vld.idx.msk [tilespmem:v43+s2+$0x0], $0xffff;
	_ =	sdelay $0x2  }
0x3bf: {  	v22 =	vperm.xlane v18, v14;
	_ =	sdelay $0x1  }
0x3c0: {  	v28 =	vsub.f32 v21, v22;
	_ =	sdelay $0x1  }
0x3c1: {  	v23 =	vmul.f32 $1.442695020e+00, v28;
	_ =	sdelay $0x1  }
0x3c2: {  	(erf) = vpow2.f32 v23;
	_ =	sdelay $0x7  }
0x3c3: {  	s28 =	sadd.s32 $0x31C, s12;
	v23 =	vperm.xlane v20, v14  }
0x3c4: {  	v30 =	vadd.s32 s28, v0;
	v24 =	vperm.xlane v19, v14;
	v29 =	vpop (erf)  }
0x3c5: {  	v25 =	vmul.f32 v29, v23  }
0x3c6: {  	vm12 =	vge.f32 v21, v24  }
0x3c7: {  	v21 =	vnsel vm12, $0x0, v25  }
0x3c8: {  	[tilespmem:s10+$0x100] =	vst v21  }
0x3c9: {  	v21 =	vld.idx.msk [tilespmem:v30+s2+$0x0], $0xffff;
	_ =	sdelay $0x4  }
0x3ca: {  	v31 =	vsub.f32 v21, v22;
	_ =	sdelay $0x1  }
0x3cb: {  	v25 =	vmul.f32 $1.442695020e+00, v31;
	_ =	sdelay $0x1  }
0x3cc: {  	(erf) = vpow2.f32 v25;
	_ =	sdelay $0x7  }
0x3cd: {  	s29 =	sadd.s32 $0x32C, s12  }
0x3ce: {  	v32 =	vadd.s32 s29, v0;
	v25 =	vpop (erf)  }
0x3cf: {  	v25 =	vmul.f32 v25, v23  }
0x3d0: {  	vm13 =	vge.f32 v21, v24  }
0x3d1: {  	v21 =	vnsel vm13, $0x0, v25  }
0x3d2: {  	[tilespmem:s10+$0x110] =	vst v21  }
0x3d3: {  	v21 =	vld.idx.msk [tilespmem:v32+s2+$0x0], $0xffff;
	_ =	sdelay $0x4  }
0x3d4: {  	v43 =	vsub.f32 v21, v22;
	_ =	sdelay $0x1  }
0x3d5: {  	v25 =	vmul.f32 $1.442695020e+00, v43;
	_ =	sdelay $0x1  }
0x3d6: {  	(erf) = vpow2.f32 v25;
	_ =	sdelay $0x7  }
0x3d7: {  	s30 =	sadd.s32 $0x33C, s12  }
0x3d8: {  	v28 =	vadd.s32 s30, v0;
	v25 =	vpop (erf)  }
0x3d9: {  	v25 =	vmul.f32 v25, v23  }
0x3da: {  	vm14 =	vge.f32 v21, v24  }
0x3db: {  	v21 =	vnsel vm14, $0x0, v25  }
0x3dc: {  	[tilespmem:s10+$0x120] =	vst v21  }
0x3dd: {  	v21 =	vld.idx.msk [tilespmem:v28+s2+$0x0], $0xffff;
	_ =	sdelay $0x4  }
0x3de: {  	v22 =	vsub.f32 v21, v22;
	_ =	sdelay $0x1  }
0x3df: {  	v22 =	vmul.f32 $1.442695020e+00, v22;
	_ =	sdelay $0x1  }
0x3e0: {  	(erf) = vpow2.f32 v22;
	_ =	sdelay $0x7  }
0x3e1: {  	s31 =	sadd.s32 $0x34D, s12  }
0x3e2: {  	v29 =	vadd.s32 s31, v0;
	v22 =	vpop (erf)  }
0x3e3: {  	v22 =	vmul.f32 v22, v23  }
0x3e4: {  	vm15 =	vge.f32 v21, v24  }
0x3e5: {  	v21 =	vnsel vm15, $0x0, v22  }
0x3e6: {  	[tilespmem:s10+$0x130] =	vst v21  }
0x3e7: {  	v21 =	vld.idx.msk [tilespmem:v29+s2+$0x0], $0xffff;
	_ =	sdelay $0x2  }
0x3e8: {  	v22 =	vperm.xlane v18, v15;
	_ =	sdelay $0x1  }
0x3e9: {  	v30 =	vsub.f32 v21, v22;
	_ =	sdelay $0x1  }
0x3ea: {  	v23 =	vmul.f32 $1.442695020e+00, v30;
	_ =	sdelay $0x1  }
0x3eb: {  	(erf) = vpow2.f32 v23;
	_ =	sdelay $0x7  }
0x3ec: {  	s14 =	sadd.s32 $0x35D, s12;
	v23 =	vperm.xlane v20, v15  }
0x3ed: {  	v32 =	vadd.s32 s14, v0;
	v24 =	vperm.xlane v19, v15;
	v31 =	vpop (erf)  }
0x3ee: {  	v25 =	vmul.f32 v31, v23  }
0x3ef: {  	vm4 =	vge.f32 v21, v24  }
0x3f0: {  	v21 =	vnsel vm4, $0x0, v25  }
0x3f1: {  	[tilespmem:s10+$0x140] =	vst v21  }
0x3f2: {  	v21 =	vld.idx.msk [tilespmem:v32+s2+$0x0], $0xffff;
	_ =	sdelay $0x4  }
0x3f3: {  	v43 =	vsub.f32 v21, v22;
	_ =	sdelay $0x1  }
0x3f4: {  	v25 =	vmul.f32 $1.442695020e+00, v43;
	_ =	sdelay $0x1  }
0x3f5: {  	(erf) = vpow2.f32 v25;
	_ =	sdelay $0x7  }
0x3f6: {  	s15 =	sadd.s32 $0x36D, s12  }
0x3f7: {  	v28 =	vadd.s32 s15, v0;
	v25 =	vpop (erf)  }
0x3f8: {  	v25 =	vmul.f32 v25, v23  }
0x3f9: {  	s16 =	sadd.s32 $0xFFFFFF80, s9;
	vm5 =	vge.f32 v21, v24  }
0x3fa: {  	s17 =	sor.u32 $0x50, s16;
	v21 =	vnsel vm5, $0x0, v25  }
0x3fb: {  	[tilespmem:s17+$0x4100] =	vst v21  }
0x3fc: {  	v21 =	vld.idx.msk [tilespmem:v28+s2+$0x0], $0xffff;
	_ =	sdelay $0x4  }
0x3fd: {  	v29 =	vsub.f32 v21, v22;
	_ =	sdelay $0x1  }
0x3fe: {  	v25 =	vmul.f32 $1.442695020e+00, v29;
	_ =	sdelay $0x1  }
0x3ff: {  	(erf) = vpow2.f32 v25;
	_ =	sdelay $0x7  }
0x400: {  	s18 =	sadd.s32 $0x37D, s12  }
0x401: {  	v30 =	vadd.s32 s18, v0;
	v25 =	vpop (erf)  }
0x402: {  	v25 =	vmul.f32 v25, v23  }
0x403: {  	vm6 =	vge.f32 v21, v24  }
0x404: {  	s19 =	sor.u32 $0x60, s16;
	v21 =	vnsel vm6, $0x0, v25  }
0x405: {  	[tilespmem:s19+$0x4100] =	vst v21  }
0x406: {  	v21 =	vld.idx.msk [tilespmem:v30+s2+$0x0], $0xffff;
	_ =	sdelay $0x4  }
0x407: {  	v22 =	vsub.f32 v21, v22;
	_ =	sdelay $0x1  }
0x408: {  	v22 =	vmul.f32 $1.442695020e+00, v22;
	_ =	sdelay $0x1  }
0x409: {  	(erf) = vpow2.f32 v22;
	_ =	sdelay $0x7  }
0x40a: {  	s20 =	sadd.s32 $0x38E, s12  }
0x40b: {  	v31 =	vadd.s32 s20, v0;
	v22 =	vpop (erf)  }
0x40c: {  	v22 =	vmul.f32 v22, v23  }
0x40d: {  	vm7 =	vge.f32 v21, v24  }
0x40e: {  	s13 =	sor.u32 $0x70, s16;
	v21 =	vnsel vm7, $0x0, v22  }
0x40f: {  	[tilespmem:s13+$0x4100] =	vst v21  }
0x410: {  	v21 =	vld.idx.msk [tilespmem:v31+s2+$0x0], $0xffff;
	_ =	sdelay $0x2  }
0x411: {  	v22 =	vperm.xlane v18, v16;
	_ =	sdelay $0x1  }
0x412: {  	v32 =	vsub.f32 v21, v22;
	_ =	sdelay $0x1  }
0x413: {  	v23 =	vmul.f32 $1.442695020e+00, v32;
	_ =	sdelay $0x1  }
0x414: {  	(erf) = vpow2.f32 v23;
	_ =	sdelay $0x7  }
0x415: {  	s21 =	sadd.s32 $0x39E, s12;
	v23 =	vperm.xlane v20, v16  }
0x416: {  	v28 =	vadd.s32 s21, v0;
	v24 =	vperm.xlane v19, v16;
	v43 =	vpop (erf)  }
0x417: {  	v25 =	vmul.f32 v43, v23  }
0x418: {  	vm8 =	vge.f32 v21, v24  }
0x419: {  	v21 =	vnsel vm8, $0x0, v25  }
0x41a: {  	[tilespmem:s10+$0x180] =	vst v21  }
0x41b: {  	v21 =	vld.idx.msk [tilespmem:v28+s2+$0x0], $0xffff;
	_ =	sdelay $0x4  }
0x41c: {  	v29 =	vsub.f32 v21, v22;
	_ =	sdelay $0x1  }
0x41d: {  	v25 =	vmul.f32 $1.442695020e+00, v29;
	_ =	sdelay $0x1  }
0x41e: {  	(erf) = vpow2.f32 v25;
	_ =	sdelay $0x7  }
0x41f: {  	s22 =	sadd.s32 $0x3AE, s12  }
0x420: {  	v30 =	vadd.s32 s22, v0;
	v25 =	vpop (erf)  }
0x421: {  	v25 =	vmul.f32 v25, v23  }
0x422: {  	vm9 =	vge.f32 v21, v24  }
0x423: {  	v21 =	vnsel vm9, $0x0, v25  }
0x424: {  	[tilespmem:s10+$0x190] =	vst v21  }
0x425: {  	v21 =	vld.idx.msk [tilespmem:v30+s2+$0x0], $0xffff;
	_ =	sdelay $0x4  }
0x426: {  	v31 =	vsub.f32 v21, v22;
	_ =	sdelay $0x1  }
0x427: {  	v25 =	vmul.f32 $1.442695020e+00, v31;
	_ =	sdelay $0x1  }
0x428: {  	(erf) = vpow2.f32 v25;
	_ =	sdelay $0x7  }
0x429: {  	s23 =	sadd.s32 $0x3BE, s12  }
0x42a: {  	v32 =	vadd.s32 s23, v0;
	v25 =	vpop (erf)  }
0x42b: {  	v25 =	vmul.f32 v25, v23  }
0x42c: {  	vm10 =	vge.f32 v21, v24  }
0x42d: {  	v21 =	vnsel vm10, $0x0, v25  }
0x42e: {  	[tilespmem:s10+$0x1A0] =	vst v21  }
0x42f: {  	v21 =	vld.idx.msk [tilespmem:v32+s2+$0x0], $0xffff;
	_ =	sdelay $0x4  }
0x430: {  	v22 =	vsub.f32 v21, v22;
	_ =	sdelay $0x1  }
0x431: {  	v22 =	vmul.f32 $1.442695020e+00, v22;
	_ =	sdelay $0x1  }
0x432: {  	(erf) = vpow2.f32 v22;
	_ =	sdelay $0x7  }
0x433: {  	s24 =	sadd.s32 $0x3CF, s12  }
0x434: {  	v43 =	vadd.s32 s24, v0;
	v22 =	vpop (erf)  }
0x435: {  	v22 =	vmul.f32 v22, v23  }
0x436: {  	vm11 =	vge.f32 v21, v24  }
0x437: {  	v21 =	vnsel vm11, $0x0, v22  }
0x438: {  	[tilespmem:s10+$0x1B0] =	vst v21  }
0x439: {  	v21 =	vld.idx.msk [tilespmem:v43+s2+$0x0], $0xffff;
	_ =	sdelay $0x2  }
0x43a: {  	v18 =	vperm.xlane v18, v17;
	_ =	sdelay $0x1  }
0x43b: {  	v28 =	vsub.f32 v21, v18;
	_ =	sdelay $0x1  }
0x43c: {  	v22 =	vmul.f32 $1.442695020e+00, v28;
	_ =	sdelay $0x1  }
0x43d: {  	(erf) = vpow2.f32 v22;
	_ =	sdelay $0x7  }
0x43e: {  	s25 =	sadd.s32 $0x3DF, s12;
	v20 =	vperm.xlane v20, v17  }
0x43f: {  	v19 =	vperm.xlane v19, v17;
	v29 =	vadd.s32 s25, v0;
	v22 =	vpop (erf)  }
0x440: {  	v22 =	vmul.f32 v22, v20  }
0x441: {  	vm12 =	vge.f32 v21, v19  }
0x442: {  	v21 =	vnsel vm12, $0x0, v22  }
0x443: {  	[tilespmem:s10+$0x1C0] =	vst v21  }
0x444: {  	v21 =	vld.idx.msk [tilespmem:v29+s2+$0x0], $0xffff;
	_ =	sdelay $0x4  }
0x445: {  	v30 =	vsub.f32 v21, v18;
	_ =	sdelay $0x1  }
0x446: {  	v22 =	vmul.f32 $1.442695020e+00, v30;
	_ =	sdelay $0x1  }
0x447: {  	(erf) = vpow2.f32 v22;
	_ =	sdelay $0x7  }
0x448: {  	s26 =	sadd.s32 $0x3EF, s12  }
0x449: {  	v31 =	vadd.s32 s26, v0;
	v22 =	vpop (erf)  }
0x44a: {  	v22 =	vmul.f32 v22, v20  }
0x44b: {  	vm13 =	vge.f32 v21, v19  }
0x44c: {  	s28 =	sor.u32 $0x50, s9;
	v21 =	vnsel vm13, $0x0, v22  }
0x44d: {  	[tilespmem:s28+$0x4100] =	vst v21  }
0x44e: {  	v21 =	vld.idx.msk [tilespmem:v31+s2+$0x0], $0xffff;
	_ =	sdelay $0x4  }
0x44f: {  	v32 =	vsub.f32 v21, v18;
	_ =	sdelay $0x1  }
0x450: {  	v22 =	vmul.f32 $1.442695020e+00, v32;
	_ =	sdelay $0x1  }
0x451: {  	(erf) = vpow2.f32 v22;
	_ =	sdelay $0x7  }
0x452: {  	s29 =	sadd.s32 $0x3FF, s12  }
0x453: {  	v43 =	vadd.s32 s29, v0;
	v22 =	vpop (erf)  }
0x454: {  	v22 =	vmul.f32 v22, v20  }
0x455: {  	vm14 =	vge.f32 v21, v19  }
0x456: {  	s30 =	sor.u32 $0x60, s9;
	v21 =	vnsel vm14, $0x0, v22  }
0x457: {  	[tilespmem:s30+$0x4100] =	vst v21  }
0x458: {  	v21 =	vld.idx.msk [tilespmem:v43+s2+$0x0], $0xffff;
	_ =	sdelay $0x4  }
0x459: {  	v18 =	vsub.f32 v21, v18;
	_ =	sdelay $0x1  }
0x45a: {  	v18 =	vmul.f32 $1.442695020e+00, v18;
	_ =	sdelay $0x1  }
0x45b: {  	(erf) = vpow2.f32 v18;
	_ =	sdelay $0x7  }
0x45c: {  	p0 =	sne.s32 s12, $0x3CF0  }
.Ltmp0:
0x45d: {  	v18 =	vpop (erf);
	(pc) =	sbr.rel @p0 .LBB2_2-.Ltmp0, $4  }
0x45e: {  	v18 =	vmul.f32 v18, v20  }
0x45f: {  	vm15 =	vge.f32 v21, v19  }
0x460: {  	s11 =	sadd.s32 $0x10, s11;
	s31 =	sor.u32 $0x70, s9;
	v18 =	vnsel vm15, $0x0, v18  }
0x461: {  	s12 =	sadd.s32 $0x410, s12;
	s9 =	sadd.s32 $0x400, s9;
	s10 =	sadd.s32 $0x400, s10;
	[tilespmem:s31+$0x4100] =	vst v18  }
0x462: {  	s8 =	sadd.s32 $0x1, s8  }
0x463: {  	p0 =	sne.s32 s8, s5  }
.Ltmp1:
0x464: {  	_ = 	snop;
	(pc) =	sbr.rel @p0 .LBB2_1-.Ltmp1, $4  }
0x465: {  	[hbm4b:s4+s2] =	stream.linear.scatter [tilespmem:s7], [sflag:$0x1], $0x4000, $0x38;
	[tilespmem:$0x8100] =	vst v63  }
0x466: {  	_ =	swait.ge [sflag:s6], $0x4000  }
0x467: {  	[sflag:s6] =	ssyncset.done $0x0  }
0x468: {  	[sflag:s6] =	ssyncadd.s32 $0xFFFFC000  }
0x469: {  	_ =	sfence.sel $0x180000  }
0x46a: {  	[bflag:$0x0] =	sbarrier.arrive $0xFFFF  }
0x46b: {  	p0 =	sne.s32 s1, $0x0;
	_ =	strace $0x90000047  }
0x46c: {  	s0 =	sadd.s32 @!p0 $0x100000, s0;
	[bflag:$0x2] =	sbarrier.arrive $0xFFFF  }
0x46d: {  	[sflag:s0] =	ssyncadd.tile.s32 @!p0 $0x1;
	_ =	shalt  }
.Lfunc_end2:
_tile_overlayer_lowered:
.L_overlay_start_2:
0x46e: {  	(tag) =	ssettag $0x2  }
0x46f: {  	s0 =	rddreg [dreg:$0x0];
	s2 =	stileid.u32  }
0x470: {  	s1 =	rddreg [dreg:$0x1];
	p0 =	sne.s32 s2, $0x0  }
0x471: {  	s3 =	rddreg [dreg:$0x2];
	[bflag:$0x3] =	sbarrier.arrive $0xFFFF;
	s2 =	simm.s32 @!p0 $0x1C01  }
0x472: {  	[timem:s3], [sflag:s2] =	dma.local @!p0 [hbm:s0], s1  }
0x473: {  	s0 =	simm.s32 @!p0 $0x1  }
0x474: {  	_ =	swait.ge @!p0 [sflag:s0], s1  }
0x475: {  	s1 =	ssub.s32 @!p0 $0x0, s1;
	[sflag:s0] =	ssyncset.done @!p0 $0x0  }
0x476: {  	[sflag:s0] =	ssyncadd.s32 @!p0 s1  }
0x477: {  	[bflag:$0x3] =	sbarrier.arrive $0xFFFF  }
0x478: {  	_ =	shalt  }

</sc_bundles>
